<compile_context>
chip_gen: v7x
topology: tpu7x:2x2x1
jax: 0.10.2.dev20260603
libtpu: 0.0.44.dev20260713+nightly
codegen_flags: <defaults>
</compile_context>

<pallas_src>
import functools

import jax
import jax.numpy as jnp
from jax import lax
from jax.experimental import pallas as pl
from jax.experimental.pallas import tpu as pltpu
from jax.experimental.pallas import tpu_sc as plsc

NC = 2
NS = 16
NW = NC * NS

NBUF = 4
TILE = 128
SLOTS = 4


def _gather_kernel(n_tiles, d, idx_hbm, table_hbm, out_hbm, table_v, idx_v,
                   rows_v, isem, gsem, ssem):
    sid = lax.axis_index("s")
    wid = sid * NC + lax.axis_index("c")
    row0 = wid * n_tiles * TILE
    n_groups = n_tiles // NBUF

    @pl.when(sid == 0)
    def _():
        pltpu.sync_copy(table_hbm, table_v)

    plsc.subcore_barrier()

    def start_idx(i, b):
        pltpu.async_copy(
            idx_hbm.at[:, pl.ds(row0 + i * TILE, TILE)],
            idx_v.at[b], isem.at[b])

    def wait_idx(b):
        pltpu.make_async_copy(
            idx_hbm.at[:, pl.ds(0, TILE)], idx_v.at[b], isem.at[b]).wait()

    def fire_gathers(b):
        for q in range(SLOTS):
            pltpu.async_copy(
                table_v.at[idx_v.at[b].at[q]],
                rows_v.at[b].at[q],
                gsem.at[b])

    def wait_gathers(b):
        pltpu.make_async_copy(
            out_hbm.at[pl.ds(0, SLOTS * TILE), pl.ds(0, d)], rows_v.at[b],
            gsem.at[b]).wait()

    def start_store(i, b):
        for q in range(SLOTS):
            pltpu.async_copy(
                rows_v.at[b].at[q],
                out_hbm.at[pl.ds(row0 + i * TILE, TILE), pl.ds(q * d, d)],
                ssem.at[b])

    def wait_store(b):
        pltpu.make_async_copy(
            out_hbm.at[pl.ds(0, SLOTS * TILE), pl.ds(0, d)], rows_v.at[b],
            ssem.at[b]).wait()

    for b in range(NBUF):
        start_idx(b, b)
    for b in range(NBUF):
        wait_idx(b)
        fire_gathers(b)

    def group_body(g, carry):
        i0 = g * NBUF
        for b in range(NBUF):
            wait_gathers(b)
            start_store(i0 + b, b)
            start_idx(i0 + NBUF + b, b)
        for b in range(NBUF):
            wait_store(b)
            wait_idx(b)
            fire_gathers(b)
        return carry

    lax.fori_loop(0, n_groups - 1, group_body, 0)

    i0 = (n_groups - 1) * NBUF
    for b in range(NBUF):
        wait_gathers(b)
        start_store(i0 + b, b)
    for b in range(NBUF):
        wait_store(b)


def kernel(data, embed_table):
    b, l, s = data.shape
    n_rows = b * l
    d = embed_table.shape[1]
    assert s == SLOTS and s * d == 128
    assert n_rows % (NW * TILE * NBUF) == 0
    n_tiles = n_rows // (NW * TILE)

    idx_t = data.reshape(n_rows, s).T

    mesh = plsc.VectorSubcoreMesh(
        core_axis_name="c", subcore_axis_name="s",
        num_cores=NC, num_subcores=NS,
    )
    run = pl.kernel(
        functools.partial(_gather_kernel, n_tiles, d),
        out_type=jax.ShapeDtypeStruct((n_rows, s * d), jnp.float32),
        mesh=mesh,
        scratch_types=[
            pltpu.VMEM_SHARED((133, d), jnp.float32),
            pltpu.VMEM((NBUF, SLOTS, TILE), jnp.int32),
            pltpu.VMEM((NBUF, SLOTS, TILE, d), jnp.float32),
            pltpu.SemaphoreType.DMA((NBUF,)),
            pltpu.SemaphoreType.DMA((NBUF,)),
            pltpu.SemaphoreType.DMA((NBUF,)),
        ],
        compiler_params=pltpu.CompilerParams(use_tc_tiling_on_sc=False),
    )
    out = run(idx_t, embed_table)
    return out.reshape(b, l, s * d)

# --- scband reference (transcript-rebuilt; emitter-appended) ---
"""Pipeline reference for scband-chord-feature-49031346651221 (READ-ONLY COPY).

The authoritative reference and input builder live on the scoring server;
editing this copy changes nothing except your own understanding.
"""

import jax, jax.numpy as jnp
import numpy as np

VOCAB = 133  # 1 ('None') + 12 roots * 11 qualities
EMBED_SIZE = 128
PER_STEP_DIM = EMBED_SIZE // 4  # 32
B = 4096
L = 200


def setup_inputs(seed: int = 0) -> dict:
    key = jax.random.key(seed)
    k1, k2 = jax.random.split(key)
    data = jax.random.randint(k1, (B, L, 4), 0, VOCAB, dtype=jnp.int32)
    embed_table = jax.random.normal(k2, (VOCAB, PER_STEP_DIM), dtype=jnp.float32)
    return {"data": data, "embed_table": embed_table}


def reference(data, embed_table):
    # ChordFeature.embed: self.embedder(data) where data is [B, L, 4] chord indices,
    # producing [B, L, 4, embed_size//4], flattened per-bar to [B, L, embed_size].
    emb = jnp.take(embed_table, data, axis=0)  # [B, L, 4, 32]
    out = emb.reshape(data.shape[0], data.shape[1], -1)  # [B, L, 128]
    return out

if __name__ == "__main__":
    import jax
    _d = setup_inputs()
    print(jax.jit(kernel)(*tuple(_d.values())))

</pallas_src>

<mosaic_0001>
#map = affine_map<(d0, d1) -> (0, 0)>
module attributes {stable_mosaic.version = 14 : i64} {
  func.func @_gather_kernel(%arg0: i32, %arg1: i32, %arg2: memref<4x819200xi32, #tpu.memory_space<hbm>>, %arg3: memref<133x32xf32, #tpu.memory_space<hbm>>, %arg4: memref<819200x128xf32, #tpu.memory_space<hbm>>, %arg5: memref<133x32xf32, #tpu.memory_space<vmem_shared>>, %arg6: memref<4x4x128xi32, #tpu.memory_space<vmem>>, %arg7: memref<4x4x128x32xf32, #tpu.memory_space<vmem>>, %arg8: memref<4x!tpu.dma_semaphore, #tpu.memory_space<semaphore_mem>>, %arg9: memref<4x!tpu.dma_semaphore, #tpu.memory_space<semaphore_mem>>, %arg10: memref<4x!tpu.dma_semaphore, #tpu.memory_space<semaphore_mem>>) attributes {dimension_semantics = [#tpu.dimension_semantics<core_parallel>, #tpu.dimension_semantics<subcore_parallel>], iteration_bounds = array<i64: 2, 16>, scalar_prefetch = 0 : i64, scratch_operands = 6 : i64, tpu.core_type = #tpu.core_type<sc_vector_subcore>, window_params = [{transform_indices = #map}, {transform_indices = #map}, {transform_indices = #map}]} {
    %mul3A = arith.constant 2 : i32
    %mul3A_0 = arith.muli %arg1, %mul3A : i32
    %add3A = arith.addi %mul3A_0, %arg0 : i32
    %mul3A_1 = arith.constant 200 : i32
    %mul3A_2 = arith.muli %add3A, %mul3A_1 : i32
    %mul3A_3 = arith.constant 128 : i32
    %mul3A_4 = arith.muli %mul3A_2, %mul3A_3 : i32
    %eq3A = arith.constant 0 : i32
    %eq3A_5 = arith.cmpi eq, %arg1, %eq3A : i32
    %convert_element_type3A = arith.extui %eq3A_5 : i1 to i32
    %cond3A = arith.constant 0 : i32
    %cond3A_6 = arith.cmpi ne, %convert_element_type3A, %cond3A : i32
    scf.if %cond3A_6 {
      "tpu.region"() ({
        %run_scoped3A = tpu.sem_alloc : memref<!tpu.dma_semaphore, #tpu.memory_space<semaphore_mem>>
        tpu.enqueue_dma source(%arg3 : memref<133x32xf32, #tpu.memory_space<hbm>>) target(%arg5 : memref<133x32xf32, #tpu.memory_space<vmem_shared>>) target_semaphore(%run_scoped3A : memref<!tpu.dma_semaphore, #tpu.memory_space<semaphore_mem>>)
        tpu.wait_dma2 semaphore(%run_scoped3A : memref<!tpu.dma_semaphore, #tpu.memory_space<semaphore_mem>>) src(%arg3 : memref<133x32xf32, #tpu.memory_space<hbm>>) dst(%arg5 : memref<133x32xf32, #tpu.memory_space<vmem_shared>>)
        tpu.yield
      }) : () -> ()
    } else {
    }
    %barrier3A = arith.constant 0 : index
    tpu.barrier barrier_id(%barrier3A)
    %add3A_7 = arith.constant 0 : i32
    %add3A_8 = arith.addi %mul3A_4, %add3A_7 : i32
    %dma_start3A = arith.constant 0 : i32
    %dma_start3A_9 = arith.constant 0 : i32
    %dma_start3A_10 = arith.constant 0 : i32
    %dma_start3A_11 = arith.constant 0 : i32
    %dma_start3A_12 = tpu.memref_slice %arg6[%dma_start3A, %dma_start3A_10, %dma_start3A_11] : memref<4x4x128xi32, #tpu.memory_space<vmem>> -> memref<1x4x128xi32, #tpu.memory_space<vmem>>
    %dma_start3A_13 = tpu.memref_squeeze %dma_start3A_12 : memref<1x4x128xi32, #tpu.memory_space<vmem>> -> memref<4x128xi32, #tpu.memory_space<vmem>>
    %dma_start3A_14 = arith.constant 0 : i32
    %dma_start3A_15 = tpu.memref_slice %arg2[%dma_start3A_14, %add3A_8] : memref<4x819200xi32, #tpu.memory_space<hbm>> -> memref<4x128xi32, #tpu.memory_space<hbm>>
    %dma_start3A_16 = tpu.memref_slice %arg8[%dma_start3A_9] : memref<4x!tpu.dma_semaphore, #tpu.memory_space<semaphore_mem>> -> memref<1x!tpu.dma_semaphore, #tpu.memory_space<semaphore_mem>>
    %dma_start3A_17 = tpu.memref_squeeze %dma_start3A_16 : memref<1x!tpu.dma_semaphore, #tpu.memory_space<semaphore_mem>> -> memref<!tpu.dma_semaphore, #tpu.memory_space<semaphore_mem>>
    %dma_start3A_18 = arith.constant 0 : i32
    %dma_start3A_19 = arith.constant 0 : i32
    %dma_start3A_20 = tpu.memref_slice %arg6[%dma_start3A, %dma_start3A_18, %dma_start3A_19] : memref<4x4x128xi32, #tpu.memory_space<vmem>> -> memref<1x4x128xi32, #tpu.memory_space<vmem>>
    %dma_start3A_21 = tpu.memref_squeeze %dma_start3A_20 : memref<1x4x128xi32, #tpu.memory_space<vmem>> -> memref<4x128xi32, #tpu.memory_space<vmem>>
    %dma_start3A_22 = arith.constant 0 : i32
    %dma_start3A_23 = tpu.memref_slice %arg2[%dma_start3A_22, %add3A_8] : memref<4x819200xi32, #tpu.memory_space<hbm>> -> memref<4x128xi32, #tpu.memory_space<hbm>>
    tpu.enqueue_dma source(%dma_start3A_23 : memref<4x128xi32, #tpu.memory_space<hbm>>) target(%dma_start3A_21 : memref<4x128xi32, #tpu.memory_space<vmem>>) target_semaphore(%dma_start3A_17 : memref<!tpu.dma_semaphore, #tpu.memory_space<semaphore_mem>>)
    %add3A_24 = arith.constant 128 : i32
    %add3A_25 = arith.addi %mul3A_4, %add3A_24 : i32
    %dma_start3A_26 = arith.constant 1 : i32
    %dma_start3A_27 = arith.constant 1 : i32
    %dma_start3A_28 = arith.constant 0 : i32
    %dma_start3A_29 = arith.constant 0 : i32
    %dma_start3A_30 = tpu.memref_slice %arg6[%dma_start3A_26, %dma_start3A_28, %dma_start3A_29] : memref<4x4x128xi32, #tpu.memory_space<vmem>> -> memref<1x4x128xi32, #tpu.memory_space<vmem>>
    %dma_start3A_31 = tpu.memref_squeeze %dma_start3A_30 : memref<1x4x128xi32, #tpu.memory_space<vmem>> -> memref<4x128xi32, #tpu.memory_space<vmem>>
    %dma_start3A_32 = arith.constant 0 : i32
    %dma_start3A_33 = tpu.memref_slice %arg2[%dma_start3A_32, %add3A_25] : memref<4x819200xi32, #tpu.memory_space<hbm>> -> memref<4x128xi32, #tpu.memory_space<hbm>>
    %dma_start3A_34 = tpu.memref_slice %arg8[%dma_start3A_27] : memref<4x!tpu.dma_semaphore, #tpu.memory_space<semaphore_mem>> -> memref<1x!tpu.dma_semaphore, #tpu.memory_space<semaphore_mem>>
    %dma_start3A_35 = tpu.memref_squeeze %dma_start3A_34 : memref<1x!tpu.dma_semaphore, #tpu.memory_space<semaphore_mem>> -> memref<!tpu.dma_semaphore, #tpu.memory_space<semaphore_mem>>
    %dma_start3A_36 = arith.constant 0 : i32
    %dma_start3A_37 = arith.constant 0 : i32
    %dma_start3A_38 = tpu.memref_slice %arg6[%dma_start3A_26, %dma_start3A_36, %dma_start3A_37] : memref<4x4x128xi32, #tpu.memory_space<vmem>> -> memref<1x4x128xi32, #tpu.memory_space<vmem>>
    %dma_start3A_39 = tpu.memref_squeeze %dma_start3A_38 : memref<1x4x128xi32, #tpu.memory_space<vmem>> -> memref<4x128xi32, #tpu.memory_space<vmem>>
    %dma_start3A_40 = arith.constant 0 : i32
    %dma_start3A_41 = tpu.memref_slice %arg2[%dma_start3A_40, %add3A_25] : memref<4x819200xi32, #tpu.memory_space<hbm>> -> memref<4x128xi32, #tpu.memory_space<hbm>>
    tpu.enqueue_dma source(%dma_start3A_41 : memref<4x128xi32, #tpu.memory_space<hbm>>) target(%dma_start3A_39 : memref<4x128xi32, #tpu.memory_space<vmem>>) target_semaphore(%dma_start3A_35 : memref<!tpu.dma_semaphore, #tpu.memory_space<semaphore_mem>>)
    %add3A_42 = arith.constant 256 : i32
    %add3A_43 = arith.addi %mul3A_4, %add3A_42 : i32
    %dma_start3A_44 = arith.constant 2 : i32
    %dma_start3A_45 = arith.constant 2 : i32
    %dma_start3A_46 = arith.constant 0 : i32
    %dma_start3A_47 = arith.constant 0 : i32
    %dma_start3A_48 = tpu.memref_slice %arg6[%dma_start3A_44, %dma_start3A_46, %dma_start3A_47] : memref<4x4x128xi32, #tpu.memory_space<vmem>> -> memref<1x4x128xi32, #tpu.memory_space<vmem>>
    %dma_start3A_49 = tpu.memref_squeeze %dma_start3A_48 : memref<1x4x128xi32, #tpu.memory_space<vmem>> -> memref<4x128xi32, #tpu.memory_space<vmem>>
    %dma_start3A_50 = arith.constant 0 : i32
    %dma_start3A_51 = tpu.memref_slice %arg2[%dma_start3A_50, %add3A_43] : memref<4x819200xi32, #tpu.memory_space<hbm>> -> memref<4x128xi32, #tpu.memory_space<hbm>>
    %dma_start3A_52 = tpu.memref_slice %arg8[%dma_start3A_45] : memref<4x!tpu.dma_semaphore, #tpu.memory_space<semaphore_mem>> -> memref<1x!tpu.dma_semaphore, #tpu.memory_space<semaphore_mem>>
    %dma_start3A_53 = tpu.memref_squeeze %dma_start3A_52 : memref<1x!tpu.dma_semaphore, #tpu.memory_space<semaphore_mem>> -> memref<!tpu.dma_semaphore, #tpu.memory_space<semaphore_mem>>
    %dma_start3A_54 = arith.constant 0 : i32
    %dma_start3A_55 = arith.constant 0 : i32
    %dma_start3A_56 = tpu.memref_slice %arg6[%dma_start3A_44, %dma_start3A_54, %dma_start3A_55] : memref<4x4x128xi32, #tpu.memory_space<vmem>> -> memref<1x4x128xi32, #tpu.memory_space<vmem>>
    %dma_start3A_57 = tpu.memref_squeeze %dma_start3A_56 : memref<1x4x128xi32, #tpu.memory_space<vmem>> -> memref<4x128xi32, #tpu.memory_space<vmem>>
    %dma_start3A_58 = arith.constant 0 : i32
    %dma_start3A_59 = tpu.memref_slice %arg2[%dma_start3A_58, %add3A_43] : memref<4x819200xi32, #tpu.memory_space<hbm>> -> memref<4x128xi32, #tpu.memory_space<hbm>>
    tpu.enqueue_dma source(%dma_start3A_59 : memref<4x128xi32, #tpu.memory_space<hbm>>) target(%dma_start3A_57 : memref<4x128xi32, #tpu.memory_space<vmem>>) target_semaphore(%dma_start3A_53 : memref<!tpu.dma_semaphore, #tpu.memory_space<semaphore_mem>>)
    %add3A_60 = arith.constant 384 : i32
    %add3A_61 = arith.addi %mul3A_4, %add3A_60 : i32
    %dma_start3A_62 = arith.constant 3 : i32
    %dma_start3A_63 = arith.constant 3 : i32
    %dma_start3A_64 = arith.constant 0 : i32
    %dma_start3A_65 = arith.constant 0 : i32
    %dma_start3A_66 = tpu.memref_slice %arg6[%dma_start3A_62, %dma_start3A_64, %dma_start3A_65] : memref<4x4x128xi32, #tpu.memory_space<vmem>> -> memref<1x4x128xi32, #tpu.memory_space<vmem>>
    %dma_start3A_67 = tpu.memref_squeeze %dma_start3A_66 : memref<1x4x128xi32, #tpu.memory_space<vmem>> -> memref<4x128xi32, #tpu.memory_space<vmem>>
    %dma_start3A_68 = arith.constant 0 : i32
    %dma_start3A_69 = tpu.memref_slice %arg2[%dma_start3A_68, %add3A_61] : memref<4x819200xi32, #tpu.memory_space<hbm>> -> memref<4x128xi32, #tpu.memory_space<hbm>>
    %dma_start3A_70 = tpu.memref_slice %arg8[%dma_start3A_63] : memref<4x!tpu.dma_semaphore, #tpu.memory_space<semaphore_mem>> -> memref<1x!tpu.dma_semaphore, #tpu.memory_space<semaphore_mem>>
    %dma_start3A_71 = tpu.memref_squeeze %dma_start3A_70 : memref<1x!tpu.dma_semaphore, #tpu.memory_space<semaphore_mem>> -> memref<!tpu.dma_semaphore, #tpu.memory_space<semaphore_mem>>
    %dma_start3A_72 = arith.constant 0 : i32
    %dma_start3A_73 = arith.constant 0 : i32
    %dma_start3A_74 = tpu.memref_slice %arg6[%dma_start3A_62, %dma_start3A_72, %dma_start3A_73] : memref<4x4x128xi32, #tpu.memory_space<vmem>> -> memref<1x4x128xi32, #tpu.memory_space<vmem>>
    %dma_start3A_75 = tpu.memref_squeeze %dma_start3A_74 : memref<1x4x128xi32, #tpu.memory_space<vmem>> -> memref<4x128xi32, #tpu.memory_space<vmem>>
    %dma_start3A_76 = arith.constant 0 : i32
    %dma_start3A_77 = tpu.memref_slice %arg2[%dma_start3A_76, %add3A_61] : memref<4x819200xi32, #tpu.memory_space<hbm>> -> memref<4x128xi32, #tpu.memory_space<hbm>>
    tpu.enqueue_dma source(%dma_start3A_77 : memref<4x128xi32, #tpu.memory_space<hbm>>) target(%dma_start3A_75 : memref<4x128xi32, #tpu.memory_space<vmem>>) target_semaphore(%dma_start3A_71 : memref<!tpu.dma_semaphore, #tpu.memory_space<semaphore_mem>>)
    %dma_wait3A = arith.constant 0 : i32
    %dma_wait3A_78 = arith.constant 0 : i32
    %dma_wait3A_79 = arith.constant 0 : i32
    %dma_wait3A_80 = arith.constant 0 : i32
    %dma_wait3A_81 = tpu.memref_slice %arg6[%dma_wait3A, %dma_wait3A_79, %dma_wait3A_80] : memref<4x4x128xi32, #tpu.memory_space<vmem>> -> memref<1x4x128xi32, #tpu.memory_space<vmem>>
    %dma_wait3A_82 = tpu.memref_squeeze %dma_wait3A_81 : memref<1x4x128xi32, #tpu.memory_space<vmem>> -> memref<4x128xi32, #tpu.memory_space<vmem>>
    %dma_wait3A_83 = arith.constant 0 : i32
    %dma_wait3A_84 = arith.constant 0 : i32
    %dma_wait3A_85 = tpu.memref_slice %arg2[%dma_wait3A_83, %dma_wait3A_84] : memref<4x819200xi32, #tpu.memory_space<hbm>> -> memref<4x128xi32, #tpu.memory_space<hbm>>
    %dma_wait3A_86 = tpu.memref_slice %arg8[%dma_wait3A_78] : memref<4x!tpu.dma_semaphore, #tpu.memory_space<semaphore_mem>> -> memref<1x!tpu.dma_semaphore, #tpu.memory_space<semaphore_mem>>
    %dma_wait3A_87 = tpu.memref_squeeze %dma_wait3A_86 : memref<1x!tpu.dma_semaphore, #tpu.memory_space<semaphore_mem>> -> memref<!tpu.dma_semaphore, #tpu.memory_space<semaphore_mem>>
    %dma_wait3A_88 = arith.constant 0 : i32
    %dma_wait3A_89 = arith.constant 0 : i32
    %dma_wait3A_90 = tpu.memref_slice %arg6[%dma_wait3A, %dma_wait3A_88, %dma_wait3A_89] : memref<4x4x128xi32, #tpu.memory_space<vmem>> -> memref<1x4x128xi32, #tpu.memory_space<vmem>>
    %dma_wait3A_91 = tpu.memref_squeeze %dma_wait3A_90 : memref<1x4x128xi32, #tpu.memory_space<vmem>> -> memref<4x128xi32, #tpu.memory_space<vmem>>
    %dma_wait3A_92 = arith.constant 0 : i32
    %dma_wait3A_93 = arith.constant 0 : i32
    %dma_wait3A_94 = tpu.memref_slice %arg2[%dma_wait3A_92, %dma_wait3A_93] : memref<4x819200xi32, #tpu.memory_space<hbm>> -> memref<4x128xi32, #tpu.memory_space<hbm>>
    tpu.wait_dma2 semaphore(%dma_wait3A_87 : memref<!tpu.dma_semaphore, #tpu.memory_space<semaphore_mem>>) src(%dma_wait3A_94 : memref<4x128xi32, #tpu.memory_space<hbm>>) dst(%dma_wait3A_91 : memref<4x128xi32, #tpu.memory_space<vmem>>)
    %dma_start3A_95 = arith.constant 0 : i32
    %dma_start3A_96 = arith.constant 0 : i32
    %dma_start3A_97 = arith.constant 0 : i32
    %dma_start3A_98 = arith.constant 0 : i32
    %dma_start3A_99 = arith.constant 0 : i32
    %dma_start3A_100 = arith.constant 0 : i32
    %dma_start3A_101 = arith.constant 0 : i32
    %dma_start3A_102 = arith.constant 0 : i32
    %dma_start3A_103 = tpu.memref_slice %arg7[%dma_start3A_97, %dma_start3A_100, %dma_start3A_101, %dma_start3A_102] : memref<4x4x128x32xf32, #tpu.memory_space<vmem>> -> memref<1x4x128x32xf32, #tpu.memory_space<vmem>>
    %dma_start3A_104 = tpu.memref_squeeze %dma_start3A_103 : memref<1x4x128x32xf32, #tpu.memory_space<vmem>> -> memref<4x128x32xf32, #tpu.memory_space<vmem>>
    %dma_start3A_105 = arith.constant 0 : i32
    %dma_start3A_106 = arith.constant 0 : i32
    %dma_start3A_107 = tpu.memref_slice %dma_start3A_104[%dma_start3A_98, %dma_start3A_105, %dma_start3A_106] : memref<4x128x32xf32, #tpu.memory_space<vmem>> -> memref<1x128x32xf32, #tpu.memory_space<vmem>>
    %dma_start3A_108 = tpu.memref_squeeze %dma_start3A_107 : memref<1x128x32xf32, #tpu.memory_space<vmem>> -> memref<128x32xf32, #tpu.memory_space<vmem>>
    %dma_start3A_109 = arith.constant 0 : i32
    %dma_start3A_110 = arith.constant 0 : i32
    %dma_start3A_111 = tpu.memref_slice %arg6[%dma_start3A_95, %dma_start3A_109, %dma_start3A_110] : memref<4x4x128xi32, #tpu.memory_space<vmem>> -> memref<1x4x128xi32, #tpu.memory_space<vmem>>
    %dma_start3A_112 = tpu.memref_squeeze %dma_start3A_111 : memref<1x4x128xi32, #tpu.memory_space<vmem>> -> memref<4x128xi32, #tpu.memory_space<vmem>>
    %dma_start3A_113 = arith.constant 0 : i32
    %dma_start3A_114 = tpu.memref_slice %dma_start3A_112[%dma_start3A_96, %dma_start3A_113] : memref<4x128xi32, #tpu.memory_space<vmem>> -> memref<1x128xi32, #tpu.memory_space<vmem>>
    %dma_start3A_115 = tpu.memref_squeeze %dma_start3A_114 : memref<1x128xi32, #tpu.memory_space<vmem>> -> memref<128xi32, #tpu.memory_space<vmem>>
    %dma_start3A_116 = arith.constant 0 : i32
    %dma_start3A_117 = arith.constant 0 : i32
    %dma_start3A_118 = tpu.memref_slice %arg5[%dma_start3A_116, %dma_start3A_117] : memref<133x32xf32, #tpu.memory_space<vmem_shared>> -> memref<133x32xf32, #tpu.memory_space<vmem_shared>>
    %dma_start3A_119 = tpu.memref_slice %arg9[%dma_start3A_99] : memref<4x!tpu.dma_semaphore, #tpu.memory_space<semaphore_mem>> -> memref<1x!tpu.dma_semaphore, #tpu.memory_space<semaphore_mem>>
    %dma_start3A_120 = tpu.memref_squeeze %dma_start3A_119 : memref<1x!tpu.dma_semaphore, #tpu.memory_space<semaphore_mem>> -> memref<!tpu.dma_semaphore, #tpu.memory_space<semaphore_mem>>
    tpu.enqueue_indirect_dma source(%dma_start3A_118 : memref<133x32xf32, #tpu.memory_space<vmem_shared>>) target(%dma_start3A_108 : memref<128x32xf32, #tpu.memory_space<vmem>>) offsets(%dma_start3A_115 : memref<128xi32, #tpu.memory_space<vmem>>) semaphore(%dma_start3A_120 : memref<!tpu.dma_semaphore, #tpu.memory_space<semaphore_mem>>)
    %dma_start3A_121 = arith.constant 0 : i32
    %dma_start3A_122 = arith.constant 1 : i32
    %dma_start3A_123 = arith.constant 0 : i32
    %dma_start3A_124 = arith.constant 1 : i32
    %dma_start3A_125 = arith.constant 0 : i32
    %dma_start3A_126 = arith.constant 0 : i32
    %dma_start3A_127 = arith.constant 0 : i32
    %dma_start3A_128 = arith.constant 0 : i32
    %dma_start3A_129 = tpu.memref_slice %arg7[%dma_start3A_123, %dma_start3A_126, %dma_start3A_127, %dma_start3A_128] : memref<4x4x128x32xf32, #tpu.memory_space<vmem>> -> memref<1x4x128x32xf32, #tpu.memory_space<vmem>>
    %dma_start3A_130 = tpu.memref_squeeze %dma_start3A_129 : memref<1x4x128x32xf32, #tpu.memory_space<vmem>> -> memref<4x128x32xf32, #tpu.memory_space<vmem>>
    %dma_start3A_131 = arith.constant 0 : i32
    %dma_start3A_132 = arith.constant 0 : i32
    %dma_start3A_133 = tpu.memref_slice %dma_start3A_130[%dma_start3A_124, %dma_start3A_131, %dma_start3A_132] : memref<4x128x32xf32, #tpu.memory_space<vmem>> -> memref<1x128x32xf32, #tpu.memory_space<vmem>>
    %dma_start3A_134 = tpu.memref_squeeze %dma_start3A_133 : memref<1x128x32xf32, #tpu.memory_space<vmem>> -> memref<128x32xf32, #tpu.memory_space<vmem>>
    %dma_start3A_135 = arith.constant 0 : i32
    %dma_start3A_136 = arith.constant 0 : i32
    %dma_start3A_137 = tpu.memref_slice %arg6[%dma_start3A_121, %dma_start3A_135, %dma_start3A_136] : memref<4x4x128xi32, #tpu.memory_space<vmem>> -> memref<1x4x128xi32, #tpu.memory_space<vmem>>
    %dma_start3A_138 = tpu.memref_squeeze %dma_start3A_137 : memref<1x4x128xi32, #tpu.memory_space<vmem>> -> memref<4x128xi32, #tpu.memory_space<vmem>>
    %dma_start3A_139 = arith.constant 0 : i32
    %dma_start3A_140 = tpu.memref_slice %dma_start3A_138[%dma_start3A_122, %dma_start3A_139] : memref<4x128xi32, #tpu.memory_space<vmem>> -> memref<1x128xi32, #tpu.memory_space<vmem>>
    %dma_start3A_141 = tpu.memref_squeeze %dma_start3A_140 : memref<1x128xi32, #tpu.memory_space<vmem>> -> memref<128xi32, #tpu.memory_space<vmem>>
    %dma_start3A_142 = arith.constant 0 : i32
    %dma_start3A_143 = arith.constant 0 : i32
    %dma_start3A_144 = tpu.memref_slice %arg5[%dma_start3A_142, %dma_start3A_143] : memref<133x32xf32, #tpu.memory_space<vmem_shared>> -> memref<133x32xf32, #tpu.memory_space<vmem_shared>>
    %dma_start3A_145 = tpu.memref_slice %arg9[%dma_start3A_125] : memref<4x!tpu.dma_semaphore, #tpu.memory_space<semaphore_mem>> -> memref<1x!tpu.dma_semaphore, #tpu.memory_space<semaphore_mem>>
    %dma_start3A_146 = tpu.memref_squeeze %dma_start3A_145 : memref<1x!tpu.dma_semaphore, #tpu.memory_space<semaphore_mem>> -> memref<!tpu.dma_semaphore, #tpu.memory_space<semaphore_mem>>
    tpu.enqueue_indirect_dma source(%dma_start3A_144 : memref<133x32xf32, #tpu.memory_space<vmem_shared>>) target(%dma_start3A_134 : memref<128x32xf32, #tpu.memory_space<vmem>>) offsets(%dma_start3A_141 : memref<128xi32, #tpu.memory_space<vmem>>) semaphore(%dma_start3A_146 : memref<!tpu.dma_semaphore, #tpu.memory_space<semaphore_mem>>)
    %dma_start3A_147 = arith.constant 0 : i32
    %dma_start3A_148 = arith.constant 2 : i32
    %dma_start3A_149 = arith.constant 0 : i32
    %dma_start3A_150 = arith.constant 2 : i32
    %dma_start3A_151 = arith.constant 0 : i32
    %dma_start3A_152 = arith.constant 0 : i32
    %dma_start3A_153 = arith.constant 0 : i32
    %dma_start3A_154 = arith.constant 0 : i32
    %dma_start3A_155 = tpu.memref_slice %arg7[%dma_start3A_149, %dma_start3A_152, %dma_start3A_153, %dma_start3A_154] : memref<4x4x128x32xf32, #tpu.memory_space<vmem>> -> memref<1x4x128x32xf32, #tpu.memory_space<vmem>>
    %dma_start3A_156 = tpu.memref_squeeze %dma_start3A_155 : memref<1x4x128x32xf32, #tpu.memory_space<vmem>> -> memref<4x128x32xf32, #tpu.memory_space<vmem>>
    %dma_start3A_157 = arith.constant 0 : i32
    %dma_start3A_158 = arith.constant 0 : i32
    %dma_start3A_159 = tpu.memref_slice %dma_start3A_156[%dma_start3A_150, %dma_start3A_157, %dma_start3A_158] : memref<4x128x32xf32, #tpu.memory_space<vmem>> -> memref<1x128x32xf32, #tpu.memory_space<vmem>>
    %dma_start3A_160 = tpu.memref_squeeze %dma_start3A_159 : memref<1x128x32xf32, #tpu.memory_space<vmem>> -> memref<128x32xf32, #tpu.memory_space<vmem>>
    %dma_start3A_161 = arith.constant 0 : i32
    %dma_start3A_162 = arith.constant 0 : i32
    %dma_start3A_163 = tpu.memref_slice %arg6[%dma_start3A_147, %dma_start3A_161, %dma_start3A_162] : memref<4x4x128xi32, #tpu.memory_space<vmem>> -> memref<1x4x128xi32, #tpu.memory_space<vmem>>
    %dma_start3A_164 = tpu.memref_squeeze %dma_start3A_163 : memref<1x4x128xi32, #tpu.memory_space<vmem>> -> memref<4x128xi32, #tpu.memory_space<vmem>>
    %dma_start3A_165 = arith.constant 0 : i32
    %dma_start3A_166 = tpu.memref_slice %dma_start3A_164[%dma_start3A_148, %dma_start3A_165] : memref<4x128xi32, #tpu.memory_space<vmem>> -> memref<1x128xi32, #tpu.memory_space<vmem>>
    %dma_start3A_167 = tpu.memref_squeeze %dma_start3A_166 : memref<1x128xi32, #tpu.memory_space<vmem>> -> memref<128xi32, #tpu.memory_space<vmem>>
    %dma_start3A_168 = arith.constant 0 : i32
    %dma_start3A_169 = arith.constant 0 : i32
    %dma_start3A_170 = tpu.memref_slice %arg5[%dma_start3A_168, %dma_start3A_169] : memref<133x32xf32, #tpu.memory_space<vmem_shared>> -> memref<133x32xf32, #tpu.memory_space<vmem_shared>>
    %dma_start3A_171 = tpu.memref_slice %arg9[%dma_start3A_151] : memref<4x!tpu.dma_semaphore, #tpu.memory_space<semaphore_mem>> -> memref<1x!tpu.dma_semaphore, #tpu.memory_space<semaphore_mem>>
    %dma_start3A_172 = tpu.memref_squeeze %dma_start3A_171 : memref<1x!tpu.dma_semaphore, #tpu.memory_space<semaphore_mem>> -> memref<!tpu.dma_semaphore, #tpu.memory_space<semaphore_mem>>
    tpu.enqueue_indirect_dma source(%dma_start3A_170 : memref<133x32xf32, #tpu.memory_space<vmem_shared>>) target(%dma_start3A_160 : memref<128x32xf32, #tpu.memory_space<vmem>>) offsets(%dma_start3A_167 : memref<128xi32, #tpu.memory_space<vmem>>) semaphore(%dma_start3A_172 : memref<!tpu.dma_semaphore, #tpu.memory_space<semaphore_mem>>)
    %dma_start3A_173 = arith.constant 0 : i32
    %dma_start3A_174 = arith.constant 3 : i32
    %dma_start3A_175 = arith.constant 0 : i32
    %dma_start3A_176 = arith.constant 3 : i32
    %dma_start3A_177 = arith.constant 0 : i32
    %dma_start3A_178 = arith.constant 0 : i32
    %dma_start3A_179 = arith.constant 0 : i32
    %dma_start3A_180 = arith.constant 0 : i32
    %dma_start3A_181 = tpu.memref_slice %arg7[%dma_start3A_175, %dma_start3A_178, %dma_start3A_179, %dma_start3A_180] : memref<4x4x128x32xf32, #tpu.memory_space<vmem>> -> memref<1x4x128x32xf32, #tpu.memory_space<vmem>>
    %dma_start3A_182 = tpu.memref_squeeze %dma_start3A_181 : memref<1x4x128x32xf32, #tpu.memory_space<vmem>> -> memref<4x128x32xf32, #tpu.memory_space<vmem>>
    %dma_start3A_183 = arith.constant 0 : i32
    %dma_start3A_184 = arith.constant 0 : i32
    %dma_start3A_185 = tpu.memref_slice %dma_start3A_182[%dma_start3A_176, %dma_start3A_183, %dma_start3A_184] : memref<4x128x32xf32, #tpu.memory_space<vmem>> -> memref<1x128x32xf32, #tpu.memory_space<vmem>>
    %dma_start3A_186 = tpu.memref_squeeze %dma_start3A_185 : memref<1x128x32xf32, #tpu.memory_space<vmem>> -> memref<128x32xf32, #tpu.memory_space<vmem>>
    %dma_start3A_187 = arith.constant 0 : i32
    %dma_start3A_188 = arith.constant 0 : i32
    %dma_start3A_189 = tpu.memref_slice %arg6[%dma_start3A_173, %dma_start3A_187, %dma_start3A_188] : memref<4x4x128xi32, #tpu.memory_space<vmem>> -> memref<1x4x128xi32, #tpu.memory_space<vmem>>
    %dma_start3A_190 = tpu.memref_squeeze %dma_start3A_189 : memref<1x4x128xi32, #tpu.memory_space<vmem>> -> memref<4x128xi32, #tpu.memory_space<vmem>>
    %dma_start3A_191 = arith.constant 0 : i32
    %dma_start3A_192 = tpu.memref_slice %dma_start3A_190[%dma_start3A_174, %dma_start3A_191] : memref<4x128xi32, #tpu.memory_space<vmem>> -> memref<1x128xi32, #tpu.memory_space<vmem>>
    %dma_start3A_193 = tpu.memref_squeeze %dma_start3A_192 : memref<1x128xi32, #tpu.memory_space<vmem>> -> memref<128xi32, #tpu.memory_space<vmem>>
    %dma_start3A_194 = arith.constant 0 : i32
    %dma_start3A_195 = arith.constant 0 : i32
    %dma_start3A_196 = tpu.memref_slice %arg5[%dma_start3A_194, %dma_start3A_195] : memref<133x32xf32, #tpu.memory_space<vmem_shared>> -> memref<133x32xf32, #tpu.memory_space<vmem_shared>>
    %dma_start3A_197 = tpu.memref_slice %arg9[%dma_start3A_177] : memref<4x!tpu.dma_semaphore, #tpu.memory_space<semaphore_mem>> -> memref<1x!tpu.dma_semaphore, #tpu.memory_space<semaphore_mem>>
    %dma_start3A_198 = tpu.memref_squeeze %dma_start3A_197 : memref<1x!tpu.dma_semaphore, #tpu.memory_space<semaphore_mem>> -> memref<!tpu.dma_semaphore, #tpu.memory_space<semaphore_mem>>
    tpu.enqueue_indirect_dma source(%dma_start3A_196 : memref<133x32xf32, #tpu.memory_space<vmem_shared>>) target(%dma_start3A_186 : memref<128x32xf32, #tpu.memory_space<vmem>>) offsets(%dma_start3A_193 : memref<128xi32, #tpu.memory_space<vmem>>) semaphore(%dma_start3A_198 : memref<!tpu.dma_semaphore, #tpu.memory_space<semaphore_mem>>)
    %dma_wait3A_199 = arith.constant 1 : i32
    %dma_wait3A_200 = arith.constant 1 : i32
    %dma_wait3A_201 = arith.constant 0 : i32
    %dma_wait3A_202 = arith.constant 0 : i32
    %dma_wait3A_203 = tpu.memref_slice %arg6[%dma_wait3A_199, %dma_wait3A_201, %dma_wait3A_202] : memref<4x4x128xi32, #tpu.memory_space<vmem>> -> memref<1x4x128xi32, #tpu.memory_space<vmem>>
    %dma_wait3A_204 = tpu.memref_squeeze %dma_wait3A_203 : memref<1x4x128xi32, #tpu.memory_space<vmem>> -> memref<4x128xi32, #tpu.memory_space<vmem>>
    %dma_wait3A_205 = arith.constant 0 : i32
    %dma_wait3A_206 = arith.constant 0 : i32
    %dma_wait3A_207 = tpu.memref_slice %arg2[%dma_wait3A_205, %dma_wait3A_206] : memref<4x819200xi32, #tpu.memory_space<hbm>> -> memref<4x128xi32, #tpu.memory_space<hbm>>
    %dma_wait3A_208 = tpu.memref_slice %arg8[%dma_wait3A_200] : memref<4x!tpu.dma_semaphore, #tpu.memory_space<semaphore_mem>> -> memref<1x!tpu.dma_semaphore, #tpu.memory_space<semaphore_mem>>
    %dma_wait3A_209 = tpu.memref_squeeze %dma_wait3A_208 : memref<1x!tpu.dma_semaphore, #tpu.memory_space<semaphore_mem>> -> memref<!tpu.dma_semaphore, #tpu.memory_space<semaphore_mem>>
    %dma_wait3A_210 = arith.constant 0 : i32
    %dma_wait3A_211 = arith.constant 0 : i32
    %dma_wait3A_212 = tpu.memref_slice %arg6[%dma_wait3A_199, %dma_wait3A_210, %dma_wait3A_211] : memref<4x4x128xi32, #tpu.memory_space<vmem>> -> memref<1x4x128xi32, #tpu.memory_space<vmem>>
    %dma_wait3A_213 = tpu.memref_squeeze %dma_wait3A_212 : memref<1x4x128xi32, #tpu.memory_space<vmem>> -> memref<4x128xi32, #tpu.memory_space<vmem>>
    %dma_wait3A_214 = arith.constant 0 : i32
    %dma_wait3A_215 = arith.constant 0 : i32
    %dma_wait3A_216 = tpu.memref_slice %arg2[%dma_wait3A_214, %dma_wait3A_215] : memref<4x819200xi32, #tpu.memory_space<hbm>> -> memref<4x128xi32, #tpu.memory_space<hbm>>
    tpu.wait_dma2 semaphore(%dma_wait3A_209 : memref<!tpu.dma_semaphore, #tpu.memory_space<semaphore_mem>>) src(%dma_wait3A_216 : memref<4x128xi32, #tpu.memory_space<hbm>>) dst(%dma_wait3A_213 : memref<4x128xi32, #tpu.memory_space<vmem>>)
    %dma_start3A_217 = arith.constant 1 : i32
    %dma_start3A_218 = arith.constant 0 : i32
    %dma_start3A_219 = arith.constant 1 : i32
    %dma_start3A_220 = arith.constant 0 : i32
    %dma_start3A_221 = arith.constant 1 : i32
    %dma_start3A_222 = arith.constant 0 : i32
    %dma_start3A_223 = arith.constant 0 : i32
    %dma_start3A_224 = arith.constant 0 : i32
    %dma_start3A_225 = tpu.memref_slice %arg7[%dma_start3A_219, %dma_start3A_222, %dma_start3A_223, %dma_start3A_224] : memref<4x4x128x32xf32, #tpu.memory_space<vmem>> -> memref<1x4x128x32xf32, #tpu.memory_space<vmem>>
    %dma_start3A_226 = tpu.memref_squeeze %dma_start3A_225 : memref<1x4x128x32xf32, #tpu.memory_space<vmem>> -> memref<4x128x32xf32, #tpu.memory_space<vmem>>
    %dma_start3A_227 = arith.constant 0 : i32
    %dma_start3A_228 = arith.constant 0 : i32
    %dma_start3A_229 = tpu.memref_slice %dma_start3A_226[%dma_start3A_220, %dma_start3A_227, %dma_start3A_228] : memref<4x128x32xf32, #tpu.memory_space<vmem>> -> memref<1x128x32xf32, #tpu.memory_space<vmem>>
    %dma_start3A_230 = tpu.memref_squeeze %dma_start3A_229 : memref<1x128x32xf32, #tpu.memory_space<vmem>> -> memref<128x32xf32, #tpu.memory_space<vmem>>
    %dma_start3A_231 = arith.constant 0 : i32
    %dma_start3A_232 = arith.constant 0 : i32
    %dma_start3A_233 = tpu.memref_slice %arg6[%dma_start3A_217, %dma_start3A_231, %dma_start3A_232] : memref<4x4x128xi32, #tpu.memory_space<vmem>> -> memref<1x4x128xi32, #tpu.memory_space<vmem>>
    %dma_start3A_234 = tpu.memref_squeeze %dma_start3A_233 : memref<1x4x128xi32, #tpu.memory_space<vmem>> -> memref<4x128xi32, #tpu.memory_space<vmem>>
    %dma_start3A_235 = arith.constant 0 : i32
    %dma_start3A_236 = tpu.memref_slice %dma_start3A_234[%dma_start3A_218, %dma_start3A_235] : memref<4x128xi32, #tpu.memory_space<vmem>> -> memref<1x128xi32, #tpu.memory_space<vmem>>
    %dma_start3A_237 = tpu.memref_squeeze %dma_start3A_236 : memref<1x128xi32, #tpu.memory_space<vmem>> -> memref<128xi32, #tpu.memory_space<vmem>>
    %dma_start3A_238 = arith.constant 0 : i32
    %dma_start3A_239 = arith.constant 0 : i32
    %dma_start3A_240 = tpu.memref_slice %arg5[%dma_start3A_238, %dma_start3A_239] : memref<133x32xf32, #tpu.memory_space<vmem_shared>> -> memref<133x32xf32, #tpu.memory_space<vmem_shared>>
    %dma_start3A_241 = tpu.memref_slice %arg9[%dma_start3A_221] : memref<4x!tpu.dma_semaphore, #tpu.memory_space<semaphore_mem>> -> memref<1x!tpu.dma_semaphore, #tpu.memory_space<semaphore_mem>>
    %dma_start3A_242 = tpu.memref_squeeze %dma_start3A_241 : memref<1x!tpu.dma_semaphore, #tpu.memory_space<semaphore_mem>> -> memref<!tpu.dma_semaphore, #tpu.memory_space<semaphore_mem>>
    tpu.enqueue_indirect_dma source(%dma_start3A_240 : memref<133x32xf32, #tpu.memory_space<vmem_shared>>) target(%dma_start3A_230 : memref<128x32xf32, #tpu.memory_space<vmem>>) offsets(%dma_start3A_237 : memref<128xi32, #tpu.memory_space<vmem>>) semaphore(%dma_start3A_242 : memref<!tpu.dma_semaphore, #tpu.memory_space<semaphore_mem>>)
    %dma_start3A_243 = arith.constant 1 : i32
    %dma_start3A_244 = arith.constant 1 : i32
    %dma_start3A_245 = arith.constant 1 : i32
    %dma_start3A_246 = arith.constant 1 : i32
    %dma_start3A_247 = arith.constant 1 : i32
    %dma_start3A_248 = arith.constant 0 : i32
    %dma_start3A_249 = arith.constant 0 : i32
    %dma_start3A_250 = arith.constant 0 : i32
    %dma_start3A_251 = tpu.memref_slice %arg7[%dma_start3A_245, %dma_start3A_248, %dma_start3A_249, %dma_start3A_250] : memref<4x4x128x32xf32, #tpu.memory_space<vmem>> -> memref<1x4x128x32xf32, #tpu.memory_space<vmem>>
    %dma_start3A_252 = tpu.memref_squeeze %dma_start3A_251 : memref<1x4x128x32xf32, #tpu.memory_space<vmem>> -> memref<4x128x32xf32, #tpu.memory_space<vmem>>
    %dma_start3A_253 = arith.constant 0 : i32
    %dma_start3A_254 = arith.constant 0 : i32
    %dma_start3A_255 = tpu.memref_slice %dma_start3A_252[%dma_start3A_246, %dma_start3A_253, %dma_start3A_254] : memref<4x128x32xf32, #tpu.memory_space<vmem>> -> memref<1x128x32xf32, #tpu.memory_space<vmem>>
    %dma_start3A_256 = tpu.memref_squeeze %dma_start3A_255 : memref<1x128x32xf32, #tpu.memory_space<vmem>> -> memref<128x32xf32, #tpu.memory_space<vmem>>
    %dma_start3A_257 = arith.constant 0 : i32
    %dma_start3A_258 = arith.constant 0 : i32
    %dma_start3A_259 = tpu.memref_slice %arg6[%dma_start3A_243, %dma_start3A_257, %dma_start3A_258] : memref<4x4x128xi32, #tpu.memory_space<vmem>> -> memref<1x4x128xi32, #tpu.memory_space<vmem>>
    %dma_start3A_260 = tpu.memref_squeeze %dma_start3A_259 : memref<1x4x128xi32, #tpu.memory_space<vmem>> -> memref<4x128xi32, #tpu.memory_space<vmem>>
    %dma_start3A_261 = arith.constant 0 : i32
    %dma_start3A_262 = tpu.memref_slice %dma_start3A_260[%dma_start3A_244, %dma_start3A_261] : memref<4x128xi32, #tpu.memory_space<vmem>> -> memref<1x128xi32, #tpu.memory_space<vmem>>
    %dma_start3A_263 = tpu.memref_squeeze %dma_start3A_262 : memref<1x128xi32, #tpu.memory_space<vmem>> -> memref<128xi32, #tpu.memory_space<vmem>>
    %dma_start3A_264 = arith.constant 0 : i32
    %dma_start3A_265 = arith.constant 0 : i32
    %dma_start3A_266 = tpu.memref_slice %arg5[%dma_start3A_264, %dma_start3A_265] : memref<133x32xf32, #tpu.memory_space<vmem_shared>> -> memref<133x32xf32, #tpu.memory_space<vmem_shared>>
    %dma_start3A_267 = tpu.memref_slice %arg9[%dma_start3A_247] : memref<4x!tpu.dma_semaphore, #tpu.memory_space<semaphore_mem>> -> memref<1x!tpu.dma_semaphore, #tpu.memory_space<semaphore_mem>>
    %dma_start3A_268 = tpu.memref_squeeze %dma_start3A_267 : memref<1x!tpu.dma_semaphore, #tpu.memory_space<semaphore_mem>> -> memref<!tpu.dma_semaphore, #tpu.memory_space<semaphore_mem>>
    tpu.enqueue_indirect_dma source(%dma_start3A_266 : memref<133x32xf32, #tpu.memory_space<vmem_shared>>) target(%dma_start3A_256 : memref<128x32xf32, #tpu.memory_space<vmem>>) offsets(%dma_start3A_263 : memref<128xi32, #tpu.memory_space<vmem>>) semaphore(%dma_start3A_268 : memref<!tpu.dma_semaphore, #tpu.memory_space<semaphore_mem>>)
    %dma_start3A_269 = arith.constant 1 : i32
    %dma_start3A_270 = arith.constant 2 : i32
    %dma_start3A_271 = arith.constant 1 : i32
    %dma_start3A_272 = arith.constant 2 : i32
    %dma_start3A_273 = arith.constant 1 : i32
    %dma_start3A_274 = arith.constant 0 : i32
    %dma_start3A_275 = arith.constant 0 : i32
    %dma_start3A_276 = arith.constant 0 : i32
    %dma_start3A_277 = tpu.memref_slice %arg7[%dma_start3A_271, %dma_start3A_274, %dma_start3A_275, %dma_start3A_276] : memref<4x4x128x32xf32, #tpu.memory_space<vmem>> -> memref<1x4x128x32xf32, #tpu.memory_space<vmem>>
    %dma_start3A_278 = tpu.memref_squeeze %dma_start3A_277 : memref<1x4x128x32xf32, #tpu.memory_space<vmem>> -> memref<4x128x32xf32, #tpu.memory_space<vmem>>
    %dma_start3A_279 = arith.constant 0 : i32
    %dma_start3A_280 = arith.constant 0 : i32
    %dma_start3A_281 = tpu.memref_slice %dma_start3A_278[%dma_start3A_272, %dma_start3A_279, %dma_start3A_280] : memref<4x128x32xf32, #tpu.memory_space<vmem>> -> memref<1x128x32xf32, #tpu.memory_space<vmem>>
    %dma_start3A_282 = tpu.memref_squeeze %dma_start3A_281 : memref<1x128x32xf32, #tpu.memory_space<vmem>> -> memref<128x32xf32, #tpu.memory_space<vmem>>
    %dma_start3A_283 = arith.constant 0 : i32
    %dma_start3A_284 = arith.constant 0 : i32
    %dma_start3A_285 = tpu.memref_slice %arg6[%dma_start3A_269, %dma_start3A_283, %dma_start3A_284] : memref<4x4x128xi32, #tpu.memory_space<vmem>> -> memref<1x4x128xi32, #tpu.memory_space<vmem>>
    %dma_start3A_286 = tpu.memref_squeeze %dma_start3A_285 : memref<1x4x128xi32, #tpu.memory_space<vmem>> -> memref<4x128xi32, #tpu.memory_space<vmem>>
    %dma_start3A_287 = arith.constant 0 : i32
    %dma_start3A_288 = tpu.memref_slice %dma_start3A_286[%dma_start3A_270, %dma_start3A_287] : memref<4x128xi32, #tpu.memory_space<vmem>> -> memref<1x128xi32, #tpu.memory_space<vmem>>
    %dma_start3A_289 = tpu.memref_squeeze %dma_start3A_288 : memref<1x128xi32, #tpu.memory_space<vmem>> -> memref<128xi32, #tpu.memory_space<vmem>>
    %dma_start3A_290 = arith.constant 0 : i32
    %dma_start3A_291 = arith.constant 0 : i32
    %dma_start3A_292 = tpu.memref_slice %arg5[%dma_start3A_290, %dma_start3A_291] : memref<133x32xf32, #tpu.memory_space<vmem_shared>> -> memref<133x32xf32, #tpu.memory_space<vmem_shared>>
    %dma_start3A_293 = tpu.memref_slice %arg9[%dma_start3A_273] : memref<4x!tpu.dma_semaphore, #tpu.memory_space<semaphore_mem>> -> memref<1x!tpu.dma_semaphore, #tpu.memory_space<semaphore_mem>>
    %dma_start3A_294 = tpu.memref_squeeze %dma_start3A_293 : memref<1x!tpu.dma_semaphore, #tpu.memory_space<semaphore_mem>> -> memref<!tpu.dma_semaphore, #tpu.memory_space<semaphore_mem>>
    tpu.enqueue_indirect_dma source(%dma_start3A_292 : memref<133x32xf32, #tpu.memory_space<vmem_shared>>) target(%dma_start3A_282 : memref<128x32xf32, #tpu.memory_space<vmem>>) offsets(%dma_start3A_289 : memref<128xi32, #tpu.memory_space<vmem>>) semaphore(%dma_start3A_294 : memref<!tpu.dma_semaphore, #tpu.memory_space<semaphore_mem>>)
    %dma_start3A_295 = arith.constant 1 : i32
    %dma_start3A_296 = arith.constant 3 : i32
    %dma_start3A_297 = arith.constant 1 : i32
    %dma_start3A_298 = arith.constant 3 : i32
    %dma_start3A_299 = arith.constant 1 : i32
    %dma_start3A_300 = arith.constant 0 : i32
    %dma_start3A_301 = arith.constant 0 : i32
    %dma_start3A_302 = arith.constant 0 : i32
    %dma_start3A_303 = tpu.memref_slice %arg7[%dma_start3A_297, %dma_start3A_300, %dma_start3A_301, %dma_start3A_302] : memref<4x4x128x32xf32, #tpu.memory_space<vmem>> -> memref<1x4x128x32xf32, #tpu.memory_space<vmem>>
    %dma_start3A_304 = tpu.memref_squeeze %dma_start3A_303 : memref<1x4x128x32xf32, #tpu.memory_space<vmem>> -> memref<4x128x32xf32, #tpu.memory_space<vmem>>
    %dma_start3A_305 = arith.constant 0 : i32
    %dma_start3A_306 = arith.constant 0 : i32
    %dma_start3A_307 = tpu.memref_slice %dma_start3A_304[%dma_start3A_298, %dma_start3A_305, %dma_start3A_306] : memref<4x128x32xf32, #tpu.memory_space<vmem>> -> memref<1x128x32xf32, #tpu.memory_space<vmem>>
    %dma_start3A_308 = tpu.memref_squeeze %dma_start3A_307 : memref<1x128x32xf32, #tpu.memory_space<vmem>> -> memref<128x32xf32, #tpu.memory_space<vmem>>
    %dma_start3A_309 = arith.constant 0 : i32
    %dma_start3A_310 = arith.constant 0 : i32
    %dma_start3A_311 = tpu.memref_slice %arg6[%dma_start3A_295, %dma_start3A_309, %dma_start3A_310] : memref<4x4x128xi32, #tpu.memory_space<vmem>> -> memref<1x4x128xi32, #tpu.memory_space<vmem>>
    %dma_start3A_312 = tpu.memref_squeeze %dma_start3A_311 : memref<1x4x128xi32, #tpu.memory_space<vmem>> -> memref<4x128xi32, #tpu.memory_space<vmem>>
    %dma_start3A_313 = arith.constant 0 : i32
    %dma_start3A_314 = tpu.memref_slice %dma_start3A_312[%dma_start3A_296, %dma_start3A_313] : memref<4x128xi32, #tpu.memory_space<vmem>> -> memref<1x128xi32, #tpu.memory_space<vmem>>
    %dma_start3A_315 = tpu.memref_squeeze %dma_start3A_314 : memref<1x128xi32, #tpu.memory_space<vmem>> -> memref<128xi32, #tpu.memory_space<vmem>>
    %dma_start3A_316 = arith.constant 0 : i32
    %dma_start3A_317 = arith.constant 0 : i32
    %dma_start3A_318 = tpu.memref_slice %arg5[%dma_start3A_316, %dma_start3A_317] : memref<133x32xf32, #tpu.memory_space<vmem_shared>> -> memref<133x32xf32, #tpu.memory_space<vmem_shared>>
    %dma_start3A_319 = tpu.memref_slice %arg9[%dma_start3A_299] : memref<4x!tpu.dma_semaphore, #tpu.memory_space<semaphore_mem>> -> memref<1x!tpu.dma_semaphore, #tpu.memory_space<semaphore_mem>>
    %dma_start3A_320 = tpu.memref_squeeze %dma_start3A_319 : memref<1x!tpu.dma_semaphore, #tpu.memory_space<semaphore_mem>> -> memref<!tpu.dma_semaphore, #tpu.memory_space<semaphore_mem>>
    tpu.enqueue_indirect_dma source(%dma_start3A_318 : memref<133x32xf32, #tpu.memory_space<vmem_shared>>) target(%dma_start3A_308 : memref<128x32xf32, #tpu.memory_space<vmem>>) offsets(%dma_start3A_315 : memref<128xi32, #tpu.memory_space<vmem>>) semaphore(%dma_start3A_320 : memref<!tpu.dma_semaphore, #tpu.memory_space<semaphore_mem>>)
    %dma_wait3A_321 = arith.constant 2 : i32
    %dma_wait3A_322 = arith.constant 2 : i32
    %dma_wait3A_323 = arith.constant 0 : i32
    %dma_wait3A_324 = arith.constant 0 : i32
    %dma_wait3A_325 = tpu.memref_slice %arg6[%dma_wait3A_321, %dma_wait3A_323, %dma_wait3A_324] : memref<4x4x128xi32, #tpu.memory_space<vmem>> -> memref<1x4x128xi32, #tpu.memory_space<vmem>>
    %dma_wait3A_326 = tpu.memref_squeeze %dma_wait3A_325 : memref<1x4x128xi32, #tpu.memory_space<vmem>> -> memref<4x128xi32, #tpu.memory_space<vmem>>
    %dma_wait3A_327 = arith.constant 0 : i32
    %dma_wait3A_328 = arith.constant 0 : i32
    %dma_wait3A_329 = tpu.memref_slice %arg2[%dma_wait3A_327, %dma_wait3A_328] : memref<4x819200xi32, #tpu.memory_space<hbm>> -> memref<4x128xi32, #tpu.memory_space<hbm>>
    %dma_wait3A_330 = tpu.memref_slice %arg8[%dma_wait3A_322] : memref<4x!tpu.dma_semaphore, #tpu.memory_space<semaphore_mem>> -> memref<1x!tpu.dma_semaphore, #tpu.memory_space<semaphore_mem>>
    %dma_wait3A_331 = tpu.memref_squeeze %dma_wait3A_330 : memref<1x!tpu.dma_semaphore, #tpu.memory_space<semaphore_mem>> -> memref<!tpu.dma_semaphore, #tpu.memory_space<semaphore_mem>>
    %dma_wait3A_332 = arith.constant 0 : i32
    %dma_wait3A_333 = arith.constant 0 : i32
    %dma_wait3A_334 = tpu.memref_slice %arg6[%dma_wait3A_321, %dma_wait3A_332, %dma_wait3A_333] : memref<4x4x128xi32, #tpu.memory_space<vmem>> -> memref<1x4x128xi32, #tpu.memory_space<vmem>>
    %dma_wait3A_335 = tpu.memref_squeeze %dma_wait3A_334 : memref<1x4x128xi32, #tpu.memory_space<vmem>> -> memref<4x128xi32, #tpu.memory_space<vmem>>
    %dma_wait3A_336 = arith.constant 0 : i32
    %dma_wait3A_337 = arith.constant 0 : i32
    %dma_wait3A_338 = tpu.memref_slice %arg2[%dma_wait3A_336, %dma_wait3A_337] : memref<4x819200xi32, #tpu.memory_space<hbm>> -> memref<4x128xi32, #tpu.memory_space<hbm>>
    tpu.wait_dma2 semaphore(%dma_wait3A_331 : memref<!tpu.dma_semaphore, #tpu.memory_space<semaphore_mem>>) src(%dma_wait3A_338 : memref<4x128xi32, #tpu.memory_space<hbm>>) dst(%dma_wait3A_335 : memref<4x128xi32, #tpu.memory_space<vmem>>)
    %dma_start3A_339 = arith.constant 2 : i32
    %dma_start3A_340 = arith.constant 0 : i32
    %dma_start3A_341 = arith.constant 2 : i32
    %dma_start3A_342 = arith.constant 0 : i32
    %dma_start3A_343 = arith.constant 2 : i32
    %dma_start3A_344 = arith.constant 0 : i32
    %dma_start3A_345 = arith.constant 0 : i32
    %dma_start3A_346 = arith.constant 0 : i32
    %dma_start3A_347 = tpu.memref_slice %arg7[%dma_start3A_341, %dma_start3A_344, %dma_start3A_345, %dma_start3A_346] : memref<4x4x128x32xf32, #tpu.memory_space<vmem>> -> memref<1x4x128x32xf32, #tpu.memory_space<vmem>>
    %dma_start3A_348 = tpu.memref_squeeze %dma_start3A_347 : memref<1x4x128x32xf32, #tpu.memory_space<vmem>> -> memref<4x128x32xf32, #tpu.memory_space<vmem>>
    %dma_start3A_349 = arith.constant 0 : i32
    %dma_start3A_350 = arith.constant 0 : i32
    %dma_start3A_351 = tpu.memref_slice %dma_start3A_348[%dma_start3A_342, %dma_start3A_349, %dma_start3A_350] : memref<4x128x32xf32, #tpu.memory_space<vmem>> -> memref<1x128x32xf32, #tpu.memory_space<vmem>>
    %dma_start3A_352 = tpu.memref_squeeze %dma_start3A_351 : memref<1x128x32xf32, #tpu.memory_space<vmem>> -> memref<128x32xf32, #tpu.memory_space<vmem>>
    %dma_start3A_353 = arith.constant 0 : i32
    %dma_start3A_354 = arith.constant 0 : i32
    %dma_start3A_355 = tpu.memref_slice %arg6[%dma_start3A_339, %dma_start3A_353, %dma_start3A_354] : memref<4x4x128xi32, #tpu.memory_space<vmem>> -> memref<1x4x128xi32, #tpu.memory_space<vmem>>
    %dma_start3A_356 = tpu.memref_squeeze %dma_start3A_355 : memref<1x4x128xi32, #tpu.memory_space<vmem>> -> memref<4x128xi32, #tpu.memory_space<vmem>>
    %dma_start3A_357 = arith.constant 0 : i32
    %dma_start3A_358 = tpu.memref_slice %dma_start3A_356[%dma_start3A_340, %dma_start3A_357] : memref<4x128xi32, #tpu.memory_space<vmem>> -> memref<1x128xi32, #tpu.memory_space<vmem>>
    %dma_start3A_359 = tpu.memref_squeeze %dma_start3A_358 : memref<1x128xi32, #tpu.memory_space<vmem>> -> memref<128xi32, #tpu.memory_space<vmem>>
    %dma_start3A_360 = arith.constant 0 : i32
    %dma_start3A_361 = arith.constant 0 : i32
    %dma_start3A_362 = tpu.memref_slice %arg5[%dma_start3A_360, %dma_start3A_361] : memref<133x32xf32, #tpu.memory_space<vmem_shared>> -> memref<133x32xf32, #tpu.memory_space<vmem_shared>>
    %dma_start3A_363 = tpu.memref_slice %arg9[%dma_start3A_343] : memref<4x!tpu.dma_semaphore, #tpu.memory_space<semaphore_mem>> -> memref<1x!tpu.dma_semaphore, #tpu.memory_space<semaphore_mem>>
    %dma_start3A_364 = tpu.memref_squeeze %dma_start3A_363 : memref<1x!tpu.dma_semaphore, #tpu.memory_space<semaphore_mem>> -> memref<!tpu.dma_semaphore, #tpu.memory_space<semaphore_mem>>
    tpu.enqueue_indirect_dma source(%dma_start3A_362 : memref<133x32xf32, #tpu.memory_space<vmem_shared>>) target(%dma_start3A_352 : memref<128x32xf32, #tpu.memory_space<vmem>>) offsets(%dma_start3A_359 : memref<128xi32, #tpu.memory_space<vmem>>) semaphore(%dma_start3A_364 : memref<!tpu.dma_semaphore, #tpu.memory_space<semaphore_mem>>)
    %dma_start3A_365 = arith.constant 2 : i32
    %dma_start3A_366 = arith.constant 1 : i32
    %dma_start3A_367 = arith.constant 2 : i32
    %dma_start3A_368 = arith.constant 1 : i32
    %dma_start3A_369 = arith.constant 2 : i32
    %dma_start3A_370 = arith.constant 0 : i32
    %dma_start3A_371 = arith.constant 0 : i32
    %dma_start3A_372 = arith.constant 0 : i32
    %dma_start3A_373 = tpu.memref_slice %arg7[%dma_start3A_367, %dma_start3A_370, %dma_start3A_371, %dma_start3A_372] : memref<4x4x128x32xf32, #tpu.memory_space<vmem>> -> memref<1x4x128x32xf32, #tpu.memory_space<vmem>>
    %dma_start3A_374 = tpu.memref_squeeze %dma_start3A_373 : memref<1x4x128x32xf32, #tpu.memory_space<vmem>> -> memref<4x128x32xf32, #tpu.memory_space<vmem>>
    %dma_start3A_375 = arith.constant 0 : i32
    %dma_start3A_376 = arith.constant 0 : i32
    %dma_start3A_377 = tpu.memref_slice %dma_start3A_374[%dma_start3A_368, %dma_start3A_375, %dma_start3A_376] : memref<4x128x32xf32, #tpu.memory_space<vmem>> -> memref<1x128x32xf32, #tpu.memory_space<vmem>>
    %dma_start3A_378 = tpu.memref_squeeze %dma_start3A_377 : memref<1x128x32xf32, #tpu.memory_space<vmem>> -> memref<128x32xf32, #tpu.memory_space<vmem>>
    %dma_start3A_379 = arith.constant 0 : i32
    %dma_start3A_380 = arith.constant 0 : i32
    %dma_start3A_381 = tpu.memref_slice %arg6[%dma_start3A_365, %dma_start3A_379, %dma_start3A_380] : memref<4x4x128xi32, #tpu.memory_space<vmem>> -> memref<1x4x128xi32, #tpu.memory_space<vmem>>
    %dma_start3A_382 = tpu.memref_squeeze %dma_start3A_381 : memref<1x4x128xi32, #tpu.memory_space<vmem>> -> memref<4x128xi32, #tpu.memory_space<vmem>>
    %dma_start3A_383 = arith.constant 0 : i32
    %dma_start3A_384 = tpu.memref_slice %dma_start3A_382[%dma_start3A_366, %dma_start3A_383] : memref<4x128xi32, #tpu.memory_space<vmem>> -> memref<1x128xi32, #tpu.memory_space<vmem>>
    %dma_start3A_385 = tpu.memref_squeeze %dma_start3A_384 : memref<1x128xi32, #tpu.memory_space<vmem>> -> memref<128xi32, #tpu.memory_space<vmem>>
    %dma_start3A_386 = arith.constant 0 : i32
    %dma_start3A_387 = arith.constant 0 : i32
    %dma_start3A_388 = tpu.memref_slice %arg5[%dma_start3A_386, %dma_start3A_387] : memref<133x32xf32, #tpu.memory_space<vmem_shared>> -> memref<133x32xf32, #tpu.memory_space<vmem_shared>>
    %dma_start3A_389 = tpu.memref_slice %arg9[%dma_start3A_369] : memref<4x!tpu.dma_semaphore, #tpu.memory_space<semaphore_mem>> -> memref<1x!tpu.dma_semaphore, #tpu.memory_space<semaphore_mem>>
    %dma_start3A_390 = tpu.memref_squeeze %dma_start3A_389 : memref<1x!tpu.dma_semaphore, #tpu.memory_space<semaphore_mem>> -> memref<!tpu.dma_semaphore, #tpu.memory_space<semaphore_mem>>
    tpu.enqueue_indirect_dma source(%dma_start3A_388 : memref<133x32xf32, #tpu.memory_space<vmem_shared>>) target(%dma_start3A_378 : memref<128x32xf32, #tpu.memory_space<vmem>>) offsets(%dma_start3A_385 : memref<128xi32, #tpu.memory_space<vmem>>) semaphore(%dma_start3A_390 : memref<!tpu.dma_semaphore, #tpu.memory_space<semaphore_mem>>)
    %dma_start3A_391 = arith.constant 2 : i32
    %dma_start3A_392 = arith.constant 2 : i32
    %dma_start3A_393 = arith.constant 2 : i32
    %dma_start3A_394 = arith.constant 2 : i32
    %dma_start3A_395 = arith.constant 2 : i32
    %dma_start3A_396 = arith.constant 0 : i32
    %dma_start3A_397 = arith.constant 0 : i32
    %dma_start3A_398 = arith.constant 0 : i32
    %dma_start3A_399 = tpu.memref_slice %arg7[%dma_start3A_393, %dma_start3A_396, %dma_start3A_397, %dma_start3A_398] : memref<4x4x128x32xf32, #tpu.memory_space<vmem>> -> memref<1x4x128x32xf32, #tpu.memory_space<vmem>>
    %dma_start3A_400 = tpu.memref_squeeze %dma_start3A_399 : memref<1x4x128x32xf32, #tpu.memory_space<vmem>> -> memref<4x128x32xf32, #tpu.memory_space<vmem>>
    %dma_start3A_401 = arith.constant 0 : i32
    %dma_start3A_402 = arith.constant 0 : i32
    %dma_start3A_403 = tpu.memref_slice %dma_start3A_400[%dma_start3A_394, %dma_start3A_401, %dma_start3A_402] : memref<4x128x32xf32, #tpu.memory_space<vmem>> -> memref<1x128x32xf32, #tpu.memory_space<vmem>>
    %dma_start3A_404 = tpu.memref_squeeze %dma_start3A_403 : memref<1x128x32xf32, #tpu.memory_space<vmem>> -> memref<128x32xf32, #tpu.memory_space<vmem>>
    %dma_start3A_405 = arith.constant 0 : i32
    %dma_start3A_406 = arith.constant 0 : i32
    %dma_start3A_407 = tpu.memref_slice %arg6[%dma_start3A_391, %dma_start3A_405, %dma_start3A_406] : memref<4x4x128xi32, #tpu.memory_space<vmem>> -> memref<1x4x128xi32, #tpu.memory_space<vmem>>
    %dma_start3A_408 = tpu.memref_squeeze %dma_start3A_407 : memref<1x4x128xi32, #tpu.memory_space<vmem>> -> memref<4x128xi32, #tpu.memory_space<vmem>>
    %dma_start3A_409 = arith.constant 0 : i32
    %dma_start3A_410 = tpu.memref_slice %dma_start3A_408[%dma_start3A_392, %dma_start3A_409] : memref<4x128xi32, #tpu.memory_space<vmem>> -> memref<1x128xi32, #tpu.memory_space<vmem>>
    %dma_start3A_411 = tpu.memref_squeeze %dma_start3A_410 : memref<1x128xi32, #tpu.memory_space<vmem>> -> memref<128xi32, #tpu.memory_space<vmem>>
    %dma_start3A_412 = arith.constant 0 : i32
    %dma_start3A_413 = arith.constant 0 : i32
    %dma_start3A_414 = tpu.memref_slice %arg5[%dma_start3A_412, %dma_start3A_413] : memref<133x32xf32, #tpu.memory_space<vmem_shared>> -> memref<133x32xf32, #tpu.memory_space<vmem_shared>>
    %dma_start3A_415 = tpu.memref_slice %arg9[%dma_start3A_395] : memref<4x!tpu.dma_semaphore, #tpu.memory_space<semaphore_mem>> -> memref<1x!tpu.dma_semaphore, #tpu.memory_space<semaphore_mem>>
    %dma_start3A_416 = tpu.memref_squeeze %dma_start3A_415 : memref<1x!tpu.dma_semaphore, #tpu.memory_space<semaphore_mem>> -> memref<!tpu.dma_semaphore, #tpu.memory_space<semaphore_mem>>
    tpu.enqueue_indirect_dma source(%dma_start3A_414 : memref<133x32xf32, #tpu.memory_space<vmem_shared>>) target(%dma_start3A_404 : memref<128x32xf32, #tpu.memory_space<vmem>>) offsets(%dma_start3A_411 : memref<128xi32, #tpu.memory_space<vmem>>) semaphore(%dma_start3A_416 : memref<!tpu.dma_semaphore, #tpu.memory_space<semaphore_mem>>)
    %dma_start3A_417 = arith.constant 2 : i32
    %dma_start3A_418 = arith.constant 3 : i32
    %dma_start3A_419 = arith.constant 2 : i32
    %dma_start3A_420 = arith.constant 3 : i32
    %dma_start3A_421 = arith.constant 2 : i32
    %dma_start3A_422 = arith.constant 0 : i32
    %dma_start3A_423 = arith.constant 0 : i32
    %dma_start3A_424 = arith.constant 0 : i32
    %dma_start3A_425 = tpu.memref_slice %arg7[%dma_start3A_419, %dma_start3A_422, %dma_start3A_423, %dma_start3A_424] : memref<4x4x128x32xf32, #tpu.memory_space<vmem>> -> memref<1x4x128x32xf32, #tpu.memory_space<vmem>>
    %dma_start3A_426 = tpu.memref_squeeze %dma_start3A_425 : memref<1x4x128x32xf32, #tpu.memory_space<vmem>> -> memref<4x128x32xf32, #tpu.memory_space<vmem>>
    %dma_start3A_427 = arith.constant 0 : i32
    %dma_start3A_428 = arith.constant 0 : i32
    %dma_start3A_429 = tpu.memref_slice %dma_start3A_426[%dma_start3A_420, %dma_start3A_427, %dma_start3A_428] : memref<4x128x32xf32, #tpu.memory_space<vmem>> -> memref<1x128x32xf32, #tpu.memory_space<vmem>>
    %dma_start3A_430 = tpu.memref_squeeze %dma_start3A_429 : memref<1x128x32xf32, #tpu.memory_space<vmem>> -> memref<128x32xf32, #tpu.memory_space<vmem>>
    %dma_start3A_431 = arith.constant 0 : i32
    %dma_start3A_432 = arith.constant 0 : i32
    %dma_start3A_433 = tpu.memref_slice %arg6[%dma_start3A_417, %dma_start3A_431, %dma_start3A_432] : memref<4x4x128xi32, #tpu.memory_space<vmem>> -> memref<1x4x128xi32, #tpu.memory_space<vmem>>
    %dma_start3A_434 = tpu.memref_squeeze %dma_start3A_433 : memref<1x4x128xi32, #tpu.memory_space<vmem>> -> memref<4x128xi32, #tpu.memory_space<vmem>>
    %dma_start3A_435 = arith.constant 0 : i32
    %dma_start3A_436 = tpu.memref_slice %dma_start3A_434[%dma_start3A_418, %dma_start3A_435] : memref<4x128xi32, #tpu.memory_space<vmem>> -> memref<1x128xi32, #tpu.memory_space<vmem>>
    %dma_start3A_437 = tpu.memref_squeeze %dma_start3A_436 : memref<1x128xi32, #tpu.memory_space<vmem>> -> memref<128xi32, #tpu.memory_space<vmem>>
    %dma_start3A_438 = arith.constant 0 : i32
    %dma_start3A_439 = arith.constant 0 : i32
    %dma_start3A_440 = tpu.memref_slice %arg5[%dma_start3A_438, %dma_start3A_439] : memref<133x32xf32, #tpu.memory_space<vmem_shared>> -> memref<133x32xf32, #tpu.memory_space<vmem_shared>>
    %dma_start3A_441 = tpu.memref_slice %arg9[%dma_start3A_421] : memref<4x!tpu.dma_semaphore, #tpu.memory_space<semaphore_mem>> -> memref<1x!tpu.dma_semaphore, #tpu.memory_space<semaphore_mem>>
    %dma_start3A_442 = tpu.memref_squeeze %dma_start3A_441 : memref<1x!tpu.dma_semaphore, #tpu.memory_space<semaphore_mem>> -> memref<!tpu.dma_semaphore, #tpu.memory_space<semaphore_mem>>
    tpu.enqueue_indirect_dma source(%dma_start3A_440 : memref<133x32xf32, #tpu.memory_space<vmem_shared>>) target(%dma_start3A_430 : memref<128x32xf32, #tpu.memory_space<vmem>>) offsets(%dma_start3A_437 : memref<128xi32, #tpu.memory_space<vmem>>) semaphore(%dma_start3A_442 : memref<!tpu.dma_semaphore, #tpu.memory_space<semaphore_mem>>)
    %dma_wait3A_443 = arith.constant 3 : i32
    %dma_wait3A_444 = arith.constant 3 : i32
    %dma_wait3A_445 = arith.constant 0 : i32
    %dma_wait3A_446 = arith.constant 0 : i32
    %dma_wait3A_447 = tpu.memref_slice %arg6[%dma_wait3A_443, %dma_wait3A_445, %dma_wait3A_446] : memref<4x4x128xi32, #tpu.memory_space<vmem>> -> memref<1x4x128xi32, #tpu.memory_space<vmem>>
    %dma_wait3A_448 = tpu.memref_squeeze %dma_wait3A_447 : memref<1x4x128xi32, #tpu.memory_space<vmem>> -> memref<4x128xi32, #tpu.memory_space<vmem>>
    %dma_wait3A_449 = arith.constant 0 : i32
    %dma_wait3A_450 = arith.constant 0 : i32
    %dma_wait3A_451 = tpu.memref_slice %arg2[%dma_wait3A_449, %dma_wait3A_450] : memref<4x819200xi32, #tpu.memory_space<hbm>> -> memref<4x128xi32, #tpu.memory_space<hbm>>
    %dma_wait3A_452 = tpu.memref_slice %arg8[%dma_wait3A_444] : memref<4x!tpu.dma_semaphore, #tpu.memory_space<semaphore_mem>> -> memref<1x!tpu.dma_semaphore, #tpu.memory_space<semaphore_mem>>
    %dma_wait3A_453 = tpu.memref_squeeze %dma_wait3A_452 : memref<1x!tpu.dma_semaphore, #tpu.memory_space<semaphore_mem>> -> memref<!tpu.dma_semaphore, #tpu.memory_space<semaphore_mem>>
    %dma_wait3A_454 = arith.constant 0 : i32
    %dma_wait3A_455 = arith.constant 0 : i32
    %dma_wait3A_456 = tpu.memref_slice %arg6[%dma_wait3A_443, %dma_wait3A_454, %dma_wait3A_455] : memref<4x4x128xi32, #tpu.memory_space<vmem>> -> memref<1x4x128xi32, #tpu.memory_space<vmem>>
    %dma_wait3A_457 = tpu.memref_squeeze %dma_wait3A_456 : memref<1x4x128xi32, #tpu.memory_space<vmem>> -> memref<4x128xi32, #tpu.memory_space<vmem>>
    %dma_wait3A_458 = arith.constant 0 : i32
    %dma_wait3A_459 = arith.constant 0 : i32
    %dma_wait3A_460 = tpu.memref_slice %arg2[%dma_wait3A_458, %dma_wait3A_459] : memref<4x819200xi32, #tpu.memory_space<hbm>> -> memref<4x128xi32, #tpu.memory_space<hbm>>
    tpu.wait_dma2 semaphore(%dma_wait3A_453 : memref<!tpu.dma_semaphore, #tpu.memory_space<semaphore_mem>>) src(%dma_wait3A_460 : memref<4x128xi32, #tpu.memory_space<hbm>>) dst(%dma_wait3A_457 : memref<4x128xi32, #tpu.memory_space<vmem>>)
    %dma_start3A_461 = arith.constant 3 : i32
    %dma_start3A_462 = arith.constant 0 : i32
    %dma_start3A_463 = arith.constant 3 : i32
    %dma_start3A_464 = arith.constant 0 : i32
    %dma_start3A_465 = arith.constant 3 : i32
    %dma_start3A_466 = arith.constant 0 : i32
    %dma_start3A_467 = arith.constant 0 : i32
    %dma_start3A_468 = arith.constant 0 : i32
    %dma_start3A_469 = tpu.memref_slice %arg7[%dma_start3A_463, %dma_start3A_466, %dma_start3A_467, %dma_start3A_468] : memref<4x4x128x32xf32, #tpu.memory_space<vmem>> -> memref<1x4x128x32xf32, #tpu.memory_space<vmem>>
    %dma_start3A_470 = tpu.memref_squeeze %dma_start3A_469 : memref<1x4x128x32xf32, #tpu.memory_space<vmem>> -> memref<4x128x32xf32, #tpu.memory_space<vmem>>
    %dma_start3A_471 = arith.constant 0 : i32
    %dma_start3A_472 = arith.constant 0 : i32
    %dma_start3A_473 = tpu.memref_slice %dma_start3A_470[%dma_start3A_464, %dma_start3A_471, %dma_start3A_472] : memref<4x128x32xf32, #tpu.memory_space<vmem>> -> memref<1x128x32xf32, #tpu.memory_space<vmem>>
    %dma_start3A_474 = tpu.memref_squeeze %dma_start3A_473 : memref<1x128x32xf32, #tpu.memory_space<vmem>> -> memref<128x32xf32, #tpu.memory_space<vmem>>
    %dma_start3A_475 = arith.constant 0 : i32
    %dma_start3A_476 = arith.constant 0 : i32
    %dma_start3A_477 = tpu.memref_slice %arg6[%dma_start3A_461, %dma_start3A_475, %dma_start3A_476] : memref<4x4x128xi32, #tpu.memory_space<vmem>> -> memref<1x4x128xi32, #tpu.memory_space<vmem>>
    %dma_start3A_478 = tpu.memref_squeeze %dma_start3A_477 : memref<1x4x128xi32, #tpu.memory_space<vmem>> -> memref<4x128xi32, #tpu.memory_space<vmem>>
    %dma_start3A_479 = arith.constant 0 : i32
    %dma_start3A_480 = tpu.memref_slice %dma_start3A_478[%dma_start3A_462, %dma_start3A_479] : memref<4x128xi32, #tpu.memory_space<vmem>> -> memref<1x128xi32, #tpu.memory_space<vmem>>
    %dma_start3A_481 = tpu.memref_squeeze %dma_start3A_480 : memref<1x128xi32, #tpu.memory_space<vmem>> -> memref<128xi32, #tpu.memory_space<vmem>>
    %dma_start3A_482 = arith.constant 0 : i32
    %dma_start3A_483 = arith.constant 0 : i32
    %dma_start3A_484 = tpu.memref_slice %arg5[%dma_start3A_482, %dma_start3A_483] : memref<133x32xf32, #tpu.memory_space<vmem_shared>> -> memref<133x32xf32, #tpu.memory_space<vmem_shared>>
    %dma_start3A_485 = tpu.memref_slice %arg9[%dma_start3A_465] : memref<4x!tpu.dma_semaphore, #tpu.memory_space<semaphore_mem>> -> memref<1x!tpu.dma_semaphore, #tpu.memory_space<semaphore_mem>>
    %dma_start3A_486 = tpu.memref_squeeze %dma_start3A_485 : memref<1x!tpu.dma_semaphore, #tpu.memory_space<semaphore_mem>> -> memref<!tpu.dma_semaphore, #tpu.memory_space<semaphore_mem>>
    tpu.enqueue_indirect_dma source(%dma_start3A_484 : memref<133x32xf32, #tpu.memory_space<vmem_shared>>) target(%dma_start3A_474 : memref<128x32xf32, #tpu.memory_space<vmem>>) offsets(%dma_start3A_481 : memref<128xi32, #tpu.memory_space<vmem>>) semaphore(%dma_start3A_486 : memref<!tpu.dma_semaphore, #tpu.memory_space<semaphore_mem>>)
    %dma_start3A_487 = arith.constant 3 : i32
    %dma_start3A_488 = arith.constant 1 : i32
    %dma_start3A_489 = arith.constant 3 : i32
    %dma_start3A_490 = arith.constant 1 : i32
    %dma_start3A_491 = arith.constant 3 : i32
    %dma_start3A_492 = arith.constant 0 : i32
    %dma_start3A_493 = arith.constant 0 : i32
    %dma_start3A_494 = arith.constant 0 : i32
    %dma_start3A_495 = tpu.memref_slice %arg7[%dma_start3A_489, %dma_start3A_492, %dma_start3A_493, %dma_start3A_494] : memref<4x4x128x32xf32, #tpu.memory_space<vmem>> -> memref<1x4x128x32xf32, #tpu.memory_space<vmem>>
    %dma_start3A_496 = tpu.memref_squeeze %dma_start3A_495 : memref<1x4x128x32xf32, #tpu.memory_space<vmem>> -> memref<4x128x32xf32, #tpu.memory_space<vmem>>
    %dma_start3A_497 = arith.constant 0 : i32
    %dma_start3A_498 = arith.constant 0 : i32
    %dma_start3A_499 = tpu.memref_slice %dma_start3A_496[%dma_start3A_490, %dma_start3A_497, %dma_start3A_498] : memref<4x128x32xf32, #tpu.memory_space<vmem>> -> memref<1x128x32xf32, #tpu.memory_space<vmem>>
    %dma_start3A_500 = tpu.memref_squeeze %dma_start3A_499 : memref<1x128x32xf32, #tpu.memory_space<vmem>> -> memref<128x32xf32, #tpu.memory_space<vmem>>
    %dma_start3A_501 = arith.constant 0 : i32
    %dma_start3A_502 = arith.constant 0 : i32
    %dma_start3A_503 = tpu.memref_slice %arg6[%dma_start3A_487, %dma_start3A_501, %dma_start3A_502] : memref<4x4x128xi32, #tpu.memory_space<vmem>> -> memref<1x4x128xi32, #tpu.memory_space<vmem>>
    %dma_start3A_504 = tpu.memref_squeeze %dma_start3A_503 : memref<1x4x128xi32, #tpu.memory_space<vmem>> -> memref<4x128xi32, #tpu.memory_space<vmem>>
    %dma_start3A_505 = arith.constant 0 : i32
    %dma_start3A_506 = tpu.memref_slice %dma_start3A_504[%dma_start3A_488, %dma_start3A_505] : memref<4x128xi32, #tpu.memory_space<vmem>> -> memref<1x128xi32, #tpu.memory_space<vmem>>
    %dma_start3A_507 = tpu.memref_squeeze %dma_start3A_506 : memref<1x128xi32, #tpu.memory_space<vmem>> -> memref<128xi32, #tpu.memory_space<vmem>>
    %dma_start3A_508 = arith.constant 0 : i32
    %dma_start3A_509 = arith.constant 0 : i32
    %dma_start3A_510 = tpu.memref_slice %arg5[%dma_start3A_508, %dma_start3A_509] : memref<133x32xf32, #tpu.memory_space<vmem_shared>> -> memref<133x32xf32, #tpu.memory_space<vmem_shared>>
    %dma_start3A_511 = tpu.memref_slice %arg9[%dma_start3A_491] : memref<4x!tpu.dma_semaphore, #tpu.memory_space<semaphore_mem>> -> memref<1x!tpu.dma_semaphore, #tpu.memory_space<semaphore_mem>>
    %dma_start3A_512 = tpu.memref_squeeze %dma_start3A_511 : memref<1x!tpu.dma_semaphore, #tpu.memory_space<semaphore_mem>> -> memref<!tpu.dma_semaphore, #tpu.memory_space<semaphore_mem>>
    tpu.enqueue_indirect_dma source(%dma_start3A_510 : memref<133x32xf32, #tpu.memory_space<vmem_shared>>) target(%dma_start3A_500 : memref<128x32xf32, #tpu.memory_space<vmem>>) offsets(%dma_start3A_507 : memref<128xi32, #tpu.memory_space<vmem>>) semaphore(%dma_start3A_512 : memref<!tpu.dma_semaphore, #tpu.memory_space<semaphore_mem>>)
    %dma_start3A_513 = arith.constant 3 : i32
    %dma_start3A_514 = arith.constant 2 : i32
    %dma_start3A_515 = arith.constant 3 : i32
    %dma_start3A_516 = arith.constant 2 : i32
    %dma_start3A_517 = arith.constant 3 : i32
    %dma_start3A_518 = arith.constant 0 : i32
    %dma_start3A_519 = arith.constant 0 : i32
    %dma_start3A_520 = arith.constant 0 : i32
    %dma_start3A_521 = tpu.memref_slice %arg7[%dma_start3A_515, %dma_start3A_518, %dma_start3A_519, %dma_start3A_520] : memref<4x4x128x32xf32, #tpu.memory_space<vmem>> -> memref<1x4x128x32xf32, #tpu.memory_space<vmem>>
    %dma_start3A_522 = tpu.memref_squeeze %dma_start3A_521 : memref<1x4x128x32xf32, #tpu.memory_space<vmem>> -> memref<4x128x32xf32, #tpu.memory_space<vmem>>
    %dma_start3A_523 = arith.constant 0 : i32
    %dma_start3A_524 = arith.constant 0 : i32
    %dma_start3A_525 = tpu.memref_slice %dma_start3A_522[%dma_start3A_516, %dma_start3A_523, %dma_start3A_524] : memref<4x128x32xf32, #tpu.memory_space<vmem>> -> memref<1x128x32xf32, #tpu.memory_space<vmem>>
    %dma_start3A_526 = tpu.memref_squeeze %dma_start3A_525 : memref<1x128x32xf32, #tpu.memory_space<vmem>> -> memref<128x32xf32, #tpu.memory_space<vmem>>
    %dma_start3A_527 = arith.constant 0 : i32
    %dma_start3A_528 = arith.constant 0 : i32
    %dma_start3A_529 = tpu.memref_slice %arg6[%dma_start3A_513, %dma_start3A_527, %dma_start3A_528] : memref<4x4x128xi32, #tpu.memory_space<vmem>> -> memref<1x4x128xi32, #tpu.memory_space<vmem>>
    %dma_start3A_530 = tpu.memref_squeeze %dma_start3A_529 : memref<1x4x128xi32, #tpu.memory_space<vmem>> -> memref<4x128xi32, #tpu.memory_space<vmem>>
    %dma_start3A_531 = arith.constant 0 : i32
    %dma_start3A_532 = tpu.memref_slice %dma_start3A_530[%dma_start3A_514, %dma_start3A_531] : memref<4x128xi32, #tpu.memory_space<vmem>> -> memref<1x128xi32, #tpu.memory_space<vmem>>
    %dma_start3A_533 = tpu.memref_squeeze %dma_start3A_532 : memref<1x128xi32, #tpu.memory_space<vmem>> -> memref<128xi32, #tpu.memory_space<vmem>>
    %dma_start3A_534 = arith.constant 0 : i32
    %dma_start3A_535 = arith.constant 0 : i32
    %dma_start3A_536 = tpu.memref_slice %arg5[%dma_start3A_534, %dma_start3A_535] : memref<133x32xf32, #tpu.memory_space<vmem_shared>> -> memref<133x32xf32, #tpu.memory_space<vmem_shared>>
    %dma_start3A_537 = tpu.memref_slice %arg9[%dma_start3A_517] : memref<4x!tpu.dma_semaphore, #tpu.memory_space<semaphore_mem>> -> memref<1x!tpu.dma_semaphore, #tpu.memory_space<semaphore_mem>>
    %dma_start3A_538 = tpu.memref_squeeze %dma_start3A_537 : memref<1x!tpu.dma_semaphore, #tpu.memory_space<semaphore_mem>> -> memref<!tpu.dma_semaphore, #tpu.memory_space<semaphore_mem>>
    tpu.enqueue_indirect_dma source(%dma_start3A_536 : memref<133x32xf32, #tpu.memory_space<vmem_shared>>) target(%dma_start3A_526 : memref<128x32xf32, #tpu.memory_space<vmem>>) offsets(%dma_start3A_533 : memref<128xi32, #tpu.memory_space<vmem>>) semaphore(%dma_start3A_538 : memref<!tpu.dma_semaphore, #tpu.memory_space<semaphore_mem>>)
    %dma_start3A_539 = arith.constant 3 : i32
    %dma_start3A_540 = arith.constant 3 : i32
    %dma_start3A_541 = arith.constant 3 : i32
    %dma_start3A_542 = arith.constant 3 : i32
    %dma_start3A_543 = arith.constant 3 : i32
    %dma_start3A_544 = arith.constant 0 : i32
    %dma_start3A_545 = arith.constant 0 : i32
    %dma_start3A_546 = arith.constant 0 : i32
    %dma_start3A_547 = tpu.memref_slice %arg7[%dma_start3A_541, %dma_start3A_544, %dma_start3A_545, %dma_start3A_546] : memref<4x4x128x32xf32, #tpu.memory_space<vmem>> -> memref<1x4x128x32xf32, #tpu.memory_space<vmem>>
    %dma_start3A_548 = tpu.memref_squeeze %dma_start3A_547 : memref<1x4x128x32xf32, #tpu.memory_space<vmem>> -> memref<4x128x32xf32, #tpu.memory_space<vmem>>
    %dma_start3A_549 = arith.constant 0 : i32
    %dma_start3A_550 = arith.constant 0 : i32
    %dma_start3A_551 = tpu.memref_slice %dma_start3A_548[%dma_start3A_542, %dma_start3A_549, %dma_start3A_550] : memref<4x128x32xf32, #tpu.memory_space<vmem>> -> memref<1x128x32xf32, #tpu.memory_space<vmem>>
    %dma_start3A_552 = tpu.memref_squeeze %dma_start3A_551 : memref<1x128x32xf32, #tpu.memory_space<vmem>> -> memref<128x32xf32, #tpu.memory_space<vmem>>
    %dma_start3A_553 = arith.constant 0 : i32
    %dma_start3A_554 = arith.constant 0 : i32
    %dma_start3A_555 = tpu.memref_slice %arg6[%dma_start3A_539, %dma_start3A_553, %dma_start3A_554] : memref<4x4x128xi32, #tpu.memory_space<vmem>> -> memref<1x4x128xi32, #tpu.memory_space<vmem>>
    %dma_start3A_556 = tpu.memref_squeeze %dma_start3A_555 : memref<1x4x128xi32, #tpu.memory_space<vmem>> -> memref<4x128xi32, #tpu.memory_space<vmem>>
    %dma_start3A_557 = arith.constant 0 : i32
    %dma_start3A_558 = tpu.memref_slice %dma_start3A_556[%dma_start3A_540, %dma_start3A_557] : memref<4x128xi32, #tpu.memory_space<vmem>> -> memref<1x128xi32, #tpu.memory_space<vmem>>
    %dma_start3A_559 = tpu.memref_squeeze %dma_start3A_558 : memref<1x128xi32, #tpu.memory_space<vmem>> -> memref<128xi32, #tpu.memory_space<vmem>>
    %dma_start3A_560 = arith.constant 0 : i32
    %dma_start3A_561 = arith.constant 0 : i32
    %dma_start3A_562 = tpu.memref_slice %arg5[%dma_start3A_560, %dma_start3A_561] : memref<133x32xf32, #tpu.memory_space<vmem_shared>> -> memref<133x32xf32, #tpu.memory_space<vmem_shared>>
    %dma_start3A_563 = tpu.memref_slice %arg9[%dma_start3A_543] : memref<4x!tpu.dma_semaphore, #tpu.memory_space<semaphore_mem>> -> memref<1x!tpu.dma_semaphore, #tpu.memory_space<semaphore_mem>>
    %dma_start3A_564 = tpu.memref_squeeze %dma_start3A_563 : memref<1x!tpu.dma_semaphore, #tpu.memory_space<semaphore_mem>> -> memref<!tpu.dma_semaphore, #tpu.memory_space<semaphore_mem>>
    tpu.enqueue_indirect_dma source(%dma_start3A_562 : memref<133x32xf32, #tpu.memory_space<vmem_shared>>) target(%dma_start3A_552 : memref<128x32xf32, #tpu.memory_space<vmem>>) offsets(%dma_start3A_559 : memref<128xi32, #tpu.memory_space<vmem>>) semaphore(%dma_start3A_564 : memref<!tpu.dma_semaphore, #tpu.memory_space<semaphore_mem>>)
    %scan3A = arith.constant 0 : i32
    %scan3A_565 = arith.constant 0 : i32
    %scan3A_566 = arith.constant 49 : i32
    %scan3A_567 = arith.addi %scan3A_565, %scan3A_566 : i32
    %scan3A_568 = arith.constant 1 : i32
    scf.for %scan3A_1194 = %scan3A_565 to %scan3A_567 step %scan3A_568  : i32 {
      %mul3A_1195 = arith.constant 4 : i32
      %mul3A_1196 = arith.muli %scan3A_1194, %mul3A_1195 : i32
      %dma_wait3A_1197 = arith.constant 0 : i32
      %dma_wait3A_1198 = arith.constant 0 : i32
      %dma_wait3A_1199 = arith.constant 0 : i32
      %dma_wait3A_1200 = arith.constant 0 : i32
      %dma_wait3A_1201 = arith.constant 0 : i32
      %dma_wait3A_1202 = tpu.memref_slice %arg7[%dma_wait3A_1197, %dma_wait3A_1199, %dma_wait3A_1200, %dma_wait3A_1201] : memref<4x4x128x32xf32, #tpu.memory_space<vmem>> -> memref<1x4x128x32xf32, #tpu.memory_space<vmem>>
      %dma_wait3A_1203 = tpu.memref_squeeze %dma_wait3A_1202 : memref<1x4x128x32xf32, #tpu.memory_space<vmem>> -> memref<4x128x32xf32, #tpu.memory_space<vmem>>
      %dma_wait3A_1204 = arith.constant 0 : i32
      %dma_wait3A_1205 = arith.constant 0 : i32
      %dma_wait3A_1206 = tpu.memref_slice %arg4[%dma_wait3A_1204, %dma_wait3A_1205] : memref<819200x128xf32, #tpu.memory_space<hbm>> -> memref<512x32xf32, #tpu.memory_space<hbm>>
      %dma_wait3A_1207 = tpu.memref_slice %arg9[%dma_wait3A_1198] : memref<4x!tpu.dma_semaphore, #tpu.memory_space<semaphore_mem>> -> memref<1x!tpu.dma_semaphore, #tpu.memory_space<semaphore_mem>>
      %dma_wait3A_1208 = tpu.memref_squeeze %dma_wait3A_1207 : memref<1x!tpu.dma_semaphore, #tpu.memory_space<semaphore_mem>> -> memref<!tpu.dma_semaphore, #tpu.memory_space<semaphore_mem>>
      %dma_wait3A_1209 = arith.constant 0 : i32
      %dma_wait3A_1210 = arith.constant 0 : i32
      %dma_wait3A_1211 = arith.constant 0 : i32
      %dma_wait3A_1212 = tpu.memref_slice %arg7[%dma_wait3A_1197, %dma_wait3A_1209, %dma_wait3A_1210, %dma_wait3A_1211] : memref<4x4x128x32xf32, #tpu.memory_space<vmem>> -> memref<1x4x128x32xf32, #tpu.memory_space<vmem>>
      %dma_wait3A_1213 = tpu.memref_squeeze %dma_wait3A_1212 : memref<1x4x128x32xf32, #tpu.memory_space<vmem>> -> memref<4x128x32xf32, #tpu.memory_space<vmem>>
      %dma_wait3A_1214 = arith.constant 0 : i32
      %dma_wait3A_1215 = arith.constant 0 : i32
      %dma_wait3A_1216 = tpu.memref_slice %arg4[%dma_wait3A_1214, %dma_wait3A_1215] : memref<819200x128xf32, #tpu.memory_space<hbm>> -> memref<512x32xf32, #tpu.memory_space<hbm>>
      tpu.wait_dma2 semaphore(%dma_wait3A_1208 : memref<!tpu.dma_semaphore, #tpu.memory_space<semaphore_mem>>) src(%dma_wait3A_1216 : memref<512x32xf32, #tpu.memory_space<hbm>>) dst(%dma_wait3A_1213 : memref<4x128x32xf32, #tpu.memory_space<vmem>>)
      %add3A_1217 = arith.constant 0 : i32
      %add3A_1218 = arith.addi %mul3A_1196, %add3A_1217 : i32
      %mul3A_1219 = arith.constant 128 : i32
      %mul3A_1220 = arith.muli %add3A_1218, %mul3A_1219 : i32
      %add3A_1221 = arith.addi %mul3A_4, %mul3A_1220 : i32
      %dma_start3A_1222 = arith.constant 0 : i32
      %dma_start3A_1223 = arith.constant 0 : i32
      %dma_start3A_1224 = arith.constant 0 : i32
      %dma_start3A_1225 = arith.constant 0 : i32
      %dma_start3A_1226 = arith.constant 0 : i32
      %dma_start3A_1227 = arith.constant 0 : i32
      %dma_start3A_1228 = tpu.memref_slice %arg7[%dma_start3A_1222, %dma_start3A_1225, %dma_start3A_1226, %dma_start3A_1227] : memref<4x4x128x32xf32, #tpu.memory_space<vmem>> -> memref<1x4x128x32xf32, #tpu.memory_space<vmem>>
      %dma_start3A_1229 = tpu.memref_squeeze %dma_start3A_1228 : memref<1x4x128x32xf32, #tpu.memory_space<vmem>> -> memref<4x128x32xf32, #tpu.memory_space<vmem>>
      %dma_start3A_1230 = arith.constant 0 : i32
      %dma_start3A_1231 = arith.constant 0 : i32
      %dma_start3A_1232 = tpu.memref_slice %dma_start3A_1229[%dma_start3A_1223, %dma_start3A_1230, %dma_start3A_1231] : memref<4x128x32xf32, #tpu.memory_space<vmem>> -> memref<1x128x32xf32, #tpu.memory_space<vmem>>
      %dma_start3A_1233 = tpu.memref_squeeze %dma_start3A_1232 : memref<1x128x32xf32, #tpu.memory_space<vmem>> -> memref<128x32xf32, #tpu.memory_space<vmem>>
      %dma_start3A_1234 = arith.constant 0 : i32
      %dma_start3A_1235 = tpu.memref_slice %arg4[%add3A_1221, %dma_start3A_1234] : memref<819200x128xf32, #tpu.memory_space<hbm>> -> memref<128x32xf32, #tpu.memory_space<hbm>>
      %dma_start3A_1236 = tpu.memref_slice %arg10[%dma_start3A_1224] : memref<4x!tpu.dma_semaphore, #tpu.memory_space<semaphore_mem>> -> memref<1x!tpu.dma_semaphore, #tpu.memory_space<semaphore_mem>>
      %dma_start3A_1237 = tpu.memref_squeeze %dma_start3A_1236 : memref<1x!tpu.dma_semaphore, #tpu.memory_space<semaphore_mem>> -> memref<!tpu.dma_semaphore, #tpu.memory_space<semaphore_mem>>
      %dma_start3A_1238 = arith.constant 0 : i32
      %dma_start3A_1239 = tpu.memref_slice %arg4[%add3A_1221, %dma_start3A_1238] : memref<819200x128xf32, #tpu.memory_space<hbm>> -> memref<128x32xf32, #tpu.memory_space<hbm>>
      %dma_start3A_1240 = arith.constant 0 : i32
      %dma_start3A_1241 = arith.constant 0 : i32
      %dma_start3A_1242 = arith.constant 0 : i32
      %dma_start3A_1243 = tpu.memref_slice %arg7[%dma_start3A_1222, %dma_start3A_1240, %dma_start3A_1241, %dma_start3A_1242] : memref<4x4x128x32xf32, #tpu.memory_space<vmem>> -> memref<1x4x128x32xf32, #tpu.memory_space<vmem>>
      %dma_start3A_1244 = tpu.memref_squeeze %dma_start3A_1243 : memref<1x4x128x32xf32, #tpu.memory_space<vmem>> -> memref<4x128x32xf32, #tpu.memory_space<vmem>>
      %dma_start3A_1245 = arith.constant 0 : i32
      %dma_start3A_1246 = arith.constant 0 : i32
      %dma_start3A_1247 = tpu.memref_slice %dma_start3A_1244[%dma_start3A_1223, %dma_start3A_1245, %dma_start3A_1246] : memref<4x128x32xf32, #tpu.memory_space<vmem>> -> memref<1x128x32xf32, #tpu.memory_space<vmem>>
      %dma_start3A_1248 = tpu.memref_squeeze %dma_start3A_1247 : memref<1x128x32xf32, #tpu.memory_space<vmem>> -> memref<128x32xf32, #tpu.memory_space<vmem>>
      tpu.enqueue_dma source(%dma_start3A_1248 : memref<128x32xf32, #tpu.memory_space<vmem>>) target(%dma_start3A_1239 : memref<128x32xf32, #tpu.memory_space<hbm>>) target_semaphore(%dma_start3A_1237 : memref<!tpu.dma_semaphore, #tpu.memory_space<semaphore_mem>>)
      %mul3A_1249 = arith.constant 128 : i32
      %mul3A_1250 = arith.muli %add3A_1218, %mul3A_1249 : i32
      %add3A_1251 = arith.addi %mul3A_4, %mul3A_1250 : i32
      %dma_start3A_1252 = arith.constant 0 : i32
      %dma_start3A_1253 = arith.constant 1 : i32
      %dma_start3A_1254 = arith.constant 0 : i32
      %dma_start3A_1255 = arith.constant 0 : i32
      %dma_start3A_1256 = arith.constant 0 : i32
      %dma_start3A_1257 = arith.constant 0 : i32
      %dma_start3A_1258 = tpu.memref_slice %arg7[%dma_start3A_1252, %dma_start3A_1255, %dma_start3A_1256, %dma_start3A_1257] : memref<4x4x128x32xf32, #tpu.memory_space<vmem>> -> memref<1x4x128x32xf32, #tpu.memory_space<vmem>>
      %dma_start3A_1259 = tpu.memref_squeeze %dma_start3A_1258 : memref<1x4x128x32xf32, #tpu.memory_space<vmem>> -> memref<4x128x32xf32, #tpu.memory_space<vmem>>
      %dma_start3A_1260 = arith.constant 0 : i32
      %dma_start3A_1261 = arith.constant 0 : i32
      %dma_start3A_1262 = tpu.memref_slice %dma_start3A_1259[%dma_start3A_1253, %dma_start3A_1260, %dma_start3A_1261] : memref<4x128x32xf32, #tpu.memory_space<vmem>> -> memref<1x128x32xf32, #tpu.memory_space<vmem>>
      %dma_start3A_1263 = tpu.memref_squeeze %dma_start3A_1262 : memref<1x128x32xf32, #tpu.memory_space<vmem>> -> memref<128x32xf32, #tpu.memory_space<vmem>>
      %dma_start3A_1264 = arith.constant 32 : i32
      %dma_start3A_1265 = tpu.memref_slice %arg4[%add3A_1251, %dma_start3A_1264] : memref<819200x128xf32, #tpu.memory_space<hbm>> -> memref<128x32xf32, #tpu.memory_space<hbm>>
      %dma_start3A_1266 = tpu.memref_slice %arg10[%dma_start3A_1254] : memref<4x!tpu.dma_semaphore, #tpu.memory_space<semaphore_mem>> -> memref<1x!tpu.dma_semaphore, #tpu.memory_space<semaphore_mem>>
      %dma_start3A_1267 = tpu.memref_squeeze %dma_start3A_1266 : memref<1x!tpu.dma_semaphore, #tpu.memory_space<semaphore_mem>> -> memref<!tpu.dma_semaphore, #tpu.memory_space<semaphore_mem>>
      %dma_start3A_1268 = arith.constant 32 : i32
      %dma_start3A_1269 = tpu.memref_slice %arg4[%add3A_1251, %dma_start3A_1268] : memref<819200x128xf32, #tpu.memory_space<hbm>> -> memref<128x32xf32, #tpu.memory_space<hbm>>
      %dma_start3A_1270 = arith.constant 0 : i32
      %dma_start3A_1271 = arith.constant 0 : i32
      %dma_start3A_1272 = arith.constant 0 : i32
      %dma_start3A_1273 = tpu.memref_slice %arg7[%dma_start3A_1252, %dma_start3A_1270, %dma_start3A_1271, %dma_start3A_1272] : memref<4x4x128x32xf32, #tpu.memory_space<vmem>> -> memref<1x4x128x32xf32, #tpu.memory_space<vmem>>
      %dma_start3A_1274 = tpu.memref_squeeze %dma_start3A_1273 : memref<1x4x128x32xf32, #tpu.memory_space<vmem>> -> memref<4x128x32xf32, #tpu.memory_space<vmem>>
      %dma_start3A_1275 = arith.constant 0 : i32
      %dma_start3A_1276 = arith.constant 0 : i32
      %dma_start3A_1277 = tpu.memref_slice %dma_start3A_1274[%dma_start3A_1253, %dma_start3A_1275, %dma_start3A_1276] : memref<4x128x32xf32, #tpu.memory_space<vmem>> -> memref<1x128x32xf32, #tpu.memory_space<vmem>>
      %dma_start3A_1278 = tpu.memref_squeeze %dma_start3A_1277 : memref<1x128x32xf32, #tpu.memory_space<vmem>> -> memref<128x32xf32, #tpu.memory_space<vmem>>
      tpu.enqueue_dma source(%dma_start3A_1278 : memref<128x32xf32, #tpu.memory_space<vmem>>) target(%dma_start3A_1269 : memref<128x32xf32, #tpu.memory_space<hbm>>) target_semaphore(%dma_start3A_1267 : memref<!tpu.dma_semaphore, #tpu.memory_space<semaphore_mem>>)
      %mul3A_1279 = arith.constant 128 : i32
      %mul3A_1280 = arith.muli %add3A_1218, %mul3A_1279 : i32
      %add3A_1281 = arith.addi %mul3A_4, %mul3A_1280 : i32
      %dma_start3A_1282 = arith.constant 0 : i32
      %dma_start3A_1283 = arith.constant 2 : i32
      %dma_start3A_1284 = arith.constant 0 : i32
      %dma_start3A_1285 = arith.constant 0 : i32
      %dma_start3A_1286 = arith.constant 0 : i32
      %dma_start3A_1287 = arith.constant 0 : i32
      %dma_start3A_1288 = tpu.memref_slice %arg7[%dma_start3A_1282, %dma_start3A_1285, %dma_start3A_1286, %dma_start3A_1287] : memref<4x4x128x32xf32, #tpu.memory_space<vmem>> -> memref<1x4x128x32xf32, #tpu.memory_space<vmem>>
      %dma_start3A_1289 = tpu.memref_squeeze %dma_start3A_1288 : memref<1x4x128x32xf32, #tpu.memory_space<vmem>> -> memref<4x128x32xf32, #tpu.memory_space<vmem>>
      %dma_start3A_1290 = arith.constant 0 : i32
      %dma_start3A_1291 = arith.constant 0 : i32
      %dma_start3A_1292 = tpu.memref_slice %dma_start3A_1289[%dma_start3A_1283, %dma_start3A_1290, %dma_start3A_1291] : memref<4x128x32xf32, #tpu.memory_space<vmem>> -> memref<1x128x32xf32, #tpu.memory_space<vmem>>
      %dma_start3A_1293 = tpu.memref_squeeze %dma_start3A_1292 : memref<1x128x32xf32, #tpu.memory_space<vmem>> -> memref<128x32xf32, #tpu.memory_space<vmem>>
      %dma_start3A_1294 = arith.constant 64 : i32
      %dma_start3A_1295 = tpu.memref_slice %arg4[%add3A_1281, %dma_start3A_1294] : memref<819200x128xf32, #tpu.memory_space<hbm>> -> memref<128x32xf32, #tpu.memory_space<hbm>>
      %dma_start3A_1296 = tpu.memref_slice %arg10[%dma_start3A_1284] : memref<4x!tpu.dma_semaphore, #tpu.memory_space<semaphore_mem>> -> memref<1x!tpu.dma_semaphore, #tpu.memory_space<semaphore_mem>>
      %dma_start3A_1297 = tpu.memref_squeeze %dma_start3A_1296 : memref<1x!tpu.dma_semaphore, #tpu.memory_space<semaphore_mem>> -> memref<!tpu.dma_semaphore, #tpu.memory_space<semaphore_mem>>
      %dma_start3A_1298 = arith.constant 64 : i32
      %dma_start3A_1299 = tpu.memref_slice %arg4[%add3A_1281, %dma_start3A_1298] : memref<819200x128xf32, #tpu.memory_space<hbm>> -> memref<128x32xf32, #tpu.memory_space<hbm>>
      %dma_start3A_1300 = arith.constant 0 : i32
      %dma_start3A_1301 = arith.constant 0 : i32
      %dma_start3A_1302 = arith.constant 0 : i32
      %dma_start3A_1303 = tpu.memref_slice %arg7[%dma_start3A_1282, %dma_start3A_1300, %dma_start3A_1301, %dma_start3A_1302] : memref<4x4x128x32xf32, #tpu.memory_space<vmem>> -> memref<1x4x128x32xf32, #tpu.memory_space<vmem>>
      %dma_start3A_1304 = tpu.memref_squeeze %dma_start3A_1303 : memref<1x4x128x32xf32, #tpu.memory_space<vmem>> -> memref<4x128x32xf32, #tpu.memory_space<vmem>>
      %dma_start3A_1305 = arith.constant 0 : i32
      %dma_start3A_1306 = arith.constant 0 : i32
      %dma_start3A_1307 = tpu.memref_slice %dma_start3A_1304[%dma_start3A_1283, %dma_start3A_1305, %dma_start3A_1306] : memref<4x128x32xf32, #tpu.memory_space<vmem>> -> memref<1x128x32xf32, #tpu.memory_space<vmem>>
      %dma_start3A_1308 = tpu.memref_squeeze %dma_start3A_1307 : memref<1x128x32xf32, #tpu.memory_space<vmem>> -> memref<128x32xf32, #tpu.memory_space<vmem>>
      tpu.enqueue_dma source(%dma_start3A_1308 : memref<128x32xf32, #tpu.memory_space<vmem>>) target(%dma_start3A_1299 : memref<128x32xf32, #tpu.memory_space<hbm>>) target_semaphore(%dma_start3A_1297 : memref<!tpu.dma_semaphore, #tpu.memory_space<semaphore_mem>>)
      %mul3A_1309 = arith.constant 128 : i32
      %mul3A_1310 = arith.muli %add3A_1218, %mul3A_1309 : i32
      %add3A_1311 = arith.addi %mul3A_4, %mul3A_1310 : i32
      %dma_start3A_1312 = arith.constant 0 : i32
      %dma_start3A_1313 = arith.constant 3 : i32
      %dma_start3A_1314 = arith.constant 0 : i32
      %dma_start3A_1315 = arith.constant 0 : i32
      %dma_start3A_1316 = arith.constant 0 : i32
      %dma_start3A_1317 = arith.constant 0 : i32
      %dma_start3A_1318 = tpu.memref_slice %arg7[%dma_start3A_1312, %dma_start3A_1315, %dma_start3A_1316, %dma_start3A_1317] : memref<4x4x128x32xf32, #tpu.memory_space<vmem>> -> memref<1x4x128x32xf32, #tpu.memory_space<vmem>>
      %dma_start3A_1319 = tpu.memref_squeeze %dma_start3A_1318 : memref<1x4x128x32xf32, #tpu.memory_space<vmem>> -> memref<4x128x32xf32, #tpu.memory_space<vmem>>
      %dma_start3A_1320 = arith.constant 0 : i32
      %dma_start3A_1321 = arith.constant 0 : i32
      %dma_start3A_1322 = tpu.memref_slice %dma_start3A_1319[%dma_start3A_1313, %dma_start3A_1320, %dma_start3A_1321] : memref<4x128x32xf32, #tpu.memory_space<vmem>> -> memref<1x128x32xf32, #tpu.memory_space<vmem>>
      %dma_start3A_1323 = tpu.memref_squeeze %dma_start3A_1322 : memref<1x128x32xf32, #tpu.memory_space<vmem>> -> memref<128x32xf32, #tpu.memory_space<vmem>>
      %dma_start3A_1324 = arith.constant 96 : i32
      %dma_start3A_1325 = tpu.memref_slice %arg4[%add3A_1311, %dma_start3A_1324] : memref<819200x128xf32, #tpu.memory_space<hbm>> -> memref<128x32xf32, #tpu.memory_space<hbm>>
      %dma_start3A_1326 = tpu.memref_slice %arg10[%dma_start3A_1314] : memref<4x!tpu.dma_semaphore, #tpu.memory_space<semaphore_mem>> -> memref<1x!tpu.dma_semaphore, #tpu.memory_space<semaphore_mem>>
      %dma_start3A_1327 = tpu.memref_squeeze %dma_start3A_1326 : memref<1x!tpu.dma_semaphore, #tpu.memory_space<semaphore_mem>> -> memref<!tpu.dma_semaphore, #tpu.memory_space<semaphore_mem>>
      %dma_start3A_1328 = arith.constant 96 : i32
      %dma_start3A_1329 = tpu.memref_slice %arg4[%add3A_1311, %dma_start3A_1328] : memref<819200x128xf32, #tpu.memory_space<hbm>> -> memref<128x32xf32, #tpu.memory_space<hbm>>
      %dma_start3A_1330 = arith.constant 0 : i32
      %dma_start3A_1331 = arith.constant 0 : i32
      %dma_start3A_1332 = arith.constant 0 : i32
      %dma_start3A_1333 = tpu.memref_slice %arg7[%dma_start3A_1312, %dma_start3A_1330, %dma_start3A_1331, %dma_start3A_1332] : memref<4x4x128x32xf32, #tpu.memory_space<vmem>> -> memref<1x4x128x32xf32, #tpu.memory_space<vmem>>
      %dma_start3A_1334 = tpu.memref_squeeze %dma_start3A_1333 : memref<1x4x128x32xf32, #tpu.memory_space<vmem>> -> memref<4x128x32xf32, #tpu.memory_space<vmem>>
      %dma_start3A_1335 = arith.constant 0 : i32
      %dma_start3A_1336 = arith.constant 0 : i32
      %dma_start3A_1337 = tpu.memref_slice %dma_start3A_1334[%dma_start3A_1313, %dma_start3A_1335, %dma_start3A_1336] : memref<4x128x32xf32, #tpu.memory_space<vmem>> -> memref<1x128x32xf32, #tpu.memory_space<vmem>>
      %dma_start3A_1338 = tpu.memref_squeeze %dma_start3A_1337 : memref<1x128x32xf32, #tpu.memory_space<vmem>> -> memref<128x32xf32, #tpu.memory_space<vmem>>
      tpu.enqueue_dma source(%dma_start3A_1338 : memref<128x32xf32, #tpu.memory_space<vmem>>) target(%dma_start3A_1329 : memref<128x32xf32, #tpu.memory_space<hbm>>) target_semaphore(%dma_start3A_1327 : memref<!tpu.dma_semaphore, #tpu.memory_space<semaphore_mem>>)
      %add3A_1339 = arith.constant 4 : i32
      %add3A_1340 = arith.addi %mul3A_1196, %add3A_1339 : i32
      %add3A_1341 = arith.constant 0 : i32
      %add3A_1342 = arith.addi %add3A_1340, %add3A_1341 : i32
      %mul3A_1343 = arith.constant 128 : i32
      %mul3A_1344 = arith.muli %add3A_1342, %mul3A_1343 : i32
      %add3A_1345 = arith.addi %mul3A_4, %mul3A_1344 : i32
      %dma_start3A_1346 = arith.constant 0 : i32
      %dma_start3A_1347 = arith.constant 0 : i32
      %dma_start3A_1348 = arith.constant 0 : i32
      %dma_start3A_1349 = arith.constant 0 : i32
      %dma_start3A_1350 = tpu.memref_slice %arg6[%dma_start3A_1346, %dma_start3A_1348, %dma_start3A_1349] : memref<4x4x128xi32, #tpu.memory_space<vmem>> -> memref<1x4x128xi32, #tpu.memory_space<vmem>>
      %dma_start3A_1351 = tpu.memref_squeeze %dma_start3A_1350 : memref<1x4x128xi32, #tpu.memory_space<vmem>> -> memref<4x128xi32, #tpu.memory_space<vmem>>
      %dma_start3A_1352 = arith.constant 0 : i32
      %dma_start3A_1353 = tpu.memref_slice %arg2[%dma_start3A_1352, %add3A_1345] : memref<4x819200xi32, #tpu.memory_space<hbm>> -> memref<4x128xi32, #tpu.memory_space<hbm>>
      %dma_start3A_1354 = tpu.memref_slice %arg8[%dma_start3A_1347] : memref<4x!tpu.dma_semaphore, #tpu.memory_space<semaphore_mem>> -> memref<1x!tpu.dma_semaphore, #tpu.memory_space<semaphore_mem>>
      %dma_start3A_1355 = tpu.memref_squeeze %dma_start3A_1354 : memref<1x!tpu.dma_semaphore, #tpu.memory_space<semaphore_mem>> -> memref<!tpu.dma_semaphore, #tpu.memory_space<semaphore_mem>>
      %dma_start3A_1356 = arith.constant 0 : i32
      %dma_start3A_1357 = arith.constant 0 : i32
      %dma_start3A_1358 = tpu.memref_slice %arg6[%dma_start3A_1346, %dma_start3A_1356, %dma_start3A_1357] : memref<4x4x128xi32, #tpu.memory_space<vmem>> -> memref<1x4x128xi32, #tpu.memory_space<vmem>>
      %dma_start3A_1359 = tpu.memref_squeeze %dma_start3A_1358 : memref<1x4x128xi32, #tpu.memory_space<vmem>> -> memref<4x128xi32, #tpu.memory_space<vmem>>
      %dma_start3A_1360 = arith.constant 0 : i32
      %dma_start3A_1361 = tpu.memref_slice %arg2[%dma_start3A_1360, %add3A_1345] : memref<4x819200xi32, #tpu.memory_space<hbm>> -> memref<4x128xi32, #tpu.memory_space<hbm>>
      tpu.enqueue_dma source(%dma_start3A_1361 : memref<4x128xi32, #tpu.memory_space<hbm>>) target(%dma_start3A_1359 : memref<4x128xi32, #tpu.memory_space<vmem>>) target_semaphore(%dma_start3A_1355 : memref<!tpu.dma_semaphore, #tpu.memory_space<semaphore_mem>>)
      %dma_wait3A_1362 = arith.constant 1 : i32
      %dma_wait3A_1363 = arith.constant 1 : i32
      %dma_wait3A_1364 = arith.constant 0 : i32
      %dma_wait3A_1365 = arith.constant 0 : i32
      %dma_wait3A_1366 = arith.constant 0 : i32
      %dma_wait3A_1367 = tpu.memref_slice %arg7[%dma_wait3A_1362, %dma_wait3A_1364, %dma_wait3A_1365, %dma_wait3A_1366] : memref<4x4x128x32xf32, #tpu.memory_space<vmem>> -> memref<1x4x128x32xf32, #tpu.memory_space<vmem>>
      %dma_wait3A_1368 = tpu.memref_squeeze %dma_wait3A_1367 : memref<1x4x128x32xf32, #tpu.memory_space<vmem>> -> memref<4x128x32xf32, #tpu.memory_space<vmem>>
      %dma_wait3A_1369 = arith.constant 0 : i32
      %dma_wait3A_1370 = arith.constant 0 : i32
      %dma_wait3A_1371 = tpu.memref_slice %arg4[%dma_wait3A_1369, %dma_wait3A_1370] : memref<819200x128xf32, #tpu.memory_space<hbm>> -> memref<512x32xf32, #tpu.memory_space<hbm>>
      %dma_wait3A_1372 = tpu.memref_slice %arg9[%dma_wait3A_1363] : memref<4x!tpu.dma_semaphore, #tpu.memory_space<semaphore_mem>> -> memref<1x!tpu.dma_semaphore, #tpu.memory_space<semaphore_mem>>
      %dma_wait3A_1373 = tpu.memref_squeeze %dma_wait3A_1372 : memref<1x!tpu.dma_semaphore, #tpu.memory_space<semaphore_mem>> -> memref<!tpu.dma_semaphore, #tpu.memory_space<semaphore_mem>>
      %dma_wait3A_1374 = arith.constant 0 : i32
      %dma_wait3A_1375 = arith.constant 0 : i32
      %dma_wait3A_1376 = arith.constant 0 : i32
      %dma_wait3A_1377 = tpu.memref_slice %arg7[%dma_wait3A_1362, %dma_wait3A_1374, %dma_wait3A_1375, %dma_wait3A_1376] : memref<4x4x128x32xf32, #tpu.memory_space<vmem>> -> memref<1x4x128x32xf32, #tpu.memory_space<vmem>>
      %dma_wait3A_1378 = tpu.memref_squeeze %dma_wait3A_1377 : memref<1x4x128x32xf32, #tpu.memory_space<vmem>> -> memref<4x128x32xf32, #tpu.memory_space<vmem>>
      %dma_wait3A_1379 = arith.constant 0 : i32
      %dma_wait3A_1380 = arith.constant 0 : i32
      %dma_wait3A_1381 = tpu.memref_slice %arg4[%dma_wait3A_1379, %dma_wait3A_1380] : memref<819200x128xf32, #tpu.memory_space<hbm>> -> memref<512x32xf32, #tpu.memory_space<hbm>>
      tpu.wait_dma2 semaphore(%dma_wait3A_1373 : memref<!tpu.dma_semaphore, #tpu.memory_space<semaphore_mem>>) src(%dma_wait3A_1381 : memref<512x32xf32, #tpu.memory_space<hbm>>) dst(%dma_wait3A_1378 : memref<4x128x32xf32, #tpu.memory_space<vmem>>)
      %add3A_1382 = arith.constant 1 : i32
      %add3A_1383 = arith.addi %mul3A_1196, %add3A_1382 : i32
      %mul3A_1384 = arith.constant 128 : i32
      %mul3A_1385 = arith.muli %add3A_1383, %mul3A_1384 : i32
      %add3A_1386 = arith.addi %mul3A_4, %mul3A_1385 : i32
      %dma_start3A_1387 = arith.constant 1 : i32
      %dma_start3A_1388 = arith.constant 0 : i32
      %dma_start3A_1389 = arith.constant 1 : i32
      %dma_start3A_1390 = arith.constant 0 : i32
      %dma_start3A_1391 = arith.constant 0 : i32
      %dma_start3A_1392 = arith.constant 0 : i32
      %dma_start3A_1393 = tpu.memref_slice %arg7[%dma_start3A_1387, %dma_start3A_1390, %dma_start3A_1391, %dma_start3A_1392] : memref<4x4x128x32xf32, #tpu.memory_space<vmem>> -> memref<1x4x128x32xf32, #tpu.memory_space<vmem>>
      %dma_start3A_1394 = tpu.memref_squeeze %dma_start3A_1393 : memref<1x4x128x32xf32, #tpu.memory_space<vmem>> -> memref<4x128x32xf32, #tpu.memory_space<vmem>>
      %dma_start3A_1395 = arith.constant 0 : i32
      %dma_start3A_1396 = arith.constant 0 : i32
      %dma_start3A_1397 = tpu.memref_slice %dma_start3A_1394[%dma_start3A_1388, %dma_start3A_1395, %dma_start3A_1396] : memref<4x128x32xf32, #tpu.memory_space<vmem>> -> memref<1x128x32xf32, #tpu.memory_space<vmem>>
      %dma_start3A_1398 = tpu.memref_squeeze %dma_start3A_1397 : memref<1x128x32xf32, #tpu.memory_space<vmem>> -> memref<128x32xf32, #tpu.memory_space<vmem>>
      %dma_start3A_1399 = arith.constant 0 : i32
      %dma_start3A_1400 = tpu.memref_slice %arg4[%add3A_1386, %dma_start3A_1399] : memref<819200x128xf32, #tpu.memory_space<hbm>> -> memref<128x32xf32, #tpu.memory_space<hbm>>
      %dma_start3A_1401 = tpu.memref_slice %arg10[%dma_start3A_1389] : memref<4x!tpu.dma_semaphore, #tpu.memory_space<semaphore_mem>> -> memref<1x!tpu.dma_semaphore, #tpu.memory_space<semaphore_mem>>
      %dma_start3A_1402 = tpu.memref_squeeze %dma_start3A_1401 : memref<1x!tpu.dma_semaphore, #tpu.memory_space<semaphore_mem>> -> memref<!tpu.dma_semaphore, #tpu.memory_space<semaphore_mem>>
      %dma_start3A_1403 = arith.constant 0 : i32
      %dma_start3A_1404 = tpu.memref_slice %arg4[%add3A_1386, %dma_start3A_1403] : memref<819200x128xf32, #tpu.memory_space<hbm>> -> memref<128x32xf32, #tpu.memory_space<hbm>>
      %dma_start3A_1405 = arith.constant 0 : i32
      %dma_start3A_1406 = arith.constant 0 : i32
      %dma_start3A_1407 = arith.constant 0 : i32
      %dma_start3A_1408 = tpu.memref_slice %arg7[%dma_start3A_1387, %dma_start3A_1405, %dma_start3A_1406, %dma_start3A_1407] : memref<4x4x128x32xf32, #tpu.memory_space<vmem>> -> memref<1x4x128x32xf32, #tpu.memory_space<vmem>>
      %dma_start3A_1409 = tpu.memref_squeeze %dma_start3A_1408 : memref<1x4x128x32xf32, #tpu.memory_space<vmem>> -> memref<4x128x32xf32, #tpu.memory_space<vmem>>
      %dma_start3A_1410 = arith.constant 0 : i32
      %dma_start3A_1411 = arith.constant 0 : i32
      %dma_start3A_1412 = tpu.memref_slice %dma_start3A_1409[%dma_start3A_1388, %dma_start3A_1410, %dma_start3A_1411] : memref<4x128x32xf32, #tpu.memory_space<vmem>> -> memref<1x128x32xf32, #tpu.memory_space<vmem>>
      %dma_start3A_1413 = tpu.memref_squeeze %dma_start3A_1412 : memref<1x128x32xf32, #tpu.memory_space<vmem>> -> memref<128x32xf32, #tpu.memory_space<vmem>>
      tpu.enqueue_dma source(%dma_start3A_1413 : memref<128x32xf32, #tpu.memory_space<vmem>>) target(%dma_start3A_1404 : memref<128x32xf32, #tpu.memory_space<hbm>>) target_semaphore(%dma_start3A_1402 : memref<!tpu.dma_semaphore, #tpu.memory_space<semaphore_mem>>)
      %mul3A_1414 = arith.constant 128 : i32
      %mul3A_1415 = arith.muli %add3A_1383, %mul3A_1414 : i32
      %add3A_1416 = arith.addi %mul3A_4, %mul3A_1415 : i32
      %dma_start3A_1417 = arith.constant 1 : i32
      %dma_start3A_1418 = arith.constant 1 : i32
      %dma_start3A_1419 = arith.constant 1 : i32
      %dma_start3A_1420 = arith.constant 0 : i32
      %dma_start3A_1421 = arith.constant 0 : i32
      %dma_start3A_1422 = arith.constant 0 : i32
      %dma_start3A_1423 = tpu.memref_slice %arg7[%dma_start3A_1417, %dma_start3A_1420, %dma_start3A_1421, %dma_start3A_1422] : memref<4x4x128x32xf32, #tpu.memory_space<vmem>> -> memref<1x4x128x32xf32, #tpu.memory_space<vmem>>
      %dma_start3A_1424 = tpu.memref_squeeze %dma_start3A_1423 : memref<1x4x128x32xf32, #tpu.memory_space<vmem>> -> memref<4x128x32xf32, #tpu.memory_space<vmem>>
      %dma_start3A_1425 = arith.constant 0 : i32
      %dma_start3A_1426 = arith.constant 0 : i32
      %dma_start3A_1427 = tpu.memref_slice %dma_start3A_1424[%dma_start3A_1418, %dma_start3A_1425, %dma_start3A_1426] : memref<4x128x32xf32, #tpu.memory_space<vmem>> -> memref<1x128x32xf32, #tpu.memory_space<vmem>>
      %dma_start3A_1428 = tpu.memref_squeeze %dma_start3A_1427 : memref<1x128x32xf32, #tpu.memory_space<vmem>> -> memref<128x32xf32, #tpu.memory_space<vmem>>
      %dma_start3A_1429 = arith.constant 32 : i32
      %dma_start3A_1430 = tpu.memref_slice %arg4[%add3A_1416, %dma_start3A_1429] : memref<819200x128xf32, #tpu.memory_space<hbm>> -> memref<128x32xf32, #tpu.memory_space<hbm>>
      %dma_start3A_1431 = tpu.memref_slice %arg10[%dma_start3A_1419] : memref<4x!tpu.dma_semaphore, #tpu.memory_space<semaphore_mem>> -> memref<1x!tpu.dma_semaphore, #tpu.memory_space<semaphore_mem>>
      %dma_start3A_1432 = tpu.memref_squeeze %dma_start3A_1431 : memref<1x!tpu.dma_semaphore, #tpu.memory_space<semaphore_mem>> -> memref<!tpu.dma_semaphore, #tpu.memory_space<semaphore_mem>>
      %dma_start3A_1433 = arith.constant 32 : i32
      %dma_start3A_1434 = tpu.memref_slice %arg4[%add3A_1416, %dma_start3A_1433] : memref<819200x128xf32, #tpu.memory_space<hbm>> -> memref<128x32xf32, #tpu.memory_space<hbm>>
      %dma_start3A_1435 = arith.constant 0 : i32
      %dma_start3A_1436 = arith.constant 0 : i32
      %dma_start3A_1437 = arith.constant 0 : i32
      %dma_start3A_1438 = tpu.memref_slice %arg7[%dma_start3A_1417, %dma_start3A_1435, %dma_start3A_1436, %dma_start3A_1437] : memref<4x4x128x32xf32, #tpu.memory_space<vmem>> -> memref<1x4x128x32xf32, #tpu.memory_space<vmem>>
      %dma_start3A_1439 = tpu.memref_squeeze %dma_start3A_1438 : memref<1x4x128x32xf32, #tpu.memory_space<vmem>> -> memref<4x128x32xf32, #tpu.memory_space<vmem>>
      %dma_start3A_1440 = arith.constant 0 : i32
      %dma_start3A_1441 = arith.constant 0 : i32
      %dma_start3A_1442 = tpu.memref_slice %dma_start3A_1439[%dma_start3A_1418, %dma_start3A_1440, %dma_start3A_1441] : memref<4x128x32xf32, #tpu.memory_space<vmem>> -> memref<1x128x32xf32, #tpu.memory_space<vmem>>
      %dma_start3A_1443 = tpu.memref_squeeze %dma_start3A_1442 : memref<1x128x32xf32, #tpu.memory_space<vmem>> -> memref<128x32xf32, #tpu.memory_space<vmem>>
      tpu.enqueue_dma source(%dma_start3A_1443 : memref<128x32xf32, #tpu.memory_space<vmem>>) target(%dma_start3A_1434 : memref<128x32xf32, #tpu.memory_space<hbm>>) target_semaphore(%dma_start3A_1432 : memref<!tpu.dma_semaphore, #tpu.memory_space<semaphore_mem>>)
      %mul3A_1444 = arith.constant 128 : i32
      %mul3A_1445 = arith.muli %add3A_1383, %mul3A_1444 : i32
      %add3A_1446 = arith.addi %mul3A_4, %mul3A_1445 : i32
      %dma_start3A_1447 = arith.constant 1 : i32
      %dma_start3A_1448 = arith.constant 2 : i32
      %dma_start3A_1449 = arith.constant 1 : i32
      %dma_start3A_1450 = arith.constant 0 : i32
      %dma_start3A_1451 = arith.constant 0 : i32
      %dma_start3A_1452 = arith.constant 0 : i32
      %dma_start3A_1453 = tpu.memref_slice %arg7[%dma_start3A_1447, %dma_start3A_1450, %dma_start3A_1451, %dma_start3A_1452] : memref<4x4x128x32xf32, #tpu.memory_space<vmem>> -> memref<1x4x128x32xf32, #tpu.memory_space<vmem>>
      %dma_start3A_1454 = tpu.memref_squeeze %dma_start3A_1453 : memref<1x4x128x32xf32, #tpu.memory_space<vmem>> -> memref<4x128x32xf32, #tpu.memory_space<vmem>>
      %dma_start3A_1455 = arith.constant 0 : i32
      %dma_start3A_1456 = arith.constant 0 : i32
      %dma_start3A_1457 = tpu.memref_slice %dma_start3A_1454[%dma_start3A_1448, %dma_start3A_1455, %dma_start3A_1456] : memref<4x128x32xf32, #tpu.memory_space<vmem>> -> memref<1x128x32xf32, #tpu.memory_space<vmem>>
      %dma_start3A_1458 = tpu.memref_squeeze %dma_start3A_1457 : memref<1x128x32xf32, #tpu.memory_space<vmem>> -> memref<128x32xf32, #tpu.memory_space<vmem>>
      %dma_start3A_1459 = arith.constant 64 : i32
      %dma_start3A_1460 = tpu.memref_slice %arg4[%add3A_1446, %dma_start3A_1459] : memref<819200x128xf32, #tpu.memory_space<hbm>> -> memref<128x32xf32, #tpu.memory_space<hbm>>
      %dma_start3A_1461 = tpu.memref_slice %arg10[%dma_start3A_1449] : memref<4x!tpu.dma_semaphore, #tpu.memory_space<semaphore_mem>> -> memref<1x!tpu.dma_semaphore, #tpu.memory_space<semaphore_mem>>
      %dma_start3A_1462 = tpu.memref_squeeze %dma_start3A_1461 : memref<1x!tpu.dma_semaphore, #tpu.memory_space<semaphore_mem>> -> memref<!tpu.dma_semaphore, #tpu.memory_space<semaphore_mem>>
      %dma_start3A_1463 = arith.constant 64 : i32
      %dma_start3A_1464 = tpu.memref_slice %arg4[%add3A_1446, %dma_start3A_1463] : memref<819200x128xf32, #tpu.memory_space<hbm>> -> memref<128x32xf32, #tpu.memory_space<hbm>>
      %dma_start3A_1465 = arith.constant 0 : i32
      %dma_start3A_1466 = arith.constant 0 : i32
      %dma_start3A_1467 = arith.constant 0 : i32
      %dma_start3A_1468 = tpu.memref_slice %arg7[%dma_start3A_1447, %dma_start3A_1465, %dma_start3A_1466, %dma_start3A_1467] : memref<4x4x128x32xf32, #tpu.memory_space<vmem>> -> memref<1x4x128x32xf32, #tpu.memory_space<vmem>>
      %dma_start3A_1469 = tpu.memref_squeeze %dma_start3A_1468 : memref<1x4x128x32xf32, #tpu.memory_space<vmem>> -> memref<4x128x32xf32, #tpu.memory_space<vmem>>
      %dma_start3A_1470 = arith.constant 0 : i32
      %dma_start3A_1471 = arith.constant 0 : i32
      %dma_start3A_1472 = tpu.memref_slice %dma_start3A_1469[%dma_start3A_1448, %dma_start3A_1470, %dma_start3A_1471] : memref<4x128x32xf32, #tpu.memory_space<vmem>> -> memref<1x128x32xf32, #tpu.memory_space<vmem>>
      %dma_start3A_1473 = tpu.memref_squeeze %dma_start3A_1472 : memref<1x128x32xf32, #tpu.memory_space<vmem>> -> memref<128x32xf32, #tpu.memory_space<vmem>>
      tpu.enqueue_dma source(%dma_start3A_1473 : memref<128x32xf32, #tpu.memory_space<vmem>>) target(%dma_start3A_1464 : memref<128x32xf32, #tpu.memory_space<hbm>>) target_semaphore(%dma_start3A_1462 : memref<!tpu.dma_semaphore, #tpu.memory_space<semaphore_mem>>)
      %mul3A_1474 = arith.constant 128 : i32
      %mul3A_1475 = arith.muli %add3A_1383, %mul3A_1474 : i32
      %add3A_1476 = arith.addi %mul3A_4, %mul3A_1475 : i32
      %dma_start3A_1477 = arith.constant 1 : i32
      %dma_start3A_1478 = arith.constant 3 : i32
      %dma_start3A_1479 = arith.constant 1 : i32
      %dma_start3A_1480 = arith.constant 0 : i32
      %dma_start3A_1481 = arith.constant 0 : i32
      %dma_start3A_1482 = arith.constant 0 : i32
      %dma_start3A_1483 = tpu.memref_slice %arg7[%dma_start3A_1477, %dma_start3A_1480, %dma_start3A_1481, %dma_start3A_1482] : memref<4x4x128x32xf32, #tpu.memory_space<vmem>> -> memref<1x4x128x32xf32, #tpu.memory_space<vmem>>
      %dma_start3A_1484 = tpu.memref_squeeze %dma_start3A_1483 : memref<1x4x128x32xf32, #tpu.memory_space<vmem>> -> memref<4x128x32xf32, #tpu.memory_space<vmem>>
      %dma_start3A_1485 = arith.constant 0 : i32
      %dma_start3A_1486 = arith.constant 0 : i32
      %dma_start3A_1487 = tpu.memref_slice %dma_start3A_1484[%dma_start3A_1478, %dma_start3A_1485, %dma_start3A_1486] : memref<4x128x32xf32, #tpu.memory_space<vmem>> -> memref<1x128x32xf32, #tpu.memory_space<vmem>>
      %dma_start3A_1488 = tpu.memref_squeeze %dma_start3A_1487 : memref<1x128x32xf32, #tpu.memory_space<vmem>> -> memref<128x32xf32, #tpu.memory_space<vmem>>
      %dma_start3A_1489 = arith.constant 96 : i32
      %dma_start3A_1490 = tpu.memref_slice %arg4[%add3A_1476, %dma_start3A_1489] : memref<819200x128xf32, #tpu.memory_space<hbm>> -> memref<128x32xf32, #tpu.memory_space<hbm>>
      %dma_start3A_1491 = tpu.memref_slice %arg10[%dma_start3A_1479] : memref<4x!tpu.dma_semaphore, #tpu.memory_space<semaphore_mem>> -> memref<1x!tpu.dma_semaphore, #tpu.memory_space<semaphore_mem>>
      %dma_start3A_1492 = tpu.memref_squeeze %dma_start3A_1491 : memref<1x!tpu.dma_semaphore, #tpu.memory_space<semaphore_mem>> -> memref<!tpu.dma_semaphore, #tpu.memory_space<semaphore_mem>>
      %dma_start3A_1493 = arith.constant 96 : i32
      %dma_start3A_1494 = tpu.memref_slice %arg4[%add3A_1476, %dma_start3A_1493] : memref<819200x128xf32, #tpu.memory_space<hbm>> -> memref<128x32xf32, #tpu.memory_space<hbm>>
      %dma_start3A_1495 = arith.constant 0 : i32
      %dma_start3A_1496 = arith.constant 0 : i32
      %dma_start3A_1497 = arith.constant 0 : i32
      %dma_start3A_1498 = tpu.memref_slice %arg7[%dma_start3A_1477, %dma_start3A_1495, %dma_start3A_1496, %dma_start3A_1497] : memref<4x4x128x32xf32, #tpu.memory_space<vmem>> -> memref<1x4x128x32xf32, #tpu.memory_space<vmem>>
      %dma_start3A_1499 = tpu.memref_squeeze %dma_start3A_1498 : memref<1x4x128x32xf32, #tpu.memory_space<vmem>> -> memref<4x128x32xf32, #tpu.memory_space<vmem>>
      %dma_start3A_1500 = arith.constant 0 : i32
      %dma_start3A_1501 = arith.constant 0 : i32
      %dma_start3A_1502 = tpu.memref_slice %dma_start3A_1499[%dma_start3A_1478, %dma_start3A_1500, %dma_start3A_1501] : memref<4x128x32xf32, #tpu.memory_space<vmem>> -> memref<1x128x32xf32, #tpu.memory_space<vmem>>
      %dma_start3A_1503 = tpu.memref_squeeze %dma_start3A_1502 : memref<1x128x32xf32, #tpu.memory_space<vmem>> -> memref<128x32xf32, #tpu.memory_space<vmem>>
      tpu.enqueue_dma source(%dma_start3A_1503 : memref<128x32xf32, #tpu.memory_space<vmem>>) target(%dma_start3A_1494 : memref<128x32xf32, #tpu.memory_space<hbm>>) target_semaphore(%dma_start3A_1492 : memref<!tpu.dma_semaphore, #tpu.memory_space<semaphore_mem>>)
      %add3A_1504 = arith.constant 4 : i32
      %add3A_1505 = arith.addi %mul3A_1196, %add3A_1504 : i32
      %add3A_1506 = arith.constant 1 : i32
      %add3A_1507 = arith.addi %add3A_1505, %add3A_1506 : i32
      %mul3A_1508 = arith.constant 128 : i32
      %mul3A_1509 = arith.muli %add3A_1507, %mul3A_1508 : i32
      %add3A_1510 = arith.addi %mul3A_4, %mul3A_1509 : i32
      %dma_start3A_1511 = arith.constant 1 : i32
      %dma_start3A_1512 = arith.constant 1 : i32
      %dma_start3A_1513 = arith.constant 0 : i32
      %dma_start3A_1514 = arith.constant 0 : i32
      %dma_start3A_1515 = tpu.memref_slice %arg6[%dma_start3A_1511, %dma_start3A_1513, %dma_start3A_1514] : memref<4x4x128xi32, #tpu.memory_space<vmem>> -> memref<1x4x128xi32, #tpu.memory_space<vmem>>
      %dma_start3A_1516 = tpu.memref_squeeze %dma_start3A_1515 : memref<1x4x128xi32, #tpu.memory_space<vmem>> -> memref<4x128xi32, #tpu.memory_space<vmem>>
      %dma_start3A_1517 = arith.constant 0 : i32
      %dma_start3A_1518 = tpu.memref_slice %arg2[%dma_start3A_1517, %add3A_1510] : memref<4x819200xi32, #tpu.memory_space<hbm>> -> memref<4x128xi32, #tpu.memory_space<hbm>>
      %dma_start3A_1519 = tpu.memref_slice %arg8[%dma_start3A_1512] : memref<4x!tpu.dma_semaphore, #tpu.memory_space<semaphore_mem>> -> memref<1x!tpu.dma_semaphore, #tpu.memory_space<semaphore_mem>>
      %dma_start3A_1520 = tpu.memref_squeeze %dma_start3A_1519 : memref<1x!tpu.dma_semaphore, #tpu.memory_space<semaphore_mem>> -> memref<!tpu.dma_semaphore, #tpu.memory_space<semaphore_mem>>
      %dma_start3A_1521 = arith.constant 0 : i32
      %dma_start3A_1522 = arith.constant 0 : i32
      %dma_start3A_1523 = tpu.memref_slice %arg6[%dma_start3A_1511, %dma_start3A_1521, %dma_start3A_1522] : memref<4x4x128xi32, #tpu.memory_space<vmem>> -> memref<1x4x128xi32, #tpu.memory_space<vmem>>
      %dma_start3A_1524 = tpu.memref_squeeze %dma_start3A_1523 : memref<1x4x128xi32, #tpu.memory_space<vmem>> -> memref<4x128xi32, #tpu.memory_space<vmem>>
      %dma_start3A_1525 = arith.constant 0 : i32
      %dma_start3A_1526 = tpu.memref_slice %arg2[%dma_start3A_1525, %add3A_1510] : memref<4x819200xi32, #tpu.memory_space<hbm>> -> memref<4x128xi32, #tpu.memory_space<hbm>>
      tpu.enqueue_dma source(%dma_start3A_1526 : memref<4x128xi32, #tpu.memory_space<hbm>>) target(%dma_start3A_1524 : memref<4x128xi32, #tpu.memory_space<vmem>>) target_semaphore(%dma_start3A_1520 : memref<!tpu.dma_semaphore, #tpu.memory_space<semaphore_mem>>)
      %dma_wait3A_1527 = arith.constant 2 : i32
      %dma_wait3A_1528 = arith.constant 2 : i32
      %dma_wait3A_1529 = arith.constant 0 : i32
      %dma_wait3A_1530 = arith.constant 0 : i32
      %dma_wait3A_1531 = arith.constant 0 : i32
      %dma_wait3A_1532 = tpu.memref_slice %arg7[%dma_wait3A_1527, %dma_wait3A_1529, %dma_wait3A_1530, %dma_wait3A_1531] : memref<4x4x128x32xf32, #tpu.memory_space<vmem>> -> memref<1x4x128x32xf32, #tpu.memory_space<vmem>>
      %dma_wait3A_1533 = tpu.memref_squeeze %dma_wait3A_1532 : memref<1x4x128x32xf32, #tpu.memory_space<vmem>> -> memref<4x128x32xf32, #tpu.memory_space<vmem>>
      %dma_wait3A_1534 = arith.constant 0 : i32
      %dma_wait3A_1535 = arith.constant 0 : i32
      %dma_wait3A_1536 = tpu.memref_slice %arg4[%dma_wait3A_1534, %dma_wait3A_1535] : memref<819200x128xf32, #tpu.memory_space<hbm>> -> memref<512x32xf32, #tpu.memory_space<hbm>>
      %dma_wait3A_1537 = tpu.memref_slice %arg9[%dma_wait3A_1528] : memref<4x!tpu.dma_semaphore, #tpu.memory_space<semaphore_mem>> -> memref<1x!tpu.dma_semaphore, #tpu.memory_space<semaphore_mem>>
      %dma_wait3A_1538 = tpu.memref_squeeze %dma_wait3A_1537 : memref<1x!tpu.dma_semaphore, #tpu.memory_space<semaphore_mem>> -> memref<!tpu.dma_semaphore, #tpu.memory_space<semaphore_mem>>
      %dma_wait3A_1539 = arith.constant 0 : i32
      %dma_wait3A_1540 = arith.constant 0 : i32
      %dma_wait3A_1541 = arith.constant 0 : i32
      %dma_wait3A_1542 = tpu.memref_slice %arg7[%dma_wait3A_1527, %dma_wait3A_1539, %dma_wait3A_1540, %dma_wait3A_1541] : memref<4x4x128x32xf32, #tpu.memory_space<vmem>> -> memref<1x4x128x32xf32, #tpu.memory_space<vmem>>
      %dma_wait3A_1543 = tpu.memref_squeeze %dma_wait3A_1542 : memref<1x4x128x32xf32, #tpu.memory_space<vmem>> -> memref<4x128x32xf32, #tpu.memory_space<vmem>>
      %dma_wait3A_1544 = arith.constant 0 : i32
      %dma_wait3A_1545 = arith.constant 0 : i32
      %dma_wait3A_1546 = tpu.memref_slice %arg4[%dma_wait3A_1544, %dma_wait3A_1545] : memref<819200x128xf32, #tpu.memory_space<hbm>> -> memref<512x32xf32, #tpu.memory_space<hbm>>
      tpu.wait_dma2 semaphore(%dma_wait3A_1538 : memref<!tpu.dma_semaphore, #tpu.memory_space<semaphore_mem>>) src(%dma_wait3A_1546 : memref<512x32xf32, #tpu.memory_space<hbm>>) dst(%dma_wait3A_1543 : memref<4x128x32xf32, #tpu.memory_space<vmem>>)
      %add3A_1547 = arith.constant 2 : i32
      %add3A_1548 = arith.addi %mul3A_1196, %add3A_1547 : i32
      %mul3A_1549 = arith.constant 128 : i32
      %mul3A_1550 = arith.muli %add3A_1548, %mul3A_1549 : i32
      %add3A_1551 = arith.addi %mul3A_4, %mul3A_1550 : i32
      %dma_start3A_1552 = arith.constant 2 : i32
      %dma_start3A_1553 = arith.constant 0 : i32
      %dma_start3A_1554 = arith.constant 2 : i32
      %dma_start3A_1555 = arith.constant 0 : i32
      %dma_start3A_1556 = arith.constant 0 : i32
      %dma_start3A_1557 = arith.constant 0 : i32
      %dma_start3A_1558 = tpu.memref_slice %arg7[%dma_start3A_1552, %dma_start3A_1555, %dma_start3A_1556, %dma_start3A_1557] : memref<4x4x128x32xf32, #tpu.memory_space<vmem>> -> memref<1x4x128x32xf32, #tpu.memory_space<vmem>>
      %dma_start3A_1559 = tpu.memref_squeeze %dma_start3A_1558 : memref<1x4x128x32xf32, #tpu.memory_space<vmem>> -> memref<4x128x32xf32, #tpu.memory_space<vmem>>
      %dma_start3A_1560 = arith.constant 0 : i32
      %dma_start3A_1561 = arith.constant 0 : i32
      %dma_start3A_1562 = tpu.memref_slice %dma_start3A_1559[%dma_start3A_1553, %dma_start3A_1560, %dma_start3A_1561] : memref<4x128x32xf32, #tpu.memory_space<vmem>> -> memref<1x128x32xf32, #tpu.memory_space<vmem>>
      %dma_start3A_1563 = tpu.memref_squeeze %dma_start3A_1562 : memref<1x128x32xf32, #tpu.memory_space<vmem>> -> memref<128x32xf32, #tpu.memory_space<vmem>>
      %dma_start3A_1564 = arith.constant 0 : i32
      %dma_start3A_1565 = tpu.memref_slice %arg4[%add3A_1551, %dma_start3A_1564] : memref<819200x128xf32, #tpu.memory_space<hbm>> -> memref<128x32xf32, #tpu.memory_space<hbm>>
      %dma_start3A_1566 = tpu.memref_slice %arg10[%dma_start3A_1554] : memref<4x!tpu.dma_semaphore, #tpu.memory_space<semaphore_mem>> -> memref<1x!tpu.dma_semaphore, #tpu.memory_space<semaphore_mem>>
      %dma_start3A_1567 = tpu.memref_squeeze %dma_start3A_1566 : memref<1x!tpu.dma_semaphore, #tpu.memory_space<semaphore_mem>> -> memref<!tpu.dma_semaphore, #tpu.memory_space<semaphore_mem>>
      %dma_start3A_1568 = arith.constant 0 : i32
      %dma_start3A_1569 = tpu.memref_slice %arg4[%add3A_1551, %dma_start3A_1568] : memref<819200x128xf32, #tpu.memory_space<hbm>> -> memref<128x32xf32, #tpu.memory_space<hbm>>
      %dma_start3A_1570 = arith.constant 0 : i32
      %dma_start3A_1571 = arith.constant 0 : i32
      %dma_start3A_1572 = arith.constant 0 : i32
      %dma_start3A_1573 = tpu.memref_slice %arg7[%dma_start3A_1552, %dma_start3A_1570, %dma_start3A_1571, %dma_start3A_1572] : memref<4x4x128x32xf32, #tpu.memory_space<vmem>> -> memref<1x4x128x32xf32, #tpu.memory_space<vmem>>
      %dma_start3A_1574 = tpu.memref_squeeze %dma_start3A_1573 : memref<1x4x128x32xf32, #tpu.memory_space<vmem>> -> memref<4x128x32xf32, #tpu.memory_space<vmem>>
      %dma_start3A_1575 = arith.constant 0 : i32
      %dma_start3A_1576 = arith.constant 0 : i32
      %dma_start3A_1577 = tpu.memref_slice %dma_start3A_1574[%dma_start3A_1553, %dma_start3A_1575, %dma_start3A_1576] : memref<4x128x32xf32, #tpu.memory_space<vmem>> -> memref<1x128x32xf32, #tpu.memory_space<vmem>>
      %dma_start3A_1578 = tpu.memref_squeeze %dma_start3A_1577 : memref<1x128x32xf32, #tpu.memory_space<vmem>> -> memref<128x32xf32, #tpu.memory_space<vmem>>
      tpu.enqueue_dma source(%dma_start3A_1578 : memref<128x32xf32, #tpu.memory_space<vmem>>) target(%dma_start3A_1569 : memref<128x32xf32, #tpu.memory_space<hbm>>) target_semaphore(%dma_start3A_1567 : memref<!tpu.dma_semaphore, #tpu.memory_space<semaphore_mem>>)
      %mul3A_1579 = arith.constant 128 : i32
      %mul3A_1580 = arith.muli %add3A_1548, %mul3A_1579 : i32
      %add3A_1581 = arith.addi %mul3A_4, %mul3A_1580 : i32
      %dma_start3A_1582 = arith.constant 2 : i32
      %dma_start3A_1583 = arith.constant 1 : i32
      %dma_start3A_1584 = arith.constant 2 : i32
      %dma_start3A_1585 = arith.constant 0 : i32
      %dma_start3A_1586 = arith.constant 0 : i32
      %dma_start3A_1587 = arith.constant 0 : i32
      %dma_start3A_1588 = tpu.memref_slice %arg7[%dma_start3A_1582, %dma_start3A_1585, %dma_start3A_1586, %dma_start3A_1587] : memref<4x4x128x32xf32, #tpu.memory_space<vmem>> -> memref<1x4x128x32xf32, #tpu.memory_space<vmem>>
      %dma_start3A_1589 = tpu.memref_squeeze %dma_start3A_1588 : memref<1x4x128x32xf32, #tpu.memory_space<vmem>> -> memref<4x128x32xf32, #tpu.memory_space<vmem>>
      %dma_start3A_1590 = arith.constant 0 : i32
      %dma_start3A_1591 = arith.constant 0 : i32
      %dma_start3A_1592 = tpu.memref_slice %dma_start3A_1589[%dma_start3A_1583, %dma_start3A_1590, %dma_start3A_1591] : memref<4x128x32xf32, #tpu.memory_space<vmem>> -> memref<1x128x32xf32, #tpu.memory_space<vmem>>
      %dma_start3A_1593 = tpu.memref_squeeze %dma_start3A_1592 : memref<1x128x32xf32, #tpu.memory_space<vmem>> -> memref<128x32xf32, #tpu.memory_space<vmem>>
      %dma_start3A_1594 = arith.constant 32 : i32
      %dma_start3A_1595 = tpu.memref_slice %arg4[%add3A_1581, %dma_start3A_1594] : memref<819200x128xf32, #tpu.memory_space<hbm>> -> memref<128x32xf32, #tpu.memory_space<hbm>>
      %dma_start3A_1596 = tpu.memref_slice %arg10[%dma_start3A_1584] : memref<4x!tpu.dma_semaphore, #tpu.memory_space<semaphore_mem>> -> memref<1x!tpu.dma_semaphore, #tpu.memory_space<semaphore_mem>>
      %dma_start3A_1597 = tpu.memref_squeeze %dma_start3A_1596 : memref<1x!tpu.dma_semaphore, #tpu.memory_space<semaphore_mem>> -> memref<!tpu.dma_semaphore, #tpu.memory_space<semaphore_mem>>
      %dma_start3A_1598 = arith.constant 32 : i32
      %dma_start3A_1599 = tpu.memref_slice %arg4[%add3A_1581, %dma_start3A_1598] : memref<819200x128xf32, #tpu.memory_space<hbm>> -> memref<128x32xf32, #tpu.memory_space<hbm>>
      %dma_start3A_1600 = arith.constant 0 : i32
      %dma_start3A_1601 = arith.constant 0 : i32
      %dma_start3A_1602 = arith.constant 0 : i32
      %dma_start3A_1603 = tpu.memref_slice %arg7[%dma_start3A_1582, %dma_start3A_1600, %dma_start3A_1601, %dma_start3A_1602] : memref<4x4x128x32xf32, #tpu.memory_space<vmem>> -> memref<1x4x128x32xf32, #tpu.memory_space<vmem>>
      %dma_start3A_1604 = tpu.memref_squeeze %dma_start3A_1603 : memref<1x4x128x32xf32, #tpu.memory_space<vmem>> -> memref<4x128x32xf32, #tpu.memory_space<vmem>>
      %dma_start3A_1605 = arith.constant 0 : i32
      %dma_start3A_1606 = arith.constant 0 : i32
      %dma_start3A_1607 = tpu.memref_slice %dma_start3A_1604[%dma_start3A_1583, %dma_start3A_1605, %dma_start3A_1606] : memref<4x128x32xf32, #tpu.memory_space<vmem>> -> memref<1x128x32xf32, #tpu.memory_space<vmem>>
      %dma_start3A_1608 = tpu.memref_squeeze %dma_start3A_1607 : memref<1x128x32xf32, #tpu.memory_space<vmem>> -> memref<128x32xf32, #tpu.memory_space<vmem>>
      tpu.enqueue_dma source(%dma_start3A_1608 : memref<128x32xf32, #tpu.memory_space<vmem>>) target(%dma_start3A_1599 : memref<128x32xf32, #tpu.memory_space<hbm>>) target_semaphore(%dma_start3A_1597 : memref<!tpu.dma_semaphore, #tpu.memory_space<semaphore_mem>>)
      %mul3A_1609 = arith.constant 128 : i32
      %mul3A_1610 = arith.muli %add3A_1548, %mul3A_1609 : i32
      %add3A_1611 = arith.addi %mul3A_4, %mul3A_1610 : i32
      %dma_start3A_1612 = arith.constant 2 : i32
      %dma_start3A_1613 = arith.constant 2 : i32
      %dma_start3A_1614 = arith.constant 2 : i32
      %dma_start3A_1615 = arith.constant 0 : i32
      %dma_start3A_1616 = arith.constant 0 : i32
      %dma_start3A_1617 = arith.constant 0 : i32
      %dma_start3A_1618 = tpu.memref_slice %arg7[%dma_start3A_1612, %dma_start3A_1615, %dma_start3A_1616, %dma_start3A_1617] : memref<4x4x128x32xf32, #tpu.memory_space<vmem>> -> memref<1x4x128x32xf32, #tpu.memory_space<vmem>>
      %dma_start3A_1619 = tpu.memref_squeeze %dma_start3A_1618 : memref<1x4x128x32xf32, #tpu.memory_space<vmem>> -> memref<4x128x32xf32, #tpu.memory_space<vmem>>
      %dma_start3A_1620 = arith.constant 0 : i32
      %dma_start3A_1621 = arith.constant 0 : i32
      %dma_start3A_1622 = tpu.memref_slice %dma_start3A_1619[%dma_start3A_1613, %dma_start3A_1620, %dma_start3A_1621] : memref<4x128x32xf32, #tpu.memory_space<vmem>> -> memref<1x128x32xf32, #tpu.memory_space<vmem>>
      %dma_start3A_1623 = tpu.memref_squeeze %dma_start3A_1622 : memref<1x128x32xf32, #tpu.memory_space<vmem>> -> memref<128x32xf32, #tpu.memory_space<vmem>>
      %dma_start3A_1624 = arith.constant 64 : i32
      %dma_start3A_1625 = tpu.memref_slice %arg4[%add3A_1611, %dma_start3A_1624] : memref<819200x128xf32, #tpu.memory_space<hbm>> -> memref<128x32xf32, #tpu.memory_space<hbm>>
      %dma_start3A_1626 = tpu.memref_slice %arg10[%dma_start3A_1614] : memref<4x!tpu.dma_semaphore, #tpu.memory_space<semaphore_mem>> -> memref<1x!tpu.dma_semaphore, #tpu.memory_space<semaphore_mem>>
      %dma_start3A_1627 = tpu.memref_squeeze %dma_start3A_1626 : memref<1x!tpu.dma_semaphore, #tpu.memory_space<semaphore_mem>> -> memref<!tpu.dma_semaphore, #tpu.memory_space<semaphore_mem>>
      %dma_start3A_1628 = arith.constant 64 : i32
      %dma_start3A_1629 = tpu.memref_slice %arg4[%add3A_1611, %dma_start3A_1628] : memref<819200x128xf32, #tpu.memory_space<hbm>> -> memref<128x32xf32, #tpu.memory_space<hbm>>
      %dma_start3A_1630 = arith.constant 0 : i32
      %dma_start3A_1631 = arith.constant 0 : i32
      %dma_start3A_1632 = arith.constant 0 : i32
      %dma_start3A_1633 = tpu.memref_slice %arg7[%dma_start3A_1612, %dma_start3A_1630, %dma_start3A_1631, %dma_start3A_1632] : memref<4x4x128x32xf32, #tpu.memory_space<vmem>> -> memref<1x4x128x32xf32, #tpu.memory_space<vmem>>
      %dma_start3A_1634 = tpu.memref_squeeze %dma_start3A_1633 : memref<1x4x128x32xf32, #tpu.memory_space<vmem>> -> memref<4x128x32xf32, #tpu.memory_space<vmem>>
      %dma_start3A_1635 = arith.constant 0 : i32
      %dma_start3A_1636 = arith.constant 0 : i32
      %dma_start3A_1637 = tpu.memref_slice %dma_start3A_1634[%dma_start3A_1613, %dma_start3A_1635, %dma_start3A_1636] : memref<4x128x32xf32, #tpu.memory_space<vmem>> -> memref<1x128x32xf32, #tpu.memory_space<vmem>>
      %dma_start3A_1638 = tpu.memref_squeeze %dma_start3A_1637 : memref<1x128x32xf32, #tpu.memory_space<vmem>> -> memref<128x32xf32, #tpu.memory_space<vmem>>
      tpu.enqueue_dma source(%dma_start3A_1638 : memref<128x32xf32, #tpu.memory_space<vmem>>) target(%dma_start3A_1629 : memref<128x32xf32, #tpu.memory_space<hbm>>) target_semaphore(%dma_start3A_1627 : memref<!tpu.dma_semaphore, #tpu.memory_space<semaphore_mem>>)
      %mul3A_1639 = arith.constant 128 : i32
      %mul3A_1640 = arith.muli %add3A_1548, %mul3A_1639 : i32
      %add3A_1641 = arith.addi %mul3A_4, %mul3A_1640 : i32
      %dma_start3A_1642 = arith.constant 2 : i32
      %dma_start3A_1643 = arith.constant 3 : i32
      %dma_start3A_1644 = arith.constant 2 : i32
      %dma_start3A_1645 = arith.constant 0 : i32
      %dma_start3A_1646 = arith.constant 0 : i32
      %dma_start3A_1647 = arith.constant 0 : i32
      %dma_start3A_1648 = tpu.memref_slice %arg7[%dma_start3A_1642, %dma_start3A_1645, %dma_start3A_1646, %dma_start3A_1647] : memref<4x4x128x32xf32, #tpu.memory_space<vmem>> -> memref<1x4x128x32xf32, #tpu.memory_space<vmem>>
      %dma_start3A_1649 = tpu.memref_squeeze %dma_start3A_1648 : memref<1x4x128x32xf32, #tpu.memory_space<vmem>> -> memref<4x128x32xf32, #tpu.memory_space<vmem>>
      %dma_start3A_1650 = arith.constant 0 : i32
      %dma_start3A_1651 = arith.constant 0 : i32
      %dma_start3A_1652 = tpu.memref_slice %dma_start3A_1649[%dma_start3A_1643, %dma_start3A_1650, %dma_start3A_1651] : memref<4x128x32xf32, #tpu.memory_space<vmem>> -> memref<1x128x32xf32, #tpu.memory_space<vmem>>
      %dma_start3A_1653 = tpu.memref_squeeze %dma_start3A_1652 : memref<1x128x32xf32, #tpu.memory_space<vmem>> -> memref<128x32xf32, #tpu.memory_space<vmem>>
      %dma_start3A_1654 = arith.constant 96 : i32
      %dma_start3A_1655 = tpu.memref_slice %arg4[%add3A_1641, %dma_start3A_1654] : memref<819200x128xf32, #tpu.memory_space<hbm>> -> memref<128x32xf32, #tpu.memory_space<hbm>>
      %dma_start3A_1656 = tpu.memref_slice %arg10[%dma_start3A_1644] : memref<4x!tpu.dma_semaphore, #tpu.memory_space<semaphore_mem>> -> memref<1x!tpu.dma_semaphore, #tpu.memory_space<semaphore_mem>>
      %dma_start3A_1657 = tpu.memref_squeeze %dma_start3A_1656 : memref<1x!tpu.dma_semaphore, #tpu.memory_space<semaphore_mem>> -> memref<!tpu.dma_semaphore, #tpu.memory_space<semaphore_mem>>
      %dma_start3A_1658 = arith.constant 96 : i32
      %dma_start3A_1659 = tpu.memref_slice %arg4[%add3A_1641, %dma_start3A_1658] : memref<819200x128xf32, #tpu.memory_space<hbm>> -> memref<128x32xf32, #tpu.memory_space<hbm>>
      %dma_start3A_1660 = arith.constant 0 : i32
      %dma_start3A_1661 = arith.constant 0 : i32
      %dma_start3A_1662 = arith.constant 0 : i32
      %dma_start3A_1663 = tpu.memref_slice %arg7[%dma_start3A_1642, %dma_start3A_1660, %dma_start3A_1661, %dma_start3A_1662] : memref<4x4x128x32xf32, #tpu.memory_space<vmem>> -> memref<1x4x128x32xf32, #tpu.memory_space<vmem>>
      %dma_start3A_1664 = tpu.memref_squeeze %dma_start3A_1663 : memref<1x4x128x32xf32, #tpu.memory_space<vmem>> -> memref<4x128x32xf32, #tpu.memory_space<vmem>>
      %dma_start3A_1665 = arith.constant 0 : i32
      %dma_start3A_1666 = arith.constant 0 : i32
      %dma_start3A_1667 = tpu.memref_slice %dma_start3A_1664[%dma_start3A_1643, %dma_start3A_1665, %dma_start3A_1666] : memref<4x128x32xf32, #tpu.memory_space<vmem>> -> memref<1x128x32xf32, #tpu.memory_space<vmem>>
      %dma_start3A_1668 = tpu.memref_squeeze %dma_start3A_1667 : memref<1x128x32xf32, #tpu.memory_space<vmem>> -> memref<128x32xf32, #tpu.memory_space<vmem>>
      tpu.enqueue_dma source(%dma_start3A_1668 : memref<128x32xf32, #tpu.memory_space<vmem>>) target(%dma_start3A_1659 : memref<128x32xf32, #tpu.memory_space<hbm>>) target_semaphore(%dma_start3A_1657 : memref<!tpu.dma_semaphore, #tpu.memory_space<semaphore_mem>>)
      %add3A_1669 = arith.constant 4 : i32
      %add3A_1670 = arith.addi %mul3A_1196, %add3A_1669 : i32
      %add3A_1671 = arith.constant 2 : i32
      %add3A_1672 = arith.addi %add3A_1670, %add3A_1671 : i32
      %mul3A_1673 = arith.constant 128 : i32
      %mul3A_1674 = arith.muli %add3A_1672, %mul3A_1673 : i32
      %add3A_1675 = arith.addi %mul3A_4, %mul3A_1674 : i32
      %dma_start3A_1676 = arith.constant 2 : i32
      %dma_start3A_1677 = arith.constant 2 : i32
      %dma_start3A_1678 = arith.constant 0 : i32
      %dma_start3A_1679 = arith.constant 0 : i32
      %dma_start3A_1680 = tpu.memref_slice %arg6[%dma_start3A_1676, %dma_start3A_1678, %dma_start3A_1679] : memref<4x4x128xi32, #tpu.memory_space<vmem>> -> memref<1x4x128xi32, #tpu.memory_space<vmem>>
      %dma_start3A_1681 = tpu.memref_squeeze %dma_start3A_1680 : memref<1x4x128xi32, #tpu.memory_space<vmem>> -> memref<4x128xi32, #tpu.memory_space<vmem>>
      %dma_start3A_1682 = arith.constant 0 : i32
      %dma_start3A_1683 = tpu.memref_slice %arg2[%dma_start3A_1682, %add3A_1675] : memref<4x819200xi32, #tpu.memory_space<hbm>> -> memref<4x128xi32, #tpu.memory_space<hbm>>
      %dma_start3A_1684 = tpu.memref_slice %arg8[%dma_start3A_1677] : memref<4x!tpu.dma_semaphore, #tpu.memory_space<semaphore_mem>> -> memref<1x!tpu.dma_semaphore, #tpu.memory_space<semaphore_mem>>
      %dma_start3A_1685 = tpu.memref_squeeze %dma_start3A_1684 : memref<1x!tpu.dma_semaphore, #tpu.memory_space<semaphore_mem>> -> memref<!tpu.dma_semaphore, #tpu.memory_space<semaphore_mem>>
      %dma_start3A_1686 = arith.constant 0 : i32
      %dma_start3A_1687 = arith.constant 0 : i32
      %dma_start3A_1688 = tpu.memref_slice %arg6[%dma_start3A_1676, %dma_start3A_1686, %dma_start3A_1687] : memref<4x4x128xi32, #tpu.memory_space<vmem>> -> memref<1x4x128xi32, #tpu.memory_space<vmem>>
      %dma_start3A_1689 = tpu.memref_squeeze %dma_start3A_1688 : memref<1x4x128xi32, #tpu.memory_space<vmem>> -> memref<4x128xi32, #tpu.memory_space<vmem>>
      %dma_start3A_1690 = arith.constant 0 : i32
      %dma_start3A_1691 = tpu.memref_slice %arg2[%dma_start3A_1690, %add3A_1675] : memref<4x819200xi32, #tpu.memory_space<hbm>> -> memref<4x128xi32, #tpu.memory_space<hbm>>
      tpu.enqueue_dma source(%dma_start3A_1691 : memref<4x128xi32, #tpu.memory_space<hbm>>) target(%dma_start3A_1689 : memref<4x128xi32, #tpu.memory_space<vmem>>) target_semaphore(%dma_start3A_1685 : memref<!tpu.dma_semaphore, #tpu.memory_space<semaphore_mem>>)
      %dma_wait3A_1692 = arith.constant 3 : i32
      %dma_wait3A_1693 = arith.constant 3 : i32
      %dma_wait3A_1694 = arith.constant 0 : i32
      %dma_wait3A_1695 = arith.constant 0 : i32
      %dma_wait3A_1696 = arith.constant 0 : i32
      %dma_wait3A_1697 = tpu.memref_slice %arg7[%dma_wait3A_1692, %dma_wait3A_1694, %dma_wait3A_1695, %dma_wait3A_1696] : memref<4x4x128x32xf32, #tpu.memory_space<vmem>> -> memref<1x4x128x32xf32, #tpu.memory_space<vmem>>
      %dma_wait3A_1698 = tpu.memref_squeeze %dma_wait3A_1697 : memref<1x4x128x32xf32, #tpu.memory_space<vmem>> -> memref<4x128x32xf32, #tpu.memory_space<vmem>>
      %dma_wait3A_1699 = arith.constant 0 : i32
      %dma_wait3A_1700 = arith.constant 0 : i32
      %dma_wait3A_1701 = tpu.memref_slice %arg4[%dma_wait3A_1699, %dma_wait3A_1700] : memref<819200x128xf32, #tpu.memory_space<hbm>> -> memref<512x32xf32, #tpu.memory_space<hbm>>
      %dma_wait3A_1702 = tpu.memref_slice %arg9[%dma_wait3A_1693] : memref<4x!tpu.dma_semaphore, #tpu.memory_space<semaphore_mem>> -> memref<1x!tpu.dma_semaphore, #tpu.memory_space<semaphore_mem>>
      %dma_wait3A_1703 = tpu.memref_squeeze %dma_wait3A_1702 : memref<1x!tpu.dma_semaphore, #tpu.memory_space<semaphore_mem>> -> memref<!tpu.dma_semaphore, #tpu.memory_space<semaphore_mem>>
      %dma_wait3A_1704 = arith.constant 0 : i32
      %dma_wait3A_1705 = arith.constant 0 : i32
      %dma_wait3A_1706 = arith.constant 0 : i32
      %dma_wait3A_1707 = tpu.memref_slice %arg7[%dma_wait3A_1692, %dma_wait3A_1704, %dma_wait3A_1705, %dma_wait3A_1706] : memref<4x4x128x32xf32, #tpu.memory_space<vmem>> -> memref<1x4x128x32xf32, #tpu.memory_space<vmem>>
      %dma_wait3A_1708 = tpu.memref_squeeze %dma_wait3A_1707 : memref<1x4x128x32xf32, #tpu.memory_space<vmem>> -> memref<4x128x32xf32, #tpu.memory_space<vmem>>
      %dma_wait3A_1709 = arith.constant 0 : i32
      %dma_wait3A_1710 = arith.constant 0 : i32
      %dma_wait3A_1711 = tpu.memref_slice %arg4[%dma_wait3A_1709, %dma_wait3A_1710] : memref<819200x128xf32, #tpu.memory_space<hbm>> -> memref<512x32xf32, #tpu.memory_space<hbm>>
      tpu.wait_dma2 semaphore(%dma_wait3A_1703 : memref<!tpu.dma_semaphore, #tpu.memory_space<semaphore_mem>>) src(%dma_wait3A_1711 : memref<512x32xf32, #tpu.memory_space<hbm>>) dst(%dma_wait3A_1708 : memref<4x128x32xf32, #tpu.memory_space<vmem>>)
      %add3A_1712 = arith.constant 3 : i32
      %add3A_1713 = arith.addi %mul3A_1196, %add3A_1712 : i32
      %mul3A_1714 = arith.constant 128 : i32
      %mul3A_1715 = arith.muli %add3A_1713, %mul3A_1714 : i32
      %add3A_1716 = arith.addi %mul3A_4, %mul3A_1715 : i32
      %dma_start3A_1717 = arith.constant 3 : i32
      %dma_start3A_1718 = arith.constant 0 : i32
      %dma_start3A_1719 = arith.constant 3 : i32
      %dma_start3A_1720 = arith.constant 0 : i32
      %dma_start3A_1721 = arith.constant 0 : i32
      %dma_start3A_1722 = arith.constant 0 : i32
      %dma_start3A_1723 = tpu.memref_slice %arg7[%dma_start3A_1717, %dma_start3A_1720, %dma_start3A_1721, %dma_start3A_1722] : memref<4x4x128x32xf32, #tpu.memory_space<vmem>> -> memref<1x4x128x32xf32, #tpu.memory_space<vmem>>
      %dma_start3A_1724 = tpu.memref_squeeze %dma_start3A_1723 : memref<1x4x128x32xf32, #tpu.memory_space<vmem>> -> memref<4x128x32xf32, #tpu.memory_space<vmem>>
      %dma_start3A_1725 = arith.constant 0 : i32
      %dma_start3A_1726 = arith.constant 0 : i32
      %dma_start3A_1727 = tpu.memref_slice %dma_start3A_1724[%dma_start3A_1718, %dma_start3A_1725, %dma_start3A_1726] : memref<4x128x32xf32, #tpu.memory_space<vmem>> -> memref<1x128x32xf32, #tpu.memory_space<vmem>>
      %dma_start3A_1728 = tpu.memref_squeeze %dma_start3A_1727 : memref<1x128x32xf32, #tpu.memory_space<vmem>> -> memref<128x32xf32, #tpu.memory_space<vmem>>
      %dma_start3A_1729 = arith.constant 0 : i32
      %dma_start3A_1730 = tpu.memref_slice %arg4[%add3A_1716, %dma_start3A_1729] : memref<819200x128xf32, #tpu.memory_space<hbm>> -> memref<128x32xf32, #tpu.memory_space<hbm>>
      %dma_start3A_1731 = tpu.memref_slice %arg10[%dma_start3A_1719] : memref<4x!tpu.dma_semaphore, #tpu.memory_space<semaphore_mem>> -> memref<1x!tpu.dma_semaphore, #tpu.memory_space<semaphore_mem>>
      %dma_start3A_1732 = tpu.memref_squeeze %dma_start3A_1731 : memref<1x!tpu.dma_semaphore, #tpu.memory_space<semaphore_mem>> -> memref<!tpu.dma_semaphore, #tpu.memory_space<semaphore_mem>>
      %dma_start3A_1733 = arith.constant 0 : i32
      %dma_start3A_1734 = tpu.memref_slice %arg4[%add3A_1716, %dma_start3A_1733] : memref<819200x128xf32, #tpu.memory_space<hbm>> -> memref<128x32xf32, #tpu.memory_space<hbm>>
      %dma_start3A_1735 = arith.constant 0 : i32
      %dma_start3A_1736 = arith.constant 0 : i32
      %dma_start3A_1737 = arith.constant 0 : i32
      %dma_start3A_1738 = tpu.memref_slice %arg7[%dma_start3A_1717, %dma_start3A_1735, %dma_start3A_1736, %dma_start3A_1737] : memref<4x4x128x32xf32, #tpu.memory_space<vmem>> -> memref<1x4x128x32xf32, #tpu.memory_space<vmem>>
      %dma_start3A_1739 = tpu.memref_squeeze %dma_start3A_1738 : memref<1x4x128x32xf32, #tpu.memory_space<vmem>> -> memref<4x128x32xf32, #tpu.memory_space<vmem>>
      %dma_start3A_1740 = arith.constant 0 : i32
      %dma_start3A_1741 = arith.constant 0 : i32
      %dma_start3A_1742 = tpu.memref_slice %dma_start3A_1739[%dma_start3A_1718, %dma_start3A_1740, %dma_start3A_1741] : memref<4x128x32xf32, #tpu.memory_space<vmem>> -> memref<1x128x32xf32, #tpu.memory_space<vmem>>
      %dma_start3A_1743 = tpu.memref_squeeze %dma_start3A_1742 : memref<1x128x32xf32, #tpu.memory_space<vmem>> -> memref<128x32xf32, #tpu.memory_space<vmem>>
      tpu.enqueue_dma source(%dma_start3A_1743 : memref<128x32xf32, #tpu.memory_space<vmem>>) target(%dma_start3A_1734 : memref<128x32xf32, #tpu.memory_space<hbm>>) target_semaphore(%dma_start3A_1732 : memref<!tpu.dma_semaphore, #tpu.memory_space<semaphore_mem>>)
      %mul3A_1744 = arith.constant 128 : i32
      %mul3A_1745 = arith.muli %add3A_1713, %mul3A_1744 : i32
      %add3A_1746 = arith.addi %mul3A_4, %mul3A_1745 : i32
      %dma_start3A_1747 = arith.constant 3 : i32
      %dma_start3A_1748 = arith.constant 1 : i32
      %dma_start3A_1749 = arith.constant 3 : i32
      %dma_start3A_1750 = arith.constant 0 : i32
      %dma_start3A_1751 = arith.constant 0 : i32
      %dma_start3A_1752 = arith.constant 0 : i32
      %dma_start3A_1753 = tpu.memref_slice %arg7[%dma_start3A_1747, %dma_start3A_1750, %dma_start3A_1751, %dma_start3A_1752] : memref<4x4x128x32xf32, #tpu.memory_space<vmem>> -> memref<1x4x128x32xf32, #tpu.memory_space<vmem>>
      %dma_start3A_1754 = tpu.memref_squeeze %dma_start3A_1753 : memref<1x4x128x32xf32, #tpu.memory_space<vmem>> -> memref<4x128x32xf32, #tpu.memory_space<vmem>>
      %dma_start3A_1755 = arith.constant 0 : i32
      %dma_start3A_1756 = arith.constant 0 : i32
      %dma_start3A_1757 = tpu.memref_slice %dma_start3A_1754[%dma_start3A_1748, %dma_start3A_1755, %dma_start3A_1756] : memref<4x128x32xf32, #tpu.memory_space<vmem>> -> memref<1x128x32xf32, #tpu.memory_space<vmem>>
      %dma_start3A_1758 = tpu.memref_squeeze %dma_start3A_1757 : memref<1x128x32xf32, #tpu.memory_space<vmem>> -> memref<128x32xf32, #tpu.memory_space<vmem>>
      %dma_start3A_1759 = arith.constant 32 : i32
      %dma_start3A_1760 = tpu.memref_slice %arg4[%add3A_1746, %dma_start3A_1759] : memref<819200x128xf32, #tpu.memory_space<hbm>> -> memref<128x32xf32, #tpu.memory_space<hbm>>
      %dma_start3A_1761 = tpu.memref_slice %arg10[%dma_start3A_1749] : memref<4x!tpu.dma_semaphore, #tpu.memory_space<semaphore_mem>> -> memref<1x!tpu.dma_semaphore, #tpu.memory_space<semaphore_mem>>
      %dma_start3A_1762 = tpu.memref_squeeze %dma_start3A_1761 : memref<1x!tpu.dma_semaphore, #tpu.memory_space<semaphore_mem>> -> memref<!tpu.dma_semaphore, #tpu.memory_space<semaphore_mem>>
      %dma_start3A_1763 = arith.constant 32 : i32
      %dma_start3A_1764 = tpu.memref_slice %arg4[%add3A_1746, %dma_start3A_1763] : memref<819200x128xf32, #tpu.memory_space<hbm>> -> memref<128x32xf32, #tpu.memory_space<hbm>>
      %dma_start3A_1765 = arith.constant 0 : i32
      %dma_start3A_1766 = arith.constant 0 : i32
      %dma_start3A_1767 = arith.constant 0 : i32
      %dma_start3A_1768 = tpu.memref_slice %arg7[%dma_start3A_1747, %dma_start3A_1765, %dma_start3A_1766, %dma_start3A_1767] : memref<4x4x128x32xf32, #tpu.memory_space<vmem>> -> memref<1x4x128x32xf32, #tpu.memory_space<vmem>>
      %dma_start3A_1769 = tpu.memref_squeeze %dma_start3A_1768 : memref<1x4x128x32xf32, #tpu.memory_space<vmem>> -> memref<4x128x32xf32, #tpu.memory_space<vmem>>
      %dma_start3A_1770 = arith.constant 0 : i32
      %dma_start3A_1771 = arith.constant 0 : i32
      %dma_start3A_1772 = tpu.memref_slice %dma_start3A_1769[%dma_start3A_1748, %dma_start3A_1770, %dma_start3A_1771] : memref<4x128x32xf32, #tpu.memory_space<vmem>> -> memref<1x128x32xf32, #tpu.memory_space<vmem>>
      %dma_start3A_1773 = tpu.memref_squeeze %dma_start3A_1772 : memref<1x128x32xf32, #tpu.memory_space<vmem>> -> memref<128x32xf32, #tpu.memory_space<vmem>>
      tpu.enqueue_dma source(%dma_start3A_1773 : memref<128x32xf32, #tpu.memory_space<vmem>>) target(%dma_start3A_1764 : memref<128x32xf32, #tpu.memory_space<hbm>>) target_semaphore(%dma_start3A_1762 : memref<!tpu.dma_semaphore, #tpu.memory_space<semaphore_mem>>)
      %mul3A_1774 = arith.constant 128 : i32
      %mul3A_1775 = arith.muli %add3A_1713, %mul3A_1774 : i32
      %add3A_1776 = arith.addi %mul3A_4, %mul3A_1775 : i32
      %dma_start3A_1777 = arith.constant 3 : i32
      %dma_start3A_1778 = arith.constant 2 : i32
      %dma_start3A_1779 = arith.constant 3 : i32
      %dma_start3A_1780 = arith.constant 0 : i32
      %dma_start3A_1781 = arith.constant 0 : i32
      %dma_start3A_1782 = arith.constant 0 : i32
      %dma_start3A_1783 = tpu.memref_slice %arg7[%dma_start3A_1777, %dma_start3A_1780, %dma_start3A_1781, %dma_start3A_1782] : memref<4x4x128x32xf32, #tpu.memory_space<vmem>> -> memref<1x4x128x32xf32, #tpu.memory_space<vmem>>
      %dma_start3A_1784 = tpu.memref_squeeze %dma_start3A_1783 : memref<1x4x128x32xf32, #tpu.memory_space<vmem>> -> memref<4x128x32xf32, #tpu.memory_space<vmem>>
      %dma_start3A_1785 = arith.constant 0 : i32
      %dma_start3A_1786 = arith.constant 0 : i32
      %dma_start3A_1787 = tpu.memref_slice %dma_start3A_1784[%dma_start3A_1778, %dma_start3A_1785, %dma_start3A_1786] : memref<4x128x32xf32, #tpu.memory_space<vmem>> -> memref<1x128x32xf32, #tpu.memory_space<vmem>>
      %dma_start3A_1788 = tpu.memref_squeeze %dma_start3A_1787 : memref<1x128x32xf32, #tpu.memory_space<vmem>> -> memref<128x32xf32, #tpu.memory_space<vmem>>
      %dma_start3A_1789 = arith.constant 64 : i32
      %dma_start3A_1790 = tpu.memref_slice %arg4[%add3A_1776, %dma_start3A_1789] : memref<819200x128xf32, #tpu.memory_space<hbm>> -> memref<128x32xf32, #tpu.memory_space<hbm>>
      %dma_start3A_1791 = tpu.memref_slice %arg10[%dma_start3A_1779] : memref<4x!tpu.dma_semaphore, #tpu.memory_space<semaphore_mem>> -> memref<1x!tpu.dma_semaphore, #tpu.memory_space<semaphore_mem>>
      %dma_start3A_1792 = tpu.memref_squeeze %dma_start3A_1791 : memref<1x!tpu.dma_semaphore, #tpu.memory_space<semaphore_mem>> -> memref<!tpu.dma_semaphore, #tpu.memory_space<semaphore_mem>>
      %dma_start3A_1793 = arith.constant 64 : i32
      %dma_start3A_1794 = tpu.memref_slice %arg4[%add3A_1776, %dma_start3A_1793] : memref<819200x128xf32, #tpu.memory_space<hbm>> -> memref<128x32xf32, #tpu.memory_space<hbm>>
      %dma_start3A_1795 = arith.constant 0 : i32
      %dma_start3A_1796 = arith.constant 0 : i32
      %dma_start3A_1797 = arith.constant 0 : i32
      %dma_start3A_1798 = tpu.memref_slice %arg7[%dma_start3A_1777, %dma_start3A_1795, %dma_start3A_1796, %dma_start3A_1797] : memref<4x4x128x32xf32, #tpu.memory_space<vmem>> -> memref<1x4x128x32xf32, #tpu.memory_space<vmem>>
      %dma_start3A_1799 = tpu.memref_squeeze %dma_start3A_1798 : memref<1x4x128x32xf32, #tpu.memory_space<vmem>> -> memref<4x128x32xf32, #tpu.memory_space<vmem>>
      %dma_start3A_1800 = arith.constant 0 : i32
      %dma_start3A_1801 = arith.constant 0 : i32
      %dma_start3A_1802 = tpu.memref_slice %dma_start3A_1799[%dma_start3A_1778, %dma_start3A_1800, %dma_start3A_1801] : memref<4x128x32xf32, #tpu.memory_space<vmem>> -> memref<1x128x32xf32, #tpu.memory_space<vmem>>
      %dma_start3A_1803 = tpu.memref_squeeze %dma_start3A_1802 : memref<1x128x32xf32, #tpu.memory_space<vmem>> -> memref<128x32xf32, #tpu.memory_space<vmem>>
      tpu.enqueue_dma source(%dma_start3A_1803 : memref<128x32xf32, #tpu.memory_space<vmem>>) target(%dma_start3A_1794 : memref<128x32xf32, #tpu.memory_space<hbm>>) target_semaphore(%dma_start3A_1792 : memref<!tpu.dma_semaphore, #tpu.memory_space<semaphore_mem>>)
      %mul3A_1804 = arith.constant 128 : i32
      %mul3A_1805 = arith.muli %add3A_1713, %mul3A_1804 : i32
      %add3A_1806 = arith.addi %mul3A_4, %mul3A_1805 : i32
      %dma_start3A_1807 = arith.constant 3 : i32
      %dma_start3A_1808 = arith.constant 3 : i32
      %dma_start3A_1809 = arith.constant 3 : i32
      %dma_start3A_1810 = arith.constant 0 : i32
      %dma_start3A_1811 = arith.constant 0 : i32
      %dma_start3A_1812 = arith.constant 0 : i32
      %dma_start3A_1813 = tpu.memref_slice %arg7[%dma_start3A_1807, %dma_start3A_1810, %dma_start3A_1811, %dma_start3A_1812] : memref<4x4x128x32xf32, #tpu.memory_space<vmem>> -> memref<1x4x128x32xf32, #tpu.memory_space<vmem>>
      %dma_start3A_1814 = tpu.memref_squeeze %dma_start3A_1813 : memref<1x4x128x32xf32, #tpu.memory_space<vmem>> -> memref<4x128x32xf32, #tpu.memory_space<vmem>>
      %dma_start3A_1815 = arith.constant 0 : i32
      %dma_start3A_1816 = arith.constant 0 : i32
      %dma_start3A_1817 = tpu.memref_slice %dma_start3A_1814[%dma_start3A_1808, %dma_start3A_1815, %dma_start3A_1816] : memref<4x128x32xf32, #tpu.memory_space<vmem>> -> memref<1x128x32xf32, #tpu.memory_space<vmem>>
      %dma_start3A_1818 = tpu.memref_squeeze %dma_start3A_1817 : memref<1x128x32xf32, #tpu.memory_space<vmem>> -> memref<128x32xf32, #tpu.memory_space<vmem>>
      %dma_start3A_1819 = arith.constant 96 : i32
      %dma_start3A_1820 = tpu.memref_slice %arg4[%add3A_1806, %dma_start3A_1819] : memref<819200x128xf32, #tpu.memory_space<hbm>> -> memref<128x32xf32, #tpu.memory_space<hbm>>
      %dma_start3A_1821 = tpu.memref_slice %arg10[%dma_start3A_1809] : memref<4x!tpu.dma_semaphore, #tpu.memory_space<semaphore_mem>> -> memref<1x!tpu.dma_semaphore, #tpu.memory_space<semaphore_mem>>
      %dma_start3A_1822 = tpu.memref_squeeze %dma_start3A_1821 : memref<1x!tpu.dma_semaphore, #tpu.memory_space<semaphore_mem>> -> memref<!tpu.dma_semaphore, #tpu.memory_space<semaphore_mem>>
      %dma_start3A_1823 = arith.constant 96 : i32
      %dma_start3A_1824 = tpu.memref_slice %arg4[%add3A_1806, %dma_start3A_1823] : memref<819200x128xf32, #tpu.memory_space<hbm>> -> memref<128x32xf32, #tpu.memory_space<hbm>>
      %dma_start3A_1825 = arith.constant 0 : i32
      %dma_start3A_1826 = arith.constant 0 : i32
      %dma_start3A_1827 = arith.constant 0 : i32
      %dma_start3A_1828 = tpu.memref_slice %arg7[%dma_start3A_1807, %dma_start3A_1825, %dma_start3A_1826, %dma_start3A_1827] : memref<4x4x128x32xf32, #tpu.memory_space<vmem>> -> memref<1x4x128x32xf32, #tpu.memory_space<vmem>>
      %dma_start3A_1829 = tpu.memref_squeeze %dma_start3A_1828 : memref<1x4x128x32xf32, #tpu.memory_space<vmem>> -> memref<4x128x32xf32, #tpu.memory_space<vmem>>
      %dma_start3A_1830 = arith.constant 0 : i32
      %dma_start3A_1831 = arith.constant 0 : i32
      %dma_start3A_1832 = tpu.memref_slice %dma_start3A_1829[%dma_start3A_1808, %dma_start3A_1830, %dma_start3A_1831] : memref<4x128x32xf32, #tpu.memory_space<vmem>> -> memref<1x128x32xf32, #tpu.memory_space<vmem>>
      %dma_start3A_1833 = tpu.memref_squeeze %dma_start3A_1832 : memref<1x128x32xf32, #tpu.memory_space<vmem>> -> memref<128x32xf32, #tpu.memory_space<vmem>>
      tpu.enqueue_dma source(%dma_start3A_1833 : memref<128x32xf32, #tpu.memory_space<vmem>>) target(%dma_start3A_1824 : memref<128x32xf32, #tpu.memory_space<hbm>>) target_semaphore(%dma_start3A_1822 : memref<!tpu.dma_semaphore, #tpu.memory_space<semaphore_mem>>)
      %add3A_1834 = arith.constant 4 : i32
      %add3A_1835 = arith.addi %mul3A_1196, %add3A_1834 : i32
      %add3A_1836 = arith.constant 3 : i32
      %add3A_1837 = arith.addi %add3A_1835, %add3A_1836 : i32
      %mul3A_1838 = arith.constant 128 : i32
      %mul3A_1839 = arith.muli %add3A_1837, %mul3A_1838 : i32
      %add3A_1840 = arith.addi %mul3A_4, %mul3A_1839 : i32
      %dma_start3A_1841 = arith.constant 3 : i32
      %dma_start3A_1842 = arith.constant 3 : i32
      %dma_start3A_1843 = arith.constant 0 : i32
      %dma_start3A_1844 = arith.constant 0 : i32
      %dma_start3A_1845 = tpu.memref_slice %arg6[%dma_start3A_1841, %dma_start3A_1843, %dma_start3A_1844] : memref<4x4x128xi32, #tpu.memory_space<vmem>> -> memref<1x4x128xi32, #tpu.memory_space<vmem>>
      %dma_start3A_1846 = tpu.memref_squeeze %dma_start3A_1845 : memref<1x4x128xi32, #tpu.memory_space<vmem>> -> memref<4x128xi32, #tpu.memory_space<vmem>>
      %dma_start3A_1847 = arith.constant 0 : i32
      %dma_start3A_1848 = tpu.memref_slice %arg2[%dma_start3A_1847, %add3A_1840] : memref<4x819200xi32, #tpu.memory_space<hbm>> -> memref<4x128xi32, #tpu.memory_space<hbm>>
      %dma_start3A_1849 = tpu.memref_slice %arg8[%dma_start3A_1842] : memref<4x!tpu.dma_semaphore, #tpu.memory_space<semaphore_mem>> -> memref<1x!tpu.dma_semaphore, #tpu.memory_space<semaphore_mem>>
      %dma_start3A_1850 = tpu.memref_squeeze %dma_start3A_1849 : memref<1x!tpu.dma_semaphore, #tpu.memory_space<semaphore_mem>> -> memref<!tpu.dma_semaphore, #tpu.memory_space<semaphore_mem>>
      %dma_start3A_1851 = arith.constant 0 : i32
      %dma_start3A_1852 = arith.constant 0 : i32
      %dma_start3A_1853 = tpu.memref_slice %arg6[%dma_start3A_1841, %dma_start3A_1851, %dma_start3A_1852] : memref<4x4x128xi32, #tpu.memory_space<vmem>> -> memref<1x4x128xi32, #tpu.memory_space<vmem>>
      %dma_start3A_1854 = tpu.memref_squeeze %dma_start3A_1853 : memref<1x4x128xi32, #tpu.memory_space<vmem>> -> memref<4x128xi32, #tpu.memory_space<vmem>>
      %dma_start3A_1855 = arith.constant 0 : i32
      %dma_start3A_1856 = tpu.memref_slice %arg2[%dma_start3A_1855, %add3A_1840] : memref<4x819200xi32, #tpu.memory_space<hbm>> -> memref<4x128xi32, #tpu.memory_space<hbm>>
      tpu.enqueue_dma source(%dma_start3A_1856 : memref<4x128xi32, #tpu.memory_space<hbm>>) target(%dma_start3A_1854 : memref<4x128xi32, #tpu.memory_space<vmem>>) target_semaphore(%dma_start3A_1850 : memref<!tpu.dma_semaphore, #tpu.memory_space<semaphore_mem>>)
      %dma_wait3A_1857 = arith.constant 0 : i32
      %dma_wait3A_1858 = arith.constant 0 : i32
      %dma_wait3A_1859 = arith.constant 0 : i32
      %dma_wait3A_1860 = arith.constant 0 : i32
      %dma_wait3A_1861 = arith.constant 0 : i32
      %dma_wait3A_1862 = tpu.memref_slice %arg7[%dma_wait3A_1857, %dma_wait3A_1859, %dma_wait3A_1860, %dma_wait3A_1861] : memref<4x4x128x32xf32, #tpu.memory_space<vmem>> -> memref<1x4x128x32xf32, #tpu.memory_space<vmem>>
      %dma_wait3A_1863 = tpu.memref_squeeze %dma_wait3A_1862 : memref<1x4x128x32xf32, #tpu.memory_space<vmem>> -> memref<4x128x32xf32, #tpu.memory_space<vmem>>
      %dma_wait3A_1864 = arith.constant 0 : i32
      %dma_wait3A_1865 = arith.constant 0 : i32
      %dma_wait3A_1866 = tpu.memref_slice %arg4[%dma_wait3A_1864, %dma_wait3A_1865] : memref<819200x128xf32, #tpu.memory_space<hbm>> -> memref<512x32xf32, #tpu.memory_space<hbm>>
      %dma_wait3A_1867 = tpu.memref_slice %arg10[%dma_wait3A_1858] : memref<4x!tpu.dma_semaphore, #tpu.memory_space<semaphore_mem>> -> memref<1x!tpu.dma_semaphore, #tpu.memory_space<semaphore_mem>>
      %dma_wait3A_1868 = tpu.memref_squeeze %dma_wait3A_1867 : memref<1x!tpu.dma_semaphore, #tpu.memory_space<semaphore_mem>> -> memref<!tpu.dma_semaphore, #tpu.memory_space<semaphore_mem>>
      %dma_wait3A_1869 = arith.constant 0 : i32
      %dma_wait3A_1870 = arith.constant 0 : i32
      %dma_wait3A_1871 = arith.constant 0 : i32
      %dma_wait3A_1872 = tpu.memref_slice %arg7[%dma_wait3A_1857, %dma_wait3A_1869, %dma_wait3A_1870, %dma_wait3A_1871] : memref<4x4x128x32xf32, #tpu.memory_space<vmem>> -> memref<1x4x128x32xf32, #tpu.memory_space<vmem>>
      %dma_wait3A_1873 = tpu.memref_squeeze %dma_wait3A_1872 : memref<1x4x128x32xf32, #tpu.memory_space<vmem>> -> memref<4x128x32xf32, #tpu.memory_space<vmem>>
      %dma_wait3A_1874 = arith.constant 0 : i32
      %dma_wait3A_1875 = arith.constant 0 : i32
      %dma_wait3A_1876 = tpu.memref_slice %arg4[%dma_wait3A_1874, %dma_wait3A_1875] : memref<819200x128xf32, #tpu.memory_space<hbm>> -> memref<512x32xf32, #tpu.memory_space<hbm>>
      tpu.wait_dma2 semaphore(%dma_wait3A_1868 : memref<!tpu.dma_semaphore, #tpu.memory_space<semaphore_mem>>) src(%dma_wait3A_1876 : memref<512x32xf32, #tpu.memory_space<hbm>>) dst(%dma_wait3A_1873 : memref<4x128x32xf32, #tpu.memory_space<vmem>>)
      %dma_wait3A_1877 = arith.constant 0 : i32
      %dma_wait3A_1878 = arith.constant 0 : i32
      %dma_wait3A_1879 = arith.constant 0 : i32
      %dma_wait3A_1880 = arith.constant 0 : i32
      %dma_wait3A_1881 = tpu.memref_slice %arg6[%dma_wait3A_1877, %dma_wait3A_1879, %dma_wait3A_1880] : memref<4x4x128xi32, #tpu.memory_space<vmem>> -> memref<1x4x128xi32, #tpu.memory_space<vmem>>
      %dma_wait3A_1882 = tpu.memref_squeeze %dma_wait3A_1881 : memref<1x4x128xi32, #tpu.memory_space<vmem>> -> memref<4x128xi32, #tpu.memory_space<vmem>>
      %dma_wait3A_1883 = arith.constant 0 : i32
      %dma_wait3A_1884 = arith.constant 0 : i32
      %dma_wait3A_1885 = tpu.memref_slice %arg2[%dma_wait3A_1883, %dma_wait3A_1884] : memref<4x819200xi32, #tpu.memory_space<hbm>> -> memref<4x128xi32, #tpu.memory_space<hbm>>
      %dma_wait3A_1886 = tpu.memref_slice %arg8[%dma_wait3A_1878] : memref<4x!tpu.dma_semaphore, #tpu.memory_space<semaphore_mem>> -> memref<1x!tpu.dma_semaphore, #tpu.memory_space<semaphore_mem>>
      %dma_wait3A_1887 = tpu.memref_squeeze %dma_wait3A_1886 : memref<1x!tpu.dma_semaphore, #tpu.memory_space<semaphore_mem>> -> memref<!tpu.dma_semaphore, #tpu.memory_space<semaphore_mem>>
      %dma_wait3A_1888 = arith.constant 0 : i32
      %dma_wait3A_1889 = arith.constant 0 : i32
      %dma_wait3A_1890 = tpu.memref_slice %arg6[%dma_wait3A_1877, %dma_wait3A_1888, %dma_wait3A_1889] : memref<4x4x128xi32, #tpu.memory_space<vmem>> -> memref<1x4x128xi32, #tpu.memory_space<vmem>>
      %dma_wait3A_1891 = tpu.memref_squeeze %dma_wait3A_1890 : memref<1x4x128xi32, #tpu.memory_space<vmem>> -> memref<4x128xi32, #tpu.memory_space<vmem>>
      %dma_wait3A_1892 = arith.constant 0 : i32
      %dma_wait3A_1893 = arith.constant 0 : i32
      %dma_wait3A_1894 = tpu.memref_slice %arg2[%dma_wait3A_1892, %dma_wait3A_1893] : memref<4x819200xi32, #tpu.memory_space<hbm>> -> memref<4x128xi32, #tpu.memory_space<hbm>>
      tpu.wait_dma2 semaphore(%dma_wait3A_1887 : memref<!tpu.dma_semaphore, #tpu.memory_space<semaphore_mem>>) src(%dma_wait3A_1894 : memref<4x128xi32, #tpu.memory_space<hbm>>) dst(%dma_wait3A_1891 : memref<4x128xi32, #tpu.memory_space<vmem>>)
      %dma_start3A_1895 = arith.constant 0 : i32
      %dma_start3A_1896 = arith.constant 0 : i32
      %dma_start3A_1897 = arith.constant 0 : i32
      %dma_start3A_1898 = arith.constant 0 : i32
      %dma_start3A_1899 = arith.constant 0 : i32
      %dma_start3A_1900 = arith.constant 0 : i32
      %dma_start3A_1901 = arith.constant 0 : i32
      %dma_start3A_1902 = arith.constant 0 : i32
      %dma_start3A_1903 = tpu.memref_slice %arg7[%dma_start3A_1897, %dma_start3A_1900, %dma_start3A_1901, %dma_start3A_1902] : memref<4x4x128x32xf32, #tpu.memory_space<vmem>> -> memref<1x4x128x32xf32, #tpu.memory_space<vmem>>
      %dma_start3A_1904 = tpu.memref_squeeze %dma_start3A_1903 : memref<1x4x128x32xf32, #tpu.memory_space<vmem>> -> memref<4x128x32xf32, #tpu.memory_space<vmem>>
      %dma_start3A_1905 = arith.constant 0 : i32
      %dma_start3A_1906 = arith.constant 0 : i32
      %dma_start3A_1907 = tpu.memref_slice %dma_start3A_1904[%dma_start3A_1898, %dma_start3A_1905, %dma_start3A_1906] : memref<4x128x32xf32, #tpu.memory_space<vmem>> -> memref<1x128x32xf32, #tpu.memory_space<vmem>>
      %dma_start3A_1908 = tpu.memref_squeeze %dma_start3A_1907 : memref<1x128x32xf32, #tpu.memory_space<vmem>> -> memref<128x32xf32, #tpu.memory_space<vmem>>
      %dma_start3A_1909 = arith.constant 0 : i32
      %dma_start3A_1910 = arith.constant 0 : i32
      %dma_start3A_1911 = tpu.memref_slice %arg6[%dma_start3A_1895, %dma_start3A_1909, %dma_start3A_1910] : memref<4x4x128xi32, #tpu.memory_space<vmem>> -> memref<1x4x128xi32, #tpu.memory_space<vmem>>
      %dma_start3A_1912 = tpu.memref_squeeze %dma_start3A_1911 : memref<1x4x128xi32, #tpu.memory_space<vmem>> -> memref<4x128xi32, #tpu.memory_space<vmem>>
      %dma_start3A_1913 = arith.constant 0 : i32
      %dma_start3A_1914 = tpu.memref_slice %dma_start3A_1912[%dma_start3A_1896, %dma_start3A_1913] : memref<4x128xi32, #tpu.memory_space<vmem>> -> memref<1x128xi32, #tpu.memory_space<vmem>>
      %dma_start3A_1915 = tpu.memref_squeeze %dma_start3A_1914 : memref<1x128xi32, #tpu.memory_space<vmem>> -> memref<128xi32, #tpu.memory_space<vmem>>
      %dma_start3A_1916 = arith.constant 0 : i32
      %dma_start3A_1917 = arith.constant 0 : i32
      %dma_start3A_1918 = tpu.memref_slice %arg5[%dma_start3A_1916, %dma_start3A_1917] : memref<133x32xf32, #tpu.memory_space<vmem_shared>> -> memref<133x32xf32, #tpu.memory_space<vmem_shared>>
      %dma_start3A_1919 = tpu.memref_slice %arg9[%dma_start3A_1899] : memref<4x!tpu.dma_semaphore, #tpu.memory_space<semaphore_mem>> -> memref<1x!tpu.dma_semaphore, #tpu.memory_space<semaphore_mem>>
      %dma_start3A_1920 = tpu.memref_squeeze %dma_start3A_1919 : memref<1x!tpu.dma_semaphore, #tpu.memory_space<semaphore_mem>> -> memref<!tpu.dma_semaphore, #tpu.memory_space<semaphore_mem>>
      tpu.enqueue_indirect_dma source(%dma_start3A_1918 : memref<133x32xf32, #tpu.memory_space<vmem_shared>>) target(%dma_start3A_1908 : memref<128x32xf32, #tpu.memory_space<vmem>>) offsets(%dma_start3A_1915 : memref<128xi32, #tpu.memory_space<vmem>>) semaphore(%dma_start3A_1920 : memref<!tpu.dma_semaphore, #tpu.memory_space<semaphore_mem>>)
      %dma_start3A_1921 = arith.constant 0 : i32
      %dma_start3A_1922 = arith.constant 1 : i32
      %dma_start3A_1923 = arith.constant 0 : i32
      %dma_start3A_1924 = arith.constant 1 : i32
      %dma_start3A_1925 = arith.constant 0 : i32
      %dma_start3A_1926 = arith.constant 0 : i32
      %dma_start3A_1927 = arith.constant 0 : i32
      %dma_start3A_1928 = arith.constant 0 : i32
      %dma_start3A_1929 = tpu.memref_slice %arg7[%dma_start3A_1923, %dma_start3A_1926, %dma_start3A_1927, %dma_start3A_1928] : memref<4x4x128x32xf32, #tpu.memory_space<vmem>> -> memref<1x4x128x32xf32, #tpu.memory_space<vmem>>
      %dma_start3A_1930 = tpu.memref_squeeze %dma_start3A_1929 : memref<1x4x128x32xf32, #tpu.memory_space<vmem>> -> memref<4x128x32xf32, #tpu.memory_space<vmem>>
      %dma_start3A_1931 = arith.constant 0 : i32
      %dma_start3A_1932 = arith.constant 0 : i32
      %dma_start3A_1933 = tpu.memref_slice %dma_start3A_1930[%dma_start3A_1924, %dma_start3A_1931, %dma_start3A_1932] : memref<4x128x32xf32, #tpu.memory_space<vmem>> -> memref<1x128x32xf32, #tpu.memory_space<vmem>>
      %dma_start3A_1934 = tpu.memref_squeeze %dma_start3A_1933 : memref<1x128x32xf32, #tpu.memory_space<vmem>> -> memref<128x32xf32, #tpu.memory_space<vmem>>
      %dma_start3A_1935 = arith.constant 0 : i32
      %dma_start3A_1936 = arith.constant 0 : i32
      %dma_start3A_1937 = tpu.memref_slice %arg6[%dma_start3A_1921, %dma_start3A_1935, %dma_start3A_1936] : memref<4x4x128xi32, #tpu.memory_space<vmem>> -> memref<1x4x128xi32, #tpu.memory_space<vmem>>
      %dma_start3A_1938 = tpu.memref_squeeze %dma_start3A_1937 : memref<1x4x128xi32, #tpu.memory_space<vmem>> -> memref<4x128xi32, #tpu.memory_space<vmem>>
      %dma_start3A_1939 = arith.constant 0 : i32
      %dma_start3A_1940 = tpu.memref_slice %dma_start3A_1938[%dma_start3A_1922, %dma_start3A_1939] : memref<4x128xi32, #tpu.memory_space<vmem>> -> memref<1x128xi32, #tpu.memory_space<vmem>>
      %dma_start3A_1941 = tpu.memref_squeeze %dma_start3A_1940 : memref<1x128xi32, #tpu.memory_space<vmem>> -> memref<128xi32, #tpu.memory_space<vmem>>
      %dma_start3A_1942 = arith.constant 0 : i32
      %dma_start3A_1943 = arith.constant 0 : i32
      %dma_start3A_1944 = tpu.memref_slice %arg5[%dma_start3A_1942, %dma_start3A_1943] : memref<133x32xf32, #tpu.memory_space<vmem_shared>> -> memref<133x32xf32, #tpu.memory_space<vmem_shared>>
      %dma_start3A_1945 = tpu.memref_slice %arg9[%dma_start3A_1925] : memref<4x!tpu.dma_semaphore, #tpu.memory_space<semaphore_mem>> -> memref<1x!tpu.dma_semaphore, #tpu.memory_space<semaphore_mem>>
      %dma_start3A_1946 = tpu.memref_squeeze %dma_start3A_1945 : memref<1x!tpu.dma_semaphore, #tpu.memory_space<semaphore_mem>> -> memref<!tpu.dma_semaphore, #tpu.memory_space<semaphore_mem>>
      tpu.enqueue_indirect_dma source(%dma_start3A_1944 : memref<133x32xf32, #tpu.memory_space<vmem_shared>>) target(%dma_start3A_1934 : memref<128x32xf32, #tpu.memory_space<vmem>>) offsets(%dma_start3A_1941 : memref<128xi32, #tpu.memory_space<vmem>>) semaphore(%dma_start3A_1946 : memref<!tpu.dma_semaphore, #tpu.memory_space<semaphore_mem>>)
      %dma_start3A_1947 = arith.constant 0 : i32
      %dma_start3A_1948 = arith.constant 2 : i32
      %dma_start3A_1949 = arith.constant 0 : i32
      %dma_start3A_1950 = arith.constant 2 : i32
      %dma_start3A_1951 = arith.constant 0 : i32
      %dma_start3A_1952 = arith.constant 0 : i32
      %dma_start3A_1953 = arith.constant 0 : i32
      %dma_start3A_1954 = arith.constant 0 : i32
      %dma_start3A_1955 = tpu.memref_slice %arg7[%dma_start3A_1949, %dma_start3A_1952, %dma_start3A_1953, %dma_start3A_1954] : memref<4x4x128x32xf32, #tpu.memory_space<vmem>> -> memref<1x4x128x32xf32, #tpu.memory_space<vmem>>
      %dma_start3A_1956 = tpu.memref_squeeze %dma_start3A_1955 : memref<1x4x128x32xf32, #tpu.memory_space<vmem>> -> memref<4x128x32xf32, #tpu.memory_space<vmem>>
      %dma_start3A_1957 = arith.constant 0 : i32
      %dma_start3A_1958 = arith.constant 0 : i32
      %dma_start3A_1959 = tpu.memref_slice %dma_start3A_1956[%dma_start3A_1950, %dma_start3A_1957, %dma_start3A_1958] : memref<4x128x32xf32, #tpu.memory_space<vmem>> -> memref<1x128x32xf32, #tpu.memory_space<vmem>>
      %dma_start3A_1960 = tpu.memref_squeeze %dma_start3A_1959 : memref<1x128x32xf32, #tpu.memory_space<vmem>> -> memref<128x32xf32, #tpu.memory_space<vmem>>
      %dma_start3A_1961 = arith.constant 0 : i32
      %dma_start3A_1962 = arith.constant 0 : i32
      %dma_start3A_1963 = tpu.memref_slice %arg6[%dma_start3A_1947, %dma_start3A_1961, %dma_start3A_1962] : memref<4x4x128xi32, #tpu.memory_space<vmem>> -> memref<1x4x128xi32, #tpu.memory_space<vmem>>
      %dma_start3A_1964 = tpu.memref_squeeze %dma_start3A_1963 : memref<1x4x128xi32, #tpu.memory_space<vmem>> -> memref<4x128xi32, #tpu.memory_space<vmem>>
      %dma_start3A_1965 = arith.constant 0 : i32
      %dma_start3A_1966 = tpu.memref_slice %dma_start3A_1964[%dma_start3A_1948, %dma_start3A_1965] : memref<4x128xi32, #tpu.memory_space<vmem>> -> memref<1x128xi32, #tpu.memory_space<vmem>>
      %dma_start3A_1967 = tpu.memref_squeeze %dma_start3A_1966 : memref<1x128xi32, #tpu.memory_space<vmem>> -> memref<128xi32, #tpu.memory_space<vmem>>
      %dma_start3A_1968 = arith.constant 0 : i32
      %dma_start3A_1969 = arith.constant 0 : i32
      %dma_start3A_1970 = tpu.memref_slice %arg5[%dma_start3A_1968, %dma_start3A_1969] : memref<133x32xf32, #tpu.memory_space<vmem_shared>> -> memref<133x32xf32, #tpu.memory_space<vmem_shared>>
      %dma_start3A_1971 = tpu.memref_slice %arg9[%dma_start3A_1951] : memref<4x!tpu.dma_semaphore, #tpu.memory_space<semaphore_mem>> -> memref<1x!tpu.dma_semaphore, #tpu.memory_space<semaphore_mem>>
      %dma_start3A_1972 = tpu.memref_squeeze %dma_start3A_1971 : memref<1x!tpu.dma_semaphore, #tpu.memory_space<semaphore_mem>> -> memref<!tpu.dma_semaphore, #tpu.memory_space<semaphore_mem>>
      tpu.enqueue_indirect_dma source(%dma_start3A_1970 : memref<133x32xf32, #tpu.memory_space<vmem_shared>>) target(%dma_start3A_1960 : memref<128x32xf32, #tpu.memory_space<vmem>>) offsets(%dma_start3A_1967 : memref<128xi32, #tpu.memory_space<vmem>>) semaphore(%dma_start3A_1972 : memref<!tpu.dma_semaphore, #tpu.memory_space<semaphore_mem>>)
      %dma_start3A_1973 = arith.constant 0 : i32
      %dma_start3A_1974 = arith.constant 3 : i32
      %dma_start3A_1975 = arith.constant 0 : i32
      %dma_start3A_1976 = arith.constant 3 : i32
      %dma_start3A_1977 = arith.constant 0 : i32
      %dma_start3A_1978 = arith.constant 0 : i32
      %dma_start3A_1979 = arith.constant 0 : i32
      %dma_start3A_1980 = arith.constant 0 : i32
      %dma_start3A_1981 = tpu.memref_slice %arg7[%dma_start3A_1975, %dma_start3A_1978, %dma_start3A_1979, %dma_start3A_1980] : memref<4x4x128x32xf32, #tpu.memory_space<vmem>> -> memref<1x4x128x32xf32, #tpu.memory_space<vmem>>
      %dma_start3A_1982 = tpu.memref_squeeze %dma_start3A_1981 : memref<1x4x128x32xf32, #tpu.memory_space<vmem>> -> memref<4x128x32xf32, #tpu.memory_space<vmem>>
      %dma_start3A_1983 = arith.constant 0 : i32
      %dma_start3A_1984 = arith.constant 0 : i32
      %dma_start3A_1985 = tpu.memref_slice %dma_start3A_1982[%dma_start3A_1976, %dma_start3A_1983, %dma_start3A_1984] : memref<4x128x32xf32, #tpu.memory_space<vmem>> -> memref<1x128x32xf32, #tpu.memory_space<vmem>>
      %dma_start3A_1986 = tpu.memref_squeeze %dma_start3A_1985 : memref<1x128x32xf32, #tpu.memory_space<vmem>> -> memref<128x32xf32, #tpu.memory_space<vmem>>
      %dma_start3A_1987 = arith.constant 0 : i32
      %dma_start3A_1988 = arith.constant 0 : i32
      %dma_start3A_1989 = tpu.memref_slice %arg6[%dma_start3A_1973, %dma_start3A_1987, %dma_start3A_1988] : memref<4x4x128xi32, #tpu.memory_space<vmem>> -> memref<1x4x128xi32, #tpu.memory_space<vmem>>
      %dma_start3A_1990 = tpu.memref_squeeze %dma_start3A_1989 : memref<1x4x128xi32, #tpu.memory_space<vmem>> -> memref<4x128xi32, #tpu.memory_space<vmem>>
      %dma_start3A_1991 = arith.constant 0 : i32
      %dma_start3A_1992 = tpu.memref_slice %dma_start3A_1990[%dma_start3A_1974, %dma_start3A_1991] : memref<4x128xi32, #tpu.memory_space<vmem>> -> memref<1x128xi32, #tpu.memory_space<vmem>>
      %dma_start3A_1993 = tpu.memref_squeeze %dma_start3A_1992 : memref<1x128xi32, #tpu.memory_space<vmem>> -> memref<128xi32, #tpu.memory_space<vmem>>
      %dma_start3A_1994 = arith.constant 0 : i32
      %dma_start3A_1995 = arith.constant 0 : i32
      %dma_start3A_1996 = tpu.memref_slice %arg5[%dma_start3A_1994, %dma_start3A_1995] : memref<133x32xf32, #tpu.memory_space<vmem_shared>> -> memref<133x32xf32, #tpu.memory_space<vmem_shared>>
      %dma_start3A_1997 = tpu.memref_slice %arg9[%dma_start3A_1977] : memref<4x!tpu.dma_semaphore, #tpu.memory_space<semaphore_mem>> -> memref<1x!tpu.dma_semaphore, #tpu.memory_space<semaphore_mem>>
      %dma_start3A_1998 = tpu.memref_squeeze %dma_start3A_1997 : memref<1x!tpu.dma_semaphore, #tpu.memory_space<semaphore_mem>> -> memref<!tpu.dma_semaphore, #tpu.memory_space<semaphore_mem>>
      tpu.enqueue_indirect_dma source(%dma_start3A_1996 : memref<133x32xf32, #tpu.memory_space<vmem_shared>>) target(%dma_start3A_1986 : memref<128x32xf32, #tpu.memory_space<vmem>>) offsets(%dma_start3A_1993 : memref<128xi32, #tpu.memory_space<vmem>>) semaphore(%dma_start3A_1998 : memref<!tpu.dma_semaphore, #tpu.memory_space<semaphore_mem>>)
      %dma_wait3A_1999 = arith.constant 1 : i32
      %dma_wait3A_2000 = arith.constant 1 : i32
      %dma_wait3A_2001 = arith.constant 0 : i32
      %dma_wait3A_2002 = arith.constant 0 : i32
      %dma_wait3A_2003 = arith.constant 0 : i32
      %dma_wait3A_2004 = tpu.memref_slice %arg7[%dma_wait3A_1999, %dma_wait3A_2001, %dma_wait3A_2002, %dma_wait3A_2003] : memref<4x4x128x32xf32, #tpu.memory_space<vmem>> -> memref<1x4x128x32xf32, #tpu.memory_space<vmem>>
      %dma_wait3A_2005 = tpu.memref_squeeze %dma_wait3A_2004 : memref<1x4x128x32xf32, #tpu.memory_space<vmem>> -> memref<4x128x32xf32, #tpu.memory_space<vmem>>
      %dma_wait3A_2006 = arith.constant 0 : i32
      %dma_wait3A_2007 = arith.constant 0 : i32
      %dma_wait3A_2008 = tpu.memref_slice %arg4[%dma_wait3A_2006, %dma_wait3A_2007] : memref<819200x128xf32, #tpu.memory_space<hbm>> -> memref<512x32xf32, #tpu.memory_space<hbm>>
      %dma_wait3A_2009 = tpu.memref_slice %arg10[%dma_wait3A_2000] : memref<4x!tpu.dma_semaphore, #tpu.memory_space<semaphore_mem>> -> memref<1x!tpu.dma_semaphore, #tpu.memory_space<semaphore_mem>>
      %dma_wait3A_2010 = tpu.memref_squeeze %dma_wait3A_2009 : memref<1x!tpu.dma_semaphore, #tpu.memory_space<semaphore_mem>> -> memref<!tpu.dma_semaphore, #tpu.memory_space<semaphore_mem>>
      %dma_wait3A_2011 = arith.constant 0 : i32
      %dma_wait3A_2012 = arith.constant 0 : i32
      %dma_wait3A_2013 = arith.constant 0 : i32
      %dma_wait3A_2014 = tpu.memref_slice %arg7[%dma_wait3A_1999, %dma_wait3A_2011, %dma_wait3A_2012, %dma_wait3A_2013] : memref<4x4x128x32xf32, #tpu.memory_space<vmem>> -> memref<1x4x128x32xf32, #tpu.memory_space<vmem>>
      %dma_wait3A_2015 = tpu.memref_squeeze %dma_wait3A_2014 : memref<1x4x128x32xf32, #tpu.memory_space<vmem>> -> memref<4x128x32xf32, #tpu.memory_space<vmem>>
      %dma_wait3A_2016 = arith.constant 0 : i32
      %dma_wait3A_2017 = arith.constant 0 : i32
      %dma_wait3A_2018 = tpu.memref_slice %arg4[%dma_wait3A_2016, %dma_wait3A_2017] : memref<819200x128xf32, #tpu.memory_space<hbm>> -> memref<512x32xf32, #tpu.memory_space<hbm>>
      tpu.wait_dma2 semaphore(%dma_wait3A_2010 : memref<!tpu.dma_semaphore, #tpu.memory_space<semaphore_mem>>) src(%dma_wait3A_2018 : memref<512x32xf32, #tpu.memory_space<hbm>>) dst(%dma_wait3A_2015 : memref<4x128x32xf32, #tpu.memory_space<vmem>>)
      %dma_wait3A_2019 = arith.constant 1 : i32
      %dma_wait3A_2020 = arith.constant 1 : i32
      %dma_wait3A_2021 = arith.constant 0 : i32
      %dma_wait3A_2022 = arith.constant 0 : i32
      %dma_wait3A_2023 = tpu.memref_slice %arg6[%dma_wait3A_2019, %dma_wait3A_2021, %dma_wait3A_2022] : memref<4x4x128xi32, #tpu.memory_space<vmem>> -> memref<1x4x128xi32, #tpu.memory_space<vmem>>
      %dma_wait3A_2024 = tpu.memref_squeeze %dma_wait3A_2023 : memref<1x4x128xi32, #tpu.memory_space<vmem>> -> memref<4x128xi32, #tpu.memory_space<vmem>>
      %dma_wait3A_2025 = arith.constant 0 : i32
      %dma_wait3A_2026 = arith.constant 0 : i32
      %dma_wait3A_2027 = tpu.memref_slice %arg2[%dma_wait3A_2025, %dma_wait3A_2026] : memref<4x819200xi32, #tpu.memory_space<hbm>> -> memref<4x128xi32, #tpu.memory_space<hbm>>
      %dma_wait3A_2028 = tpu.memref_slice %arg8[%dma_wait3A_2020] : memref<4x!tpu.dma_semaphore, #tpu.memory_space<semaphore_mem>> -> memref<1x!tpu.dma_semaphore, #tpu.memory_space<semaphore_mem>>
      %dma_wait3A_2029 = tpu.memref_squeeze %dma_wait3A_2028 : memref<1x!tpu.dma_semaphore, #tpu.memory_space<semaphore_mem>> -> memref<!tpu.dma_semaphore, #tpu.memory_space<semaphore_mem>>
      %dma_wait3A_2030 = arith.constant 0 : i32
      %dma_wait3A_2031 = arith.constant 0 : i32
      %dma_wait3A_2032 = tpu.memref_slice %arg6[%dma_wait3A_2019, %dma_wait3A_2030, %dma_wait3A_2031] : memref<4x4x128xi32, #tpu.memory_space<vmem>> -> memref<1x4x128xi32, #tpu.memory_space<vmem>>
      %dma_wait3A_2033 = tpu.memref_squeeze %dma_wait3A_2032 : memref<1x4x128xi32, #tpu.memory_space<vmem>> -> memref<4x128xi32, #tpu.memory_space<vmem>>
      %dma_wait3A_2034 = arith.constant 0 : i32
      %dma_wait3A_2035 = arith.constant 0 : i32
      %dma_wait3A_2036 = tpu.memref_slice %arg2[%dma_wait3A_2034, %dma_wait3A_2035] : memref<4x819200xi32, #tpu.memory_space<hbm>> -> memref<4x128xi32, #tpu.memory_space<hbm>>
      tpu.wait_dma2 semaphore(%dma_wait3A_2029 : memref<!tpu.dma_semaphore, #tpu.memory_space<semaphore_mem>>) src(%dma_wait3A_2036 : memref<4x128xi32, #tpu.memory_space<hbm>>) dst(%dma_wait3A_2033 : memref<4x128xi32, #tpu.memory_space<vmem>>)
      %dma_start3A_2037 = arith.constant 1 : i32
      %dma_start3A_2038 = arith.constant 0 : i32
      %dma_start3A_2039 = arith.constant 1 : i32
      %dma_start3A_2040 = arith.constant 0 : i32
      %dma_start3A_2041 = arith.constant 1 : i32
      %dma_start3A_2042 = arith.constant 0 : i32
      %dma_start3A_2043 = arith.constant 0 : i32
      %dma_start3A_2044 = arith.constant 0 : i32
      %dma_start3A_2045 = tpu.memref_slice %arg7[%dma_start3A_2039, %dma_start3A_2042, %dma_start3A_2043, %dma_start3A_2044] : memref<4x4x128x32xf32, #tpu.memory_space<vmem>> -> memref<1x4x128x32xf32, #tpu.memory_space<vmem>>
      %dma_start3A_2046 = tpu.memref_squeeze %dma_start3A_2045 : memref<1x4x128x32xf32, #tpu.memory_space<vmem>> -> memref<4x128x32xf32, #tpu.memory_space<vmem>>
      %dma_start3A_2047 = arith.constant 0 : i32
      %dma_start3A_2048 = arith.constant 0 : i32
      %dma_start3A_2049 = tpu.memref_slice %dma_start3A_2046[%dma_start3A_2040, %dma_start3A_2047, %dma_start3A_2048] : memref<4x128x32xf32, #tpu.memory_space<vmem>> -> memref<1x128x32xf32, #tpu.memory_space<vmem>>
      %dma_start3A_2050 = tpu.memref_squeeze %dma_start3A_2049 : memref<1x128x32xf32, #tpu.memory_space<vmem>> -> memref<128x32xf32, #tpu.memory_space<vmem>>
      %dma_start3A_2051 = arith.constant 0 : i32
      %dma_start3A_2052 = arith.constant 0 : i32
      %dma_start3A_2053 = tpu.memref_slice %arg6[%dma_start3A_2037, %dma_start3A_2051, %dma_start3A_2052] : memref<4x4x128xi32, #tpu.memory_space<vmem>> -> memref<1x4x128xi32, #tpu.memory_space<vmem>>
      %dma_start3A_2054 = tpu.memref_squeeze %dma_start3A_2053 : memref<1x4x128xi32, #tpu.memory_space<vmem>> -> memref<4x128xi32, #tpu.memory_space<vmem>>
      %dma_start3A_2055 = arith.constant 0 : i32
      %dma_start3A_2056 = tpu.memref_slice %dma_start3A_2054[%dma_start3A_2038, %dma_start3A_2055] : memref<4x128xi32, #tpu.memory_space<vmem>> -> memref<1x128xi32, #tpu.memory_space<vmem>>
      %dma_start3A_2057 = tpu.memref_squeeze %dma_start3A_2056 : memref<1x128xi32, #tpu.memory_space<vmem>> -> memref<128xi32, #tpu.memory_space<vmem>>
      %dma_start3A_2058 = arith.constant 0 : i32
      %dma_start3A_2059 = arith.constant 0 : i32
      %dma_start3A_2060 = tpu.memref_slice %arg5[%dma_start3A_2058, %dma_start3A_2059] : memref<133x32xf32, #tpu.memory_space<vmem_shared>> -> memref<133x32xf32, #tpu.memory_space<vmem_shared>>
      %dma_start3A_2061 = tpu.memref_slice %arg9[%dma_start3A_2041] : memref<4x!tpu.dma_semaphore, #tpu.memory_space<semaphore_mem>> -> memref<1x!tpu.dma_semaphore, #tpu.memory_space<semaphore_mem>>
      %dma_start3A_2062 = tpu.memref_squeeze %dma_start3A_2061 : memref<1x!tpu.dma_semaphore, #tpu.memory_space<semaphore_mem>> -> memref<!tpu.dma_semaphore, #tpu.memory_space<semaphore_mem>>
      tpu.enqueue_indirect_dma source(%dma_start3A_2060 : memref<133x32xf32, #tpu.memory_space<vmem_shared>>) target(%dma_start3A_2050 : memref<128x32xf32, #tpu.memory_space<vmem>>) offsets(%dma_start3A_2057 : memref<128xi32, #tpu.memory_space<vmem>>) semaphore(%dma_start3A_2062 : memref<!tpu.dma_semaphore, #tpu.memory_space<semaphore_mem>>)
      %dma_start3A_2063 = arith.constant 1 : i32
      %dma_start3A_2064 = arith.constant 1 : i32
      %dma_start3A_2065 = arith.constant 1 : i32
      %dma_start3A_2066 = arith.constant 1 : i32
      %dma_start3A_2067 = arith.constant 1 : i32
      %dma_start3A_2068 = arith.constant 0 : i32
      %dma_start3A_2069 = arith.constant 0 : i32
      %dma_start3A_2070 = arith.constant 0 : i32
      %dma_start3A_2071 = tpu.memref_slice %arg7[%dma_start3A_2065, %dma_start3A_2068, %dma_start3A_2069, %dma_start3A_2070] : memref<4x4x128x32xf32, #tpu.memory_space<vmem>> -> memref<1x4x128x32xf32, #tpu.memory_space<vmem>>
      %dma_start3A_2072 = tpu.memref_squeeze %dma_start3A_2071 : memref<1x4x128x32xf32, #tpu.memory_space<vmem>> -> memref<4x128x32xf32, #tpu.memory_space<vmem>>
      %dma_start3A_2073 = arith.constant 0 : i32
      %dma_start3A_2074 = arith.constant 0 : i32
      %dma_start3A_2075 = tpu.memref_slice %dma_start3A_2072[%dma_start3A_2066, %dma_start3A_2073, %dma_start3A_2074] : memref<4x128x32xf32, #tpu.memory_space<vmem>> -> memref<1x128x32xf32, #tpu.memory_space<vmem>>
      %dma_start3A_2076 = tpu.memref_squeeze %dma_start3A_2075 : memref<1x128x32xf32, #tpu.memory_space<vmem>> -> memref<128x32xf32, #tpu.memory_space<vmem>>
      %dma_start3A_2077 = arith.constant 0 : i32
      %dma_start3A_2078 = arith.constant 0 : i32
      %dma_start3A_2079 = tpu.memref_slice %arg6[%dma_start3A_2063, %dma_start3A_2077, %dma_start3A_2078] : memref<4x4x128xi32, #tpu.memory_space<vmem>> -> memref<1x4x128xi32, #tpu.memory_space<vmem>>
      %dma_start3A_2080 = tpu.memref_squeeze %dma_start3A_2079 : memref<1x4x128xi32, #tpu.memory_space<vmem>> -> memref<4x128xi32, #tpu.memory_space<vmem>>
      %dma_start3A_2081 = arith.constant 0 : i32
      %dma_start3A_2082 = tpu.memref_slice %dma_start3A_2080[%dma_start3A_2064, %dma_start3A_2081] : memref<4x128xi32, #tpu.memory_space<vmem>> -> memref<1x128xi32, #tpu.memory_space<vmem>>
      %dma_start3A_2083 = tpu.memref_squeeze %dma_start3A_2082 : memref<1x128xi32, #tpu.memory_space<vmem>> -> memref<128xi32, #tpu.memory_space<vmem>>
      %dma_start3A_2084 = arith.constant 0 : i32
      %dma_start3A_2085 = arith.constant 0 : i32
      %dma_start3A_2086 = tpu.memref_slice %arg5[%dma_start3A_2084, %dma_start3A_2085] : memref<133x32xf32, #tpu.memory_space<vmem_shared>> -> memref<133x32xf32, #tpu.memory_space<vmem_shared>>
      %dma_start3A_2087 = tpu.memref_slice %arg9[%dma_start3A_2067] : memref<4x!tpu.dma_semaphore, #tpu.memory_space<semaphore_mem>> -> memref<1x!tpu.dma_semaphore, #tpu.memory_space<semaphore_mem>>
      %dma_start3A_2088 = tpu.memref_squeeze %dma_start3A_2087 : memref<1x!tpu.dma_semaphore, #tpu.memory_space<semaphore_mem>> -> memref<!tpu.dma_semaphore, #tpu.memory_space<semaphore_mem>>
      tpu.enqueue_indirect_dma source(%dma_start3A_2086 : memref<133x32xf32, #tpu.memory_space<vmem_shared>>) target(%dma_start3A_2076 : memref<128x32xf32, #tpu.memory_space<vmem>>) offsets(%dma_start3A_2083 : memref<128xi32, #tpu.memory_space<vmem>>) semaphore(%dma_start3A_2088 : memref<!tpu.dma_semaphore, #tpu.memory_space<semaphore_mem>>)
      %dma_start3A_2089 = arith.constant 1 : i32
      %dma_start3A_2090 = arith.constant 2 : i32
      %dma_start3A_2091 = arith.constant 1 : i32
      %dma_start3A_2092 = arith.constant 2 : i32
      %dma_start3A_2093 = arith.constant 1 : i32
      %dma_start3A_2094 = arith.constant 0 : i32
      %dma_start3A_2095 = arith.constant 0 : i32
      %dma_start3A_2096 = arith.constant 0 : i32
      %dma_start3A_2097 = tpu.memref_slice %arg7[%dma_start3A_2091, %dma_start3A_2094, %dma_start3A_2095, %dma_start3A_2096] : memref<4x4x128x32xf32, #tpu.memory_space<vmem>> -> memref<1x4x128x32xf32, #tpu.memory_space<vmem>>
      %dma_start3A_2098 = tpu.memref_squeeze %dma_start3A_2097 : memref<1x4x128x32xf32, #tpu.memory_space<vmem>> -> memref<4x128x32xf32, #tpu.memory_space<vmem>>
      %dma_start3A_2099 = arith.constant 0 : i32
      %dma_start3A_2100 = arith.constant 0 : i32
      %dma_start3A_2101 = tpu.memref_slice %dma_start3A_2098[%dma_start3A_2092, %dma_start3A_2099, %dma_start3A_2100] : memref<4x128x32xf32, #tpu.memory_space<vmem>> -> memref<1x128x32xf32, #tpu.memory_space<vmem>>
      %dma_start3A_2102 = tpu.memref_squeeze %dma_start3A_2101 : memref<1x128x32xf32, #tpu.memory_space<vmem>> -> memref<128x32xf32, #tpu.memory_space<vmem>>
      %dma_start3A_2103 = arith.constant 0 : i32
      %dma_start3A_2104 = arith.constant 0 : i32
      %dma_start3A_2105 = tpu.memref_slice %arg6[%dma_start3A_2089, %dma_start3A_2103, %dma_start3A_2104] : memref<4x4x128xi32, #tpu.memory_space<vmem>> -> memref<1x4x128xi32, #tpu.memory_space<vmem>>
      %dma_start3A_2106 = tpu.memref_squeeze %dma_start3A_2105 : memref<1x4x128xi32, #tpu.memory_space<vmem>> -> memref<4x128xi32, #tpu.memory_space<vmem>>
      %dma_start3A_2107 = arith.constant 0 : i32
      %dma_start3A_2108 = tpu.memref_slice %dma_start3A_2106[%dma_start3A_2090, %dma_start3A_2107] : memref<4x128xi32, #tpu.memory_space<vmem>> -> memref<1x128xi32, #tpu.memory_space<vmem>>
      %dma_start3A_2109 = tpu.memref_squeeze %dma_start3A_2108 : memref<1x128xi32, #tpu.memory_space<vmem>> -> memref<128xi32, #tpu.memory_space<vmem>>
      %dma_start3A_2110 = arith.constant 0 : i32
      %dma_start3A_2111 = arith.constant 0 : i32
      %dma_start3A_2112 = tpu.memref_slice %arg5[%dma_start3A_2110, %dma_start3A_2111] : memref<133x32xf32, #tpu.memory_space<vmem_shared>> -> memref<133x32xf32, #tpu.memory_space<vmem_shared>>
      %dma_start3A_2113 = tpu.memref_slice %arg9[%dma_start3A_2093] : memref<4x!tpu.dma_semaphore, #tpu.memory_space<semaphore_mem>> -> memref<1x!tpu.dma_semaphore, #tpu.memory_space<semaphore_mem>>
      %dma_start3A_2114 = tpu.memref_squeeze %dma_start3A_2113 : memref<1x!tpu.dma_semaphore, #tpu.memory_space<semaphore_mem>> -> memref<!tpu.dma_semaphore, #tpu.memory_space<semaphore_mem>>
      tpu.enqueue_indirect_dma source(%dma_start3A_2112 : memref<133x32xf32, #tpu.memory_space<vmem_shared>>) target(%dma_start3A_2102 : memref<128x32xf32, #tpu.memory_space<vmem>>) offsets(%dma_start3A_2109 : memref<128xi32, #tpu.memory_space<vmem>>) semaphore(%dma_start3A_2114 : memref<!tpu.dma_semaphore, #tpu.memory_space<semaphore_mem>>)
      %dma_start3A_2115 = arith.constant 1 : i32
      %dma_start3A_2116 = arith.constant 3 : i32
      %dma_start3A_2117 = arith.constant 1 : i32
      %dma_start3A_2118 = arith.constant 3 : i32
      %dma_start3A_2119 = arith.constant 1 : i32
      %dma_start3A_2120 = arith.constant 0 : i32
      %dma_start3A_2121 = arith.constant 0 : i32
      %dma_start3A_2122 = arith.constant 0 : i32
      %dma_start3A_2123 = tpu.memref_slice %arg7[%dma_start3A_2117, %dma_start3A_2120, %dma_start3A_2121, %dma_start3A_2122] : memref<4x4x128x32xf32, #tpu.memory_space<vmem>> -> memref<1x4x128x32xf32, #tpu.memory_space<vmem>>
      %dma_start3A_2124 = tpu.memref_squeeze %dma_start3A_2123 : memref<1x4x128x32xf32, #tpu.memory_space<vmem>> -> memref<4x128x32xf32, #tpu.memory_space<vmem>>
      %dma_start3A_2125 = arith.constant 0 : i32
      %dma_start3A_2126 = arith.constant 0 : i32
      %dma_start3A_2127 = tpu.memref_slice %dma_start3A_2124[%dma_start3A_2118, %dma_start3A_2125, %dma_start3A_2126] : memref<4x128x32xf32, #tpu.memory_space<vmem>> -> memref<1x128x32xf32, #tpu.memory_space<vmem>>
      %dma_start3A_2128 = tpu.memref_squeeze %dma_start3A_2127 : memref<1x128x32xf32, #tpu.memory_space<vmem>> -> memref<128x32xf32, #tpu.memory_space<vmem>>
      %dma_start3A_2129 = arith.constant 0 : i32
      %dma_start3A_2130 = arith.constant 0 : i32
      %dma_start3A_2131 = tpu.memref_slice %arg6[%dma_start3A_2115, %dma_start3A_2129, %dma_start3A_2130] : memref<4x4x128xi32, #tpu.memory_space<vmem>> -> memref<1x4x128xi32, #tpu.memory_space<vmem>>
      %dma_start3A_2132 = tpu.memref_squeeze %dma_start3A_2131 : memref<1x4x128xi32, #tpu.memory_space<vmem>> -> memref<4x128xi32, #tpu.memory_space<vmem>>
      %dma_start3A_2133 = arith.constant 0 : i32
      %dma_start3A_2134 = tpu.memref_slice %dma_start3A_2132[%dma_start3A_2116, %dma_start3A_2133] : memref<4x128xi32, #tpu.memory_space<vmem>> -> memref<1x128xi32, #tpu.memory_space<vmem>>
      %dma_start3A_2135 = tpu.memref_squeeze %dma_start3A_2134 : memref<1x128xi32, #tpu.memory_space<vmem>> -> memref<128xi32, #tpu.memory_space<vmem>>
      %dma_start3A_2136 = arith.constant 0 : i32
      %dma_start3A_2137 = arith.constant 0 : i32
      %dma_start3A_2138 = tpu.memref_slice %arg5[%dma_start3A_2136, %dma_start3A_2137] : memref<133x32xf32, #tpu.memory_space<vmem_shared>> -> memref<133x32xf32, #tpu.memory_space<vmem_shared>>
      %dma_start3A_2139 = tpu.memref_slice %arg9[%dma_start3A_2119] : memref<4x!tpu.dma_semaphore, #tpu.memory_space<semaphore_mem>> -> memref<1x!tpu.dma_semaphore, #tpu.memory_space<semaphore_mem>>
      %dma_start3A_2140 = tpu.memref_squeeze %dma_start3A_2139 : memref<1x!tpu.dma_semaphore, #tpu.memory_space<semaphore_mem>> -> memref<!tpu.dma_semaphore, #tpu.memory_space<semaphore_mem>>
      tpu.enqueue_indirect_dma source(%dma_start3A_2138 : memref<133x32xf32, #tpu.memory_space<vmem_shared>>) target(%dma_start3A_2128 : memref<128x32xf32, #tpu.memory_space<vmem>>) offsets(%dma_start3A_2135 : memref<128xi32, #tpu.memory_space<vmem>>) semaphore(%dma_start3A_2140 : memref<!tpu.dma_semaphore, #tpu.memory_space<semaphore_mem>>)
      %dma_wait3A_2141 = arith.constant 2 : i32
      %dma_wait3A_2142 = arith.constant 2 : i32
      %dma_wait3A_2143 = arith.constant 0 : i32
      %dma_wait3A_2144 = arith.constant 0 : i32
      %dma_wait3A_2145 = arith.constant 0 : i32
      %dma_wait3A_2146 = tpu.memref_slice %arg7[%dma_wait3A_2141, %dma_wait3A_2143, %dma_wait3A_2144, %dma_wait3A_2145] : memref<4x4x128x32xf32, #tpu.memory_space<vmem>> -> memref<1x4x128x32xf32, #tpu.memory_space<vmem>>
      %dma_wait3A_2147 = tpu.memref_squeeze %dma_wait3A_2146 : memref<1x4x128x32xf32, #tpu.memory_space<vmem>> -> memref<4x128x32xf32, #tpu.memory_space<vmem>>
      %dma_wait3A_2148 = arith.constant 0 : i32
      %dma_wait3A_2149 = arith.constant 0 : i32
      %dma_wait3A_2150 = tpu.memref_slice %arg4[%dma_wait3A_2148, %dma_wait3A_2149] : memref<819200x128xf32, #tpu.memory_space<hbm>> -> memref<512x32xf32, #tpu.memory_space<hbm>>
      %dma_wait3A_2151 = tpu.memref_slice %arg10[%dma_wait3A_2142] : memref<4x!tpu.dma_semaphore, #tpu.memory_space<semaphore_mem>> -> memref<1x!tpu.dma_semaphore, #tpu.memory_space<semaphore_mem>>
      %dma_wait3A_2152 = tpu.memref_squeeze %dma_wait3A_2151 : memref<1x!tpu.dma_semaphore, #tpu.memory_space<semaphore_mem>> -> memref<!tpu.dma_semaphore, #tpu.memory_space<semaphore_mem>>
      %dma_wait3A_2153 = arith.constant 0 : i32
      %dma_wait3A_2154 = arith.constant 0 : i32
      %dma_wait3A_2155 = arith.constant 0 : i32
      %dma_wait3A_2156 = tpu.memref_slice %arg7[%dma_wait3A_2141, %dma_wait3A_2153, %dma_wait3A_2154, %dma_wait3A_2155] : memref<4x4x128x32xf32, #tpu.memory_space<vmem>> -> memref<1x4x128x32xf32, #tpu.memory_space<vmem>>
      %dma_wait3A_2157 = tpu.memref_squeeze %dma_wait3A_2156 : memref<1x4x128x32xf32, #tpu.memory_space<vmem>> -> memref<4x128x32xf32, #tpu.memory_space<vmem>>
      %dma_wait3A_2158 = arith.constant 0 : i32
      %dma_wait3A_2159 = arith.constant 0 : i32
      %dma_wait3A_2160 = tpu.memref_slice %arg4[%dma_wait3A_2158, %dma_wait3A_2159] : memref<819200x128xf32, #tpu.memory_space<hbm>> -> memref<512x32xf32, #tpu.memory_space<hbm>>
      tpu.wait_dma2 semaphore(%dma_wait3A_2152 : memref<!tpu.dma_semaphore, #tpu.memory_space<semaphore_mem>>) src(%dma_wait3A_2160 : memref<512x32xf32, #tpu.memory_space<hbm>>) dst(%dma_wait3A_2157 : memref<4x128x32xf32, #tpu.memory_space<vmem>>)
      %dma_wait3A_2161 = arith.constant 2 : i32
      %dma_wait3A_2162 = arith.constant 2 : i32
      %dma_wait3A_2163 = arith.constant 0 : i32
      %dma_wait3A_2164 = arith.constant 0 : i32
      %dma_wait3A_2165 = tpu.memref_slice %arg6[%dma_wait3A_2161, %dma_wait3A_2163, %dma_wait3A_2164] : memref<4x4x128xi32, #tpu.memory_space<vmem>> -> memref<1x4x128xi32, #tpu.memory_space<vmem>>
      %dma_wait3A_2166 = tpu.memref_squeeze %dma_wait3A_2165 : memref<1x4x128xi32, #tpu.memory_space<vmem>> -> memref<4x128xi32, #tpu.memory_space<vmem>>
      %dma_wait3A_2167 = arith.constant 0 : i32
      %dma_wait3A_2168 = arith.constant 0 : i32
      %dma_wait3A_2169 = tpu.memref_slice %arg2[%dma_wait3A_2167, %dma_wait3A_2168] : memref<4x819200xi32, #tpu.memory_space<hbm>> -> memref<4x128xi32, #tpu.memory_space<hbm>>
      %dma_wait3A_2170 = tpu.memref_slice %arg8[%dma_wait3A_2162] : memref<4x!tpu.dma_semaphore, #tpu.memory_space<semaphore_mem>> -> memref<1x!tpu.dma_semaphore, #tpu.memory_space<semaphore_mem>>
      %dma_wait3A_2171 = tpu.memref_squeeze %dma_wait3A_2170 : memref<1x!tpu.dma_semaphore, #tpu.memory_space<semaphore_mem>> -> memref<!tpu.dma_semaphore, #tpu.memory_space<semaphore_mem>>
      %dma_wait3A_2172 = arith.constant 0 : i32
      %dma_wait3A_2173 = arith.constant 0 : i32
      %dma_wait3A_2174 = tpu.memref_slice %arg6[%dma_wait3A_2161, %dma_wait3A_2172, %dma_wait3A_2173] : memref<4x4x128xi32, #tpu.memory_space<vmem>> -> memref<1x4x128xi32, #tpu.memory_space<vmem>>
      %dma_wait3A_2175 = tpu.memref_squeeze %dma_wait3A_2174 : memref<1x4x128xi32, #tpu.memory_space<vmem>> -> memref<4x128xi32, #tpu.memory_space<vmem>>
      %dma_wait3A_2176 = arith.constant 0 : i32
      %dma_wait3A_2177 = arith.constant 0 : i32
      %dma_wait3A_2178 = tpu.memref_slice %arg2[%dma_wait3A_2176, %dma_wait3A_2177] : memref<4x819200xi32, #tpu.memory_space<hbm>> -> memref<4x128xi32, #tpu.memory_space<hbm>>
      tpu.wait_dma2 semaphore(%dma_wait3A_2171 : memref<!tpu.dma_semaphore, #tpu.memory_space<semaphore_mem>>) src(%dma_wait3A_2178 : memref<4x128xi32, #tpu.memory_space<hbm>>) dst(%dma_wait3A_2175 : memref<4x128xi32, #tpu.memory_space<vmem>>)
      %dma_start3A_2179 = arith.constant 2 : i32
      %dma_start3A_2180 = arith.constant 0 : i32
      %dma_start3A_2181 = arith.constant 2 : i32
      %dma_start3A_2182 = arith.constant 0 : i32
      %dma_start3A_2183 = arith.constant 2 : i32
      %dma_start3A_2184 = arith.constant 0 : i32
      %dma_start3A_2185 = arith.constant 0 : i32
      %dma_start3A_2186 = arith.constant 0 : i32
      %dma_start3A_2187 = tpu.memref_slice %arg7[%dma_start3A_2181, %dma_start3A_2184, %dma_start3A_2185, %dma_start3A_2186] : memref<4x4x128x32xf32, #tpu.memory_space<vmem>> -> memref<1x4x128x32xf32, #tpu.memory_space<vmem>>
      %dma_start3A_2188 = tpu.memref_squeeze %dma_start3A_2187 : memref<1x4x128x32xf32, #tpu.memory_space<vmem>> -> memref<4x128x32xf32, #tpu.memory_space<vmem>>
      %dma_start3A_2189 = arith.constant 0 : i32
      %dma_start3A_2190 = arith.constant 0 : i32
      %dma_start3A_2191 = tpu.memref_slice %dma_start3A_2188[%dma_start3A_2182, %dma_start3A_2189, %dma_start3A_2190] : memref<4x128x32xf32, #tpu.memory_space<vmem>> -> memref<1x128x32xf32, #tpu.memory_space<vmem>>
      %dma_start3A_2192 = tpu.memref_squeeze %dma_start3A_2191 : memref<1x128x32xf32, #tpu.memory_space<vmem>> -> memref<128x32xf32, #tpu.memory_space<vmem>>
      %dma_start3A_2193 = arith.constant 0 : i32
      %dma_start3A_2194 = arith.constant 0 : i32
      %dma_start3A_2195 = tpu.memref_slice %arg6[%dma_start3A_2179, %dma_start3A_2193, %dma_start3A_2194] : memref<4x4x128xi32, #tpu.memory_space<vmem>> -> memref<1x4x128xi32, #tpu.memory_space<vmem>>
      %dma_start3A_2196 = tpu.memref_squeeze %dma_start3A_2195 : memref<1x4x128xi32, #tpu.memory_space<vmem>> -> memref<4x128xi32, #tpu.memory_space<vmem>>
      %dma_start3A_2197 = arith.constant 0 : i32
      %dma_start3A_2198 = tpu.memref_slice %dma_start3A_2196[%dma_start3A_2180, %dma_start3A_2197] : memref<4x128xi32, #tpu.memory_space<vmem>> -> memref<1x128xi32, #tpu.memory_space<vmem>>
      %dma_start3A_2199 = tpu.memref_squeeze %dma_start3A_2198 : memref<1x128xi32, #tpu.memory_space<vmem>> -> memref<128xi32, #tpu.memory_space<vmem>>
      %dma_start3A_2200 = arith.constant 0 : i32
      %dma_start3A_2201 = arith.constant 0 : i32
      %dma_start3A_2202 = tpu.memref_slice %arg5[%dma_start3A_2200, %dma_start3A_2201] : memref<133x32xf32, #tpu.memory_space<vmem_shared>> -> memref<133x32xf32, #tpu.memory_space<vmem_shared>>
      %dma_start3A_2203 = tpu.memref_slice %arg9[%dma_start3A_2183] : memref<4x!tpu.dma_semaphore, #tpu.memory_space<semaphore_mem>> -> memref<1x!tpu.dma_semaphore, #tpu.memory_space<semaphore_mem>>
      %dma_start3A_2204 = tpu.memref_squeeze %dma_start3A_2203 : memref<1x!tpu.dma_semaphore, #tpu.memory_space<semaphore_mem>> -> memref<!tpu.dma_semaphore, #tpu.memory_space<semaphore_mem>>
      tpu.enqueue_indirect_dma source(%dma_start3A_2202 : memref<133x32xf32, #tpu.memory_space<vmem_shared>>) target(%dma_start3A_2192 : memref<128x32xf32, #tpu.memory_space<vmem>>) offsets(%dma_start3A_2199 : memref<128xi32, #tpu.memory_space<vmem>>) semaphore(%dma_start3A_2204 : memref<!tpu.dma_semaphore, #tpu.memory_space<semaphore_mem>>)
      %dma_start3A_2205 = arith.constant 2 : i32
      %dma_start3A_2206 = arith.constant 1 : i32
      %dma_start3A_2207 = arith.constant 2 : i32
      %dma_start3A_2208 = arith.constant 1 : i32
      %dma_start3A_2209 = arith.constant 2 : i32
      %dma_start3A_2210 = arith.constant 0 : i32
      %dma_start3A_2211 = arith.constant 0 : i32
      %dma_start3A_2212 = arith.constant 0 : i32
      %dma_start3A_2213 = tpu.memref_slice %arg7[%dma_start3A_2207, %dma_start3A_2210, %dma_start3A_2211, %dma_start3A_2212] : memref<4x4x128x32xf32, #tpu.memory_space<vmem>> -> memref<1x4x128x32xf32, #tpu.memory_space<vmem>>
      %dma_start3A_2214 = tpu.memref_squeeze %dma_start3A_2213 : memref<1x4x128x32xf32, #tpu.memory_space<vmem>> -> memref<4x128x32xf32, #tpu.memory_space<vmem>>
      %dma_start3A_2215 = arith.constant 0 : i32
      %dma_start3A_2216 = arith.constant 0 : i32
      %dma_start3A_2217 = tpu.memref_slice %dma_start3A_2214[%dma_start3A_2208, %dma_start3A_2215, %dma_start3A_2216] : memref<4x128x32xf32, #tpu.memory_space<vmem>> -> memref<1x128x32xf32, #tpu.memory_space<vmem>>
      %dma_start3A_2218 = tpu.memref_squeeze %dma_start3A_2217 : memref<1x128x32xf32, #tpu.memory_space<vmem>> -> memref<128x32xf32, #tpu.memory_space<vmem>>
      %dma_start3A_2219 = arith.constant 0 : i32
      %dma_start3A_2220 = arith.constant 0 : i32
      %dma_start3A_2221 = tpu.memref_slice %arg6[%dma_start3A_2205, %dma_start3A_2219, %dma_start3A_2220] : memref<4x4x128xi32, #tpu.memory_space<vmem>> -> memref<1x4x128xi32, #tpu.memory_space<vmem>>
      %dma_start3A_2222 = tpu.memref_squeeze %dma_start3A_2221 : memref<1x4x128xi32, #tpu.memory_space<vmem>> -> memref<4x128xi32, #tpu.memory_space<vmem>>
      %dma_start3A_2223 = arith.constant 0 : i32
      %dma_start3A_2224 = tpu.memref_slice %dma_start3A_2222[%dma_start3A_2206, %dma_start3A_2223] : memref<4x128xi32, #tpu.memory_space<vmem>> -> memref<1x128xi32, #tpu.memory_space<vmem>>
      %dma_start3A_2225 = tpu.memref_squeeze %dma_start3A_2224 : memref<1x128xi32, #tpu.memory_space<vmem>> -> memref<128xi32, #tpu.memory_space<vmem>>
      %dma_start3A_2226 = arith.constant 0 : i32
      %dma_start3A_2227 = arith.constant 0 : i32
      %dma_start3A_2228 = tpu.memref_slice %arg5[%dma_start3A_2226, %dma_start3A_2227] : memref<133x32xf32, #tpu.memory_space<vmem_shared>> -> memref<133x32xf32, #tpu.memory_space<vmem_shared>>
      %dma_start3A_2229 = tpu.memref_slice %arg9[%dma_start3A_2209] : memref<4x!tpu.dma_semaphore, #tpu.memory_space<semaphore_mem>> -> memref<1x!tpu.dma_semaphore, #tpu.memory_space<semaphore_mem>>
      %dma_start3A_2230 = tpu.memref_squeeze %dma_start3A_2229 : memref<1x!tpu.dma_semaphore, #tpu.memory_space<semaphore_mem>> -> memref<!tpu.dma_semaphore, #tpu.memory_space<semaphore_mem>>
      tpu.enqueue_indirect_dma source(%dma_start3A_2228 : memref<133x32xf32, #tpu.memory_space<vmem_shared>>) target(%dma_start3A_2218 : memref<128x32xf32, #tpu.memory_space<vmem>>) offsets(%dma_start3A_2225 : memref<128xi32, #tpu.memory_space<vmem>>) semaphore(%dma_start3A_2230 : memref<!tpu.dma_semaphore, #tpu.memory_space<semaphore_mem>>)
      %dma_start3A_2231 = arith.constant 2 : i32
      %dma_start3A_2232 = arith.constant 2 : i32
      %dma_start3A_2233 = arith.constant 2 : i32
      %dma_start3A_2234 = arith.constant 2 : i32
      %dma_start3A_2235 = arith.constant 2 : i32
      %dma_start3A_2236 = arith.constant 0 : i32
      %dma_start3A_2237 = arith.constant 0 : i32
      %dma_start3A_2238 = arith.constant 0 : i32
      %dma_start3A_2239 = tpu.memref_slice %arg7[%dma_start3A_2233, %dma_start3A_2236, %dma_start3A_2237, %dma_start3A_2238] : memref<4x4x128x32xf32, #tpu.memory_space<vmem>> -> memref<1x4x128x32xf32, #tpu.memory_space<vmem>>
      %dma_start3A_2240 = tpu.memref_squeeze %dma_start3A_2239 : memref<1x4x128x32xf32, #tpu.memory_space<vmem>> -> memref<4x128x32xf32, #tpu.memory_space<vmem>>
      %dma_start3A_2241 = arith.constant 0 : i32
      %dma_start3A_2242 = arith.constant 0 : i32
      %dma_start3A_2243 = tpu.memref_slice %dma_start3A_2240[%dma_start3A_2234, %dma_start3A_2241, %dma_start3A_2242] : memref<4x128x32xf32, #tpu.memory_space<vmem>> -> memref<1x128x32xf32, #tpu.memory_space<vmem>>
      %dma_start3A_2244 = tpu.memref_squeeze %dma_start3A_2243 : memref<1x128x32xf32, #tpu.memory_space<vmem>> -> memref<128x32xf32, #tpu.memory_space<vmem>>
      %dma_start3A_2245 = arith.constant 0 : i32
      %dma_start3A_2246 = arith.constant 0 : i32
      %dma_start3A_2247 = tpu.memref_slice %arg6[%dma_start3A_2231, %dma_start3A_2245, %dma_start3A_2246] : memref<4x4x128xi32, #tpu.memory_space<vmem>> -> memref<1x4x128xi32, #tpu.memory_space<vmem>>
      %dma_start3A_2248 = tpu.memref_squeeze %dma_start3A_2247 : memref<1x4x128xi32, #tpu.memory_space<vmem>> -> memref<4x128xi32, #tpu.memory_space<vmem>>
      %dma_start3A_2249 = arith.constant 0 : i32
      %dma_start3A_2250 = tpu.memref_slice %dma_start3A_2248[%dma_start3A_2232, %dma_start3A_2249] : memref<4x128xi32, #tpu.memory_space<vmem>> -> memref<1x128xi32, #tpu.memory_space<vmem>>
      %dma_start3A_2251 = tpu.memref_squeeze %dma_start3A_2250 : memref<1x128xi32, #tpu.memory_space<vmem>> -> memref<128xi32, #tpu.memory_space<vmem>>
      %dma_start3A_2252 = arith.constant 0 : i32
      %dma_start3A_2253 = arith.constant 0 : i32
      %dma_start3A_2254 = tpu.memref_slice %arg5[%dma_start3A_2252, %dma_start3A_2253] : memref<133x32xf32, #tpu.memory_space<vmem_shared>> -> memref<133x32xf32, #tpu.memory_space<vmem_shared>>
      %dma_start3A_2255 = tpu.memref_slice %arg9[%dma_start3A_2235] : memref<4x!tpu.dma_semaphore, #tpu.memory_space<semaphore_mem>> -> memref<1x!tpu.dma_semaphore, #tpu.memory_space<semaphore_mem>>
      %dma_start3A_2256 = tpu.memref_squeeze %dma_start3A_2255 : memref<1x!tpu.dma_semaphore, #tpu.memory_space<semaphore_mem>> -> memref<!tpu.dma_semaphore, #tpu.memory_space<semaphore_mem>>
      tpu.enqueue_indirect_dma source(%dma_start3A_2254 : memref<133x32xf32, #tpu.memory_space<vmem_shared>>) target(%dma_start3A_2244 : memref<128x32xf32, #tpu.memory_space<vmem>>) offsets(%dma_start3A_2251 : memref<128xi32, #tpu.memory_space<vmem>>) semaphore(%dma_start3A_2256 : memref<!tpu.dma_semaphore, #tpu.memory_space<semaphore_mem>>)
      %dma_start3A_2257 = arith.constant 2 : i32
      %dma_start3A_2258 = arith.constant 3 : i32
      %dma_start3A_2259 = arith.constant 2 : i32
      %dma_start3A_2260 = arith.constant 3 : i32
      %dma_start3A_2261 = arith.constant 2 : i32
      %dma_start3A_2262 = arith.constant 0 : i32
      %dma_start3A_2263 = arith.constant 0 : i32
      %dma_start3A_2264 = arith.constant 0 : i32
      %dma_start3A_2265 = tpu.memref_slice %arg7[%dma_start3A_2259, %dma_start3A_2262, %dma_start3A_2263, %dma_start3A_2264] : memref<4x4x128x32xf32, #tpu.memory_space<vmem>> -> memref<1x4x128x32xf32, #tpu.memory_space<vmem>>
      %dma_start3A_2266 = tpu.memref_squeeze %dma_start3A_2265 : memref<1x4x128x32xf32, #tpu.memory_space<vmem>> -> memref<4x128x32xf32, #tpu.memory_space<vmem>>
      %dma_start3A_2267 = arith.constant 0 : i32
      %dma_start3A_2268 = arith.constant 0 : i32
      %dma_start3A_2269 = tpu.memref_slice %dma_start3A_2266[%dma_start3A_2260, %dma_start3A_2267, %dma_start3A_2268] : memref<4x128x32xf32, #tpu.memory_space<vmem>> -> memref<1x128x32xf32, #tpu.memory_space<vmem>>
      %dma_start3A_2270 = tpu.memref_squeeze %dma_start3A_2269 : memref<1x128x32xf32, #tpu.memory_space<vmem>> -> memref<128x32xf32, #tpu.memory_space<vmem>>
      %dma_start3A_2271 = arith.constant 0 : i32
      %dma_start3A_2272 = arith.constant 0 : i32
      %dma_start3A_2273 = tpu.memref_slice %arg6[%dma_start3A_2257, %dma_start3A_2271, %dma_start3A_2272] : memref<4x4x128xi32, #tpu.memory_space<vmem>> -> memref<1x4x128xi32, #tpu.memory_space<vmem>>
      %dma_start3A_2274 = tpu.memref_squeeze %dma_start3A_2273 : memref<1x4x128xi32, #tpu.memory_space<vmem>> -> memref<4x128xi32, #tpu.memory_space<vmem>>
      %dma_start3A_2275 = arith.constant 0 : i32
      %dma_start3A_2276 = tpu.memref_slice %dma_start3A_2274[%dma_start3A_2258, %dma_start3A_2275] : memref<4x128xi32, #tpu.memory_space<vmem>> -> memref<1x128xi32, #tpu.memory_space<vmem>>
      %dma_start3A_2277 = tpu.memref_squeeze %dma_start3A_2276 : memref<1x128xi32, #tpu.memory_space<vmem>> -> memref<128xi32, #tpu.memory_space<vmem>>
      %dma_start3A_2278 = arith.constant 0 : i32
      %dma_start3A_2279 = arith.constant 0 : i32
      %dma_start3A_2280 = tpu.memref_slice %arg5[%dma_start3A_2278, %dma_start3A_2279] : memref<133x32xf32, #tpu.memory_space<vmem_shared>> -> memref<133x32xf32, #tpu.memory_space<vmem_shared>>
      %dma_start3A_2281 = tpu.memref_slice %arg9[%dma_start3A_2261] : memref<4x!tpu.dma_semaphore, #tpu.memory_space<semaphore_mem>> -> memref<1x!tpu.dma_semaphore, #tpu.memory_space<semaphore_mem>>
      %dma_start3A_2282 = tpu.memref_squeeze %dma_start3A_2281 : memref<1x!tpu.dma_semaphore, #tpu.memory_space<semaphore_mem>> -> memref<!tpu.dma_semaphore, #tpu.memory_space<semaphore_mem>>
      tpu.enqueue_indirect_dma source(%dma_start3A_2280 : memref<133x32xf32, #tpu.memory_space<vmem_shared>>) target(%dma_start3A_2270 : memref<128x32xf32, #tpu.memory_space<vmem>>) offsets(%dma_start3A_2277 : memref<128xi32, #tpu.memory_space<vmem>>) semaphore(%dma_start3A_2282 : memref<!tpu.dma_semaphore, #tpu.memory_space<semaphore_mem>>)
      %dma_wait3A_2283 = arith.constant 3 : i32
      %dma_wait3A_2284 = arith.constant 3 : i32
      %dma_wait3A_2285 = arith.constant 0 : i32
      %dma_wait3A_2286 = arith.constant 0 : i32
      %dma_wait3A_2287 = arith.constant 0 : i32
      %dma_wait3A_2288 = tpu.memref_slice %arg7[%dma_wait3A_2283, %dma_wait3A_2285, %dma_wait3A_2286, %dma_wait3A_2287] : memref<4x4x128x32xf32, #tpu.memory_space<vmem>> -> memref<1x4x128x32xf32, #tpu.memory_space<vmem>>
      %dma_wait3A_2289 = tpu.memref_squeeze %dma_wait3A_2288 : memref<1x4x128x32xf32, #tpu.memory_space<vmem>> -> memref<4x128x32xf32, #tpu.memory_space<vmem>>
      %dma_wait3A_2290 = arith.constant 0 : i32
      %dma_wait3A_2291 = arith.constant 0 : i32
      %dma_wait3A_2292 = tpu.memref_slice %arg4[%dma_wait3A_2290, %dma_wait3A_2291] : memref<819200x128xf32, #tpu.memory_space<hbm>> -> memref<512x32xf32, #tpu.memory_space<hbm>>
      %dma_wait3A_2293 = tpu.memref_slice %arg10[%dma_wait3A_2284] : memref<4x!tpu.dma_semaphore, #tpu.memory_space<semaphore_mem>> -> memref<1x!tpu.dma_semaphore, #tpu.memory_space<semaphore_mem>>
      %dma_wait3A_2294 = tpu.memref_squeeze %dma_wait3A_2293 : memref<1x!tpu.dma_semaphore, #tpu.memory_space<semaphore_mem>> -> memref<!tpu.dma_semaphore, #tpu.memory_space<semaphore_mem>>
      %dma_wait3A_2295 = arith.constant 0 : i32
      %dma_wait3A_2296 = arith.constant 0 : i32
      %dma_wait3A_2297 = arith.constant 0 : i32
      %dma_wait3A_2298 = tpu.memref_slice %arg7[%dma_wait3A_2283, %dma_wait3A_2295, %dma_wait3A_2296, %dma_wait3A_2297] : memref<4x4x128x32xf32, #tpu.memory_space<vmem>> -> memref<1x4x128x32xf32, #tpu.memory_space<vmem>>
      %dma_wait3A_2299 = tpu.memref_squeeze %dma_wait3A_2298 : memref<1x4x128x32xf32, #tpu.memory_space<vmem>> -> memref<4x128x32xf32, #tpu.memory_space<vmem>>
      %dma_wait3A_2300 = arith.constant 0 : i32
      %dma_wait3A_2301 = arith.constant 0 : i32
      %dma_wait3A_2302 = tpu.memref_slice %arg4[%dma_wait3A_2300, %dma_wait3A_2301] : memref<819200x128xf32, #tpu.memory_space<hbm>> -> memref<512x32xf32, #tpu.memory_space<hbm>>
      tpu.wait_dma2 semaphore(%dma_wait3A_2294 : memref<!tpu.dma_semaphore, #tpu.memory_space<semaphore_mem>>) src(%dma_wait3A_2302 : memref<512x32xf32, #tpu.memory_space<hbm>>) dst(%dma_wait3A_2299 : memref<4x128x32xf32, #tpu.memory_space<vmem>>)
      %dma_wait3A_2303 = arith.constant 3 : i32
      %dma_wait3A_2304 = arith.constant 3 : i32
      %dma_wait3A_2305 = arith.constant 0 : i32
      %dma_wait3A_2306 = arith.constant 0 : i32
      %dma_wait3A_2307 = tpu.memref_slice %arg6[%dma_wait3A_2303, %dma_wait3A_2305, %dma_wait3A_2306] : memref<4x4x128xi32, #tpu.memory_space<vmem>> -> memref<1x4x128xi32, #tpu.memory_space<vmem>>
      %dma_wait3A_2308 = tpu.memref_squeeze %dma_wait3A_2307 : memref<1x4x128xi32, #tpu.memory_space<vmem>> -> memref<4x128xi32, #tpu.memory_space<vmem>>
      %dma_wait3A_2309 = arith.constant 0 : i32
      %dma_wait3A_2310 = arith.constant 0 : i32
      %dma_wait3A_2311 = tpu.memref_slice %arg2[%dma_wait3A_2309, %dma_wait3A_2310] : memref<4x819200xi32, #tpu.memory_space<hbm>> -> memref<4x128xi32, #tpu.memory_space<hbm>>
      %dma_wait3A_2312 = tpu.memref_slice %arg8[%dma_wait3A_2304] : memref<4x!tpu.dma_semaphore, #tpu.memory_space<semaphore_mem>> -> memref<1x!tpu.dma_semaphore, #tpu.memory_space<semaphore_mem>>
      %dma_wait3A_2313 = tpu.memref_squeeze %dma_wait3A_2312 : memref<1x!tpu.dma_semaphore, #tpu.memory_space<semaphore_mem>> -> memref<!tpu.dma_semaphore, #tpu.memory_space<semaphore_mem>>
      %dma_wait3A_2314 = arith.constant 0 : i32
      %dma_wait3A_2315 = arith.constant 0 : i32
      %dma_wait3A_2316 = tpu.memref_slice %arg6[%dma_wait3A_2303, %dma_wait3A_2314, %dma_wait3A_2315] : memref<4x4x128xi32, #tpu.memory_space<vmem>> -> memref<1x4x128xi32, #tpu.memory_space<vmem>>
      %dma_wait3A_2317 = tpu.memref_squeeze %dma_wait3A_2316 : memref<1x4x128xi32, #tpu.memory_space<vmem>> -> memref<4x128xi32, #tpu.memory_space<vmem>>
      %dma_wait3A_2318 = arith.constant 0 : i32
      %dma_wait3A_2319 = arith.constant 0 : i32
      %dma_wait3A_2320 = tpu.memref_slice %arg2[%dma_wait3A_2318, %dma_wait3A_2319] : memref<4x819200xi32, #tpu.memory_space<hbm>> -> memref<4x128xi32, #tpu.memory_space<hbm>>
      tpu.wait_dma2 semaphore(%dma_wait3A_2313 : memref<!tpu.dma_semaphore, #tpu.memory_space<semaphore_mem>>) src(%dma_wait3A_2320 : memref<4x128xi32, #tpu.memory_space<hbm>>) dst(%dma_wait3A_2317 : memref<4x128xi32, #tpu.memory_space<vmem>>)
      %dma_start3A_2321 = arith.constant 3 : i32
      %dma_start3A_2322 = arith.constant 0 : i32
      %dma_start3A_2323 = arith.constant 3 : i32
      %dma_start3A_2324 = arith.constant 0 : i32
      %dma_start3A_2325 = arith.constant 3 : i32
      %dma_start3A_2326 = arith.constant 0 : i32
      %dma_start3A_2327 = arith.constant 0 : i32
      %dma_start3A_2328 = arith.constant 0 : i32
      %dma_start3A_2329 = tpu.memref_slice %arg7[%dma_start3A_2323, %dma_start3A_2326, %dma_start3A_2327, %dma_start3A_2328] : memref<4x4x128x32xf32, #tpu.memory_space<vmem>> -> memref<1x4x128x32xf32, #tpu.memory_space<vmem>>
      %dma_start3A_2330 = tpu.memref_squeeze %dma_start3A_2329 : memref<1x4x128x32xf32, #tpu.memory_space<vmem>> -> memref<4x128x32xf32, #tpu.memory_space<vmem>>
      %dma_start3A_2331 = arith.constant 0 : i32
      %dma_start3A_2332 = arith.constant 0 : i32
      %dma_start3A_2333 = tpu.memref_slice %dma_start3A_2330[%dma_start3A_2324, %dma_start3A_2331, %dma_start3A_2332] : memref<4x128x32xf32, #tpu.memory_space<vmem>> -> memref<1x128x32xf32, #tpu.memory_space<vmem>>
      %dma_start3A_2334 = tpu.memref_squeeze %dma_start3A_2333 : memref<1x128x32xf32, #tpu.memory_space<vmem>> -> memref<128x32xf32, #tpu.memory_space<vmem>>
      %dma_start3A_2335 = arith.constant 0 : i32
      %dma_start3A_2336 = arith.constant 0 : i32
      %dma_start3A_2337 = tpu.memref_slice %arg6[%dma_start3A_2321, %dma_start3A_2335, %dma_start3A_2336] : memref<4x4x128xi32, #tpu.memory_space<vmem>> -> memref<1x4x128xi32, #tpu.memory_space<vmem>>
      %dma_start3A_2338 = tpu.memref_squeeze %dma_start3A_2337 : memref<1x4x128xi32, #tpu.memory_space<vmem>> -> memref<4x128xi32, #tpu.memory_space<vmem>>
      %dma_start3A_2339 = arith.constant 0 : i32
      %dma_start3A_2340 = tpu.memref_slice %dma_start3A_2338[%dma_start3A_2322, %dma_start3A_2339] : memref<4x128xi32, #tpu.memory_space<vmem>> -> memref<1x128xi32, #tpu.memory_space<vmem>>
      %dma_start3A_2341 = tpu.memref_squeeze %dma_start3A_2340 : memref<1x128xi32, #tpu.memory_space<vmem>> -> memref<128xi32, #tpu.memory_space<vmem>>
      %dma_start3A_2342 = arith.constant 0 : i32
      %dma_start3A_2343 = arith.constant 0 : i32
      %dma_start3A_2344 = tpu.memref_slice %arg5[%dma_start3A_2342, %dma_start3A_2343] : memref<133x32xf32, #tpu.memory_space<vmem_shared>> -> memref<133x32xf32, #tpu.memory_space<vmem_shared>>
      %dma_start3A_2345 = tpu.memref_slice %arg9[%dma_start3A_2325] : memref<4x!tpu.dma_semaphore, #tpu.memory_space<semaphore_mem>> -> memref<1x!tpu.dma_semaphore, #tpu.memory_space<semaphore_mem>>
      %dma_start3A_2346 = tpu.memref_squeeze %dma_start3A_2345 : memref<1x!tpu.dma_semaphore, #tpu.memory_space<semaphore_mem>> -> memref<!tpu.dma_semaphore, #tpu.memory_space<semaphore_mem>>
      tpu.enqueue_indirect_dma source(%dma_start3A_2344 : memref<133x32xf32, #tpu.memory_space<vmem_shared>>) target(%dma_start3A_2334 : memref<128x32xf32, #tpu.memory_space<vmem>>) offsets(%dma_start3A_2341 : memref<128xi32, #tpu.memory_space<vmem>>) semaphore(%dma_start3A_2346 : memref<!tpu.dma_semaphore, #tpu.memory_space<semaphore_mem>>)
      %dma_start3A_2347 = arith.constant 3 : i32
      %dma_start3A_2348 = arith.constant 1 : i32
      %dma_start3A_2349 = arith.constant 3 : i32
      %dma_start3A_2350 = arith.constant 1 : i32
      %dma_start3A_2351 = arith.constant 3 : i32
      %dma_start3A_2352 = arith.constant 0 : i32
      %dma_start3A_2353 = arith.constant 0 : i32
      %dma_start3A_2354 = arith.constant 0 : i32
      %dma_start3A_2355 = tpu.memref_slice %arg7[%dma_start3A_2349, %dma_start3A_2352, %dma_start3A_2353, %dma_start3A_2354] : memref<4x4x128x32xf32, #tpu.memory_space<vmem>> -> memref<1x4x128x32xf32, #tpu.memory_space<vmem>>
      %dma_start3A_2356 = tpu.memref_squeeze %dma_start3A_2355 : memref<1x4x128x32xf32, #tpu.memory_space<vmem>> -> memref<4x128x32xf32, #tpu.memory_space<vmem>>
      %dma_start3A_2357 = arith.constant 0 : i32
      %dma_start3A_2358 = arith.constant 0 : i32
      %dma_start3A_2359 = tpu.memref_slice %dma_start3A_2356[%dma_start3A_2350, %dma_start3A_2357, %dma_start3A_2358] : memref<4x128x32xf32, #tpu.memory_space<vmem>> -> memref<1x128x32xf32, #tpu.memory_space<vmem>>
      %dma_start3A_2360 = tpu.memref_squeeze %dma_start3A_2359 : memref<1x128x32xf32, #tpu.memory_space<vmem>> -> memref<128x32xf32, #tpu.memory_space<vmem>>
      %dma_start3A_2361 = arith.constant 0 : i32
      %dma_start3A_2362 = arith.constant 0 : i32
      %dma_start3A_2363 = tpu.memref_slice %arg6[%dma_start3A_2347, %dma_start3A_2361, %dma_start3A_2362] : memref<4x4x128xi32, #tpu.memory_space<vmem>> -> memref<1x4x128xi32, #tpu.memory_space<vmem>>
      %dma_start3A_2364 = tpu.memref_squeeze %dma_start3A_2363 : memref<1x4x128xi32, #tpu.memory_space<vmem>> -> memref<4x128xi32, #tpu.memory_space<vmem>>
      %dma_start3A_2365 = arith.constant 0 : i32
      %dma_start3A_2366 = tpu.memref_slice %dma_start3A_2364[%dma_start3A_2348, %dma_start3A_2365] : memref<4x128xi32, #tpu.memory_space<vmem>> -> memref<1x128xi32, #tpu.memory_space<vmem>>
      %dma_start3A_2367 = tpu.memref_squeeze %dma_start3A_2366 : memref<1x128xi32, #tpu.memory_space<vmem>> -> memref<128xi32, #tpu.memory_space<vmem>>
      %dma_start3A_2368 = arith.constant 0 : i32
      %dma_start3A_2369 = arith.constant 0 : i32
      %dma_start3A_2370 = tpu.memref_slice %arg5[%dma_start3A_2368, %dma_start3A_2369] : memref<133x32xf32, #tpu.memory_space<vmem_shared>> -> memref<133x32xf32, #tpu.memory_space<vmem_shared>>
      %dma_start3A_2371 = tpu.memref_slice %arg9[%dma_start3A_2351] : memref<4x!tpu.dma_semaphore, #tpu.memory_space<semaphore_mem>> -> memref<1x!tpu.dma_semaphore, #tpu.memory_space<semaphore_mem>>
      %dma_start3A_2372 = tpu.memref_squeeze %dma_start3A_2371 : memref<1x!tpu.dma_semaphore, #tpu.memory_space<semaphore_mem>> -> memref<!tpu.dma_semaphore, #tpu.memory_space<semaphore_mem>>
      tpu.enqueue_indirect_dma source(%dma_start3A_2370 : memref<133x32xf32, #tpu.memory_space<vmem_shared>>) target(%dma_start3A_2360 : memref<128x32xf32, #tpu.memory_space<vmem>>) offsets(%dma_start3A_2367 : memref<128xi32, #tpu.memory_space<vmem>>) semaphore(%dma_start3A_2372 : memref<!tpu.dma_semaphore, #tpu.memory_space<semaphore_mem>>)
      %dma_start3A_2373 = arith.constant 3 : i32
      %dma_start3A_2374 = arith.constant 2 : i32
      %dma_start3A_2375 = arith.constant 3 : i32
      %dma_start3A_2376 = arith.constant 2 : i32
      %dma_start3A_2377 = arith.constant 3 : i32
      %dma_start3A_2378 = arith.constant 0 : i32
      %dma_start3A_2379 = arith.constant 0 : i32
      %dma_start3A_2380 = arith.constant 0 : i32
      %dma_start3A_2381 = tpu.memref_slice %arg7[%dma_start3A_2375, %dma_start3A_2378, %dma_start3A_2379, %dma_start3A_2380] : memref<4x4x128x32xf32, #tpu.memory_space<vmem>> -> memref<1x4x128x32xf32, #tpu.memory_space<vmem>>
      %dma_start3A_2382 = tpu.memref_squeeze %dma_start3A_2381 : memref<1x4x128x32xf32, #tpu.memory_space<vmem>> -> memref<4x128x32xf32, #tpu.memory_space<vmem>>
      %dma_start3A_2383 = arith.constant 0 : i32
      %dma_start3A_2384 = arith.constant 0 : i32
      %dma_start3A_2385 = tpu.memref_slice %dma_start3A_2382[%dma_start3A_2376, %dma_start3A_2383, %dma_start3A_2384] : memref<4x128x32xf32, #tpu.memory_space<vmem>> -> memref<1x128x32xf32, #tpu.memory_space<vmem>>
      %dma_start3A_2386 = tpu.memref_squeeze %dma_start3A_2385 : memref<1x128x32xf32, #tpu.memory_space<vmem>> -> memref<128x32xf32, #tpu.memory_space<vmem>>
      %dma_start3A_2387 = arith.constant 0 : i32
      %dma_start3A_2388 = arith.constant 0 : i32
      %dma_start3A_2389 = tpu.memref_slice %arg6[%dma_start3A_2373, %dma_start3A_2387, %dma_start3A_2388] : memref<4x4x128xi32, #tpu.memory_space<vmem>> -> memref<1x4x128xi32, #tpu.memory_space<vmem>>
      %dma_start3A_2390 = tpu.memref_squeeze %dma_start3A_2389 : memref<1x4x128xi32, #tpu.memory_space<vmem>> -> memref<4x128xi32, #tpu.memory_space<vmem>>
      %dma_start3A_2391 = arith.constant 0 : i32
      %dma_start3A_2392 = tpu.memref_slice %dma_start3A_2390[%dma_start3A_2374, %dma_start3A_2391] : memref<4x128xi32, #tpu.memory_space<vmem>> -> memref<1x128xi32, #tpu.memory_space<vmem>>
      %dma_start3A_2393 = tpu.memref_squeeze %dma_start3A_2392 : memref<1x128xi32, #tpu.memory_space<vmem>> -> memref<128xi32, #tpu.memory_space<vmem>>
      %dma_start3A_2394 = arith.constant 0 : i32
      %dma_start3A_2395 = arith.constant 0 : i32
      %dma_start3A_2396 = tpu.memref_slice %arg5[%dma_start3A_2394, %dma_start3A_2395] : memref<133x32xf32, #tpu.memory_space<vmem_shared>> -> memref<133x32xf32, #tpu.memory_space<vmem_shared>>
      %dma_start3A_2397 = tpu.memref_slice %arg9[%dma_start3A_2377] : memref<4x!tpu.dma_semaphore, #tpu.memory_space<semaphore_mem>> -> memref<1x!tpu.dma_semaphore, #tpu.memory_space<semaphore_mem>>
      %dma_start3A_2398 = tpu.memref_squeeze %dma_start3A_2397 : memref<1x!tpu.dma_semaphore, #tpu.memory_space<semaphore_mem>> -> memref<!tpu.dma_semaphore, #tpu.memory_space<semaphore_mem>>
      tpu.enqueue_indirect_dma source(%dma_start3A_2396 : memref<133x32xf32, #tpu.memory_space<vmem_shared>>) target(%dma_start3A_2386 : memref<128x32xf32, #tpu.memory_space<vmem>>) offsets(%dma_start3A_2393 : memref<128xi32, #tpu.memory_space<vmem>>) semaphore(%dma_start3A_2398 : memref<!tpu.dma_semaphore, #tpu.memory_space<semaphore_mem>>)
      %dma_start3A_2399 = arith.constant 3 : i32
      %dma_start3A_2400 = arith.constant 3 : i32
      %dma_start3A_2401 = arith.constant 3 : i32
      %dma_start3A_2402 = arith.constant 3 : i32
      %dma_start3A_2403 = arith.constant 3 : i32
      %dma_start3A_2404 = arith.constant 0 : i32
      %dma_start3A_2405 = arith.constant 0 : i32
      %dma_start3A_2406 = arith.constant 0 : i32
      %dma_start3A_2407 = tpu.memref_slice %arg7[%dma_start3A_2401, %dma_start3A_2404, %dma_start3A_2405, %dma_start3A_2406] : memref<4x4x128x32xf32, #tpu.memory_space<vmem>> -> memref<1x4x128x32xf32, #tpu.memory_space<vmem>>
      %dma_start3A_2408 = tpu.memref_squeeze %dma_start3A_2407 : memref<1x4x128x32xf32, #tpu.memory_space<vmem>> -> memref<4x128x32xf32, #tpu.memory_space<vmem>>
      %dma_start3A_2409 = arith.constant 0 : i32
      %dma_start3A_2410 = arith.constant 0 : i32
      %dma_start3A_2411 = tpu.memref_slice %dma_start3A_2408[%dma_start3A_2402, %dma_start3A_2409, %dma_start3A_2410] : memref<4x128x32xf32, #tpu.memory_space<vmem>> -> memref<1x128x32xf32, #tpu.memory_space<vmem>>
      %dma_start3A_2412 = tpu.memref_squeeze %dma_start3A_2411 : memref<1x128x32xf32, #tpu.memory_space<vmem>> -> memref<128x32xf32, #tpu.memory_space<vmem>>
      %dma_start3A_2413 = arith.constant 0 : i32
      %dma_start3A_2414 = arith.constant 0 : i32
      %dma_start3A_2415 = tpu.memref_slice %arg6[%dma_start3A_2399, %dma_start3A_2413, %dma_start3A_2414] : memref<4x4x128xi32, #tpu.memory_space<vmem>> -> memref<1x4x128xi32, #tpu.memory_space<vmem>>
      %dma_start3A_2416 = tpu.memref_squeeze %dma_start3A_2415 : memref<1x4x128xi32, #tpu.memory_space<vmem>> -> memref<4x128xi32, #tpu.memory_space<vmem>>
      %dma_start3A_2417 = arith.constant 0 : i32
      %dma_start3A_2418 = tpu.memref_slice %dma_start3A_2416[%dma_start3A_2400, %dma_start3A_2417] : memref<4x128xi32, #tpu.memory_space<vmem>> -> memref<1x128xi32, #tpu.memory_space<vmem>>
      %dma_start3A_2419 = tpu.memref_squeeze %dma_start3A_2418 : memref<1x128xi32, #tpu.memory_space<vmem>> -> memref<128xi32, #tpu.memory_space<vmem>>
      %dma_start3A_2420 = arith.constant 0 : i32
      %dma_start3A_2421 = arith.constant 0 : i32
      %dma_start3A_2422 = tpu.memref_slice %arg5[%dma_start3A_2420, %dma_start3A_2421] : memref<133x32xf32, #tpu.memory_space<vmem_shared>> -> memref<133x32xf32, #tpu.memory_space<vmem_shared>>
      %dma_start3A_2423 = tpu.memref_slice %arg9[%dma_start3A_2403] : memref<4x!tpu.dma_semaphore, #tpu.memory_space<semaphore_mem>> -> memref<1x!tpu.dma_semaphore, #tpu.memory_space<semaphore_mem>>
      %dma_start3A_2424 = tpu.memref_squeeze %dma_start3A_2423 : memref<1x!tpu.dma_semaphore, #tpu.memory_space<semaphore_mem>> -> memref<!tpu.dma_semaphore, #tpu.memory_space<semaphore_mem>>
      tpu.enqueue_indirect_dma source(%dma_start3A_2422 : memref<133x32xf32, #tpu.memory_space<vmem_shared>>) target(%dma_start3A_2412 : memref<128x32xf32, #tpu.memory_space<vmem>>) offsets(%dma_start3A_2419 : memref<128xi32, #tpu.memory_space<vmem>>) semaphore(%dma_start3A_2424 : memref<!tpu.dma_semaphore, #tpu.memory_space<semaphore_mem>>)
    }
    %scan3A_569 = arith.constant 49 : i32
    %dma_wait3A_570 = arith.constant 0 : i32
    %dma_wait3A_571 = arith.constant 0 : i32
    %dma_wait3A_572 = arith.constant 0 : i32
    %dma_wait3A_573 = arith.constant 0 : i32
    %dma_wait3A_574 = arith.constant 0 : i32
    %dma_wait3A_575 = tpu.memref_slice %arg7[%dma_wait3A_570, %dma_wait3A_572, %dma_wait3A_573, %dma_wait3A_574] : memref<4x4x128x32xf32, #tpu.memory_space<vmem>> -> memref<1x4x128x32xf32, #tpu.memory_space<vmem>>
    %dma_wait3A_576 = tpu.memref_squeeze %dma_wait3A_575 : memref<1x4x128x32xf32, #tpu.memory_space<vmem>> -> memref<4x128x32xf32, #tpu.memory_space<vmem>>
    %dma_wait3A_577 = arith.constant 0 : i32
    %dma_wait3A_578 = arith.constant 0 : i32
    %dma_wait3A_579 = tpu.memref_slice %arg4[%dma_wait3A_577, %dma_wait3A_578] : memref<819200x128xf32, #tpu.memory_space<hbm>> -> memref<512x32xf32, #tpu.memory_space<hbm>>
    %dma_wait3A_580 = tpu.memref_slice %arg9[%dma_wait3A_571] : memref<4x!tpu.dma_semaphore, #tpu.memory_space<semaphore_mem>> -> memref<1x!tpu.dma_semaphore, #tpu.memory_space<semaphore_mem>>
    %dma_wait3A_581 = tpu.memref_squeeze %dma_wait3A_580 : memref<1x!tpu.dma_semaphore, #tpu.memory_space<semaphore_mem>> -> memref<!tpu.dma_semaphore, #tpu.memory_space<semaphore_mem>>
    %dma_wait3A_582 = arith.constant 0 : i32
    %dma_wait3A_583 = arith.constant 0 : i32
    %dma_wait3A_584 = arith.constant 0 : i32
    %dma_wait3A_585 = tpu.memref_slice %arg7[%dma_wait3A_570, %dma_wait3A_582, %dma_wait3A_583, %dma_wait3A_584] : memref<4x4x128x32xf32, #tpu.memory_space<vmem>> -> memref<1x4x128x32xf32, #tpu.memory_space<vmem>>
    %dma_wait3A_586 = tpu.memref_squeeze %dma_wait3A_585 : memref<1x4x128x32xf32, #tpu.memory_space<vmem>> -> memref<4x128x32xf32, #tpu.memory_space<vmem>>
    %dma_wait3A_587 = arith.constant 0 : i32
    %dma_wait3A_588 = arith.constant 0 : i32
    %dma_wait3A_589 = tpu.memref_slice %arg4[%dma_wait3A_587, %dma_wait3A_588] : memref<819200x128xf32, #tpu.memory_space<hbm>> -> memref<512x32xf32, #tpu.memory_space<hbm>>
    tpu.wait_dma2 semaphore(%dma_wait3A_581 : memref<!tpu.dma_semaphore, #tpu.memory_space<semaphore_mem>>) src(%dma_wait3A_589 : memref<512x32xf32, #tpu.memory_space<hbm>>) dst(%dma_wait3A_586 : memref<4x128x32xf32, #tpu.memory_space<vmem>>)
    %add3A_590 = arith.constant 25088 : i32
    %add3A_591 = arith.addi %mul3A_4, %add3A_590 : i32
    %dma_start3A_592 = arith.constant 0 : i32
    %dma_start3A_593 = arith.constant 0 : i32
    %dma_start3A_594 = arith.constant 0 : i32
    %dma_start3A_595 = arith.constant 0 : i32
    %dma_start3A_596 = arith.constant 0 : i32
    %dma_start3A_597 = arith.constant 0 : i32
    %dma_start3A_598 = tpu.memref_slice %arg7[%dma_start3A_592, %dma_start3A_595, %dma_start3A_596, %dma_start3A_597] : memref<4x4x128x32xf32, #tpu.memory_space<vmem>> -> memref<1x4x128x32xf32, #tpu.memory_space<vmem>>
    %dma_start3A_599 = tpu.memref_squeeze %dma_start3A_598 : memref<1x4x128x32xf32, #tpu.memory_space<vmem>> -> memref<4x128x32xf32, #tpu.memory_space<vmem>>
    %dma_start3A_600 = arith.constant 0 : i32
    %dma_start3A_601 = arith.constant 0 : i32
    %dma_start3A_602 = tpu.memref_slice %dma_start3A_599[%dma_start3A_593, %dma_start3A_600, %dma_start3A_601] : memref<4x128x32xf32, #tpu.memory_space<vmem>> -> memref<1x128x32xf32, #tpu.memory_space<vmem>>
    %dma_start3A_603 = tpu.memref_squeeze %dma_start3A_602 : memref<1x128x32xf32, #tpu.memory_space<vmem>> -> memref<128x32xf32, #tpu.memory_space<vmem>>
    %dma_start3A_604 = arith.constant 0 : i32
    %dma_start3A_605 = tpu.memref_slice %arg4[%add3A_591, %dma_start3A_604] : memref<819200x128xf32, #tpu.memory_space<hbm>> -> memref<128x32xf32, #tpu.memory_space<hbm>>
    %dma_start3A_606 = tpu.memref_slice %arg10[%dma_start3A_594] : memref<4x!tpu.dma_semaphore, #tpu.memory_space<semaphore_mem>> -> memref<1x!tpu.dma_semaphore, #tpu.memory_space<semaphore_mem>>
    %dma_start3A_607 = tpu.memref_squeeze %dma_start3A_606 : memref<1x!tpu.dma_semaphore, #tpu.memory_space<semaphore_mem>> -> memref<!tpu.dma_semaphore, #tpu.memory_space<semaphore_mem>>
    %dma_start3A_608 = arith.constant 0 : i32
    %dma_start3A_609 = tpu.memref_slice %arg4[%add3A_591, %dma_start3A_608] : memref<819200x128xf32, #tpu.memory_space<hbm>> -> memref<128x32xf32, #tpu.memory_space<hbm>>
    %dma_start3A_610 = arith.constant 0 : i32
    %dma_start3A_611 = arith.constant 0 : i32
    %dma_start3A_612 = arith.constant 0 : i32
    %dma_start3A_613 = tpu.memref_slice %arg7[%dma_start3A_592, %dma_start3A_610, %dma_start3A_611, %dma_start3A_612] : memref<4x4x128x32xf32, #tpu.memory_space<vmem>> -> memref<1x4x128x32xf32, #tpu.memory_space<vmem>>
    %dma_start3A_614 = tpu.memref_squeeze %dma_start3A_613 : memref<1x4x128x32xf32, #tpu.memory_space<vmem>> -> memref<4x128x32xf32, #tpu.memory_space<vmem>>
    %dma_start3A_615 = arith.constant 0 : i32
    %dma_start3A_616 = arith.constant 0 : i32
    %dma_start3A_617 = tpu.memref_slice %dma_start3A_614[%dma_start3A_593, %dma_start3A_615, %dma_start3A_616] : memref<4x128x32xf32, #tpu.memory_space<vmem>> -> memref<1x128x32xf32, #tpu.memory_space<vmem>>
    %dma_start3A_618 = tpu.memref_squeeze %dma_start3A_617 : memref<1x128x32xf32, #tpu.memory_space<vmem>> -> memref<128x32xf32, #tpu.memory_space<vmem>>
    tpu.enqueue_dma source(%dma_start3A_618 : memref<128x32xf32, #tpu.memory_space<vmem>>) target(%dma_start3A_609 : memref<128x32xf32, #tpu.memory_space<hbm>>) target_semaphore(%dma_start3A_607 : memref<!tpu.dma_semaphore, #tpu.memory_space<semaphore_mem>>)
    %add3A_619 = arith.constant 25088 : i32
    %add3A_620 = arith.addi %mul3A_4, %add3A_619 : i32
    %dma_start3A_621 = arith.constant 0 : i32
    %dma_start3A_622 = arith.constant 1 : i32
    %dma_start3A_623 = arith.constant 0 : i32
    %dma_start3A_624 = arith.constant 0 : i32
    %dma_start3A_625 = arith.constant 0 : i32
    %dma_start3A_626 = arith.constant 0 : i32
    %dma_start3A_627 = tpu.memref_slice %arg7[%dma_start3A_621, %dma_start3A_624, %dma_start3A_625, %dma_start3A_626] : memref<4x4x128x32xf32, #tpu.memory_space<vmem>> -> memref<1x4x128x32xf32, #tpu.memory_space<vmem>>
    %dma_start3A_628 = tpu.memref_squeeze %dma_start3A_627 : memref<1x4x128x32xf32, #tpu.memory_space<vmem>> -> memref<4x128x32xf32, #tpu.memory_space<vmem>>
    %dma_start3A_629 = arith.constant 0 : i32
    %dma_start3A_630 = arith.constant 0 : i32
    %dma_start3A_631 = tpu.memref_slice %dma_start3A_628[%dma_start3A_622, %dma_start3A_629, %dma_start3A_630] : memref<4x128x32xf32, #tpu.memory_space<vmem>> -> memref<1x128x32xf32, #tpu.memory_space<vmem>>
    %dma_start3A_632 = tpu.memref_squeeze %dma_start3A_631 : memref<1x128x32xf32, #tpu.memory_space<vmem>> -> memref<128x32xf32, #tpu.memory_space<vmem>>
    %dma_start3A_633 = arith.constant 32 : i32
    %dma_start3A_634 = tpu.memref_slice %arg4[%add3A_620, %dma_start3A_633] : memref<819200x128xf32, #tpu.memory_space<hbm>> -> memref<128x32xf32, #tpu.memory_space<hbm>>
    %dma_start3A_635 = tpu.memref_slice %arg10[%dma_start3A_623] : memref<4x!tpu.dma_semaphore, #tpu.memory_space<semaphore_mem>> -> memref<1x!tpu.dma_semaphore, #tpu.memory_space<semaphore_mem>>
    %dma_start3A_636 = tpu.memref_squeeze %dma_start3A_635 : memref<1x!tpu.dma_semaphore, #tpu.memory_space<semaphore_mem>> -> memref<!tpu.dma_semaphore, #tpu.memory_space<semaphore_mem>>
    %dma_start3A_637 = arith.constant 32 : i32
    %dma_start3A_638 = tpu.memref_slice %arg4[%add3A_620, %dma_start3A_637] : memref<819200x128xf32, #tpu.memory_space<hbm>> -> memref<128x32xf32, #tpu.memory_space<hbm>>
    %dma_start3A_639 = arith.constant 0 : i32
    %dma_start3A_640 = arith.constant 0 : i32
    %dma_start3A_641 = arith.constant 0 : i32
    %dma_start3A_642 = tpu.memref_slice %arg7[%dma_start3A_621, %dma_start3A_639, %dma_start3A_640, %dma_start3A_641] : memref<4x4x128x32xf32, #tpu.memory_space<vmem>> -> memref<1x4x128x32xf32, #tpu.memory_space<vmem>>
    %dma_start3A_643 = tpu.memref_squeeze %dma_start3A_642 : memref<1x4x128x32xf32, #tpu.memory_space<vmem>> -> memref<4x128x32xf32, #tpu.memory_space<vmem>>
    %dma_start3A_644 = arith.constant 0 : i32
    %dma_start3A_645 = arith.constant 0 : i32
    %dma_start3A_646 = tpu.memref_slice %dma_start3A_643[%dma_start3A_622, %dma_start3A_644, %dma_start3A_645] : memref<4x128x32xf32, #tpu.memory_space<vmem>> -> memref<1x128x32xf32, #tpu.memory_space<vmem>>
    %dma_start3A_647 = tpu.memref_squeeze %dma_start3A_646 : memref<1x128x32xf32, #tpu.memory_space<vmem>> -> memref<128x32xf32, #tpu.memory_space<vmem>>
    tpu.enqueue_dma source(%dma_start3A_647 : memref<128x32xf32, #tpu.memory_space<vmem>>) target(%dma_start3A_638 : memref<128x32xf32, #tpu.memory_space<hbm>>) target_semaphore(%dma_start3A_636 : memref<!tpu.dma_semaphore, #tpu.memory_space<semaphore_mem>>)
    %add3A_648 = arith.constant 25088 : i32
    %add3A_649 = arith.addi %mul3A_4, %add3A_648 : i32
    %dma_start3A_650 = arith.constant 0 : i32
    %dma_start3A_651 = arith.constant 2 : i32
    %dma_start3A_652 = arith.constant 0 : i32
    %dma_start3A_653 = arith.constant 0 : i32
    %dma_start3A_654 = arith.constant 0 : i32
    %dma_start3A_655 = arith.constant 0 : i32
    %dma_start3A_656 = tpu.memref_slice %arg7[%dma_start3A_650, %dma_start3A_653, %dma_start3A_654, %dma_start3A_655] : memref<4x4x128x32xf32, #tpu.memory_space<vmem>> -> memref<1x4x128x32xf32, #tpu.memory_space<vmem>>
    %dma_start3A_657 = tpu.memref_squeeze %dma_start3A_656 : memref<1x4x128x32xf32, #tpu.memory_space<vmem>> -> memref<4x128x32xf32, #tpu.memory_space<vmem>>
    %dma_start3A_658 = arith.constant 0 : i32
    %dma_start3A_659 = arith.constant 0 : i32
    %dma_start3A_660 = tpu.memref_slice %dma_start3A_657[%dma_start3A_651, %dma_start3A_658, %dma_start3A_659] : memref<4x128x32xf32, #tpu.memory_space<vmem>> -> memref<1x128x32xf32, #tpu.memory_space<vmem>>
    %dma_start3A_661 = tpu.memref_squeeze %dma_start3A_660 : memref<1x128x32xf32, #tpu.memory_space<vmem>> -> memref<128x32xf32, #tpu.memory_space<vmem>>
    %dma_start3A_662 = arith.constant 64 : i32
    %dma_start3A_663 = tpu.memref_slice %arg4[%add3A_649, %dma_start3A_662] : memref<819200x128xf32, #tpu.memory_space<hbm>> -> memref<128x32xf32, #tpu.memory_space<hbm>>
    %dma_start3A_664 = tpu.memref_slice %arg10[%dma_start3A_652] : memref<4x!tpu.dma_semaphore, #tpu.memory_space<semaphore_mem>> -> memref<1x!tpu.dma_semaphore, #tpu.memory_space<semaphore_mem>>
    %dma_start3A_665 = tpu.memref_squeeze %dma_start3A_664 : memref<1x!tpu.dma_semaphore, #tpu.memory_space<semaphore_mem>> -> memref<!tpu.dma_semaphore, #tpu.memory_space<semaphore_mem>>
    %dma_start3A_666 = arith.constant 64 : i32
    %dma_start3A_667 = tpu.memref_slice %arg4[%add3A_649, %dma_start3A_666] : memref<819200x128xf32, #tpu.memory_space<hbm>> -> memref<128x32xf32, #tpu.memory_space<hbm>>
    %dma_start3A_668 = arith.constant 0 : i32
    %dma_start3A_669 = arith.constant 0 : i32
    %dma_start3A_670 = arith.constant 0 : i32
    %dma_start3A_671 = tpu.memref_slice %arg7[%dma_start3A_650, %dma_start3A_668, %dma_start3A_669, %dma_start3A_670] : memref<4x4x128x32xf32, #tpu.memory_space<vmem>> -> memref<1x4x128x32xf32, #tpu.memory_space<vmem>>
    %dma_start3A_672 = tpu.memref_squeeze %dma_start3A_671 : memref<1x4x128x32xf32, #tpu.memory_space<vmem>> -> memref<4x128x32xf32, #tpu.memory_space<vmem>>
    %dma_start3A_673 = arith.constant 0 : i32
    %dma_start3A_674 = arith.constant 0 : i32
    %dma_start3A_675 = tpu.memref_slice %dma_start3A_672[%dma_start3A_651, %dma_start3A_673, %dma_start3A_674] : memref<4x128x32xf32, #tpu.memory_space<vmem>> -> memref<1x128x32xf32, #tpu.memory_space<vmem>>
    %dma_start3A_676 = tpu.memref_squeeze %dma_start3A_675 : memref<1x128x32xf32, #tpu.memory_space<vmem>> -> memref<128x32xf32, #tpu.memory_space<vmem>>
    tpu.enqueue_dma source(%dma_start3A_676 : memref<128x32xf32, #tpu.memory_space<vmem>>) target(%dma_start3A_667 : memref<128x32xf32, #tpu.memory_space<hbm>>) target_semaphore(%dma_start3A_665 : memref<!tpu.dma_semaphore, #tpu.memory_space<semaphore_mem>>)
    %add3A_677 = arith.constant 25088 : i32
    %add3A_678 = arith.addi %mul3A_4, %add3A_677 : i32
    %dma_start3A_679 = arith.constant 0 : i32
    %dma_start3A_680 = arith.constant 3 : i32
    %dma_start3A_681 = arith.constant 0 : i32
    %dma_start3A_682 = arith.constant 0 : i32
    %dma_start3A_683 = arith.constant 0 : i32
    %dma_start3A_684 = arith.constant 0 : i32
    %dma_start3A_685 = tpu.memref_slice %arg7[%dma_start3A_679, %dma_start3A_682, %dma_start3A_683, %dma_start3A_684] : memref<4x4x128x32xf32, #tpu.memory_space<vmem>> -> memref<1x4x128x32xf32, #tpu.memory_space<vmem>>
    %dma_start3A_686 = tpu.memref_squeeze %dma_start3A_685 : memref<1x4x128x32xf32, #tpu.memory_space<vmem>> -> memref<4x128x32xf32, #tpu.memory_space<vmem>>
    %dma_start3A_687 = arith.constant 0 : i32
    %dma_start3A_688 = arith.constant 0 : i32
    %dma_start3A_689 = tpu.memref_slice %dma_start3A_686[%dma_start3A_680, %dma_start3A_687, %dma_start3A_688] : memref<4x128x32xf32, #tpu.memory_space<vmem>> -> memref<1x128x32xf32, #tpu.memory_space<vmem>>
    %dma_start3A_690 = tpu.memref_squeeze %dma_start3A_689 : memref<1x128x32xf32, #tpu.memory_space<vmem>> -> memref<128x32xf32, #tpu.memory_space<vmem>>
    %dma_start3A_691 = arith.constant 96 : i32
    %dma_start3A_692 = tpu.memref_slice %arg4[%add3A_678, %dma_start3A_691] : memref<819200x128xf32, #tpu.memory_space<hbm>> -> memref<128x32xf32, #tpu.memory_space<hbm>>
    %dma_start3A_693 = tpu.memref_slice %arg10[%dma_start3A_681] : memref<4x!tpu.dma_semaphore, #tpu.memory_space<semaphore_mem>> -> memref<1x!tpu.dma_semaphore, #tpu.memory_space<semaphore_mem>>
    %dma_start3A_694 = tpu.memref_squeeze %dma_start3A_693 : memref<1x!tpu.dma_semaphore, #tpu.memory_space<semaphore_mem>> -> memref<!tpu.dma_semaphore, #tpu.memory_space<semaphore_mem>>
    %dma_start3A_695 = arith.constant 96 : i32
    %dma_start3A_696 = tpu.memref_slice %arg4[%add3A_678, %dma_start3A_695] : memref<819200x128xf32, #tpu.memory_space<hbm>> -> memref<128x32xf32, #tpu.memory_space<hbm>>
    %dma_start3A_697 = arith.constant 0 : i32
    %dma_start3A_698 = arith.constant 0 : i32
    %dma_start3A_699 = arith.constant 0 : i32
    %dma_start3A_700 = tpu.memref_slice %arg7[%dma_start3A_679, %dma_start3A_697, %dma_start3A_698, %dma_start3A_699] : memref<4x4x128x32xf32, #tpu.memory_space<vmem>> -> memref<1x4x128x32xf32, #tpu.memory_space<vmem>>
    %dma_start3A_701 = tpu.memref_squeeze %dma_start3A_700 : memref<1x4x128x32xf32, #tpu.memory_space<vmem>> -> memref<4x128x32xf32, #tpu.memory_space<vmem>>
    %dma_start3A_702 = arith.constant 0 : i32
    %dma_start3A_703 = arith.constant 0 : i32
    %dma_start3A_704 = tpu.memref_slice %dma_start3A_701[%dma_start3A_680, %dma_start3A_702, %dma_start3A_703] : memref<4x128x32xf32, #tpu.memory_space<vmem>> -> memref<1x128x32xf32, #tpu.memory_space<vmem>>
    %dma_start3A_705 = tpu.memref_squeeze %dma_start3A_704 : memref<1x128x32xf32, #tpu.memory_space<vmem>> -> memref<128x32xf32, #tpu.memory_space<vmem>>
    tpu.enqueue_dma source(%dma_start3A_705 : memref<128x32xf32, #tpu.memory_space<vmem>>) target(%dma_start3A_696 : memref<128x32xf32, #tpu.memory_space<hbm>>) target_semaphore(%dma_start3A_694 : memref<!tpu.dma_semaphore, #tpu.memory_space<semaphore_mem>>)
    %dma_wait3A_706 = arith.constant 1 : i32
    %dma_wait3A_707 = arith.constant 1 : i32
    %dma_wait3A_708 = arith.constant 0 : i32
    %dma_wait3A_709 = arith.constant 0 : i32
    %dma_wait3A_710 = arith.constant 0 : i32
    %dma_wait3A_711 = tpu.memref_slice %arg7[%dma_wait3A_706, %dma_wait3A_708, %dma_wait3A_709, %dma_wait3A_710] : memref<4x4x128x32xf32, #tpu.memory_space<vmem>> -> memref<1x4x128x32xf32, #tpu.memory_space<vmem>>
    %dma_wait3A_712 = tpu.memref_squeeze %dma_wait3A_711 : memref<1x4x128x32xf32, #tpu.memory_space<vmem>> -> memref<4x128x32xf32, #tpu.memory_space<vmem>>
    %dma_wait3A_713 = arith.constant 0 : i32
    %dma_wait3A_714 = arith.constant 0 : i32
    %dma_wait3A_715 = tpu.memref_slice %arg4[%dma_wait3A_713, %dma_wait3A_714] : memref<819200x128xf32, #tpu.memory_space<hbm>> -> memref<512x32xf32, #tpu.memory_space<hbm>>
    %dma_wait3A_716 = tpu.memref_slice %arg9[%dma_wait3A_707] : memref<4x!tpu.dma_semaphore, #tpu.memory_space<semaphore_mem>> -> memref<1x!tpu.dma_semaphore, #tpu.memory_space<semaphore_mem>>
    %dma_wait3A_717 = tpu.memref_squeeze %dma_wait3A_716 : memref<1x!tpu.dma_semaphore, #tpu.memory_space<semaphore_mem>> -> memref<!tpu.dma_semaphore, #tpu.memory_space<semaphore_mem>>
    %dma_wait3A_718 = arith.constant 0 : i32
    %dma_wait3A_719 = arith.constant 0 : i32
    %dma_wait3A_720 = arith.constant 0 : i32
    %dma_wait3A_721 = tpu.memref_slice %arg7[%dma_wait3A_706, %dma_wait3A_718, %dma_wait3A_719, %dma_wait3A_720] : memref<4x4x128x32xf32, #tpu.memory_space<vmem>> -> memref<1x4x128x32xf32, #tpu.memory_space<vmem>>
    %dma_wait3A_722 = tpu.memref_squeeze %dma_wait3A_721 : memref<1x4x128x32xf32, #tpu.memory_space<vmem>> -> memref<4x128x32xf32, #tpu.memory_space<vmem>>
    %dma_wait3A_723 = arith.constant 0 : i32
    %dma_wait3A_724 = arith.constant 0 : i32
    %dma_wait3A_725 = tpu.memref_slice %arg4[%dma_wait3A_723, %dma_wait3A_724] : memref<819200x128xf32, #tpu.memory_space<hbm>> -> memref<512x32xf32, #tpu.memory_space<hbm>>
    tpu.wait_dma2 semaphore(%dma_wait3A_717 : memref<!tpu.dma_semaphore, #tpu.memory_space<semaphore_mem>>) src(%dma_wait3A_725 : memref<512x32xf32, #tpu.memory_space<hbm>>) dst(%dma_wait3A_722 : memref<4x128x32xf32, #tpu.memory_space<vmem>>)
    %add3A_726 = arith.constant 25216 : i32
    %add3A_727 = arith.addi %mul3A_4, %add3A_726 : i32
    %dma_start3A_728 = arith.constant 1 : i32
    %dma_start3A_729 = arith.constant 0 : i32
    %dma_start3A_730 = arith.constant 1 : i32
    %dma_start3A_731 = arith.constant 0 : i32
    %dma_start3A_732 = arith.constant 0 : i32
    %dma_start3A_733 = arith.constant 0 : i32
    %dma_start3A_734 = tpu.memref_slice %arg7[%dma_start3A_728, %dma_start3A_731, %dma_start3A_732, %dma_start3A_733] : memref<4x4x128x32xf32, #tpu.memory_space<vmem>> -> memref<1x4x128x32xf32, #tpu.memory_space<vmem>>
    %dma_start3A_735 = tpu.memref_squeeze %dma_start3A_734 : memref<1x4x128x32xf32, #tpu.memory_space<vmem>> -> memref<4x128x32xf32, #tpu.memory_space<vmem>>
    %dma_start3A_736 = arith.constant 0 : i32
    %dma_start3A_737 = arith.constant 0 : i32
    %dma_start3A_738 = tpu.memref_slice %dma_start3A_735[%dma_start3A_729, %dma_start3A_736, %dma_start3A_737] : memref<4x128x32xf32, #tpu.memory_space<vmem>> -> memref<1x128x32xf32, #tpu.memory_space<vmem>>
    %dma_start3A_739 = tpu.memref_squeeze %dma_start3A_738 : memref<1x128x32xf32, #tpu.memory_space<vmem>> -> memref<128x32xf32, #tpu.memory_space<vmem>>
    %dma_start3A_740 = arith.constant 0 : i32
    %dma_start3A_741 = tpu.memref_slice %arg4[%add3A_727, %dma_start3A_740] : memref<819200x128xf32, #tpu.memory_space<hbm>> -> memref<128x32xf32, #tpu.memory_space<hbm>>
    %dma_start3A_742 = tpu.memref_slice %arg10[%dma_start3A_730] : memref<4x!tpu.dma_semaphore, #tpu.memory_space<semaphore_mem>> -> memref<1x!tpu.dma_semaphore, #tpu.memory_space<semaphore_mem>>
    %dma_start3A_743 = tpu.memref_squeeze %dma_start3A_742 : memref<1x!tpu.dma_semaphore, #tpu.memory_space<semaphore_mem>> -> memref<!tpu.dma_semaphore, #tpu.memory_space<semaphore_mem>>
    %dma_start3A_744 = arith.constant 0 : i32
    %dma_start3A_745 = tpu.memref_slice %arg4[%add3A_727, %dma_start3A_744] : memref<819200x128xf32, #tpu.memory_space<hbm>> -> memref<128x32xf32, #tpu.memory_space<hbm>>
    %dma_start3A_746 = arith.constant 0 : i32
    %dma_start3A_747 = arith.constant 0 : i32
    %dma_start3A_748 = arith.constant 0 : i32
    %dma_start3A_749 = tpu.memref_slice %arg7[%dma_start3A_728, %dma_start3A_746, %dma_start3A_747, %dma_start3A_748] : memref<4x4x128x32xf32, #tpu.memory_space<vmem>> -> memref<1x4x128x32xf32, #tpu.memory_space<vmem>>
    %dma_start3A_750 = tpu.memref_squeeze %dma_start3A_749 : memref<1x4x128x32xf32, #tpu.memory_space<vmem>> -> memref<4x128x32xf32, #tpu.memory_space<vmem>>
    %dma_start3A_751 = arith.constant 0 : i32
    %dma_start3A_752 = arith.constant 0 : i32
    %dma_start3A_753 = tpu.memref_slice %dma_start3A_750[%dma_start3A_729, %dma_start3A_751, %dma_start3A_752] : memref<4x128x32xf32, #tpu.memory_space<vmem>> -> memref<1x128x32xf32, #tpu.memory_space<vmem>>
    %dma_start3A_754 = tpu.memref_squeeze %dma_start3A_753 : memref<1x128x32xf32, #tpu.memory_space<vmem>> -> memref<128x32xf32, #tpu.memory_space<vmem>>
    tpu.enqueue_dma source(%dma_start3A_754 : memref<128x32xf32, #tpu.memory_space<vmem>>) target(%dma_start3A_745 : memref<128x32xf32, #tpu.memory_space<hbm>>) target_semaphore(%dma_start3A_743 : memref<!tpu.dma_semaphore, #tpu.memory_space<semaphore_mem>>)
    %add3A_755 = arith.constant 25216 : i32
    %add3A_756 = arith.addi %mul3A_4, %add3A_755 : i32
    %dma_start3A_757 = arith.constant 1 : i32
    %dma_start3A_758 = arith.constant 1 : i32
    %dma_start3A_759 = arith.constant 1 : i32
    %dma_start3A_760 = arith.constant 0 : i32
    %dma_start3A_761 = arith.constant 0 : i32
    %dma_start3A_762 = arith.constant 0 : i32
    %dma_start3A_763 = tpu.memref_slice %arg7[%dma_start3A_757, %dma_start3A_760, %dma_start3A_761, %dma_start3A_762] : memref<4x4x128x32xf32, #tpu.memory_space<vmem>> -> memref<1x4x128x32xf32, #tpu.memory_space<vmem>>
    %dma_start3A_764 = tpu.memref_squeeze %dma_start3A_763 : memref<1x4x128x32xf32, #tpu.memory_space<vmem>> -> memref<4x128x32xf32, #tpu.memory_space<vmem>>
    %dma_start3A_765 = arith.constant 0 : i32
    %dma_start3A_766 = arith.constant 0 : i32
    %dma_start3A_767 = tpu.memref_slice %dma_start3A_764[%dma_start3A_758, %dma_start3A_765, %dma_start3A_766] : memref<4x128x32xf32, #tpu.memory_space<vmem>> -> memref<1x128x32xf32, #tpu.memory_space<vmem>>
    %dma_start3A_768 = tpu.memref_squeeze %dma_start3A_767 : memref<1x128x32xf32, #tpu.memory_space<vmem>> -> memref<128x32xf32, #tpu.memory_space<vmem>>
    %dma_start3A_769 = arith.constant 32 : i32
    %dma_start3A_770 = tpu.memref_slice %arg4[%add3A_756, %dma_start3A_769] : memref<819200x128xf32, #tpu.memory_space<hbm>> -> memref<128x32xf32, #tpu.memory_space<hbm>>
    %dma_start3A_771 = tpu.memref_slice %arg10[%dma_start3A_759] : memref<4x!tpu.dma_semaphore, #tpu.memory_space<semaphore_mem>> -> memref<1x!tpu.dma_semaphore, #tpu.memory_space<semaphore_mem>>
    %dma_start3A_772 = tpu.memref_squeeze %dma_start3A_771 : memref<1x!tpu.dma_semaphore, #tpu.memory_space<semaphore_mem>> -> memref<!tpu.dma_semaphore, #tpu.memory_space<semaphore_mem>>
    %dma_start3A_773 = arith.constant 32 : i32
    %dma_start3A_774 = tpu.memref_slice %arg4[%add3A_756, %dma_start3A_773] : memref<819200x128xf32, #tpu.memory_space<hbm>> -> memref<128x32xf32, #tpu.memory_space<hbm>>
    %dma_start3A_775 = arith.constant 0 : i32
    %dma_start3A_776 = arith.constant 0 : i32
    %dma_start3A_777 = arith.constant 0 : i32
    %dma_start3A_778 = tpu.memref_slice %arg7[%dma_start3A_757, %dma_start3A_775, %dma_start3A_776, %dma_start3A_777] : memref<4x4x128x32xf32, #tpu.memory_space<vmem>> -> memref<1x4x128x32xf32, #tpu.memory_space<vmem>>
    %dma_start3A_779 = tpu.memref_squeeze %dma_start3A_778 : memref<1x4x128x32xf32, #tpu.memory_space<vmem>> -> memref<4x128x32xf32, #tpu.memory_space<vmem>>
    %dma_start3A_780 = arith.constant 0 : i32
    %dma_start3A_781 = arith.constant 0 : i32
    %dma_start3A_782 = tpu.memref_slice %dma_start3A_779[%dma_start3A_758, %dma_start3A_780, %dma_start3A_781] : memref<4x128x32xf32, #tpu.memory_space<vmem>> -> memref<1x128x32xf32, #tpu.memory_space<vmem>>
    %dma_start3A_783 = tpu.memref_squeeze %dma_start3A_782 : memref<1x128x32xf32, #tpu.memory_space<vmem>> -> memref<128x32xf32, #tpu.memory_space<vmem>>
    tpu.enqueue_dma source(%dma_start3A_783 : memref<128x32xf32, #tpu.memory_space<vmem>>) target(%dma_start3A_774 : memref<128x32xf32, #tpu.memory_space<hbm>>) target_semaphore(%dma_start3A_772 : memref<!tpu.dma_semaphore, #tpu.memory_space<semaphore_mem>>)
    %add3A_784 = arith.constant 25216 : i32
    %add3A_785 = arith.addi %mul3A_4, %add3A_784 : i32
    %dma_start3A_786 = arith.constant 1 : i32
    %dma_start3A_787 = arith.constant 2 : i32
    %dma_start3A_788 = arith.constant 1 : i32
    %dma_start3A_789 = arith.constant 0 : i32
    %dma_start3A_790 = arith.constant 0 : i32
    %dma_start3A_791 = arith.constant 0 : i32
    %dma_start3A_792 = tpu.memref_slice %arg7[%dma_start3A_786, %dma_start3A_789, %dma_start3A_790, %dma_start3A_791] : memref<4x4x128x32xf32, #tpu.memory_space<vmem>> -> memref<1x4x128x32xf32, #tpu.memory_space<vmem>>
    %dma_start3A_793 = tpu.memref_squeeze %dma_start3A_792 : memref<1x4x128x32xf32, #tpu.memory_space<vmem>> -> memref<4x128x32xf32, #tpu.memory_space<vmem>>
    %dma_start3A_794 = arith.constant 0 : i32
    %dma_start3A_795 = arith.constant 0 : i32
    %dma_start3A_796 = tpu.memref_slice %dma_start3A_793[%dma_start3A_787, %dma_start3A_794, %dma_start3A_795] : memref<4x128x32xf32, #tpu.memory_space<vmem>> -> memref<1x128x32xf32, #tpu.memory_space<vmem>>
    %dma_start3A_797 = tpu.memref_squeeze %dma_start3A_796 : memref<1x128x32xf32, #tpu.memory_space<vmem>> -> memref<128x32xf32, #tpu.memory_space<vmem>>
    %dma_start3A_798 = arith.constant 64 : i32
    %dma_start3A_799 = tpu.memref_slice %arg4[%add3A_785, %dma_start3A_798] : memref<819200x128xf32, #tpu.memory_space<hbm>> -> memref<128x32xf32, #tpu.memory_space<hbm>>
    %dma_start3A_800 = tpu.memref_slice %arg10[%dma_start3A_788] : memref<4x!tpu.dma_semaphore, #tpu.memory_space<semaphore_mem>> -> memref<1x!tpu.dma_semaphore, #tpu.memory_space<semaphore_mem>>
    %dma_start3A_801 = tpu.memref_squeeze %dma_start3A_800 : memref<1x!tpu.dma_semaphore, #tpu.memory_space<semaphore_mem>> -> memref<!tpu.dma_semaphore, #tpu.memory_space<semaphore_mem>>
    %dma_start3A_802 = arith.constant 64 : i32
    %dma_start3A_803 = tpu.memref_slice %arg4[%add3A_785, %dma_start3A_802] : memref<819200x128xf32, #tpu.memory_space<hbm>> -> memref<128x32xf32, #tpu.memory_space<hbm>>
    %dma_start3A_804 = arith.constant 0 : i32
    %dma_start3A_805 = arith.constant 0 : i32
    %dma_start3A_806 = arith.constant 0 : i32
    %dma_start3A_807 = tpu.memref_slice %arg7[%dma_start3A_786, %dma_start3A_804, %dma_start3A_805, %dma_start3A_806] : memref<4x4x128x32xf32, #tpu.memory_space<vmem>> -> memref<1x4x128x32xf32, #tpu.memory_space<vmem>>
    %dma_start3A_808 = tpu.memref_squeeze %dma_start3A_807 : memref<1x4x128x32xf32, #tpu.memory_space<vmem>> -> memref<4x128x32xf32, #tpu.memory_space<vmem>>
    %dma_start3A_809 = arith.constant 0 : i32
    %dma_start3A_810 = arith.constant 0 : i32
    %dma_start3A_811 = tpu.memref_slice %dma_start3A_808[%dma_start3A_787, %dma_start3A_809, %dma_start3A_810] : memref<4x128x32xf32, #tpu.memory_space<vmem>> -> memref<1x128x32xf32, #tpu.memory_space<vmem>>
    %dma_start3A_812 = tpu.memref_squeeze %dma_start3A_811 : memref<1x128x32xf32, #tpu.memory_space<vmem>> -> memref<128x32xf32, #tpu.memory_space<vmem>>
    tpu.enqueue_dma source(%dma_start3A_812 : memref<128x32xf32, #tpu.memory_space<vmem>>) target(%dma_start3A_803 : memref<128x32xf32, #tpu.memory_space<hbm>>) target_semaphore(%dma_start3A_801 : memref<!tpu.dma_semaphore, #tpu.memory_space<semaphore_mem>>)
    %add3A_813 = arith.constant 25216 : i32
    %add3A_814 = arith.addi %mul3A_4, %add3A_813 : i32
    %dma_start3A_815 = arith.constant 1 : i32
    %dma_start3A_816 = arith.constant 3 : i32
    %dma_start3A_817 = arith.constant 1 : i32
    %dma_start3A_818 = arith.constant 0 : i32
    %dma_start3A_819 = arith.constant 0 : i32
    %dma_start3A_820 = arith.constant 0 : i32
    %dma_start3A_821 = tpu.memref_slice %arg7[%dma_start3A_815, %dma_start3A_818, %dma_start3A_819, %dma_start3A_820] : memref<4x4x128x32xf32, #tpu.memory_space<vmem>> -> memref<1x4x128x32xf32, #tpu.memory_space<vmem>>
    %dma_start3A_822 = tpu.memref_squeeze %dma_start3A_821 : memref<1x4x128x32xf32, #tpu.memory_space<vmem>> -> memref<4x128x32xf32, #tpu.memory_space<vmem>>
    %dma_start3A_823 = arith.constant 0 : i32
    %dma_start3A_824 = arith.constant 0 : i32
    %dma_start3A_825 = tpu.memref_slice %dma_start3A_822[%dma_start3A_816, %dma_start3A_823, %dma_start3A_824] : memref<4x128x32xf32, #tpu.memory_space<vmem>> -> memref<1x128x32xf32, #tpu.memory_space<vmem>>
    %dma_start3A_826 = tpu.memref_squeeze %dma_start3A_825 : memref<1x128x32xf32, #tpu.memory_space<vmem>> -> memref<128x32xf32, #tpu.memory_space<vmem>>
    %dma_start3A_827 = arith.constant 96 : i32
    %dma_start3A_828 = tpu.memref_slice %arg4[%add3A_814, %dma_start3A_827] : memref<819200x128xf32, #tpu.memory_space<hbm>> -> memref<128x32xf32, #tpu.memory_space<hbm>>
    %dma_start3A_829 = tpu.memref_slice %arg10[%dma_start3A_817] : memref<4x!tpu.dma_semaphore, #tpu.memory_space<semaphore_mem>> -> memref<1x!tpu.dma_semaphore, #tpu.memory_space<semaphore_mem>>
    %dma_start3A_830 = tpu.memref_squeeze %dma_start3A_829 : memref<1x!tpu.dma_semaphore, #tpu.memory_space<semaphore_mem>> -> memref<!tpu.dma_semaphore, #tpu.memory_space<semaphore_mem>>
    %dma_start3A_831 = arith.constant 96 : i32
    %dma_start3A_832 = tpu.memref_slice %arg4[%add3A_814, %dma_start3A_831] : memref<819200x128xf32, #tpu.memory_space<hbm>> -> memref<128x32xf32, #tpu.memory_space<hbm>>
    %dma_start3A_833 = arith.constant 0 : i32
    %dma_start3A_834 = arith.constant 0 : i32
    %dma_start3A_835 = arith.constant 0 : i32
    %dma_start3A_836 = tpu.memref_slice %arg7[%dma_start3A_815, %dma_start3A_833, %dma_start3A_834, %dma_start3A_835] : memref<4x4x128x32xf32, #tpu.memory_space<vmem>> -> memref<1x4x128x32xf32, #tpu.memory_space<vmem>>
    %dma_start3A_837 = tpu.memref_squeeze %dma_start3A_836 : memref<1x4x128x32xf32, #tpu.memory_space<vmem>> -> memref<4x128x32xf32, #tpu.memory_space<vmem>>
    %dma_start3A_838 = arith.constant 0 : i32
    %dma_start3A_839 = arith.constant 0 : i32
    %dma_start3A_840 = tpu.memref_slice %dma_start3A_837[%dma_start3A_816, %dma_start3A_838, %dma_start3A_839] : memref<4x128x32xf32, #tpu.memory_space<vmem>> -> memref<1x128x32xf32, #tpu.memory_space<vmem>>
    %dma_start3A_841 = tpu.memref_squeeze %dma_start3A_840 : memref<1x128x32xf32, #tpu.memory_space<vmem>> -> memref<128x32xf32, #tpu.memory_space<vmem>>
    tpu.enqueue_dma source(%dma_start3A_841 : memref<128x32xf32, #tpu.memory_space<vmem>>) target(%dma_start3A_832 : memref<128x32xf32, #tpu.memory_space<hbm>>) target_semaphore(%dma_start3A_830 : memref<!tpu.dma_semaphore, #tpu.memory_space<semaphore_mem>>)
    %dma_wait3A_842 = arith.constant 2 : i32
    %dma_wait3A_843 = arith.constant 2 : i32
    %dma_wait3A_844 = arith.constant 0 : i32
    %dma_wait3A_845 = arith.constant 0 : i32
    %dma_wait3A_846 = arith.constant 0 : i32
    %dma_wait3A_847 = tpu.memref_slice %arg7[%dma_wait3A_842, %dma_wait3A_844, %dma_wait3A_845, %dma_wait3A_846] : memref<4x4x128x32xf32, #tpu.memory_space<vmem>> -> memref<1x4x128x32xf32, #tpu.memory_space<vmem>>
    %dma_wait3A_848 = tpu.memref_squeeze %dma_wait3A_847 : memref<1x4x128x32xf32, #tpu.memory_space<vmem>> -> memref<4x128x32xf32, #tpu.memory_space<vmem>>
    %dma_wait3A_849 = arith.constant 0 : i32
    %dma_wait3A_850 = arith.constant 0 : i32
    %dma_wait3A_851 = tpu.memref_slice %arg4[%dma_wait3A_849, %dma_wait3A_850] : memref<819200x128xf32, #tpu.memory_space<hbm>> -> memref<512x32xf32, #tpu.memory_space<hbm>>
    %dma_wait3A_852 = tpu.memref_slice %arg9[%dma_wait3A_843] : memref<4x!tpu.dma_semaphore, #tpu.memory_space<semaphore_mem>> -> memref<1x!tpu.dma_semaphore, #tpu.memory_space<semaphore_mem>>
    %dma_wait3A_853 = tpu.memref_squeeze %dma_wait3A_852 : memref<1x!tpu.dma_semaphore, #tpu.memory_space<semaphore_mem>> -> memref<!tpu.dma_semaphore, #tpu.memory_space<semaphore_mem>>
    %dma_wait3A_854 = arith.constant 0 : i32
    %dma_wait3A_855 = arith.constant 0 : i32
    %dma_wait3A_856 = arith.constant 0 : i32
    %dma_wait3A_857 = tpu.memref_slice %arg7[%dma_wait3A_842, %dma_wait3A_854, %dma_wait3A_855, %dma_wait3A_856] : memref<4x4x128x32xf32, #tpu.memory_space<vmem>> -> memref<1x4x128x32xf32, #tpu.memory_space<vmem>>
    %dma_wait3A_858 = tpu.memref_squeeze %dma_wait3A_857 : memref<1x4x128x32xf32, #tpu.memory_space<vmem>> -> memref<4x128x32xf32, #tpu.memory_space<vmem>>
    %dma_wait3A_859 = arith.constant 0 : i32
    %dma_wait3A_860 = arith.constant 0 : i32
    %dma_wait3A_861 = tpu.memref_slice %arg4[%dma_wait3A_859, %dma_wait3A_860] : memref<819200x128xf32, #tpu.memory_space<hbm>> -> memref<512x32xf32, #tpu.memory_space<hbm>>
    tpu.wait_dma2 semaphore(%dma_wait3A_853 : memref<!tpu.dma_semaphore, #tpu.memory_space<semaphore_mem>>) src(%dma_wait3A_861 : memref<512x32xf32, #tpu.memory_space<hbm>>) dst(%dma_wait3A_858 : memref<4x128x32xf32, #tpu.memory_space<vmem>>)
    %add3A_862 = arith.constant 25344 : i32
    %add3A_863 = arith.addi %mul3A_4, %add3A_862 : i32
    %dma_start3A_864 = arith.constant 2 : i32
    %dma_start3A_865 = arith.constant 0 : i32
    %dma_start3A_866 = arith.constant 2 : i32
    %dma_start3A_867 = arith.constant 0 : i32
    %dma_start3A_868 = arith.constant 0 : i32
    %dma_start3A_869 = arith.constant 0 : i32
    %dma_start3A_870 = tpu.memref_slice %arg7[%dma_start3A_864, %dma_start3A_867, %dma_start3A_868, %dma_start3A_869] : memref<4x4x128x32xf32, #tpu.memory_space<vmem>> -> memref<1x4x128x32xf32, #tpu.memory_space<vmem>>
    %dma_start3A_871 = tpu.memref_squeeze %dma_start3A_870 : memref<1x4x128x32xf32, #tpu.memory_space<vmem>> -> memref<4x128x32xf32, #tpu.memory_space<vmem>>
    %dma_start3A_872 = arith.constant 0 : i32
    %dma_start3A_873 = arith.constant 0 : i32
    %dma_start3A_874 = tpu.memref_slice %dma_start3A_871[%dma_start3A_865, %dma_start3A_872, %dma_start3A_873] : memref<4x128x32xf32, #tpu.memory_space<vmem>> -> memref<1x128x32xf32, #tpu.memory_space<vmem>>
    %dma_start3A_875 = tpu.memref_squeeze %dma_start3A_874 : memref<1x128x32xf32, #tpu.memory_space<vmem>> -> memref<128x32xf32, #tpu.memory_space<vmem>>
    %dma_start3A_876 = arith.constant 0 : i32
    %dma_start3A_877 = tpu.memref_slice %arg4[%add3A_863, %dma_start3A_876] : memref<819200x128xf32, #tpu.memory_space<hbm>> -> memref<128x32xf32, #tpu.memory_space<hbm>>
    %dma_start3A_878 = tpu.memref_slice %arg10[%dma_start3A_866] : memref<4x!tpu.dma_semaphore, #tpu.memory_space<semaphore_mem>> -> memref<1x!tpu.dma_semaphore, #tpu.memory_space<semaphore_mem>>
    %dma_start3A_879 = tpu.memref_squeeze %dma_start3A_878 : memref<1x!tpu.dma_semaphore, #tpu.memory_space<semaphore_mem>> -> memref<!tpu.dma_semaphore, #tpu.memory_space<semaphore_mem>>
    %dma_start3A_880 = arith.constant 0 : i32
    %dma_start3A_881 = tpu.memref_slice %arg4[%add3A_863, %dma_start3A_880] : memref<819200x128xf32, #tpu.memory_space<hbm>> -> memref<128x32xf32, #tpu.memory_space<hbm>>
    %dma_start3A_882 = arith.constant 0 : i32
    %dma_start3A_883 = arith.constant 0 : i32
    %dma_start3A_884 = arith.constant 0 : i32
    %dma_start3A_885 = tpu.memref_slice %arg7[%dma_start3A_864, %dma_start3A_882, %dma_start3A_883, %dma_start3A_884] : memref<4x4x128x32xf32, #tpu.memory_space<vmem>> -> memref<1x4x128x32xf32, #tpu.memory_space<vmem>>
    %dma_start3A_886 = tpu.memref_squeeze %dma_start3A_885 : memref<1x4x128x32xf32, #tpu.memory_space<vmem>> -> memref<4x128x32xf32, #tpu.memory_space<vmem>>
    %dma_start3A_887 = arith.constant 0 : i32
    %dma_start3A_888 = arith.constant 0 : i32
    %dma_start3A_889 = tpu.memref_slice %dma_start3A_886[%dma_start3A_865, %dma_start3A_887, %dma_start3A_888] : memref<4x128x32xf32, #tpu.memory_space<vmem>> -> memref<1x128x32xf32, #tpu.memory_space<vmem>>
    %dma_start3A_890 = tpu.memref_squeeze %dma_start3A_889 : memref<1x128x32xf32, #tpu.memory_space<vmem>> -> memref<128x32xf32, #tpu.memory_space<vmem>>
    tpu.enqueue_dma source(%dma_start3A_890 : memref<128x32xf32, #tpu.memory_space<vmem>>) target(%dma_start3A_881 : memref<128x32xf32, #tpu.memory_space<hbm>>) target_semaphore(%dma_start3A_879 : memref<!tpu.dma_semaphore, #tpu.memory_space<semaphore_mem>>)
    %add3A_891 = arith.constant 25344 : i32
    %add3A_892 = arith.addi %mul3A_4, %add3A_891 : i32
    %dma_start3A_893 = arith.constant 2 : i32
    %dma_start3A_894 = arith.constant 1 : i32
    %dma_start3A_895 = arith.constant 2 : i32
    %dma_start3A_896 = arith.constant 0 : i32
    %dma_start3A_897 = arith.constant 0 : i32
    %dma_start3A_898 = arith.constant 0 : i32
    %dma_start3A_899 = tpu.memref_slice %arg7[%dma_start3A_893, %dma_start3A_896, %dma_start3A_897, %dma_start3A_898] : memref<4x4x128x32xf32, #tpu.memory_space<vmem>> -> memref<1x4x128x32xf32, #tpu.memory_space<vmem>>
    %dma_start3A_900 = tpu.memref_squeeze %dma_start3A_899 : memref<1x4x128x32xf32, #tpu.memory_space<vmem>> -> memref<4x128x32xf32, #tpu.memory_space<vmem>>
    %dma_start3A_901 = arith.constant 0 : i32
    %dma_start3A_902 = arith.constant 0 : i32
    %dma_start3A_903 = tpu.memref_slice %dma_start3A_900[%dma_start3A_894, %dma_start3A_901, %dma_start3A_902] : memref<4x128x32xf32, #tpu.memory_space<vmem>> -> memref<1x128x32xf32, #tpu.memory_space<vmem>>
    %dma_start3A_904 = tpu.memref_squeeze %dma_start3A_903 : memref<1x128x32xf32, #tpu.memory_space<vmem>> -> memref<128x32xf32, #tpu.memory_space<vmem>>
    %dma_start3A_905 = arith.constant 32 : i32
    %dma_start3A_906 = tpu.memref_slice %arg4[%add3A_892, %dma_start3A_905] : memref<819200x128xf32, #tpu.memory_space<hbm>> -> memref<128x32xf32, #tpu.memory_space<hbm>>
    %dma_start3A_907 = tpu.memref_slice %arg10[%dma_start3A_895] : memref<4x!tpu.dma_semaphore, #tpu.memory_space<semaphore_mem>> -> memref<1x!tpu.dma_semaphore, #tpu.memory_space<semaphore_mem>>
    %dma_start3A_908 = tpu.memref_squeeze %dma_start3A_907 : memref<1x!tpu.dma_semaphore, #tpu.memory_space<semaphore_mem>> -> memref<!tpu.dma_semaphore, #tpu.memory_space<semaphore_mem>>
    %dma_start3A_909 = arith.constant 32 : i32
    %dma_start3A_910 = tpu.memref_slice %arg4[%add3A_892, %dma_start3A_909] : memref<819200x128xf32, #tpu.memory_space<hbm>> -> memref<128x32xf32, #tpu.memory_space<hbm>>
    %dma_start3A_911 = arith.constant 0 : i32
    %dma_start3A_912 = arith.constant 0 : i32
    %dma_start3A_913 = arith.constant 0 : i32
    %dma_start3A_914 = tpu.memref_slice %arg7[%dma_start3A_893, %dma_start3A_911, %dma_start3A_912, %dma_start3A_913] : memref<4x4x128x32xf32, #tpu.memory_space<vmem>> -> memref<1x4x128x32xf32, #tpu.memory_space<vmem>>
    %dma_start3A_915 = tpu.memref_squeeze %dma_start3A_914 : memref<1x4x128x32xf32, #tpu.memory_space<vmem>> -> memref<4x128x32xf32, #tpu.memory_space<vmem>>
    %dma_start3A_916 = arith.constant 0 : i32
    %dma_start3A_917 = arith.constant 0 : i32
    %dma_start3A_918 = tpu.memref_slice %dma_start3A_915[%dma_start3A_894, %dma_start3A_916, %dma_start3A_917] : memref<4x128x32xf32, #tpu.memory_space<vmem>> -> memref<1x128x32xf32, #tpu.memory_space<vmem>>
    %dma_start3A_919 = tpu.memref_squeeze %dma_start3A_918 : memref<1x128x32xf32, #tpu.memory_space<vmem>> -> memref<128x32xf32, #tpu.memory_space<vmem>>
    tpu.enqueue_dma source(%dma_start3A_919 : memref<128x32xf32, #tpu.memory_space<vmem>>) target(%dma_start3A_910 : memref<128x32xf32, #tpu.memory_space<hbm>>) target_semaphore(%dma_start3A_908 : memref<!tpu.dma_semaphore, #tpu.memory_space<semaphore_mem>>)
    %add3A_920 = arith.constant 25344 : i32
    %add3A_921 = arith.addi %mul3A_4, %add3A_920 : i32
    %dma_start3A_922 = arith.constant 2 : i32
    %dma_start3A_923 = arith.constant 2 : i32
    %dma_start3A_924 = arith.constant 2 : i32
    %dma_start3A_925 = arith.constant 0 : i32
    %dma_start3A_926 = arith.constant 0 : i32
    %dma_start3A_927 = arith.constant 0 : i32
    %dma_start3A_928 = tpu.memref_slice %arg7[%dma_start3A_922, %dma_start3A_925, %dma_start3A_926, %dma_start3A_927] : memref<4x4x128x32xf32, #tpu.memory_space<vmem>> -> memref<1x4x128x32xf32, #tpu.memory_space<vmem>>
    %dma_start3A_929 = tpu.memref_squeeze %dma_start3A_928 : memref<1x4x128x32xf32, #tpu.memory_space<vmem>> -> memref<4x128x32xf32, #tpu.memory_space<vmem>>
    %dma_start3A_930 = arith.constant 0 : i32
    %dma_start3A_931 = arith.constant 0 : i32
    %dma_start3A_932 = tpu.memref_slice %dma_start3A_929[%dma_start3A_923, %dma_start3A_930, %dma_start3A_931] : memref<4x128x32xf32, #tpu.memory_space<vmem>> -> memref<1x128x32xf32, #tpu.memory_space<vmem>>
    %dma_start3A_933 = tpu.memref_squeeze %dma_start3A_932 : memref<1x128x32xf32, #tpu.memory_space<vmem>> -> memref<128x32xf32, #tpu.memory_space<vmem>>
    %dma_start3A_934 = arith.constant 64 : i32
    %dma_start3A_935 = tpu.memref_slice %arg4[%add3A_921, %dma_start3A_934] : memref<819200x128xf32, #tpu.memory_space<hbm>> -> memref<128x32xf32, #tpu.memory_space<hbm>>
    %dma_start3A_936 = tpu.memref_slice %arg10[%dma_start3A_924] : memref<4x!tpu.dma_semaphore, #tpu.memory_space<semaphore_mem>> -> memref<1x!tpu.dma_semaphore, #tpu.memory_space<semaphore_mem>>
    %dma_start3A_937 = tpu.memref_squeeze %dma_start3A_936 : memref<1x!tpu.dma_semaphore, #tpu.memory_space<semaphore_mem>> -> memref<!tpu.dma_semaphore, #tpu.memory_space<semaphore_mem>>
    %dma_start3A_938 = arith.constant 64 : i32
    %dma_start3A_939 = tpu.memref_slice %arg4[%add3A_921, %dma_start3A_938] : memref<819200x128xf32, #tpu.memory_space<hbm>> -> memref<128x32xf32, #tpu.memory_space<hbm>>
    %dma_start3A_940 = arith.constant 0 : i32
    %dma_start3A_941 = arith.constant 0 : i32
    %dma_start3A_942 = arith.constant 0 : i32
    %dma_start3A_943 = tpu.memref_slice %arg7[%dma_start3A_922, %dma_start3A_940, %dma_start3A_941, %dma_start3A_942] : memref<4x4x128x32xf32, #tpu.memory_space<vmem>> -> memref<1x4x128x32xf32, #tpu.memory_space<vmem>>
    %dma_start3A_944 = tpu.memref_squeeze %dma_start3A_943 : memref<1x4x128x32xf32, #tpu.memory_space<vmem>> -> memref<4x128x32xf32, #tpu.memory_space<vmem>>
    %dma_start3A_945 = arith.constant 0 : i32
    %dma_start3A_946 = arith.constant 0 : i32
    %dma_start3A_947 = tpu.memref_slice %dma_start3A_944[%dma_start3A_923, %dma_start3A_945, %dma_start3A_946] : memref<4x128x32xf32, #tpu.memory_space<vmem>> -> memref<1x128x32xf32, #tpu.memory_space<vmem>>
    %dma_start3A_948 = tpu.memref_squeeze %dma_start3A_947 : memref<1x128x32xf32, #tpu.memory_space<vmem>> -> memref<128x32xf32, #tpu.memory_space<vmem>>
    tpu.enqueue_dma source(%dma_start3A_948 : memref<128x32xf32, #tpu.memory_space<vmem>>) target(%dma_start3A_939 : memref<128x32xf32, #tpu.memory_space<hbm>>) target_semaphore(%dma_start3A_937 : memref<!tpu.dma_semaphore, #tpu.memory_space<semaphore_mem>>)
    %add3A_949 = arith.constant 25344 : i32
    %add3A_950 = arith.addi %mul3A_4, %add3A_949 : i32
    %dma_start3A_951 = arith.constant 2 : i32
    %dma_start3A_952 = arith.constant 3 : i32
    %dma_start3A_953 = arith.constant 2 : i32
    %dma_start3A_954 = arith.constant 0 : i32
    %dma_start3A_955 = arith.constant 0 : i32
    %dma_start3A_956 = arith.constant 0 : i32
    %dma_start3A_957 = tpu.memref_slice %arg7[%dma_start3A_951, %dma_start3A_954, %dma_start3A_955, %dma_start3A_956] : memref<4x4x128x32xf32, #tpu.memory_space<vmem>> -> memref<1x4x128x32xf32, #tpu.memory_space<vmem>>
    %dma_start3A_958 = tpu.memref_squeeze %dma_start3A_957 : memref<1x4x128x32xf32, #tpu.memory_space<vmem>> -> memref<4x128x32xf32, #tpu.memory_space<vmem>>
    %dma_start3A_959 = arith.constant 0 : i32
    %dma_start3A_960 = arith.constant 0 : i32
    %dma_start3A_961 = tpu.memref_slice %dma_start3A_958[%dma_start3A_952, %dma_start3A_959, %dma_start3A_960] : memref<4x128x32xf32, #tpu.memory_space<vmem>> -> memref<1x128x32xf32, #tpu.memory_space<vmem>>
    %dma_start3A_962 = tpu.memref_squeeze %dma_start3A_961 : memref<1x128x32xf32, #tpu.memory_space<vmem>> -> memref<128x32xf32, #tpu.memory_space<vmem>>
    %dma_start3A_963 = arith.constant 96 : i32
    %dma_start3A_964 = tpu.memref_slice %arg4[%add3A_950, %dma_start3A_963] : memref<819200x128xf32, #tpu.memory_space<hbm>> -> memref<128x32xf32, #tpu.memory_space<hbm>>
    %dma_start3A_965 = tpu.memref_slice %arg10[%dma_start3A_953] : memref<4x!tpu.dma_semaphore, #tpu.memory_space<semaphore_mem>> -> memref<1x!tpu.dma_semaphore, #tpu.memory_space<semaphore_mem>>
    %dma_start3A_966 = tpu.memref_squeeze %dma_start3A_965 : memref<1x!tpu.dma_semaphore, #tpu.memory_space<semaphore_mem>> -> memref<!tpu.dma_semaphore, #tpu.memory_space<semaphore_mem>>
    %dma_start3A_967 = arith.constant 96 : i32
    %dma_start3A_968 = tpu.memref_slice %arg4[%add3A_950, %dma_start3A_967] : memref<819200x128xf32, #tpu.memory_space<hbm>> -> memref<128x32xf32, #tpu.memory_space<hbm>>
    %dma_start3A_969 = arith.constant 0 : i32
    %dma_start3A_970 = arith.constant 0 : i32
    %dma_start3A_971 = arith.constant 0 : i32
    %dma_start3A_972 = tpu.memref_slice %arg7[%dma_start3A_951, %dma_start3A_969, %dma_start3A_970, %dma_start3A_971] : memref<4x4x128x32xf32, #tpu.memory_space<vmem>> -> memref<1x4x128x32xf32, #tpu.memory_space<vmem>>
    %dma_start3A_973 = tpu.memref_squeeze %dma_start3A_972 : memref<1x4x128x32xf32, #tpu.memory_space<vmem>> -> memref<4x128x32xf32, #tpu.memory_space<vmem>>
    %dma_start3A_974 = arith.constant 0 : i32
    %dma_start3A_975 = arith.constant 0 : i32
    %dma_start3A_976 = tpu.memref_slice %dma_start3A_973[%dma_start3A_952, %dma_start3A_974, %dma_start3A_975] : memref<4x128x32xf32, #tpu.memory_space<vmem>> -> memref<1x128x32xf32, #tpu.memory_space<vmem>>
    %dma_start3A_977 = tpu.memref_squeeze %dma_start3A_976 : memref<1x128x32xf32, #tpu.memory_space<vmem>> -> memref<128x32xf32, #tpu.memory_space<vmem>>
    tpu.enqueue_dma source(%dma_start3A_977 : memref<128x32xf32, #tpu.memory_space<vmem>>) target(%dma_start3A_968 : memref<128x32xf32, #tpu.memory_space<hbm>>) target_semaphore(%dma_start3A_966 : memref<!tpu.dma_semaphore, #tpu.memory_space<semaphore_mem>>)
    %dma_wait3A_978 = arith.constant 3 : i32
    %dma_wait3A_979 = arith.constant 3 : i32
    %dma_wait3A_980 = arith.constant 0 : i32
    %dma_wait3A_981 = arith.constant 0 : i32
    %dma_wait3A_982 = arith.constant 0 : i32
    %dma_wait3A_983 = tpu.memref_slice %arg7[%dma_wait3A_978, %dma_wait3A_980, %dma_wait3A_981, %dma_wait3A_982] : memref<4x4x128x32xf32, #tpu.memory_space<vmem>> -> memref<1x4x128x32xf32, #tpu.memory_space<vmem>>
    %dma_wait3A_984 = tpu.memref_squeeze %dma_wait3A_983 : memref<1x4x128x32xf32, #tpu.memory_space<vmem>> -> memref<4x128x32xf32, #tpu.memory_space<vmem>>
    %dma_wait3A_985 = arith.constant 0 : i32
    %dma_wait3A_986 = arith.constant 0 : i32
    %dma_wait3A_987 = tpu.memref_slice %arg4[%dma_wait3A_985, %dma_wait3A_986] : memref<819200x128xf32, #tpu.memory_space<hbm>> -> memref<512x32xf32, #tpu.memory_space<hbm>>
    %dma_wait3A_988 = tpu.memref_slice %arg9[%dma_wait3A_979] : memref<4x!tpu.dma_semaphore, #tpu.memory_space<semaphore_mem>> -> memref<1x!tpu.dma_semaphore, #tpu.memory_space<semaphore_mem>>
    %dma_wait3A_989 = tpu.memref_squeeze %dma_wait3A_988 : memref<1x!tpu.dma_semaphore, #tpu.memory_space<semaphore_mem>> -> memref<!tpu.dma_semaphore, #tpu.memory_space<semaphore_mem>>
    %dma_wait3A_990 = arith.constant 0 : i32
    %dma_wait3A_991 = arith.constant 0 : i32
    %dma_wait3A_992 = arith.constant 0 : i32
    %dma_wait3A_993 = tpu.memref_slice %arg7[%dma_wait3A_978, %dma_wait3A_990, %dma_wait3A_991, %dma_wait3A_992] : memref<4x4x128x32xf32, #tpu.memory_space<vmem>> -> memref<1x4x128x32xf32, #tpu.memory_space<vmem>>
    %dma_wait3A_994 = tpu.memref_squeeze %dma_wait3A_993 : memref<1x4x128x32xf32, #tpu.memory_space<vmem>> -> memref<4x128x32xf32, #tpu.memory_space<vmem>>
    %dma_wait3A_995 = arith.constant 0 : i32
    %dma_wait3A_996 = arith.constant 0 : i32
    %dma_wait3A_997 = tpu.memref_slice %arg4[%dma_wait3A_995, %dma_wait3A_996] : memref<819200x128xf32, #tpu.memory_space<hbm>> -> memref<512x32xf32, #tpu.memory_space<hbm>>
    tpu.wait_dma2 semaphore(%dma_wait3A_989 : memref<!tpu.dma_semaphore, #tpu.memory_space<semaphore_mem>>) src(%dma_wait3A_997 : memref<512x32xf32, #tpu.memory_space<hbm>>) dst(%dma_wait3A_994 : memref<4x128x32xf32, #tpu.memory_space<vmem>>)
    %add3A_998 = arith.constant 25472 : i32
    %add3A_999 = arith.addi %mul3A_4, %add3A_998 : i32
    %dma_start3A_1000 = arith.constant 3 : i32
    %dma_start3A_1001 = arith.constant 0 : i32
    %dma_start3A_1002 = arith.constant 3 : i32
    %dma_start3A_1003 = arith.constant 0 : i32
    %dma_start3A_1004 = arith.constant 0 : i32
    %dma_start3A_1005 = arith.constant 0 : i32
    %dma_start3A_1006 = tpu.memref_slice %arg7[%dma_start3A_1000, %dma_start3A_1003, %dma_start3A_1004, %dma_start3A_1005] : memref<4x4x128x32xf32, #tpu.memory_space<vmem>> -> memref<1x4x128x32xf32, #tpu.memory_space<vmem>>
    %dma_start3A_1007 = tpu.memref_squeeze %dma_start3A_1006 : memref<1x4x128x32xf32, #tpu.memory_space<vmem>> -> memref<4x128x32xf32, #tpu.memory_space<vmem>>
    %dma_start3A_1008 = arith.constant 0 : i32
    %dma_start3A_1009 = arith.constant 0 : i32
    %dma_start3A_1010 = tpu.memref_slice %dma_start3A_1007[%dma_start3A_1001, %dma_start3A_1008, %dma_start3A_1009] : memref<4x128x32xf32, #tpu.memory_space<vmem>> -> memref<1x128x32xf32, #tpu.memory_space<vmem>>
    %dma_start3A_1011 = tpu.memref_squeeze %dma_start3A_1010 : memref<1x128x32xf32, #tpu.memory_space<vmem>> -> memref<128x32xf32, #tpu.memory_space<vmem>>
    %dma_start3A_1012 = arith.constant 0 : i32
    %dma_start3A_1013 = tpu.memref_slice %arg4[%add3A_999, %dma_start3A_1012] : memref<819200x128xf32, #tpu.memory_space<hbm>> -> memref<128x32xf32, #tpu.memory_space<hbm>>
    %dma_start3A_1014 = tpu.memref_slice %arg10[%dma_start3A_1002] : memref<4x!tpu.dma_semaphore, #tpu.memory_space<semaphore_mem>> -> memref<1x!tpu.dma_semaphore, #tpu.memory_space<semaphore_mem>>
    %dma_start3A_1015 = tpu.memref_squeeze %dma_start3A_1014 : memref<1x!tpu.dma_semaphore, #tpu.memory_space<semaphore_mem>> -> memref<!tpu.dma_semaphore, #tpu.memory_space<semaphore_mem>>
    %dma_start3A_1016 = arith.constant 0 : i32
    %dma_start3A_1017 = tpu.memref_slice %arg4[%add3A_999, %dma_start3A_1016] : memref<819200x128xf32, #tpu.memory_space<hbm>> -> memref<128x32xf32, #tpu.memory_space<hbm>>
    %dma_start3A_1018 = arith.constant 0 : i32
    %dma_start3A_1019 = arith.constant 0 : i32
    %dma_start3A_1020 = arith.constant 0 : i32
    %dma_start3A_1021 = tpu.memref_slice %arg7[%dma_start3A_1000, %dma_start3A_1018, %dma_start3A_1019, %dma_start3A_1020] : memref<4x4x128x32xf32, #tpu.memory_space<vmem>> -> memref<1x4x128x32xf32, #tpu.memory_space<vmem>>
    %dma_start3A_1022 = tpu.memref_squeeze %dma_start3A_1021 : memref<1x4x128x32xf32, #tpu.memory_space<vmem>> -> memref<4x128x32xf32, #tpu.memory_space<vmem>>
    %dma_start3A_1023 = arith.constant 0 : i32
    %dma_start3A_1024 = arith.constant 0 : i32
    %dma_start3A_1025 = tpu.memref_slice %dma_start3A_1022[%dma_start3A_1001, %dma_start3A_1023, %dma_start3A_1024] : memref<4x128x32xf32, #tpu.memory_space<vmem>> -> memref<1x128x32xf32, #tpu.memory_space<vmem>>
    %dma_start3A_1026 = tpu.memref_squeeze %dma_start3A_1025 : memref<1x128x32xf32, #tpu.memory_space<vmem>> -> memref<128x32xf32, #tpu.memory_space<vmem>>
    tpu.enqueue_dma source(%dma_start3A_1026 : memref<128x32xf32, #tpu.memory_space<vmem>>) target(%dma_start3A_1017 : memref<128x32xf32, #tpu.memory_space<hbm>>) target_semaphore(%dma_start3A_1015 : memref<!tpu.dma_semaphore, #tpu.memory_space<semaphore_mem>>)
    %add3A_1027 = arith.constant 25472 : i32
    %add3A_1028 = arith.addi %mul3A_4, %add3A_1027 : i32
    %dma_start3A_1029 = arith.constant 3 : i32
    %dma_start3A_1030 = arith.constant 1 : i32
    %dma_start3A_1031 = arith.constant 3 : i32
    %dma_start3A_1032 = arith.constant 0 : i32
    %dma_start3A_1033 = arith.constant 0 : i32
    %dma_start3A_1034 = arith.constant 0 : i32
    %dma_start3A_1035 = tpu.memref_slice %arg7[%dma_start3A_1029, %dma_start3A_1032, %dma_start3A_1033, %dma_start3A_1034] : memref<4x4x128x32xf32, #tpu.memory_space<vmem>> -> memref<1x4x128x32xf32, #tpu.memory_space<vmem>>
    %dma_start3A_1036 = tpu.memref_squeeze %dma_start3A_1035 : memref<1x4x128x32xf32, #tpu.memory_space<vmem>> -> memref<4x128x32xf32, #tpu.memory_space<vmem>>
    %dma_start3A_1037 = arith.constant 0 : i32
    %dma_start3A_1038 = arith.constant 0 : i32
    %dma_start3A_1039 = tpu.memref_slice %dma_start3A_1036[%dma_start3A_1030, %dma_start3A_1037, %dma_start3A_1038] : memref<4x128x32xf32, #tpu.memory_space<vmem>> -> memref<1x128x32xf32, #tpu.memory_space<vmem>>
    %dma_start3A_1040 = tpu.memref_squeeze %dma_start3A_1039 : memref<1x128x32xf32, #tpu.memory_space<vmem>> -> memref<128x32xf32, #tpu.memory_space<vmem>>
    %dma_start3A_1041 = arith.constant 32 : i32
    %dma_start3A_1042 = tpu.memref_slice %arg4[%add3A_1028, %dma_start3A_1041] : memref<819200x128xf32, #tpu.memory_space<hbm>> -> memref<128x32xf32, #tpu.memory_space<hbm>>
    %dma_start3A_1043 = tpu.memref_slice %arg10[%dma_start3A_1031] : memref<4x!tpu.dma_semaphore, #tpu.memory_space<semaphore_mem>> -> memref<1x!tpu.dma_semaphore, #tpu.memory_space<semaphore_mem>>
    %dma_start3A_1044 = tpu.memref_squeeze %dma_start3A_1043 : memref<1x!tpu.dma_semaphore, #tpu.memory_space<semaphore_mem>> -> memref<!tpu.dma_semaphore, #tpu.memory_space<semaphore_mem>>
    %dma_start3A_1045 = arith.constant 32 : i32
    %dma_start3A_1046 = tpu.memref_slice %arg4[%add3A_1028, %dma_start3A_1045] : memref<819200x128xf32, #tpu.memory_space<hbm>> -> memref<128x32xf32, #tpu.memory_space<hbm>>
    %dma_start3A_1047 = arith.constant 0 : i32
    %dma_start3A_1048 = arith.constant 0 : i32
    %dma_start3A_1049 = arith.constant 0 : i32
    %dma_start3A_1050 = tpu.memref_slice %arg7[%dma_start3A_1029, %dma_start3A_1047, %dma_start3A_1048, %dma_start3A_1049] : memref<4x4x128x32xf32, #tpu.memory_space<vmem>> -> memref<1x4x128x32xf32, #tpu.memory_space<vmem>>
    %dma_start3A_1051 = tpu.memref_squeeze %dma_start3A_1050 : memref<1x4x128x32xf32, #tpu.memory_space<vmem>> -> memref<4x128x32xf32, #tpu.memory_space<vmem>>
    %dma_start3A_1052 = arith.constant 0 : i32
    %dma_start3A_1053 = arith.constant 0 : i32
    %dma_start3A_1054 = tpu.memref_slice %dma_start3A_1051[%dma_start3A_1030, %dma_start3A_1052, %dma_start3A_1053] : memref<4x128x32xf32, #tpu.memory_space<vmem>> -> memref<1x128x32xf32, #tpu.memory_space<vmem>>
    %dma_start3A_1055 = tpu.memref_squeeze %dma_start3A_1054 : memref<1x128x32xf32, #tpu.memory_space<vmem>> -> memref<128x32xf32, #tpu.memory_space<vmem>>
    tpu.enqueue_dma source(%dma_start3A_1055 : memref<128x32xf32, #tpu.memory_space<vmem>>) target(%dma_start3A_1046 : memref<128x32xf32, #tpu.memory_space<hbm>>) target_semaphore(%dma_start3A_1044 : memref<!tpu.dma_semaphore, #tpu.memory_space<semaphore_mem>>)
    %add3A_1056 = arith.constant 25472 : i32
    %add3A_1057 = arith.addi %mul3A_4, %add3A_1056 : i32
    %dma_start3A_1058 = arith.constant 3 : i32
    %dma_start3A_1059 = arith.constant 2 : i32
    %dma_start3A_1060 = arith.constant 3 : i32
    %dma_start3A_1061 = arith.constant 0 : i32
    %dma_start3A_1062 = arith.constant 0 : i32
    %dma_start3A_1063 = arith.constant 0 : i32
    %dma_start3A_1064 = tpu.memref_slice %arg7[%dma_start3A_1058, %dma_start3A_1061, %dma_start3A_1062, %dma_start3A_1063] : memref<4x4x128x32xf32, #tpu.memory_space<vmem>> -> memref<1x4x128x32xf32, #tpu.memory_space<vmem>>
    %dma_start3A_1065 = tpu.memref_squeeze %dma_start3A_1064 : memref<1x4x128x32xf32, #tpu.memory_space<vmem>> -> memref<4x128x32xf32, #tpu.memory_space<vmem>>
    %dma_start3A_1066 = arith.constant 0 : i32
    %dma_start3A_1067 = arith.constant 0 : i32
    %dma_start3A_1068 = tpu.memref_slice %dma_start3A_1065[%dma_start3A_1059, %dma_start3A_1066, %dma_start3A_1067] : memref<4x128x32xf32, #tpu.memory_space<vmem>> -> memref<1x128x32xf32, #tpu.memory_space<vmem>>
    %dma_start3A_1069 = tpu.memref_squeeze %dma_start3A_1068 : memref<1x128x32xf32, #tpu.memory_space<vmem>> -> memref<128x32xf32, #tpu.memory_space<vmem>>
    %dma_start3A_1070 = arith.constant 64 : i32
    %dma_start3A_1071 = tpu.memref_slice %arg4[%add3A_1057, %dma_start3A_1070] : memref<819200x128xf32, #tpu.memory_space<hbm>> -> memref<128x32xf32, #tpu.memory_space<hbm>>
    %dma_start3A_1072 = tpu.memref_slice %arg10[%dma_start3A_1060] : memref<4x!tpu.dma_semaphore, #tpu.memory_space<semaphore_mem>> -> memref<1x!tpu.dma_semaphore, #tpu.memory_space<semaphore_mem>>
    %dma_start3A_1073 = tpu.memref_squeeze %dma_start3A_1072 : memref<1x!tpu.dma_semaphore, #tpu.memory_space<semaphore_mem>> -> memref<!tpu.dma_semaphore, #tpu.memory_space<semaphore_mem>>
    %dma_start3A_1074 = arith.constant 64 : i32
    %dma_start3A_1075 = tpu.memref_slice %arg4[%add3A_1057, %dma_start3A_1074] : memref<819200x128xf32, #tpu.memory_space<hbm>> -> memref<128x32xf32, #tpu.memory_space<hbm>>
    %dma_start3A_1076 = arith.constant 0 : i32
    %dma_start3A_1077 = arith.constant 0 : i32
    %dma_start3A_1078 = arith.constant 0 : i32
    %dma_start3A_1079 = tpu.memref_slice %arg7[%dma_start3A_1058, %dma_start3A_1076, %dma_start3A_1077, %dma_start3A_1078] : memref<4x4x128x32xf32, #tpu.memory_space<vmem>> -> memref<1x4x128x32xf32, #tpu.memory_space<vmem>>
    %dma_start3A_1080 = tpu.memref_squeeze %dma_start3A_1079 : memref<1x4x128x32xf32, #tpu.memory_space<vmem>> -> memref<4x128x32xf32, #tpu.memory_space<vmem>>
    %dma_start3A_1081 = arith.constant 0 : i32
    %dma_start3A_1082 = arith.constant 0 : i32
    %dma_start3A_1083 = tpu.memref_slice %dma_start3A_1080[%dma_start3A_1059, %dma_start3A_1081, %dma_start3A_1082] : memref<4x128x32xf32, #tpu.memory_space<vmem>> -> memref<1x128x32xf32, #tpu.memory_space<vmem>>
    %dma_start3A_1084 = tpu.memref_squeeze %dma_start3A_1083 : memref<1x128x32xf32, #tpu.memory_space<vmem>> -> memref<128x32xf32, #tpu.memory_space<vmem>>
    tpu.enqueue_dma source(%dma_start3A_1084 : memref<128x32xf32, #tpu.memory_space<vmem>>) target(%dma_start3A_1075 : memref<128x32xf32, #tpu.memory_space<hbm>>) target_semaphore(%dma_start3A_1073 : memref<!tpu.dma_semaphore, #tpu.memory_space<semaphore_mem>>)
    %add3A_1085 = arith.constant 25472 : i32
    %add3A_1086 = arith.addi %mul3A_4, %add3A_1085 : i32
    %dma_start3A_1087 = arith.constant 3 : i32
    %dma_start3A_1088 = arith.constant 3 : i32
    %dma_start3A_1089 = arith.constant 3 : i32
    %dma_start3A_1090 = arith.constant 0 : i32
    %dma_start3A_1091 = arith.constant 0 : i32
    %dma_start3A_1092 = arith.constant 0 : i32
    %dma_start3A_1093 = tpu.memref_slice %arg7[%dma_start3A_1087, %dma_start3A_1090, %dma_start3A_1091, %dma_start3A_1092] : memref<4x4x128x32xf32, #tpu.memory_space<vmem>> -> memref<1x4x128x32xf32, #tpu.memory_space<vmem>>
    %dma_start3A_1094 = tpu.memref_squeeze %dma_start3A_1093 : memref<1x4x128x32xf32, #tpu.memory_space<vmem>> -> memref<4x128x32xf32, #tpu.memory_space<vmem>>
    %dma_start3A_1095 = arith.constant 0 : i32
    %dma_start3A_1096 = arith.constant 0 : i32
    %dma_start3A_1097 = tpu.memref_slice %dma_start3A_1094[%dma_start3A_1088, %dma_start3A_1095, %dma_start3A_1096] : memref<4x128x32xf32, #tpu.memory_space<vmem>> -> memref<1x128x32xf32, #tpu.memory_space<vmem>>
    %dma_start3A_1098 = tpu.memref_squeeze %dma_start3A_1097 : memref<1x128x32xf32, #tpu.memory_space<vmem>> -> memref<128x32xf32, #tpu.memory_space<vmem>>
    %dma_start3A_1099 = arith.constant 96 : i32
    %dma_start3A_1100 = tpu.memref_slice %arg4[%add3A_1086, %dma_start3A_1099] : memref<819200x128xf32, #tpu.memory_space<hbm>> -> memref<128x32xf32, #tpu.memory_space<hbm>>
    %dma_start3A_1101 = tpu.memref_slice %arg10[%dma_start3A_1089] : memref<4x!tpu.dma_semaphore, #tpu.memory_space<semaphore_mem>> -> memref<1x!tpu.dma_semaphore, #tpu.memory_space<semaphore_mem>>
    %dma_start3A_1102 = tpu.memref_squeeze %dma_start3A_1101 : memref<1x!tpu.dma_semaphore, #tpu.memory_space<semaphore_mem>> -> memref<!tpu.dma_semaphore, #tpu.memory_space<semaphore_mem>>
    %dma_start3A_1103 = arith.constant 96 : i32
    %dma_start3A_1104 = tpu.memref_slice %arg4[%add3A_1086, %dma_start3A_1103] : memref<819200x128xf32, #tpu.memory_space<hbm>> -> memref<128x32xf32, #tpu.memory_space<hbm>>
    %dma_start3A_1105 = arith.constant 0 : i32
    %dma_start3A_1106 = arith.constant 0 : i32
    %dma_start3A_1107 = arith.constant 0 : i32
    %dma_start3A_1108 = tpu.memref_slice %arg7[%dma_start3A_1087, %dma_start3A_1105, %dma_start3A_1106, %dma_start3A_1107] : memref<4x4x128x32xf32, #tpu.memory_space<vmem>> -> memref<1x4x128x32xf32, #tpu.memory_space<vmem>>
    %dma_start3A_1109 = tpu.memref_squeeze %dma_start3A_1108 : memref<1x4x128x32xf32, #tpu.memory_space<vmem>> -> memref<4x128x32xf32, #tpu.memory_space<vmem>>
    %dma_start3A_1110 = arith.constant 0 : i32
    %dma_start3A_1111 = arith.constant 0 : i32
    %dma_start3A_1112 = tpu.memref_slice %dma_start3A_1109[%dma_start3A_1088, %dma_start3A_1110, %dma_start3A_1111] : memref<4x128x32xf32, #tpu.memory_space<vmem>> -> memref<1x128x32xf32, #tpu.memory_space<vmem>>
    %dma_start3A_1113 = tpu.memref_squeeze %dma_start3A_1112 : memref<1x128x32xf32, #tpu.memory_space<vmem>> -> memref<128x32xf32, #tpu.memory_space<vmem>>
    tpu.enqueue_dma source(%dma_start3A_1113 : memref<128x32xf32, #tpu.memory_space<vmem>>) target(%dma_start3A_1104 : memref<128x32xf32, #tpu.memory_space<hbm>>) target_semaphore(%dma_start3A_1102 : memref<!tpu.dma_semaphore, #tpu.memory_space<semaphore_mem>>)
    %dma_wait3A_1114 = arith.constant 0 : i32
    %dma_wait3A_1115 = arith.constant 0 : i32
    %dma_wait3A_1116 = arith.constant 0 : i32
    %dma_wait3A_1117 = arith.constant 0 : i32
    %dma_wait3A_1118 = arith.constant 0 : i32
    %dma_wait3A_1119 = tpu.memref_slice %arg7[%dma_wait3A_1114, %dma_wait3A_1116, %dma_wait3A_1117, %dma_wait3A_1118] : memref<4x4x128x32xf32, #tpu.memory_space<vmem>> -> memref<1x4x128x32xf32, #tpu.memory_space<vmem>>
    %dma_wait3A_1120 = tpu.memref_squeeze %dma_wait3A_1119 : memref<1x4x128x32xf32, #tpu.memory_space<vmem>> -> memref<4x128x32xf32, #tpu.memory_space<vmem>>
    %dma_wait3A_1121 = arith.constant 0 : i32
    %dma_wait3A_1122 = arith.constant 0 : i32
    %dma_wait3A_1123 = tpu.memref_slice %arg4[%dma_wait3A_1121, %dma_wait3A_1122] : memref<819200x128xf32, #tpu.memory_space<hbm>> -> memref<512x32xf32, #tpu.memory_space<hbm>>
    %dma_wait3A_1124 = tpu.memref_slice %arg10[%dma_wait3A_1115] : memref<4x!tpu.dma_semaphore, #tpu.memory_space<semaphore_mem>> -> memref<1x!tpu.dma_semaphore, #tpu.memory_space<semaphore_mem>>
    %dma_wait3A_1125 = tpu.memref_squeeze %dma_wait3A_1124 : memref<1x!tpu.dma_semaphore, #tpu.memory_space<semaphore_mem>> -> memref<!tpu.dma_semaphore, #tpu.memory_space<semaphore_mem>>
    %dma_wait3A_1126 = arith.constant 0 : i32
    %dma_wait3A_1127 = arith.constant 0 : i32
    %dma_wait3A_1128 = arith.constant 0 : i32
    %dma_wait3A_1129 = tpu.memref_slice %arg7[%dma_wait3A_1114, %dma_wait3A_1126, %dma_wait3A_1127, %dma_wait3A_1128] : memref<4x4x128x32xf32, #tpu.memory_space<vmem>> -> memref<1x4x128x32xf32, #tpu.memory_space<vmem>>
    %dma_wait3A_1130 = tpu.memref_squeeze %dma_wait3A_1129 : memref<1x4x128x32xf32, #tpu.memory_space<vmem>> -> memref<4x128x32xf32, #tpu.memory_space<vmem>>
    %dma_wait3A_1131 = arith.constant 0 : i32
    %dma_wait3A_1132 = arith.constant 0 : i32
    %dma_wait3A_1133 = tpu.memref_slice %arg4[%dma_wait3A_1131, %dma_wait3A_1132] : memref<819200x128xf32, #tpu.memory_space<hbm>> -> memref<512x32xf32, #tpu.memory_space<hbm>>
    tpu.wait_dma2 semaphore(%dma_wait3A_1125 : memref<!tpu.dma_semaphore, #tpu.memory_space<semaphore_mem>>) src(%dma_wait3A_1133 : memref<512x32xf32, #tpu.memory_space<hbm>>) dst(%dma_wait3A_1130 : memref<4x128x32xf32, #tpu.memory_space<vmem>>)
    %dma_wait3A_1134 = arith.constant 1 : i32
    %dma_wait3A_1135 = arith.constant 1 : i32
    %dma_wait3A_1136 = arith.constant 0 : i32
    %dma_wait3A_1137 = arith.constant 0 : i32
    %dma_wait3A_1138 = arith.constant 0 : i32
    %dma_wait3A_1139 = tpu.memref_slice %arg7[%dma_wait3A_1134, %dma_wait3A_1136, %dma_wait3A_1137, %dma_wait3A_1138] : memref<4x4x128x32xf32, #tpu.memory_space<vmem>> -> memref<1x4x128x32xf32, #tpu.memory_space<vmem>>
    %dma_wait3A_1140 = tpu.memref_squeeze %dma_wait3A_1139 : memref<1x4x128x32xf32, #tpu.memory_space<vmem>> -> memref<4x128x32xf32, #tpu.memory_space<vmem>>
    %dma_wait3A_1141 = arith.constant 0 : i32
    %dma_wait3A_1142 = arith.constant 0 : i32
    %dma_wait3A_1143 = tpu.memref_slice %arg4[%dma_wait3A_1141, %dma_wait3A_1142] : memref<819200x128xf32, #tpu.memory_space<hbm>> -> memref<512x32xf32, #tpu.memory_space<hbm>>
    %dma_wait3A_1144 = tpu.memref_slice %arg10[%dma_wait3A_1135] : memref<4x!tpu.dma_semaphore, #tpu.memory_space<semaphore_mem>> -> memref<1x!tpu.dma_semaphore, #tpu.memory_space<semaphore_mem>>
    %dma_wait3A_1145 = tpu.memref_squeeze %dma_wait3A_1144 : memref<1x!tpu.dma_semaphore, #tpu.memory_space<semaphore_mem>> -> memref<!tpu.dma_semaphore, #tpu.memory_space<semaphore_mem>>
    %dma_wait3A_1146 = arith.constant 0 : i32
    %dma_wait3A_1147 = arith.constant 0 : i32
    %dma_wait3A_1148 = arith.constant 0 : i32
    %dma_wait3A_1149 = tpu.memref_slice %arg7[%dma_wait3A_1134, %dma_wait3A_1146, %dma_wait3A_1147, %dma_wait3A_1148] : memref<4x4x128x32xf32, #tpu.memory_space<vmem>> -> memref<1x4x128x32xf32, #tpu.memory_space<vmem>>
    %dma_wait3A_1150 = tpu.memref_squeeze %dma_wait3A_1149 : memref<1x4x128x32xf32, #tpu.memory_space<vmem>> -> memref<4x128x32xf32, #tpu.memory_space<vmem>>
    %dma_wait3A_1151 = arith.constant 0 : i32
    %dma_wait3A_1152 = arith.constant 0 : i32
    %dma_wait3A_1153 = tpu.memref_slice %arg4[%dma_wait3A_1151, %dma_wait3A_1152] : memref<819200x128xf32, #tpu.memory_space<hbm>> -> memref<512x32xf32, #tpu.memory_space<hbm>>
    tpu.wait_dma2 semaphore(%dma_wait3A_1145 : memref<!tpu.dma_semaphore, #tpu.memory_space<semaphore_mem>>) src(%dma_wait3A_1153 : memref<512x32xf32, #tpu.memory_space<hbm>>) dst(%dma_wait3A_1150 : memref<4x128x32xf32, #tpu.memory_space<vmem>>)
    %dma_wait3A_1154 = arith.constant 2 : i32
    %dma_wait3A_1155 = arith.constant 2 : i32
    %dma_wait3A_1156 = arith.constant 0 : i32
    %dma_wait3A_1157 = arith.constant 0 : i32
    %dma_wait3A_1158 = arith.constant 0 : i32
    %dma_wait3A_1159 = tpu.memref_slice %arg7[%dma_wait3A_1154, %dma_wait3A_1156, %dma_wait3A_1157, %dma_wait3A_1158] : memref<4x4x128x32xf32, #tpu.memory_space<vmem>> -> memref<1x4x128x32xf32, #tpu.memory_space<vmem>>
    %dma_wait3A_1160 = tpu.memref_squeeze %dma_wait3A_1159 : memref<1x4x128x32xf32, #tpu.memory_space<vmem>> -> memref<4x128x32xf32, #tpu.memory_space<vmem>>
    %dma_wait3A_1161 = arith.constant 0 : i32
    %dma_wait3A_1162 = arith.constant 0 : i32
    %dma_wait3A_1163 = tpu.memref_slice %arg4[%dma_wait3A_1161, %dma_wait3A_1162] : memref<819200x128xf32, #tpu.memory_space<hbm>> -> memref<512x32xf32, #tpu.memory_space<hbm>>
    %dma_wait3A_1164 = tpu.memref_slice %arg10[%dma_wait3A_1155] : memref<4x!tpu.dma_semaphore, #tpu.memory_space<semaphore_mem>> -> memref<1x!tpu.dma_semaphore, #tpu.memory_space<semaphore_mem>>
    %dma_wait3A_1165 = tpu.memref_squeeze %dma_wait3A_1164 : memref<1x!tpu.dma_semaphore, #tpu.memory_space<semaphore_mem>> -> memref<!tpu.dma_semaphore, #tpu.memory_space<semaphore_mem>>
    %dma_wait3A_1166 = arith.constant 0 : i32
    %dma_wait3A_1167 = arith.constant 0 : i32
    %dma_wait3A_1168 = arith.constant 0 : i32
    %dma_wait3A_1169 = tpu.memref_slice %arg7[%dma_wait3A_1154, %dma_wait3A_1166, %dma_wait3A_1167, %dma_wait3A_1168] : memref<4x4x128x32xf32, #tpu.memory_space<vmem>> -> memref<1x4x128x32xf32, #tpu.memory_space<vmem>>
    %dma_wait3A_1170 = tpu.memref_squeeze %dma_wait3A_1169 : memref<1x4x128x32xf32, #tpu.memory_space<vmem>> -> memref<4x128x32xf32, #tpu.memory_space<vmem>>
    %dma_wait3A_1171 = arith.constant 0 : i32
    %dma_wait3A_1172 = arith.constant 0 : i32
    %dma_wait3A_1173 = tpu.memref_slice %arg4[%dma_wait3A_1171, %dma_wait3A_1172] : memref<819200x128xf32, #tpu.memory_space<hbm>> -> memref<512x32xf32, #tpu.memory_space<hbm>>
    tpu.wait_dma2 semaphore(%dma_wait3A_1165 : memref<!tpu.dma_semaphore, #tpu.memory_space<semaphore_mem>>) src(%dma_wait3A_1173 : memref<512x32xf32, #tpu.memory_space<hbm>>) dst(%dma_wait3A_1170 : memref<4x128x32xf32, #tpu.memory_space<vmem>>)
    %dma_wait3A_1174 = arith.constant 3 : i32
    %dma_wait3A_1175 = arith.constant 3 : i32
    %dma_wait3A_1176 = arith.constant 0 : i32
    %dma_wait3A_1177 = arith.constant 0 : i32
    %dma_wait3A_1178 = arith.constant 0 : i32
    %dma_wait3A_1179 = tpu.memref_slice %arg7[%dma_wait3A_1174, %dma_wait3A_1176, %dma_wait3A_1177, %dma_wait3A_1178] : memref<4x4x128x32xf32, #tpu.memory_space<vmem>> -> memref<1x4x128x32xf32, #tpu.memory_space<vmem>>
    %dma_wait3A_1180 = tpu.memref_squeeze %dma_wait3A_1179 : memref<1x4x128x32xf32, #tpu.memory_space<vmem>> -> memref<4x128x32xf32, #tpu.memory_space<vmem>>
    %dma_wait3A_1181 = arith.constant 0 : i32
    %dma_wait3A_1182 = arith.constant 0 : i32
    %dma_wait3A_1183 = tpu.memref_slice %arg4[%dma_wait3A_1181, %dma_wait3A_1182] : memref<819200x128xf32, #tpu.memory_space<hbm>> -> memref<512x32xf32, #tpu.memory_space<hbm>>
    %dma_wait3A_1184 = tpu.memref_slice %arg10[%dma_wait3A_1175] : memref<4x!tpu.dma_semaphore, #tpu.memory_space<semaphore_mem>> -> memref<1x!tpu.dma_semaphore, #tpu.memory_space<semaphore_mem>>
    %dma_wait3A_1185 = tpu.memref_squeeze %dma_wait3A_1184 : memref<1x!tpu.dma_semaphore, #tpu.memory_space<semaphore_mem>> -> memref<!tpu.dma_semaphore, #tpu.memory_space<semaphore_mem>>
    %dma_wait3A_1186 = arith.constant 0 : i32
    %dma_wait3A_1187 = arith.constant 0 : i32
    %dma_wait3A_1188 = arith.constant 0 : i32
    %dma_wait3A_1189 = tpu.memref_slice %arg7[%dma_wait3A_1174, %dma_wait3A_1186, %dma_wait3A_1187, %dma_wait3A_1188] : memref<4x4x128x32xf32, #tpu.memory_space<vmem>> -> memref<1x4x128x32xf32, #tpu.memory_space<vmem>>
    %dma_wait3A_1190 = tpu.memref_squeeze %dma_wait3A_1189 : memref<1x4x128x32xf32, #tpu.memory_space<vmem>> -> memref<4x128x32xf32, #tpu.memory_space<vmem>>
    %dma_wait3A_1191 = arith.constant 0 : i32
    %dma_wait3A_1192 = arith.constant 0 : i32
    %dma_wait3A_1193 = tpu.memref_slice %arg4[%dma_wait3A_1191, %dma_wait3A_1192] : memref<819200x128xf32, #tpu.memory_space<hbm>> -> memref<512x32xf32, #tpu.memory_space<hbm>>
    tpu.wait_dma2 semaphore(%dma_wait3A_1185 : memref<!tpu.dma_semaphore, #tpu.memory_space<semaphore_mem>>) src(%dma_wait3A_1193 : memref<512x32xf32, #tpu.memory_space<hbm>>) dst(%dma_wait3A_1190 : memref<4x128x32xf32, #tpu.memory_space<vmem>>)
    return
  }
}

</mosaic_0001>

<sc_bundles>
// kernel: kernel.3.cloned.1.call-start
scs
__scs_entry_jumppad:
0x0: {  	(pc) =	sbr.rel $0x88, $3  }
0x1: {  	(tag) =	ssettag $0x0;
	lr =	simm.s32 $0x1  }
0x2: {  	[smem:$0x3F9F] =	sst lr;
	_ =	strace $0xD0000000  }
0x3: {  	_ = 	snop  }
0x4: {  	_ = 	snop  }
0x5: {  	_ = 	snop  }
0x6: {  	_ = 	snop  }
0x7: {  	_ = 	snop  }
__scs_overlays_trampoline_lowered:
0x8: {  	[smem:$0x3FAE] =	sst s0  }
0x9: {  	[smem:$0x3FAF] =	sst s1  }
0xa: {  	[smem:$0x3FB0] =	sst s2  }
0xb: {  	[smem:$0x3FB1] =	sst s3  }
0xc: {  	[smem:$0x3FB2] =	sst s4  }
0xd: {  	[smem:$0x3FB3] =	sst s5  }
0xe: {  	[smem:$0x3FB4] =	sst s6  }
0xf: {  	[smem:$0x3FB5] =	sst s7  }
0x10: {  	[smem:$0x3FB6] =	sst s8  }
0x11: {  	[smem:$0x3FB7] =	sst s9;
	s0 =	simm.s32 @!p0 $0x0  }
0x12: {  	s1 =	sld [smem:$0x3F9D];
	s0 =	simm.s32 @p0 $0x1  }
0x13: {  	[smem:$0x3FB8] =	sst s0;
	s0 =	simm.s32 @!p1 $0x0  }
0x14: {  	s2 =	sld [smem:$0x3F9C];
	s0 =	simm.s32 @p1 $0x1  }
0x15: {  	[smem:$0x3FB9] =	sst s0;
	s0 =	simm.s32 @!p2 $0x0  }
0x16: {  	s3 =	sld [smem:$0x3FDB];
	s0 =	simm.s32 @p2 $0x1  }
0x17: {  	s4 =	simm.s32 $0x1BF5;
	[smem:$0x3FBB] =	sst s0  }
0x18: {  	s0 =	sld [smem:$0x3F9E];
	_ =	swait.ge [sflag:s4], $0x0  }
0x19: {  	s7 =	sld [smem:$0x3F9F]  }
0x1a: {  	s8 =	sadd.s32 $0xFFFFE003, lr  }
0x1b: {  	s9 =	sadd.s32 $0xFFFFFEF7, lr;
	s5 =	simm.s32 $0xFFFFFFFF;
	p2 =	slt.u32 s8, $0xFFFFF086  }
0x1c: {  	p1 =	slt.u32 s9, $0xF7A;
	s5 =	simm.s32 @!p2 $0x0  }
0x1d: {  	s5 =	simm.s32 @p1 $0x1;
	p0 =	seq.s32 s7, s2  }
0x1e: {  	s7 =	smul.u32 @!p0 $0xF7A, s2;
	p2 =	seq.s32 @!p0 s5, $0x0  }
0x1f: {  	s9 =	smul.u32 $0xF7A, s1;
	s8 =	simm.s32 @!p0 $0x1BF5;
	p2 =	por !p2, p0  }
0x20: {  	[sflag:s8] =	ssyncset.s32 @!p0 $0xFFFFF086;
	s6 =	sadd.s32 @!p0 s3, s7;
	s7 =	simm.s32 @!p0 $0x108  }
0x21: {  	s3 =	sadd.s32 s3, s9;
	s6 =	sadd.s32 @!p0 $0x88, s6;
	s7 =	simm.s32 @p2 $0x1082  }
0x22: {  	[simem:s7], [sflag:s8] =	dma.local @!p0 [hbm:s6], $0xF7A  }
0x23: {  	s9 =	sor.u32 $0xD0000000, s2;
	s6 =	simm.s32 $0x108;
	_ =	swait.ge @!p0 [sflag:s8], $0x0  }
0x24: {  	s3 =	sadd.s32 $0x88, s3;
	s6 =	simm.s32 @!p1 $0x1082;
	[sflag:s4] =	ssyncset.s32 $0xFFFFF086  }
0x25: {  	[simem:s6], [sflag:s4] =	dma.local [hbm:s3], $0xF7A  }
0x26: {  	[smem:$0x3F9F] =	sst s1;
	(tag) =	ssettag s2;
	_ =	strace s9  }
0x27: {  	s1 =	sld [smem:$0x3FAF]  }
0x28: {  	s2 =	sld [smem:$0x3FB0]  }
0x29: {  	s4 =	sld [smem:$0x3FB2]  }
0x2a: {  	p0 =	seq.s32 s5, $0x0;
	s5 =	sld [smem:$0x3FB3]  }
0x2b: {  	s6 =	sld [smem:$0x3FB4]  }
0x2c: {  	s7 =	sld [smem:$0x3FB5]  }
0x2d: {  	s3 =	simm.s32 $0x108;
	s8 =	sld [smem:$0x3FB6]  }
0x2e: {  	s3 =	simm.s32 @!p0 $0x1082;
	s9 =	sld [smem:$0x3FB7]  }
0x2f: {  	lr =	sadd.s32 s0, s3;
	s0 =	sld [smem:$0x3FAE]  }
0x30: {  	s3 =	sld [smem:$0x3FB1]  }
0x31: {  	[smem:$0x3FBA] =	sst s10  }
0x32: {  	s10 =	sld [smem:$0x3FB8];
	_ =	sdelay $0x3  }
0x33: {  	p0 =	seq.s32 s10, $0x1;
	s10 =	sld [smem:$0x3FBA];
	_ =	sdelay $0x3  }
0x34: {  	[smem:$0x3FBA] =	sst s10  }
0x35: {  	s10 =	sld [smem:$0x3FB9];
	_ =	sdelay $0x3  }
0x36: {  	p1 =	seq.s32 s10, $0x1;
	s10 =	sld [smem:$0x3FBA];
	_ =	sdelay $0x3  }
0x37: {  	[smem:$0x3FBA] =	sst s10  }
0x38: {  	s10 =	sld [smem:$0x3FBB]  }
0x39: {  	_ = 	snop;
	(pc) =	sbr.ind lr, $3  }
0x3a: {  	_ = 	snop  }
0x3b: {  	_ = 	snop  }
0x3c: {  	p2 =	seq.s32 s10, $0x1;
	s10 =	sld [smem:$0x3FBA]  }
0x3d: {  	_ =	shalt  }
0x3e: {  	_ =	shalt  }
0x3f: {  	_ =	shalt  }
0x40: {  	_ =	shalt  }
0x41: {  	_ =	shalt  }
0x42: {  	_ =	shalt  }
0x43: {  	_ =	shalt  }
0x44: {  	_ =	shalt  }
0x45: {  	_ =	shalt  }
0x46: {  	_ =	shalt  }
0x47: {  	_ =	shalt  }
0x48: {  	_ =	shalt  }
0x49: {  	_ =	shalt  }
0x4a: {  	_ =	shalt  }
0x4b: {  	_ =	shalt  }
0x4c: {  	_ =	shalt  }
0x4d: {  	_ =	shalt  }
0x4e: {  	_ =	shalt  }
0x4f: {  	_ =	shalt  }
0x50: {  	_ =	shalt  }
0x51: {  	_ =	shalt  }
0x52: {  	_ =	shalt  }
0x53: {  	_ =	shalt  }
0x54: {  	_ =	shalt  }
0x55: {  	_ =	shalt  }
0x56: {  	_ =	shalt  }
0x57: {  	_ =	shalt  }
0x58: {  	_ =	shalt  }
0x59: {  	_ =	shalt  }
0x5a: {  	_ =	shalt  }
0x5b: {  	_ =	shalt  }
0x5c: {  	_ =	shalt  }
0x5d: {  	_ =	shalt  }
0x5e: {  	_ =	shalt  }
0x5f: {  	_ =	shalt  }
0x60: {  	_ =	shalt  }
0x61: {  	_ =	shalt  }
0x62: {  	_ =	shalt  }
0x63: {  	_ =	shalt  }
0x64: {  	_ =	shalt  }
0x65: {  	_ =	shalt  }
0x66: {  	_ =	shalt  }
0x67: {  	_ =	shalt  }
0x68: {  	_ =	shalt  }
0x69: {  	_ =	shalt  }
0x6a: {  	_ =	shalt  }
0x6b: {  	_ =	shalt  }
0x6c: {  	_ =	shalt  }
0x6d: {  	_ =	shalt  }
0x6e: {  	_ =	shalt  }
0x6f: {  	_ =	shalt  }
0x70: {  	_ =	shalt  }
0x71: {  	_ =	shalt  }
0x72: {  	_ =	shalt  }
0x73: {  	_ =	shalt  }
0x74: {  	_ =	shalt  }
0x75: {  	_ =	shalt  }
0x76: {  	_ =	shalt  }
0x77: {  	_ =	shalt  }
0x78: {  	_ =	shalt  }
0x79: {  	_ =	shalt  }
0x7a: {  	_ =	shalt  }
0x7b: {  	_ =	shalt  }
0x7c: {  	_ =	shalt  }
0x7d: {  	_ =	shalt  }
0x7e: {  	_ =	shalt  }
0x7f: {  	_ =	shalt  }
0x80: {  	_ =	shalt  }
0x81: {  	_ =	shalt  }
0x82: {  	_ =	shalt  }
0x83: {  	_ =	shalt  }
0x84: {  	_ =	shalt  }
0x85: {  	_ =	shalt  }
0x86: {  	_ =	shalt  }
0x87: {  	_ =	shalt  }
.Lfunc_end0:
.L_simem_size_0:
called_computation_lowered:
.L_overlay_start_0:
0x88: {  	s2 =	sld [smem:$0x3FD9]  }
0x89: {  	s3 =	sld [smem:$0x3FFE];
	_ =	sdelay $0x1  }
0x8a: {  	s1 =	srdreg.scid  }
0x8b: {  	s0 =	sand.u32 $0x1, s1  }
0x8c: {  	s17 =	sshll.u32 s0, $0xA;
	s2 =	sadd.s32 s3, s2  }
0x8d: {  	s2 =	sadd.s32 s2, s17  }
0x8e: {  	[smem:$0x3FC6] =	sst s2  }
0x8f: {  	_ = 	snop  }
0x90: {  	s2 =	sld [smem:$0x3FD0];
	(tm) =	ssettm $0x1  }
0x91: {  	s18 =	sld [smem:$0x3FFB];
	_ =	sdelay $0x3  }
0x92: {  	_ =	strace s18  }
0x93: {  	s3 =	sld [smem:$0x3FFC];
	_ =	sdelay $0x3  }
0x94: {  	_ =	strace s3  }
0x95: {  	s3 =	sld [smem:$0x3FFD];
	_ =	sdelay $0x3  }
0x96: {  	_ =	strace s3  }
0x97: {  	_ =	strace $0x8FFFFFFF  }
0x98: {  	s19 =	sld [smem:$0x3FDB];
	_ =	sdelay $0x1  }
0x99: {  	s4 =	simm.s32 $_scs_section_size  }
0x9a: {  	s5 =	simm.s32 $_size__tile_overlayer_lowered;
	s6 =	simm.s32 $_tile_overlayer_lowered  }
0x9b: {  	s22 =	simm.s32 $0x1BFF;
	s21 =	sshll.u32 s6, $0x1;
	s3 =	sadd.s32 s4, s19  }
0x9c: {  	s7 =	simm.s32 $0x0;
	s20 =	sshll.u32 s5, $0x1;
	s5 =	sadd.s32 s21, s3  }
0x9d: {  	[timem:s7], [sflag:s22] =	dma.local [hbm:s5], s20  }
0x9e: {  	_ =	swait.ge [sflag:s22], s20  }
0x9f: {  	s4 =	ssub.s32 $0x0, s20;
	[sflag:s22] =	ssyncset.done $0x0  }
0xa0: {  	[sflag:s22] =	ssyncadd.s32 s4;
	_ =	sdelay $0x1  }
0xa1: {  	s23 =	simm.s32 $0x1B8B  }
0xa2: {  	_ =	swait.ge [sflag:s23], $0x1  }
0xa3: {  	[sflag:s23] =	ssyncset.done $0x0  }
0xa4: {  	s25 =	simm.s32 $0x1B8E;
	s24 =	sld [smem:$0x3FFE];
	[sflag:s23] =	ssyncadd.s32 $0xFFFFFFFF  }
0xa5: {  	s26 =	simm.s32 $execute0_lowered;
	[smem:$0x3FD2] =	sst s25  }
0xa6: {  	s5 =	sshll.u32 s26, $0x1;
	_ =	strace $0x80000046;
	[dreg:$0x1] =	wrdreg $0xFFFFFFFF  }
0xa7: {  	s28 =	simm.s32 $_size_execute0_lowered;
	s3 =	sadd.s32 s3, s5;
	[dreg:$0x0] =	wrdreg $0x0  }
0xa8: {  	s5 =	sshll.u32 s28, $0x1;
	[dreg:$0x2] =	wrdreg s3  }
0xa9: {  	[dreg:$0x3] =	wrdreg s5  }
0xaa: {  	[dreg:$0x4] =	wrdreg $0xC0  }
0xab: {  	_ =	task [dreg:s7], $0x5FFFF  }
0xac: {  	[dreg:$0x1] =	wrdreg $0xFFFFFFFF  }
0xad: {  	[dreg:$0x0] =	wrdreg $0x60  }
0xae: {  	[dreg:$0x2] =	wrdreg s24  }
0xaf: {  	[dreg:$0x3] =	wrdreg s2  }
0xb0: {  	[dreg:$0x4] =	wrdreg $0x0  }
0xb1: {  	[dreg:$0x5] =	wrdreg $0x9  }
0xb2: {  	_ =	task.clear_ibuf [dreg:s7], $0x6FFFF;
	_ =	strace $0x90000046  }
0xb3: {  	s29 =	simm.s32 $0x9;
	_ =	strace $0x80000048  }
0xb4: {  	_ =	swait.ge [sflag:s29], $0x1  }
0xb5: {  	[sflag:s29] =	ssyncadd.s32 $0xFFFFFFFF  }
0xb6: {  	_ =	strace $0x90000048  }
0xb7: {  	_ =	sfence  }
0xb8: {  	s30 =	sld [smem:$0x0];
	_ =	sdelay $0x2  }
0xb9: {  	s31 =	sshll.u32 s1, $0xD;
	s1 =	sshrl.u32 s1, $0x2  }
0xba: {  	s3 =	sand.u32 $0x4000, s31;
	s1 =	sadd.s32 s1, s30  }
0xbb: {  	s0 =	sor.u32 s3, s0;
	s1 =	sshll.u32 s1, $0x11  }
0xbc: {  	s0 =	sor.u32 s1, s0  }
0xbd: {  	s0 =	sadd.s32 $0x8F2B, s0  }
0xbe: {  	[sflag:s0] =	ssyncadd.remote.s32 $0x1  }
0xbf: {  	_ =	sfence.sel $0xFFFF  }
0xc0: {  	[dreg:$0x0] =	wrdreg $0xFFFFFFFF;
	(pc) =	sbr.abs _section_cstart, $3  }
0xc1: {  	[dreg:$0x1] =	wrdreg $0xFFFFFFFF  }
0xc2: {  	_ =	task.clear_ibuf [dreg:s7], $0x2FFFF;
	_ =	strace $0x9FFFFFFF  }
0xc3: {  	(tm) =	ssettm $0x7FFFFFFF  }
tec
execute0_lowered:
.L_overlay_start_1:
0x0: {  	(tag) =	ssettag $0x1  }
0x1: {  	s0 =	rddreg [dreg:$0x0]  }
0x2: {  	s2 =	rddreg [dreg:$0x1]  }
0x3: {  	s3 =	srdreg.scid;
	s4 =	stileid.u32  }
0x4: {  	s1 =	rddreg [dreg:$0x2];
	s12 =	simm.s32 $0x0;
	s30 =	simm.s32 $0x80  }
0x5: {  	s28 =	simm.s32 $0x110;
	s3 =	sand.u32 $0x1, s3;
	s18 =	smul.u32 $0x640000, s4  }
0x6: {  	s5 =	sshll.u32 s4, $0x1;
	[smem:$0x7FF] =	sst s12;
	s23 =	smul.u32 $0xC800, s4  }
0x7: {  	s7 =	sadd.s32 $0x800, s0;
	s31 =	smul.u32 $0xC8000, s4;
	s5 =	sor.u32 s3, s5  }
0x8: {  	s0 =	sadd.s32 $0x400, s0;
	s14 =	ssub.s32 $0x2, s3;
	s6 =	smul.u32 $0x320000, s5  }
0x9: {  	p0 =	sne.s32 s4, $0x0;
	s5 =	smul.u32 $0x6400, s5;
	s8 =	sshrl.u32 s14, $0x1  }
0xa: {  	_ =	strace $0x80000047;
	[dreg:$0x7] =	wrdreg s0;
	s0 =	ssub.s32 s14, s8  }
0xb: {  	s6 =	sshrl.u32 s6, $0x3;
	s5 =	sshrl.u32 s5, $0x3;
	s0 =	smax.u32 s0, $0x1  }
0xc: {  	s6 =	sadd.s32 s2, s6;
	s11 =	sadd.s32 s7, s5;
	[dreg:$0x1d] =	wrdreg s0  }
0xd: {  	s21 =	smul.u32 $0x320000, s3;
	s15 =	sadd.s32 $0x62000, s6;
	[dreg:$0x8] =	wrdreg s11  }
0xe: {  	s25 =	smul.u32 $0x6400, s3;
	s16 =	sadd.s32 $0x62004, s6;
	[dreg:$0x9] =	wrdreg s15  }
0xf: {  	s3 =	smul.u32 $0x64000, s3;
	s17 =	sadd.s32 $0x62008, s6;
	[dreg:$0xa] =	wrdreg s16  }
0x10: {  	s29 =	sadd.s32 s25, s23;
	s19 =	sadd.s32 $0x6200C, s6;
	[dreg:$0xb] =	wrdreg s17  }
0x11: {  	s14 =	sor.u32 $0x380, s29;
	s20 =	sadd.s32 $0x62800, s6;
	[dreg:$0xc] =	wrdreg s19  }
0x12: {  	s5 =	sadd.s32 s21, s18;
	s9 =	sadd.s32 $0x62804, s6;
	[dreg:$0xd] =	wrdreg s20  }
0x13: {  	s18 =	sor.u32 $0x280, s29;
	s22 =	sadd.s32 $0x62808, s6;
	[dreg:$0xe] =	wrdreg s9  }
0x14: {  	s0 =	simm.s32 $0xC8000;
	s10 =	sadd.s32 $0x6280C, s6;
	[dreg:$0xf] =	wrdreg s22  }
0x15: {  	s24 =	sadd.s32 $0x63000, s6;
	s13 =	sadd.s32 $0x63004, s6;
	[dreg:$0x10] =	wrdreg s10  }
0x16: {  	s26 =	sadd.s32 $0x63008, s6;
	s5 =	sshrl.u32 s5, $0x3;
	[dreg:$0x11] =	wrdreg s24  }
0x17: {  	s23 =	sadd.s32 $0x63804, s6;
	s25 =	sadd.s32 $0x6380C, s6;
	[dreg:$0x12] =	wrdreg s13  }
0x18: {  	[dreg:$0x13] =	wrdreg s26;
	s13 =	sadd.s32 $0x6300C, s6;
	s5 =	sadd.s32 s5, s2  }
0x19: {  	s2 =	sadd.s32 s31, s2;
	s15 =	sadd.s32 $0x63800, s6;
	[dreg:$0x1a] =	wrdreg s23  }
0x1a: {  	s17 =	sor.u32 $0x300, s29;
	s19 =	sor.u32 $0x200, s29;
	[dreg:$0x1c] =	wrdreg s25  }
0x1b: {  	s20 =	sshrl.u32 s18, $0x3;
	s24 =	sadd.s32 $0x63808, s6;
	[dreg:$0x14] =	wrdreg s13  }
0x1c: {  	s26 =	sadd.s32 $0x10, s11;
	s29 =	sadd.s32 $0x20, s11;
	[dreg:$0x4] =	wrdreg s5  }
0x1d: {  	s31 =	sadd.s32 $0x30, s11;
	s18 =	simm.s32 $0x510;
	[dreg:$0x15] =	wrdreg s15  }
0x1e: {  	s25 =	simm.s32 $0x710;
	s11 =	simm.s32 $0x190;
	[dreg:$0x1b] =	wrdreg s24  }
0x1f: {  	s23 =	simm.s32 $0xC8000;
	s5 =	sshrl.u32 s14, $0x3;
	[dreg:$0x1e] =	wrdreg s26  }
0x20: {  	s2 =	sadd.s32 s3, s2;
	s21 =	sshrl.u32 s19, $0x3;
	[dreg:$0x1f] =	wrdreg s29  }
0x21: {  	[smem:$0x7FD] =	sst s31;
	s14 =	simm.s32 $0x310;
	s13 =	simm.s32 $0x20  }
0x22: {  	s16 =	sadd.s32 s5, s7;
	[dreg:$0x5] =	wrdreg s2;
	s2 =	sshrl.u32 s17, $0x3  }
0x23: {  	s22 =	sadd.s32 s21, s7;
	[dreg:$0x16] =	wrdreg s16;
	s2 =	sadd.s32 s2, s7  }
0x24: {  	[dreg:$0x19] =	wrdreg s22;
	s16 =	simm.s32 $0x290;
	s22 =	simm.s32 $0x390  }
0x25: {  	[dreg:$0x17] =	wrdreg s2;
	s2 =	sadd.s32 s20, s7;
	s20 =	simm.s32 $0x210  }
0x26: {  	s7 =	simm.s32 $0x2;
	[dreg:$0x18] =	wrdreg s2;
	s2 =	simm.s32 $0x1  }
.LBB2_1:
0x27: {  	[dreg:$0x6] =	wrdreg s12  }
0x28: {  	s4 =	sshrl.u32 @!p0 s1, $0x3;
	s10 =	simm.s32 @!p0 $0x1C0D;
	s12 =	rddreg [dreg:$0x7]  }
0x29: {  	[spmem:s4], [sflag:s10] =	dma.local @!p0 [hbm:s12], $0x214  }
0x2a: {  	s4 =	simm.s32 @!p0 $0xD  }
0x2b: {  	_ =	swait.ge @!p0 [sflag:s4], $0x214  }
0x2c: {  	[sflag:s4] =	ssyncset.done @!p0 $0x0  }
0x2d: {  	[sflag:s4] =	ssyncadd.s32 @!p0 $0xFFFFFDEC  }
0x2e: {  	[bflag:$0x0] =	sbarrier.arrive $0xFFFF  }
0x2f: {  	s26 =	rddreg [dreg:$0x8]  }
0x30: {  	s29 =	rddreg [dreg:$0x1e]  }
0x31: {  	[tilespmem:s28], [sflag:$0x1] =	stream.strided.gather [hbm4b:s26+s30], $0x200, s0, s30, $0x38;
	[tilespmem:$0x10910] =	vst v63  }
0x32: {  	s31 =	rddreg [dreg:$0x1f]  }
0x33: {  	[tilespmem:s14], [sflag:$0x2] =	stream.strided.gather [hbm4b:s29+s30], $0x200, s0, s30, $0x38;
	[tilespmem:$0x10910] =	vst v63  }
0x34: {  	s3 =	sld [smem:$0x7FD]  }
0x35: {  	[tilespmem:s18], [sflag:$0x3] =	stream.strided.gather [hbm4b:s31+s30], $0x200, s0, s30, $0x38;
	[tilespmem:$0x10910] =	vst v63  }
0x36: {  	_ = 	snop  }
0x37: {  	[tilespmem:s25], [sflag:$0x4] =	stream.strided.gather [hbm4b:s3+s30], $0x200, s0, s30, $0x38;
	[tilespmem:$0x10910] =	vst v63  }
0x38: {  	_ =	swait.ge [sflag:s2], $0x200  }
0x39: {  	[sflag:s2] =	ssyncset.done $0x0  }
0x3a: {  	s15 =	simm.s32 $0x910;
	[sflag:s2] =	ssyncadd.s32 $0xFFFFFE00  }
0x3b: {  	[tilespmem:s15], [sflag:$0x5] =	stream.indirect.gather [spmem:s1], $0x20, s28, s30, $0xb8;
	[tilespmem:$0x10910] =	vst v63  }
0x3c: {  	s17 =	simm.s32 $0x1910  }
0x3d: {  	[tilespmem:s17], [sflag:$0x5] =	stream.indirect.gather [spmem:s1], $0x20, s11, s30, $0xb8;
	[tilespmem:$0x10910] =	vst v63  }
0x3e: {  	s24 =	simm.s32 $0x2910  }
0x3f: {  	[tilespmem:s24], [sflag:$0x5] =	stream.indirect.gather [spmem:s1], $0x20, s20, s30, $0xb8;
	[tilespmem:$0x10910] =	vst v63  }
0x40: {  	s19 =	simm.s32 $0x3910  }
0x41: {  	[tilespmem:s19], [sflag:$0x5] =	stream.indirect.gather [spmem:s1], $0x20, s16, s30, $0xb8;
	[tilespmem:$0x10910] =	vst v63  }
0x42: {  	_ =	swait.ge [sflag:s7], $0x200  }
0x43: {  	[sflag:s7] =	ssyncset.done $0x0  }
0x44: {  	[sflag:s7] =	ssyncadd.s32 $0xFFFFFE00;
	s7 =	simm.s32 $0x4910  }
0x45: {  	[tilespmem:s7], [sflag:$0x6] =	stream.indirect.gather [spmem:s1], $0x20, s14, s30, $0xb8;
	[tilespmem:$0x10910] =	vst v63  }
0x46: {  	s5 =	simm.s32 $0x5910  }
0x47: {  	[tilespmem:s5], [sflag:$0x6] =	stream.indirect.gather [spmem:s1], $0x20, s22, s30, $0xb8;
	[tilespmem:$0x10910] =	vst v63  }
0x48: {  	s6 =	simm.s32 $0x410;
	s21 =	simm.s32 $0x6910  }
0x49: {  	[tilespmem:s21], [sflag:$0x6] =	stream.indirect.gather [spmem:s1], $0x20, s6, s30, $0xb8;
	[tilespmem:$0x10910] =	vst v63  }
0x4a: {  	s8 =	simm.s32 $0x490;
	s29 =	simm.s32 $0x7910;
	s31 =	simm.s32 $0x3  }
0x4b: {  	[tilespmem:s29], [sflag:$0x6] =	stream.indirect.gather [spmem:s1], $0x20, s8, s30, $0xb8;
	[tilespmem:$0x10910] =	vst v63  }
0x4c: {  	_ =	swait.ge [sflag:s31], $0x200  }
0x4d: {  	[sflag:s31] =	ssyncset.done $0x0  }
0x4e: {  	s10 =	simm.s32 $0x8910;
	[sflag:s31] =	ssyncadd.s32 $0xFFFFFE00  }
0x4f: {  	[tilespmem:s10], [sflag:$0x7] =	stream.indirect.gather [spmem:s1], $0x20, s18, s30, $0xb8;
	[tilespmem:$0x10910] =	vst v63  }
0x50: {  	s12 =	simm.s32 $0x590;
	s16 =	simm.s32 $0x9910  }
0x51: {  	[tilespmem:s16], [sflag:$0x7] =	stream.indirect.gather [spmem:s1], $0x20, s12, s30, $0xb8;
	[tilespmem:$0x10910] =	vst v63  }
0x52: {  	s4 =	simm.s32 $0xA910;
	s2 =	simm.s32 $0x610  }
0x53: {  	[tilespmem:s4], [sflag:$0x7] =	stream.indirect.gather [spmem:s1], $0x20, s2, s30, $0xb8;
	[tilespmem:$0x10910] =	vst v63  }
0x54: {  	s6 =	simm.s32 $0x690;
	s10 =	simm.s32 $0xB910  }
0x55: {  	[tilespmem:s10], [sflag:$0x7] =	stream.indirect.gather [spmem:s1], $0x20, s6, s30, $0xb8;
	[tilespmem:$0x10910] =	vst v63  }
0x56: {  	s6 =	simm.s32 $0x4  }
0x57: {  	_ =	swait.ge [sflag:s6], $0x200  }
0x58: {  	[sflag:s6] =	ssyncset.done $0x0  }
0x59: {  	s12 =	simm.s32 $0xC910;
	[sflag:s6] =	ssyncadd.s32 $0xFFFFFE00  }
0x5a: {  	[tilespmem:s12], [sflag:$0x8] =	stream.indirect.gather [spmem:s1], $0x20, s25, s30, $0xb8;
	[tilespmem:$0x10910] =	vst v63  }
0x5b: {  	s2 =	simm.s32 $0x790;
	s4 =	simm.s32 $0xD910  }
0x5c: {  	[tilespmem:s4], [sflag:$0x8] =	stream.indirect.gather [spmem:s1], $0x20, s2, s30, $0xb8;
	[tilespmem:$0x10910] =	vst v63  }
0x5d: {  	s10 =	simm.s32 $0x810;
	s12 =	simm.s32 $0xE910  }
0x5e: {  	[tilespmem:s12], [sflag:$0x8] =	stream.indirect.gather [spmem:s1], $0x20, s10, s30, $0xb8;
	[tilespmem:$0x10910] =	vst v63  }
0x5f: {  	s0 =	simm.s32 $0xF910;
	s2 =	simm.s32 $0x890;
	s4 =	simm.s32 $0x5  }
0x60: {  	[tilespmem:s0], [sflag:$0x8] =	stream.indirect.gather [spmem:s1], $0x20, s2, s30, $0xb8;
	[tilespmem:$0x10910] =	vst v63  }
0x61: {  	_ =	swait.ge [sflag:s4], $0x4000  }
0x62: {  	s12 =	rddreg [dreg:$0x4];
	[sflag:s4] =	ssyncset.done $0x0  }
0x63: {  	[sflag:s4] =	ssyncadd.s32 $0xFFFFC000;
	s4 =	sadd.s32 $0x0, s12  }
0x64: {  	[hbm4b:s4+s13] =	stream.strided.scatter [tilespmem:s15], [sflag:$0x9], $0x1000, s30, s13, $0x38;
	[tilespmem:$0x10910] =	vst v63  }
0x65: {  	s2 =	sadd.s32 $0x4, s4  }
0x66: {  	[hbm4b:s2+s13] =	stream.strided.scatter [tilespmem:s17], [sflag:$0x9], $0x1000, s30, s13, $0x38;
	[tilespmem:$0x10910] =	vst v63  }
0x67: {  	s12 =	sadd.s32 $0x8, s4  }
0x68: {  	[hbm4b:s12+s13] =	stream.strided.scatter [tilespmem:s24], [sflag:$0x9], $0x1000, s30, s13, $0x38;
	[tilespmem:$0x10910] =	vst v63  }
0x69: {  	s4 =	sadd.s32 $0xC, s4  }
0x6a: {  	[hbm4b:s4+s13] =	stream.strided.scatter [tilespmem:s19], [sflag:$0x9], $0x1000, s30, s13, $0x38;
	[tilespmem:$0x10910] =	vst v63  }
0x6b: {  	s10 =	simm.s32 $0x6;
	s12 =	rddreg [dreg:$0x19]  }
0x6c: {  	[tilespmem:s28], [sflag:$0x1] =	stream.strided.gather [hbm4b:s12+s30], $0x200, s23, s30, $0x38;
	[tilespmem:$0x10910] =	vst v63  }
0x6d: {  	_ =	swait.ge [sflag:s10], $0x4000  }
0x6e: {  	s2 =	rddreg [dreg:$0x5]  }
0x6f: {  	[sflag:s10] =	ssyncset.done $0x0;
	s4 =	sadd.s32 $0x0, s2  }
0x70: {  	[sflag:s10] =	ssyncadd.s32 $0xFFFFC000;
	s2 =	sadd.s32 $0x800, s4  }
0x71: {  	[hbm4b:s2+s13] =	stream.strided.scatter [tilespmem:s7], [sflag:$0xA], $0x1000, s30, s13, $0x38;
	[tilespmem:$0x10910] =	vst v63  }
0x72: {  	s22 =	simm.s32 $0x5910;
	s2 =	sadd.s32 $0x804, s4  }
0x73: {  	[hbm4b:s2+s13] =	stream.strided.scatter [tilespmem:s22], [sflag:$0xA], $0x1000, s30, s13, $0x38;
	[tilespmem:$0x10910] =	vst v63  }
0x74: {  	s2 =	sadd.s32 $0x808, s4  }
0x75: {  	[hbm4b:s2+s13] =	stream.strided.scatter [tilespmem:s21], [sflag:$0xA], $0x1000, s30, s13, $0x38;
	[tilespmem:$0x10910] =	vst v63  }
0x76: {  	s22 =	sadd.s32 $0x80C, s4  }
0x77: {  	[hbm4b:s22+s13] =	stream.strided.scatter [tilespmem:s29], [sflag:$0xA], $0x1000, s30, s13, $0x38;
	[tilespmem:$0x10910] =	vst v63  }
0x78: {  	s2 =	simm.s32 $0x7;
	s22 =	rddreg [dreg:$0x18]  }
0x79: {  	[tilespmem:s14], [sflag:$0x2] =	stream.strided.gather [hbm4b:s22+s30], $0x200, s23, s30, $0x38;
	[tilespmem:$0x10910] =	vst v63  }
0x7a: {  	_ =	swait.ge [sflag:s2], $0x4000  }
0x7b: {  	[sflag:s2] =	ssyncset.done $0x0  }
0x7c: {  	s3 =	simm.s32 $0x8910;
	[sflag:s2] =	ssyncadd.s32 $0xFFFFC000;
	s2 =	sadd.s32 $0x1000, s4  }
0x7d: {  	[hbm4b:s2+s13] =	stream.strided.scatter [tilespmem:s3], [sflag:$0xB], $0x1000, s30, s13, $0x38;
	[tilespmem:$0x10910] =	vst v63  }
0x7e: {  	s5 =	simm.s32 $0x9910;
	s2 =	sadd.s32 $0x1004, s4  }
0x7f: {  	[hbm4b:s2+s13] =	stream.strided.scatter [tilespmem:s5], [sflag:$0xB], $0x1000, s30, s13, $0x38;
	[tilespmem:$0x10910] =	vst v63  }
0x80: {  	s8 =	simm.s32 $0xA910;
	s3 =	sadd.s32 $0x1008, s4  }
0x81: {  	[hbm4b:s3+s13] =	stream.strided.scatter [tilespmem:s8], [sflag:$0xB], $0x1000, s30, s13, $0x38;
	[tilespmem:$0x10910] =	vst v63  }
0x82: {  	s16 =	simm.s32 $0xB910;
	s5 =	sadd.s32 $0x100C, s4  }
0x83: {  	[hbm4b:s5+s13] =	stream.strided.scatter [tilespmem:s16], [sflag:$0xB], $0x1000, s30, s13, $0x38;
	[tilespmem:$0x10910] =	vst v63  }
0x84: {  	s8 =	simm.s32 $0x8;
	s16 =	rddreg [dreg:$0x17]  }
0x85: {  	[tilespmem:s18], [sflag:$0x3] =	stream.strided.gather [hbm4b:s16+s30], $0x200, s23, s30, $0x38;
	[tilespmem:$0x10910] =	vst v63  }
0x86: {  	_ =	swait.ge [sflag:s8], $0x4000  }
0x87: {  	[sflag:s8] =	ssyncset.done $0x0  }
0x88: {  	s2 =	sadd.s32 $0x1800, s4;
	s3 =	simm.s32 $0xC910;
	[sflag:s8] =	ssyncadd.s32 $0xFFFFC000  }
0x89: {  	[hbm4b:s2+s13] =	stream.strided.scatter [tilespmem:s3], [sflag:$0xC], $0x1000, s30, s13, $0x38;
	[tilespmem:$0x10910] =	vst v63  }
0x8a: {  	s2 =	sadd.s32 $0x1804, s4;
	s3 =	simm.s32 $0xD910  }
0x8b: {  	[hbm4b:s2+s13] =	stream.strided.scatter [tilespmem:s3], [sflag:$0xC], $0x1000, s30, s13, $0x38;
	[tilespmem:$0x10910] =	vst v63  }
0x8c: {  	s10 =	sadd.s32 $0x1808, s4;
	s2 =	simm.s32 $0xE910  }
0x8d: {  	[hbm4b:s10+s13] =	stream.strided.scatter [tilespmem:s2], [sflag:$0xC], $0x1000, s30, s13, $0x38;
	[tilespmem:$0x10910] =	vst v63  }
0x8e: {  	s4 =	sadd.s32 $0x180C, s4  }
0x8f: {  	[hbm4b:s4+s13] =	stream.strided.scatter [tilespmem:s0], [sflag:$0xC], $0x1000, s30, s13, $0x38;
	[tilespmem:$0x10910] =	vst v63  }
0x90: {  	s10 =	simm.s32 $0x9;
	s4 =	rddreg [dreg:$0x16]  }
0x91: {  	[tilespmem:s25], [sflag:$0x4] =	stream.strided.gather [hbm4b:s4+s30], $0x200, s23, s30, $0x38;
	[tilespmem:$0x10910] =	vst v63  }
0x92: {  	_ =	swait.ge [sflag:s10], $0x4000  }
0x93: {  	[sflag:s10] =	ssyncset.done $0x0  }
0x94: {  	s9 =	simm.s32 $0x1;
	[sflag:s10] =	ssyncadd.s32 $0xFFFFC000  }
0x95: {  	_ =	swait.ge [sflag:s9], $0x200  }
0x96: {  	[sflag:s9] =	ssyncset.done $0x0  }
0x97: {  	[sflag:s9] =	ssyncadd.s32 $0xFFFFFE00  }
0x98: {  	[tilespmem:s15], [sflag:$0x5] =	stream.indirect.gather [spmem:s1], $0x20, s28, s30, $0xb8;
	[tilespmem:$0x10910] =	vst v63  }
0x99: {  	_ = 	snop  }
0x9a: {  	[tilespmem:s17], [sflag:$0x5] =	stream.indirect.gather [spmem:s1], $0x20, s11, s30, $0xb8;
	[tilespmem:$0x10910] =	vst v63  }
0x9b: {  	_ = 	snop  }
0x9c: {  	[tilespmem:s24], [sflag:$0x5] =	stream.indirect.gather [spmem:s1], $0x20, s20, s30, $0xb8;
	[tilespmem:$0x10910] =	vst v63  }
0x9d: {  	s5 =	simm.s32 $0x290  }
0x9e: {  	[tilespmem:s19], [sflag:$0x5] =	stream.indirect.gather [spmem:s1], $0x20, s5, s30, $0xb8;
	[tilespmem:$0x10910] =	vst v63  }
0x9f: {  	s5 =	simm.s32 $0xA  }
0xa0: {  	_ =	swait.ge [sflag:s5], $0x4000  }
0xa1: {  	[sflag:s5] =	ssyncset.done $0x0  }
0xa2: {  	s26 =	simm.s32 $0x2;
	[sflag:s5] =	ssyncadd.s32 $0xFFFFC000  }
0xa3: {  	_ =	swait.ge [sflag:s26], $0x200  }
0xa4: {  	[sflag:s26] =	ssyncset.done $0x0  }
0xa5: {  	[sflag:s26] =	ssyncadd.s32 $0xFFFFFE00  }
0xa6: {  	[tilespmem:s7], [sflag:$0x6] =	stream.indirect.gather [spmem:s1], $0x20, s14, s30, $0xb8;
	[tilespmem:$0x10910] =	vst v63  }
0xa7: {  	s10 =	simm.s32 $0x390;
	s9 =	simm.s32 $0x5910  }
0xa8: {  	[tilespmem:s9], [sflag:$0x6] =	stream.indirect.gather [spmem:s1], $0x20, s10, s30, $0xb8;
	[tilespmem:$0x10910] =	vst v63  }
0xa9: {  	s11 =	simm.s32 $0x410  }
0xaa: {  	[tilespmem:s21], [sflag:$0x6] =	stream.indirect.gather [spmem:s1], $0x20, s11, s30, $0xb8;
	[tilespmem:$0x10910] =	vst v63  }
0xab: {  	s15 =	simm.s32 $0xB;
	s14 =	simm.s32 $0x490  }
0xac: {  	[tilespmem:s29], [sflag:$0x6] =	stream.indirect.gather [spmem:s1], $0x20, s14, s30, $0xb8;
	[tilespmem:$0x10910] =	vst v63  }
0xad: {  	_ =	swait.ge [sflag:s15], $0x4000  }
0xae: {  	[sflag:s15] =	ssyncset.done $0x0  }
0xaf: {  	[sflag:s15] =	ssyncadd.s32 $0xFFFFC000  }
0xb0: {  	_ =	swait.ge [sflag:s31], $0x200  }
0xb1: {  	[sflag:s31] =	ssyncset.done $0x0  }
0xb2: {  	s17 =	simm.s32 $0x8910;
	[sflag:s31] =	ssyncadd.s32 $0xFFFFFE00  }
0xb3: {  	[tilespmem:s17], [sflag:$0x7] =	stream.indirect.gather [spmem:s1], $0x20, s18, s30, $0xb8;
	[tilespmem:$0x10910] =	vst v63  }
0xb4: {  	s19 =	simm.s32 $0x9910;
	s18 =	simm.s32 $0x590  }
0xb5: {  	[tilespmem:s19], [sflag:$0x7] =	stream.indirect.gather [spmem:s1], $0x20, s18, s30, $0xb8;
	[tilespmem:$0x10910] =	vst v63  }
0xb6: {  	s20 =	simm.s32 $0x610;
	s21 =	simm.s32 $0xA910  }
0xb7: {  	[tilespmem:s21], [sflag:$0x7] =	stream.indirect.gather [spmem:s1], $0x20, s20, s30, $0xb8;
	[tilespmem:$0x10910] =	vst v63  }
0xb8: {  	s28 =	simm.s32 $0xC;
	s24 =	simm.s32 $0x690;
	s26 =	simm.s32 $0xB910  }
0xb9: {  	[tilespmem:s26], [sflag:$0x7] =	stream.indirect.gather [spmem:s1], $0x20, s24, s30, $0xb8;
	[tilespmem:$0x10910] =	vst v63  }
0xba: {  	_ =	swait.ge [sflag:s28], $0x4000  }
0xbb: {  	[sflag:s28] =	ssyncset.done $0x0  }
0xbc: {  	[sflag:s28] =	ssyncadd.s32 $0xFFFFC000  }
0xbd: {  	_ =	swait.ge [sflag:s6], $0x200  }
0xbe: {  	[sflag:s6] =	ssyncset.done $0x0  }
0xbf: {  	s12 =	sadd.s32 $0x40, s12;
	s8 =	simm.s32 $0xC910;
	[sflag:s6] =	ssyncadd.s32 $0xFFFFFE00  }
0xc0: {  	[tilespmem:s8], [sflag:$0x8] =	stream.indirect.gather [spmem:s1], $0x20, s25, s30, $0xb8;
	[tilespmem:$0x10910] =	vst v63  }
0xc1: {  	s22 =	sadd.s32 $0x40, s22;
	s16 =	sadd.s32 $0x40, s16;
	s29 =	simm.s32 $0x790  }
0xc2: {  	[tilespmem:s3], [sflag:$0x8] =	stream.indirect.gather [spmem:s1], $0x20, s29, s30, $0xb8;
	[tilespmem:$0x10910] =	vst v63  }
0xc3: {  	s10 =	simm.s32 $0x2000;
	s14 =	sadd.s32 $0x40, s4;
	s31 =	simm.s32 $0x810  }
0xc4: {  	[tilespmem:s2], [sflag:$0x8] =	stream.indirect.gather [spmem:s1], $0x20, s31, s30, $0xb8;
	[tilespmem:$0x10910] =	vst v63  }
.LBB2_2:
0xc5: {  	s0 =	simm.s32 $0x890;
	s11 =	simm.s32 $0xF910;
	s7 =	simm.s32 $0x5  }
0xc6: {  	[tilespmem:s11], [sflag:$0x8] =	stream.indirect.gather [spmem:s1], $0x20, s0, s30, $0xb8;
	[tilespmem:$0x10910] =	vst v63  }
0xc7: {  	_ =	swait.ge [sflag:s7], $0x4000  }
0xc8: {  	s4 =	smov.u32 s10;
	s25 =	rddreg [dreg:$0x4];
	[sflag:s7] =	ssyncset.done $0x0  }
0xc9: {  	s2 =	simm.s32 $0x910;
	[sflag:s7] =	ssyncadd.s32 $0xFFFFC000;
	s25 =	sadd.s32 s4, s25  }
0xca: {  	[hbm4b:s25+s13] =	stream.strided.scatter [tilespmem:s2], [sflag:$0x9], $0x1000, s30, s13, $0x38;
	[tilespmem:$0x10910] =	vst v63  }
0xcb: {  	s17 =	simm.s32 $0x1910;
	s28 =	sadd.s32 $0x4, s25  }
0xcc: {  	[hbm4b:s28+s13] =	stream.strided.scatter [tilespmem:s17], [sflag:$0x9], $0x1000, s30, s13, $0x38;
	[tilespmem:$0x10910] =	vst v63  }
0xcd: {  	s24 =	simm.s32 $0x2910;
	s28 =	sadd.s32 $0x8, s25  }
0xce: {  	[hbm4b:s28+s13] =	stream.strided.scatter [tilespmem:s24], [sflag:$0x9], $0x1000, s30, s13, $0x38;
	[tilespmem:$0x10910] =	vst v63  }
0xcf: {  	s19 =	simm.s32 $0x3910;
	s25 =	sadd.s32 $0xC, s25  }
0xd0: {  	[hbm4b:s25+s13] =	stream.strided.scatter [tilespmem:s19], [sflag:$0x9], $0x1000, s30, s13, $0x38;
	[tilespmem:$0x10910] =	vst v63  }
0xd1: {  	s8 =	simm.s32 $0x6;
	s28 =	simm.s32 $0x110  }
0xd2: {  	[tilespmem:s28], [sflag:$0x1] =	stream.strided.gather [hbm4b:s12+s30], $0x200, s23, s30, $0x38;
	[tilespmem:$0x10910] =	vst v63  }
0xd3: {  	_ =	swait.ge [sflag:s8], $0x4000  }
0xd4: {  	s9 =	rddreg [dreg:$0x5]  }
0xd5: {  	[sflag:s8] =	ssyncset.done $0x0;
	s4 =	sadd.s32 s4, s9  }
0xd6: {  	s7 =	simm.s32 $0x4910;
	[sflag:s8] =	ssyncadd.s32 $0xFFFFC000;
	s25 =	sadd.s32 $0x800, s4  }
0xd7: {  	[hbm4b:s25+s13] =	stream.strided.scatter [tilespmem:s7], [sflag:$0xA], $0x1000, s30, s13, $0x38;
	[tilespmem:$0x10910] =	vst v63  }
0xd8: {  	s9 =	simm.s32 $0x5910;
	s15 =	sadd.s32 $0x804, s4  }
0xd9: {  	[hbm4b:s15+s13] =	stream.strided.scatter [tilespmem:s9], [sflag:$0xA], $0x1000, s30, s13, $0x38;
	[tilespmem:$0x10910] =	vst v63  }
0xda: {  	s21 =	simm.s32 $0x6910;
	s18 =	sadd.s32 $0x808, s4  }
0xdb: {  	[hbm4b:s18+s13] =	stream.strided.scatter [tilespmem:s21], [sflag:$0xA], $0x1000, s30, s13, $0x38;
	[tilespmem:$0x10910] =	vst v63  }
0xdc: {  	s29 =	simm.s32 $0x7910;
	s20 =	sadd.s32 $0x80C, s4  }
0xdd: {  	[hbm4b:s20+s13] =	stream.strided.scatter [tilespmem:s29], [sflag:$0xA], $0x1000, s30, s13, $0x38;
	[tilespmem:$0x10910] =	vst v63  }
0xde: {  	s31 =	simm.s32 $0x310;
	s26 =	simm.s32 $0x7  }
0xdf: {  	[tilespmem:s31], [sflag:$0x2] =	stream.strided.gather [hbm4b:s22+s30], $0x200, s23, s30, $0x38;
	[tilespmem:$0x10910] =	vst v63  }
0xe0: {  	_ =	swait.ge [sflag:s26], $0x4000  }
0xe1: {  	[sflag:s26] =	ssyncset.done $0x0  }
0xe2: {  	s0 =	simm.s32 $0x8910;
	s3 =	sadd.s32 $0x1000, s4;
	[sflag:s26] =	ssyncadd.s32 $0xFFFFC000  }
0xe3: {  	[hbm4b:s3+s13] =	stream.strided.scatter [tilespmem:s0], [sflag:$0xB], $0x1000, s30, s13, $0x38;
	[tilespmem:$0x10910] =	vst v63  }
0xe4: {  	s5 =	sadd.s32 $0x1004, s4;
	s3 =	simm.s32 $0x9910  }
0xe5: {  	[hbm4b:s5+s13] =	stream.strided.scatter [tilespmem:s3], [sflag:$0xB], $0x1000, s30, s13, $0x38;
	[tilespmem:$0x10910] =	vst v63  }
0xe6: {  	s8 =	sadd.s32 $0x1008, s4;
	s5 =	simm.s32 $0xA910  }
0xe7: {  	[hbm4b:s8+s13] =	stream.strided.scatter [tilespmem:s5], [sflag:$0xB], $0x1000, s30, s13, $0x38;
	[tilespmem:$0x10910] =	vst v63  }
0xe8: {  	s15 =	sadd.s32 $0x100C, s4;
	s8 =	simm.s32 $0xB910  }
0xe9: {  	[hbm4b:s15+s13] =	stream.strided.scatter [tilespmem:s8], [sflag:$0xB], $0x1000, s30, s13, $0x38;
	[tilespmem:$0x10910] =	vst v63  }
0xea: {  	s26 =	simm.s32 $0x510;
	s15 =	simm.s32 $0x8  }
0xeb: {  	[tilespmem:s26], [sflag:$0x3] =	stream.strided.gather [hbm4b:s16+s30], $0x200, s23, s30, $0x38;
	[tilespmem:$0x10910] =	vst v63  }
0xec: {  	_ =	swait.ge [sflag:s15], $0x4000  }
0xed: {  	[sflag:s15] =	ssyncset.done $0x0  }
0xee: {  	s18 =	sadd.s32 $0x1800, s4;
	[sflag:s15] =	ssyncadd.s32 $0xFFFFC000;
	s15 =	simm.s32 $0xC910  }
0xef: {  	[hbm4b:s18+s13] =	stream.strided.scatter [tilespmem:s15], [sflag:$0xC], $0x1000, s30, s13, $0x38;
	[tilespmem:$0x10910] =	vst v63  }
0xf0: {  	s20 =	sadd.s32 $0x1804, s4;
	s18 =	simm.s32 $0xD910  }
0xf1: {  	[hbm4b:s20+s13] =	stream.strided.scatter [tilespmem:s18], [sflag:$0xC], $0x1000, s30, s13, $0x38;
	[tilespmem:$0x10910] =	vst v63  }
0xf2: {  	s25 =	sadd.s32 $0x1808, s4;
	s20 =	simm.s32 $0xE910  }
0xf3: {  	[hbm4b:s25+s13] =	stream.strided.scatter [tilespmem:s20], [sflag:$0xC], $0x1000, s30, s13, $0x38;
	[tilespmem:$0x10910] =	vst v63  }
0xf4: {  	s4 =	sadd.s32 $0x180C, s4  }
0xf5: {  	[hbm4b:s4+s13] =	stream.strided.scatter [tilespmem:s11], [sflag:$0xC], $0x1000, s30, s13, $0x38;
	[tilespmem:$0x10910] =	vst v63  }
0xf6: {  	s25 =	simm.s32 $0x710;
	s11 =	simm.s32 $0x9  }
0xf7: {  	[tilespmem:s25], [sflag:$0x4] =	stream.strided.gather [hbm4b:s14+s30], $0x200, s23, s30, $0x38;
	[tilespmem:$0x10910] =	vst v63  }
0xf8: {  	_ =	swait.ge [sflag:s11], $0x4000  }
0xf9: {  	[sflag:s11] =	ssyncset.done $0x0  }
0xfa: {  	[sflag:s11] =	ssyncadd.s32 $0xFFFFC000;
	s11 =	simm.s32 $0x1  }
0xfb: {  	_ =	swait.ge [sflag:s11], $0x200  }
0xfc: {  	[sflag:s11] =	ssyncset.done $0x0  }
0xfd: {  	[sflag:s11] =	ssyncadd.s32 $0xFFFFFE00  }
0xfe: {  	[tilespmem:s2], [sflag:$0x5] =	stream.indirect.gather [spmem:s1], $0x20, s28, s30, $0xb8;
	[tilespmem:$0x10910] =	vst v63  }
0xff: {  	s4 =	simm.s32 $0x190  }
0x100: {  	[tilespmem:s17], [sflag:$0x5] =	stream.indirect.gather [spmem:s1], $0x20, s4, s30, $0xb8;
	[tilespmem:$0x10910] =	vst v63  }
0x101: {  	s4 =	simm.s32 $0x210  }
0x102: {  	[tilespmem:s24], [sflag:$0x5] =	stream.indirect.gather [spmem:s1], $0x20, s4, s30, $0xb8;
	[tilespmem:$0x10910] =	vst v63  }
0x103: {  	s4 =	simm.s32 $0x290  }
0x104: {  	[tilespmem:s19], [sflag:$0x5] =	stream.indirect.gather [spmem:s1], $0x20, s4, s30, $0xb8;
	[tilespmem:$0x10910] =	vst v63  }
0x105: {  	s19 =	simm.s32 $0xA  }
0x106: {  	_ =	swait.ge [sflag:s19], $0x4000  }
0x107: {  	[sflag:s19] =	ssyncset.done $0x0  }
0x108: {  	[sflag:s19] =	ssyncadd.s32 $0xFFFFC000;
	s19 =	simm.s32 $0x2  }
0x109: {  	_ =	swait.ge [sflag:s19], $0x200  }
0x10a: {  	[sflag:s19] =	ssyncset.done $0x0  }
0x10b: {  	[sflag:s19] =	ssyncadd.s32 $0xFFFFFE00  }
0x10c: {  	[tilespmem:s7], [sflag:$0x6] =	stream.indirect.gather [spmem:s1], $0x20, s31, s30, $0xb8;
	[tilespmem:$0x10910] =	vst v63  }
0x10d: {  	s31 =	simm.s32 $0x390  }
0x10e: {  	[tilespmem:s9], [sflag:$0x6] =	stream.indirect.gather [spmem:s1], $0x20, s31, s30, $0xb8;
	[tilespmem:$0x10910] =	vst v63  }
0x10f: {  	s31 =	simm.s32 $0x410  }
0x110: {  	[tilespmem:s21], [sflag:$0x6] =	stream.indirect.gather [spmem:s1], $0x20, s31, s30, $0xb8;
	[tilespmem:$0x10910] =	vst v63  }
0x111: {  	s31 =	simm.s32 $0x490  }
0x112: {  	[tilespmem:s29], [sflag:$0x6] =	stream.indirect.gather [spmem:s1], $0x20, s31, s30, $0xb8;
	[tilespmem:$0x10910] =	vst v63  }
0x113: {  	s31 =	simm.s32 $0xB  }
0x114: {  	_ =	swait.ge [sflag:s31], $0x4000  }
0x115: {  	[sflag:s31] =	ssyncset.done $0x0  }
0x116: {  	[sflag:s31] =	ssyncadd.s32 $0xFFFFC000;
	s31 =	simm.s32 $0x3  }
0x117: {  	_ =	swait.ge [sflag:s31], $0x200  }
0x118: {  	[sflag:s31] =	ssyncset.done $0x0  }
0x119: {  	[sflag:s31] =	ssyncadd.s32 $0xFFFFFE00  }
0x11a: {  	[tilespmem:s0], [sflag:$0x7] =	stream.indirect.gather [spmem:s1], $0x20, s26, s30, $0xb8;
	[tilespmem:$0x10910] =	vst v63  }
0x11b: {  	s31 =	simm.s32 $0x590  }
0x11c: {  	[tilespmem:s3], [sflag:$0x7] =	stream.indirect.gather [spmem:s1], $0x20, s31, s30, $0xb8;
	[tilespmem:$0x10910] =	vst v63  }
0x11d: {  	s26 =	simm.s32 $0x610  }
0x11e: {  	[tilespmem:s5], [sflag:$0x7] =	stream.indirect.gather [spmem:s1], $0x20, s26, s30, $0xb8;
	[tilespmem:$0x10910] =	vst v63  }
0x11f: {  	p1 =	sne.s32 s10, $0x60000;
	s31 =	simm.s32 $0x690  }
0x120: {  	[tilespmem:s8], [sflag:$0x7] =	stream.indirect.gather [spmem:s1], $0x20, s31, s30, $0xb8;
	[tilespmem:$0x10910] =	vst v63  }
0x121: {  	s10 =	sadd.s32 $0x2000, s10;
	s12 =	sadd.s32 $0x40, s12;
	s8 =	simm.s32 $0xC  }
0x122: {  	s22 =	sadd.s32 $0x40, s22;
	s16 =	sadd.s32 $0x40, s16;
	_ =	swait.ge [sflag:s8], $0x4000  }
0x123: {  	s14 =	sadd.s32 $0x40, s14;
	s11 =	simm.s32 $0x910;
	[sflag:s8] =	ssyncset.done $0x0  }
0x124: {  	s2 =	simm.s32 $0x1910;
	s17 =	simm.s32 $0x2910;
	[sflag:s8] =	ssyncadd.s32 $0xFFFFC000  }
0x125: {  	s24 =	simm.s32 $0x3910;
	s19 =	simm.s32 $0x4910;
	_ =	swait.ge [sflag:s6], $0x200  }
0x126: {  	s7 =	simm.s32 $0x5910;
	s9 =	simm.s32 $0x6910;
	[sflag:s6] =	ssyncset.done $0x0  }
0x127: {  	s21 =	simm.s32 $0x7910;
	s29 =	simm.s32 $0x8910;
	[sflag:s6] =	ssyncadd.s32 $0xFFFFFE00  }
0x128: {  	[tilespmem:s15], [sflag:$0x8] =	stream.indirect.gather [spmem:s1], $0x20, s25, s30, $0xb8;
	[tilespmem:$0x10910] =	vst v63  }
.Ltmp0:
0x129: {  	s0 =	simm.s32 $0x9910;
	s3 =	simm.s32 $0xA910;
	(pc) =	sbr.rel @p1 .LBB2_2-.Ltmp0, $4  }
0x12a: {  	s5 =	simm.s32 $0xB910;
	s26 =	simm.s32 $0x790;
	s31 =	simm.s32 $0x810  }
0x12b: {  	[tilespmem:s18], [sflag:$0x8] =	stream.indirect.gather [spmem:s1], $0x20, s26, s30, $0xb8;
	[tilespmem:$0x10910] =	vst v63  }
0x12c: {  	s8 =	simm.s32 $0xC910;
	s15 =	simm.s32 $0xD910;
	s18 =	simm.s32 $0xE910  }
0x12d: {  	[tilespmem:s20], [sflag:$0x8] =	stream.indirect.gather [spmem:s1], $0x20, s31, s30, $0xb8;
	[tilespmem:$0x10910] =	vst v63  }
0x12e: {  	s4 =	simm.s32 $0x890;
	s6 =	simm.s32 $0xF910;
	s12 =	simm.s32 $0x5  }
0x12f: {  	[tilespmem:s6], [sflag:$0x8] =	stream.indirect.gather [spmem:s1], $0x20, s4, s30, $0xb8;
	[tilespmem:$0x10910] =	vst v63  }
0x130: {  	_ =	swait.ge [sflag:s12], $0x4000  }
0x131: {  	[sflag:s12] =	ssyncset.done $0x0  }
0x132: {  	s14 =	rddreg [dreg:$0x9];
	[sflag:s12] =	ssyncadd.s32 $0xFFFFC000  }
0x133: {  	[hbm4b:s14+s13] =	stream.strided.scatter [tilespmem:s11], [sflag:$0x9], $0x1000, s30, s13, $0x38;
	[tilespmem:$0x10910] =	vst v63  }
0x134: {  	s16 =	rddreg [dreg:$0xa]  }
0x135: {  	[hbm4b:s16+s13] =	stream.strided.scatter [tilespmem:s2], [sflag:$0x9], $0x1000, s30, s13, $0x38;
	[tilespmem:$0x10910] =	vst v63  }
0x136: {  	s20 =	rddreg [dreg:$0xb]  }
0x137: {  	[hbm4b:s20+s13] =	stream.strided.scatter [tilespmem:s17], [sflag:$0x9], $0x1000, s30, s13, $0x38;
	[tilespmem:$0x10910] =	vst v63  }
0x138: {  	s22 =	rddreg [dreg:$0xc]  }
0x139: {  	[hbm4b:s22+s13] =	stream.strided.scatter [tilespmem:s24], [sflag:$0x9], $0x1000, s30, s13, $0x38;
	[tilespmem:$0x10910] =	vst v63  }
0x13a: {  	s24 =	simm.s32 $0x6  }
0x13b: {  	_ =	swait.ge [sflag:s24], $0x4000  }
0x13c: {  	[sflag:s24] =	ssyncset.done $0x0  }
0x13d: {  	s26 =	rddreg [dreg:$0xd];
	[sflag:s24] =	ssyncadd.s32 $0xFFFFC000  }
0x13e: {  	[hbm4b:s26+s13] =	stream.strided.scatter [tilespmem:s19], [sflag:$0xA], $0x1000, s30, s13, $0x38;
	[tilespmem:$0x10910] =	vst v63  }
0x13f: {  	s31 =	rddreg [dreg:$0xe]  }
0x140: {  	[hbm4b:s31+s13] =	stream.strided.scatter [tilespmem:s7], [sflag:$0xA], $0x1000, s30, s13, $0x38;
	[tilespmem:$0x10910] =	vst v63  }
0x141: {  	s2 =	rddreg [dreg:$0xf]  }
0x142: {  	[hbm4b:s2+s13] =	stream.strided.scatter [tilespmem:s9], [sflag:$0xA], $0x1000, s30, s13, $0x38;
	[tilespmem:$0x10910] =	vst v63  }
0x143: {  	s7 =	rddreg [dreg:$0x10];
	s9 =	simm.s32 $0x7  }
0x144: {  	[hbm4b:s7+s13] =	stream.strided.scatter [tilespmem:s21], [sflag:$0xA], $0x1000, s30, s13, $0x38;
	[tilespmem:$0x10910] =	vst v63  }
0x145: {  	_ =	swait.ge [sflag:s9], $0x4000  }
0x146: {  	[sflag:s9] =	ssyncset.done $0x0  }
0x147: {  	s10 =	rddreg [dreg:$0x11];
	[sflag:s9] =	ssyncadd.s32 $0xFFFFC000  }
0x148: {  	[hbm4b:s10+s13] =	stream.strided.scatter [tilespmem:s29], [sflag:$0xB], $0x1000, s30, s13, $0x38;
	[tilespmem:$0x10910] =	vst v63  }
0x149: {  	s11 =	rddreg [dreg:$0x12]  }
0x14a: {  	[hbm4b:s11+s13] =	stream.strided.scatter [tilespmem:s0], [sflag:$0xB], $0x1000, s30, s13, $0x38;
	[tilespmem:$0x10910] =	vst v63  }
0x14b: {  	s12 =	rddreg [dreg:$0x13]  }
0x14c: {  	[hbm4b:s12+s13] =	stream.strided.scatter [tilespmem:s3], [sflag:$0xB], $0x1000, s30, s13, $0x38;
	[tilespmem:$0x10910] =	vst v63  }
0x14d: {  	s16 =	simm.s32 $0x8;
	s14 =	rddreg [dreg:$0x14]  }
0x14e: {  	[hbm4b:s14+s13] =	stream.strided.scatter [tilespmem:s5], [sflag:$0xB], $0x1000, s30, s13, $0x38;
	[tilespmem:$0x10910] =	vst v63  }
0x14f: {  	_ =	swait.ge [sflag:s16], $0x4000  }
0x150: {  	[sflag:s16] =	ssyncset.done $0x0  }
0x151: {  	s17 =	rddreg [dreg:$0x15];
	[sflag:s16] =	ssyncadd.s32 $0xFFFFC000  }
0x152: {  	[hbm4b:s17+s13] =	stream.strided.scatter [tilespmem:s8], [sflag:$0xC], $0x1000, s30, s13, $0x38;
	[tilespmem:$0x10910] =	vst v63  }
0x153: {  	s19 =	rddreg [dreg:$0x1a]  }
0x154: {  	[hbm4b:s19+s13] =	stream.strided.scatter [tilespmem:s15], [sflag:$0xC], $0x1000, s30, s13, $0x38;
	[tilespmem:$0x10910] =	vst v63  }
0x155: {  	s20 =	rddreg [dreg:$0x1b]  }
0x156: {  	[hbm4b:s20+s13] =	stream.strided.scatter [tilespmem:s18], [sflag:$0xC], $0x1000, s30, s13, $0x38;
	[tilespmem:$0x10910] =	vst v63  }
0x157: {  	s22 =	simm.s32 $0x9;
	s21 =	rddreg [dreg:$0x1c]  }
0x158: {  	[hbm4b:s21+s13] =	stream.strided.scatter [tilespmem:s6], [sflag:$0xC], $0x1000, s30, s13, $0x38;
	[tilespmem:$0x10910] =	vst v63  }
0x159: {  	_ =	swait.ge [sflag:s22], $0x4000  }
0x15a: {  	[sflag:s22] =	ssyncset.done $0x0  }
0x15b: {  	s24 =	simm.s32 $0xA;
	[sflag:s22] =	ssyncadd.s32 $0xFFFFC000  }
0x15c: {  	_ =	swait.ge [sflag:s24], $0x4000  }
0x15d: {  	[sflag:s24] =	ssyncset.done $0x0  }
0x15e: {  	s26 =	simm.s32 $0xB;
	[sflag:s24] =	ssyncadd.s32 $0xFFFFC000  }
0x15f: {  	_ =	swait.ge [sflag:s26], $0x4000  }
0x160: {  	[sflag:s26] =	ssyncset.done $0x0  }
0x161: {  	s29 =	simm.s32 $0xC;
	[sflag:s26] =	ssyncadd.s32 $0xFFFFC000  }
0x162: {  	_ =	swait.ge [sflag:s29], $0x4000  }
0x163: {  	s12 =	rddreg [dreg:$0x6]  }
0x164: {  	s31 =	rddreg [dreg:$0x1d];
	s12 =	sadd.s32 $0x1, s12  }
0x165: {  	p1 =	sne.s32 s12, s31  }
.Ltmp1:
0x166: {  	_ = 	snop;
	(pc) =	sbr.rel @p1 .LBB2_1-.Ltmp1, $4  }
0x167: {  	s2 =	simm.s32 $0x1;
	s7 =	simm.s32 $0x2  }
0x168: {  	s11 =	simm.s32 $0x190;
	s0 =	simm.s32 $0xC8000;
	s14 =	simm.s32 $0x310  }
0x169: {  	s16 =	simm.s32 $0x290;
	s18 =	simm.s32 $0x510;
	[sflag:s29] =	ssyncset.done $0x0  }
0x16a: {  	s20 =	simm.s32 $0x210;
	s22 =	simm.s32 $0x390;
	[sflag:s29] =	ssyncadd.s32 $0xFFFFC000  }
0x16b: {  	_ =	sfence.sel $0x180000  }
0x16c: {  	[bflag:$0x0] =	sbarrier.arrive $0xFFFF  }
0x16d: {  	_ =	strace $0x90000047  }
0x16e: {  	[bflag:$0x2] =	sbarrier.arrive $0xFFFF  }
0x16f: {  	s0 =	rddreg [dreg:$0x3]  }
0x170: {  	s0 =	sadd.s32 @!p0 $0x100000, s0  }
0x171: {  	[sflag:s0] =	ssyncadd.tile.s32 @!p0 $0x1;
	_ =	shalt  }
.Lfunc_end2:
_tile_overlayer_lowered:
.L_overlay_start_2:
0x172: {  	(tag) =	ssettag $0x2  }
0x173: {  	s0 =	rddreg [dreg:$0x0];
	s2 =	stileid.u32  }
0x174: {  	s1 =	rddreg [dreg:$0x1];
	p0 =	sne.s32 s2, $0x0  }
0x175: {  	s3 =	rddreg [dreg:$0x2];
	[bflag:$0x3] =	sbarrier.arrive $0xFFFF;
	s2 =	simm.s32 @!p0 $0x1C0D  }
0x176: {  	[timem:s3], [sflag:s2] =	dma.local @!p0 [hbm:s0], s1  }
0x177: {  	s0 =	simm.s32 @!p0 $0xD  }
0x178: {  	_ =	swait.ge @!p0 [sflag:s0], s1  }
0x179: {  	s1 =	ssub.s32 @!p0 $0x0, s1;
	[sflag:s0] =	ssyncset.done @!p0 $0x0  }
0x17a: {  	[sflag:s0] =	ssyncadd.s32 @!p0 s1  }
0x17b: {  	[bflag:$0x3] =	sbarrier.arrive $0xFFFF  }
0x17c: {  	_ =	shalt  }

</sc_bundles>
